<compile_context>
chip_gen: v7x
topology: tpu7x:2x2x1
jax: 0.10.2.dev20260603
libtpu: 0.0.44.dev20260713+nightly
codegen_flags: <defaults>
</compile_context>

<pallas_src>
import jax
import jax.numpy as jnp
from jax import lax
from jax.experimental import pallas as pl
from jax.experimental.pallas import tpu as pltpu
from jax.experimental.pallas import tpu_sc as plsc

_VOCAB = 100000
_EMBED = 100
_MAX_LEN = 20
_BATCH = 128

_INFO = plsc.get_sparse_core_info()
_NC = _INFO.num_cores
_NS = _INFO.num_subcores
_NW = _NC * _NS
_TOK = _BATCH * _MAX_LEN
_TOK_W = _TOK // _NW
_ROWS_W = _BATCH // _NW

_OFFS = (0, 16, 32, 48, 64, 80, 84)
_WHALF = _MAX_LEN * 128

_mesh = plsc.VectorSubcoreMesh(core_axis_name="c", subcore_axis_name="s")

_SCRATCH = [
    pltpu.VMEM((_TOK_W,), jnp.int32),
    pltpu.VMEM((_TOK_W, _EMBED), jnp.float32),
    pltpu.VMEM((2 * _MAX_LEN * 128,), jnp.float32),
    pltpu.VMEM((16,), jnp.float32),
    pltpu.VMEM((16,), jnp.float32),
    pltpu.SemaphoreType.DMA,
]


def _sc_body(idx_hbm, table_hbm, wt_hbm, b_hbm, out_hbm,
             idx_v, rows_v, wt_v, b_v, out_v, sem):
    wid = lax.axis_index("s") * _NC + lax.axis_index("c")

    pltpu.sync_copy(idx_hbm.at[pl.ds(wid * _TOK_W, _TOK_W)], idx_v)
    copies = []
    for g in range(_TOK_W // 16):
        idx16 = idx_v[pl.ds(16 * g, 16)]
        for l in range(16):
            row = idx16[l]
            copies.append(pltpu.async_copy(
                table_hbm.at[pl.ds(row, 1), :],
                rows_v.at[pl.ds(16 * g + l, 1), :], sem))
    pltpu.sync_copy(wt_hbm, wt_v)
    pltpu.sync_copy(b_hbm, b_v)
    for cp in copies:
        cp.wait()

    lanes = lax.iota(jnp.int32, 16)
    tailmask = lanes >= 12

    def hsum(a):
        for sh in (8, 4, 2, 1):
            a = a + a.at[lanes ^ sh].get(mode="promise_in_bounds")
        return a

    vec = jnp.zeros((16,), jnp.float32)
    for r in range(_ROWS_W):
        def body(t, carry, r=r):
            a0, a1 = carry
            tok = r * _MAX_LEN + t
            for off in _OFFS:
                x = rows_v[tok, pl.ds(off, 16)]
                if off == _OFFS[-1]:
                    x = jnp.where(tailmask, x, 0.0)
                a0 = a0 + x * wt_v[pl.ds(t * 128 + off, 16)]
                a1 = a1 + x * wt_v[pl.ds(_WHALF + t * 128 + off, 16)]
            return (a0, a1)

        zero = jnp.zeros((16,), jnp.float32)
        a0, a1 = lax.fori_loop(0, _MAX_LEN, body, (zero, zero))
        vec = jnp.where(lanes == 2 * r, hsum(a0), vec)
        vec = jnp.where(lanes == 2 * r + 1, hsum(a1), vec)

    out_v[...] = vec + b_v[...]
    pltpu.sync_copy(out_v, out_hbm.at[pl.ds(wid * 16, 16)])


_sc_forward = pl.kernel(
    _sc_body,
    mesh=_mesh,
    out_type=jax.ShapeDtypeStruct((_NW * 16,), jnp.float32),
    scratch_types=_SCRATCH,
)


def kernel(input, table, W, b):
    idx = input.reshape(-1).astype(jnp.int32)
    wt = jnp.pad(W.T.reshape(2, _MAX_LEN, _EMBED),
                 ((0, 0), (0, 0), (0, 28))).reshape(-1)
    b16 = jnp.tile(b.astype(jnp.float32), 8)
    out = _sc_forward(idx, table, wt, b16)
    return out.reshape(_NW, 16)[:, : 2 * _ROWS_W].reshape(_BATCH, 2)

# --- scband reference (transcript-rebuilt; emitter-appended) ---
"""Pipeline reference for scband-imdb-29807073034643 (READ-ONLY COPY).

The authoritative reference and input builder live on the scoring server;
editing this copy changes nothing except your own understanding.
"""

import jax, jax.numpy as jnp
import numpy as np

VOCAB = 100000
EMBED = 100
MAX_LEN = 20
BATCH = 128

def setup_inputs(seed: int = 0) -> dict:
    key = jax.random.key(seed)
    k1, k2, k3, k4 = jax.random.split(key, 4)
    inp = jax.random.randint(k1, (BATCH, MAX_LEN), 0, VOCAB, dtype=jnp.int64) if jax.config.jax_enable_x64 else jax.random.randint(k1, (BATCH, MAX_LEN), 0, VOCAB, dtype=jnp.int32)
    table = jax.random.normal(k2, (VOCAB, EMBED), dtype=jnp.float32)
    W = jax.random.normal(k3, (MAX_LEN * EMBED, 2), dtype=jnp.float32) * (1.0 / np.sqrt(MAX_LEN * EMBED))
    b = jax.random.normal(k4, (2,), dtype=jnp.float32) * 0.01
    return {"input": inp, "table": table, "W": W, "b": b}

def reference(input, table, W, b):
    # embedding lookup: [128, 20] -> [128, 20, 100]
    x = jnp.take(table, input, axis=0)
    # x.view(128, -1) -> [128, 2000]
    x = x.reshape(BATCH, -1)
    # fc1: Linear(2000, 2)
    out = x @ W + b
    return out

if __name__ == "__main__":
    import jax
    _d = setup_inputs()
    print(jax.jit(kernel)(*tuple(_d.values())))

</pallas_src>

<mosaic_0001>
#map = affine_map<(d0, d1) -> (0)>
#map1 = affine_map<(d0, d1) -> (0, 0)>
module attributes {stable_mosaic.version = 14 : i64} {
  func.func @_sc_body(%arg0: i32, %arg1: i32, %arg2: memref<2560xi32, #tpu.memory_space<hbm>>, %arg3: memref<100000x100xf32, #tpu.memory_space<hbm>>, %arg4: memref<5120xf32, #tpu.memory_space<hbm>>, %arg5: memref<16xf32, #tpu.memory_space<hbm>>, %arg6: memref<512xf32, #tpu.memory_space<hbm>>, %arg7: memref<80xi32, #tpu.memory_space<vmem>>, %arg8: memref<80x100xf32, #tpu.memory_space<vmem>>, %arg9: memref<5120xf32, #tpu.memory_space<vmem>>, %arg10: memref<16xf32, #tpu.memory_space<vmem>>, %arg11: memref<16xf32, #tpu.memory_space<vmem>>, %arg12: memref<!tpu.dma_semaphore, #tpu.memory_space<semaphore_mem>>) attributes {dimension_semantics = [#tpu.dimension_semantics<core_parallel>, #tpu.dimension_semantics<subcore_parallel>], iteration_bounds = array<i64: 2, 16>, scalar_prefetch = 0 : i64, scratch_operands = 6 : i64, tpu.core_type = #tpu.core_type<sc_vector_subcore>, window_params = [{transform_indices = #map}, {transform_indices = #map1}, {transform_indices = #map}, {transform_indices = #map}, {transform_indices = #map}]} {
    %mul3A = arith.constant 2 : i32
    %mul3A_0 = arith.muli %arg1, %mul3A : i32
    %add3A = arith.addi %mul3A_0, %arg0 : i32
    %mul3A_1 = arith.constant 80 : i32
    %mul3A_2 = arith.muli %add3A, %mul3A_1 : i32
    "tpu.region"() ({
      %run_scoped3A = tpu.sem_alloc : memref<!tpu.dma_semaphore, #tpu.memory_space<semaphore_mem>>
      %dma_start3A_2291 = tpu.memref_slice %arg2[%mul3A_2] : memref<2560xi32, #tpu.memory_space<hbm>> -> memref<80xi32, #tpu.memory_space<hbm>>
      %dma_start3A_2292 = tpu.memref_slice %arg2[%mul3A_2] : memref<2560xi32, #tpu.memory_space<hbm>> -> memref<80xi32, #tpu.memory_space<hbm>>
      tpu.enqueue_dma source(%dma_start3A_2292 : memref<80xi32, #tpu.memory_space<hbm>>) target(%arg7 : memref<80xi32, #tpu.memory_space<vmem>>) target_semaphore(%run_scoped3A : memref<!tpu.dma_semaphore, #tpu.memory_space<semaphore_mem>>)
      %dma_wait3A_2293 = tpu.memref_slice %arg2[%mul3A_2] : memref<2560xi32, #tpu.memory_space<hbm>> -> memref<80xi32, #tpu.memory_space<hbm>>
      %dma_wait3A_2294 = tpu.memref_slice %arg2[%mul3A_2] : memref<2560xi32, #tpu.memory_space<hbm>> -> memref<80xi32, #tpu.memory_space<hbm>>
      tpu.wait_dma2 semaphore(%run_scoped3A : memref<!tpu.dma_semaphore, #tpu.memory_space<semaphore_mem>>) src(%dma_wait3A_2294 : memref<80xi32, #tpu.memory_space<hbm>>) dst(%arg7 : memref<80xi32, #tpu.memory_space<vmem>>)
      tpu.yield
    }) : () -> ()
    %get3A = arith.constant 0 : index
    %get3A_3 = tpu.vector_load %arg7[%get3A] {strides = array<i32>} : memref<80xi32, #tpu.memory_space<vmem>>, vector<16xi32>,
    %get3A_4 = vector.shape_cast %get3A_3 : vector<16xi32> to vector<16xi32>
    %slice3A = vector.extract_strided_slice %get3A_4 {offsets = [0], sizes = [1], strides = [1]} : vector<16xi32> to vector<1xi32>
    %squeeze3A = vector.extract %slice3A[0] : i32 from vector<1xi32>
    %dma_start3A = arith.constant 0 : i32
    %dma_start3A_5 = arith.constant 0 : i32
    %dma_start3A_6 = tpu.memref_slice %arg8[%dma_start3A, %dma_start3A_5] : memref<80x100xf32, #tpu.memory_space<vmem>> -> memref<1x100xf32, #tpu.memory_space<vmem>>
    %dma_start3A_7 = arith.constant 0 : i32
    %dma_start3A_8 = tpu.memref_slice %arg3[%squeeze3A, %dma_start3A_7] : memref<100000x100xf32, #tpu.memory_space<hbm>> -> memref<1x100xf32, #tpu.memory_space<hbm>>
    %dma_start3A_9 = arith.constant 0 : i32
    %dma_start3A_10 = arith.constant 0 : i32
    %dma_start3A_11 = tpu.memref_slice %arg8[%dma_start3A_9, %dma_start3A_10] : memref<80x100xf32, #tpu.memory_space<vmem>> -> memref<1x100xf32, #tpu.memory_space<vmem>>
    %dma_start3A_12 = arith.constant 0 : i32
    %dma_start3A_13 = tpu.memref_slice %arg3[%squeeze3A, %dma_start3A_12] : memref<100000x100xf32, #tpu.memory_space<hbm>> -> memref<1x100xf32, #tpu.memory_space<hbm>>
    tpu.enqueue_dma source(%dma_start3A_13 : memref<1x100xf32, #tpu.memory_space<hbm>>) target(%dma_start3A_11 : memref<1x100xf32, #tpu.memory_space<vmem>>) target_semaphore(%arg12 : memref<!tpu.dma_semaphore, #tpu.memory_space<semaphore_mem>>)
    %slice3A_14 = vector.extract_strided_slice %get3A_4 {offsets = [1], sizes = [1], strides = [1]} : vector<16xi32> to vector<1xi32>
    %squeeze3A_15 = vector.extract %slice3A_14[0] : i32 from vector<1xi32>
    %dma_start3A_16 = arith.constant 1 : i32
    %dma_start3A_17 = arith.constant 0 : i32
    %dma_start3A_18 = tpu.memref_slice %arg8[%dma_start3A_16, %dma_start3A_17] : memref<80x100xf32, #tpu.memory_space<vmem>> -> memref<1x100xf32, #tpu.memory_space<vmem>>
    %dma_start3A_19 = arith.constant 0 : i32
    %dma_start3A_20 = tpu.memref_slice %arg3[%squeeze3A_15, %dma_start3A_19] : memref<100000x100xf32, #tpu.memory_space<hbm>> -> memref<1x100xf32, #tpu.memory_space<hbm>>
    %dma_start3A_21 = arith.constant 1 : i32
    %dma_start3A_22 = arith.constant 0 : i32
    %dma_start3A_23 = tpu.memref_slice %arg8[%dma_start3A_21, %dma_start3A_22] : memref<80x100xf32, #tpu.memory_space<vmem>> -> memref<1x100xf32, #tpu.memory_space<vmem>>
    %dma_start3A_24 = arith.constant 0 : i32
    %dma_start3A_25 = tpu.memref_slice %arg3[%squeeze3A_15, %dma_start3A_24] : memref<100000x100xf32, #tpu.memory_space<hbm>> -> memref<1x100xf32, #tpu.memory_space<hbm>>
    tpu.enqueue_dma source(%dma_start3A_25 : memref<1x100xf32, #tpu.memory_space<hbm>>) target(%dma_start3A_23 : memref<1x100xf32, #tpu.memory_space<vmem>>) target_semaphore(%arg12 : memref<!tpu.dma_semaphore, #tpu.memory_space<semaphore_mem>>)
    %slice3A_26 = vector.extract_strided_slice %get3A_4 {offsets = [2], sizes = [1], strides = [1]} : vector<16xi32> to vector<1xi32>
    %squeeze3A_27 = vector.extract %slice3A_26[0] : i32 from vector<1xi32>
    %dma_start3A_28 = arith.constant 2 : i32
    %dma_start3A_29 = arith.constant 0 : i32
    %dma_start3A_30 = tpu.memref_slice %arg8[%dma_start3A_28, %dma_start3A_29] : memref<80x100xf32, #tpu.memory_space<vmem>> -> memref<1x100xf32, #tpu.memory_space<vmem>>
    %dma_start3A_31 = arith.constant 0 : i32
    %dma_start3A_32 = tpu.memref_slice %arg3[%squeeze3A_27, %dma_start3A_31] : memref<100000x100xf32, #tpu.memory_space<hbm>> -> memref<1x100xf32, #tpu.memory_space<hbm>>
    %dma_start3A_33 = arith.constant 2 : i32
    %dma_start3A_34 = arith.constant 0 : i32
    %dma_start3A_35 = tpu.memref_slice %arg8[%dma_start3A_33, %dma_start3A_34] : memref<80x100xf32, #tpu.memory_space<vmem>> -> memref<1x100xf32, #tpu.memory_space<vmem>>
    %dma_start3A_36 = arith.constant 0 : i32
    %dma_start3A_37 = tpu.memref_slice %arg3[%squeeze3A_27, %dma_start3A_36] : memref<100000x100xf32, #tpu.memory_space<hbm>> -> memref<1x100xf32, #tpu.memory_space<hbm>>
    tpu.enqueue_dma source(%dma_start3A_37 : memref<1x100xf32, #tpu.memory_space<hbm>>) target(%dma_start3A_35 : memref<1x100xf32, #tpu.memory_space<vmem>>) target_semaphore(%arg12 : memref<!tpu.dma_semaphore, #tpu.memory_space<semaphore_mem>>)
    %slice3A_38 = vector.extract_strided_slice %get3A_4 {offsets = [3], sizes = [1], strides = [1]} : vector<16xi32> to vector<1xi32>
    %squeeze3A_39 = vector.extract %slice3A_38[0] : i32 from vector<1xi32>
    %dma_start3A_40 = arith.constant 3 : i32
    %dma_start3A_41 = arith.constant 0 : i32
    %dma_start3A_42 = tpu.memref_slice %arg8[%dma_start3A_40, %dma_start3A_41] : memref<80x100xf32, #tpu.memory_space<vmem>> -> memref<1x100xf32, #tpu.memory_space<vmem>>
    %dma_start3A_43 = arith.constant 0 : i32
    %dma_start3A_44 = tpu.memref_slice %arg3[%squeeze3A_39, %dma_start3A_43] : memref<100000x100xf32, #tpu.memory_space<hbm>> -> memref<1x100xf32, #tpu.memory_space<hbm>>
    %dma_start3A_45 = arith.constant 3 : i32
    %dma_start3A_46 = arith.constant 0 : i32
    %dma_start3A_47 = tpu.memref_slice %arg8[%dma_start3A_45, %dma_start3A_46] : memref<80x100xf32, #tpu.memory_space<vmem>> -> memref<1x100xf32, #tpu.memory_space<vmem>>
    %dma_start3A_48 = arith.constant 0 : i32
    %dma_start3A_49 = tpu.memref_slice %arg3[%squeeze3A_39, %dma_start3A_48] : memref<100000x100xf32, #tpu.memory_space<hbm>> -> memref<1x100xf32, #tpu.memory_space<hbm>>
    tpu.enqueue_dma source(%dma_start3A_49 : memref<1x100xf32, #tpu.memory_space<hbm>>) target(%dma_start3A_47 : memref<1x100xf32, #tpu.memory_space<vmem>>) target_semaphore(%arg12 : memref<!tpu.dma_semaphore, #tpu.memory_space<semaphore_mem>>)
    %slice3A_50 = vector.extract_strided_slice %get3A_4 {offsets = [4], sizes = [1], strides = [1]} : vector<16xi32> to vector<1xi32>
    %squeeze3A_51 = vector.extract %slice3A_50[0] : i32 from vector<1xi32>
    %dma_start3A_52 = arith.constant 4 : i32
    %dma_start3A_53 = arith.constant 0 : i32
    %dma_start3A_54 = tpu.memref_slice %arg8[%dma_start3A_52, %dma_start3A_53] : memref<80x100xf32, #tpu.memory_space<vmem>> -> memref<1x100xf32, #tpu.memory_space<vmem>>
    %dma_start3A_55 = arith.constant 0 : i32
    %dma_start3A_56 = tpu.memref_slice %arg3[%squeeze3A_51, %dma_start3A_55] : memref<100000x100xf32, #tpu.memory_space<hbm>> -> memref<1x100xf32, #tpu.memory_space<hbm>>
    %dma_start3A_57 = arith.constant 4 : i32
    %dma_start3A_58 = arith.constant 0 : i32
    %dma_start3A_59 = tpu.memref_slice %arg8[%dma_start3A_57, %dma_start3A_58] : memref<80x100xf32, #tpu.memory_space<vmem>> -> memref<1x100xf32, #tpu.memory_space<vmem>>
    %dma_start3A_60 = arith.constant 0 : i32
    %dma_start3A_61 = tpu.memref_slice %arg3[%squeeze3A_51, %dma_start3A_60] : memref<100000x100xf32, #tpu.memory_space<hbm>> -> memref<1x100xf32, #tpu.memory_space<hbm>>
    tpu.enqueue_dma source(%dma_start3A_61 : memref<1x100xf32, #tpu.memory_space<hbm>>) target(%dma_start3A_59 : memref<1x100xf32, #tpu.memory_space<vmem>>) target_semaphore(%arg12 : memref<!tpu.dma_semaphore, #tpu.memory_space<semaphore_mem>>)
    %slice3A_62 = vector.extract_strided_slice %get3A_4 {offsets = [5], sizes = [1], strides = [1]} : vector<16xi32> to vector<1xi32>
    %squeeze3A_63 = vector.extract %slice3A_62[0] : i32 from vector<1xi32>
    %dma_start3A_64 = arith.constant 5 : i32
    %dma_start3A_65 = arith.constant 0 : i32
    %dma_start3A_66 = tpu.memref_slice %arg8[%dma_start3A_64, %dma_start3A_65] : memref<80x100xf32, #tpu.memory_space<vmem>> -> memref<1x100xf32, #tpu.memory_space<vmem>>
    %dma_start3A_67 = arith.constant 0 : i32
    %dma_start3A_68 = tpu.memref_slice %arg3[%squeeze3A_63, %dma_start3A_67] : memref<100000x100xf32, #tpu.memory_space<hbm>> -> memref<1x100xf32, #tpu.memory_space<hbm>>
    %dma_start3A_69 = arith.constant 5 : i32
    %dma_start3A_70 = arith.constant 0 : i32
    %dma_start3A_71 = tpu.memref_slice %arg8[%dma_start3A_69, %dma_start3A_70] : memref<80x100xf32, #tpu.memory_space<vmem>> -> memref<1x100xf32, #tpu.memory_space<vmem>>
    %dma_start3A_72 = arith.constant 0 : i32
    %dma_start3A_73 = tpu.memref_slice %arg3[%squeeze3A_63, %dma_start3A_72] : memref<100000x100xf32, #tpu.memory_space<hbm>> -> memref<1x100xf32, #tpu.memory_space<hbm>>
    tpu.enqueue_dma source(%dma_start3A_73 : memref<1x100xf32, #tpu.memory_space<hbm>>) target(%dma_start3A_71 : memref<1x100xf32, #tpu.memory_space<vmem>>) target_semaphore(%arg12 : memref<!tpu.dma_semaphore, #tpu.memory_space<semaphore_mem>>)
    %slice3A_74 = vector.extract_strided_slice %get3A_4 {offsets = [6], sizes = [1], strides = [1]} : vector<16xi32> to vector<1xi32>
    %squeeze3A_75 = vector.extract %slice3A_74[0] : i32 from vector<1xi32>
    %dma_start3A_76 = arith.constant 6 : i32
    %dma_start3A_77 = arith.constant 0 : i32
    %dma_start3A_78 = tpu.memref_slice %arg8[%dma_start3A_76, %dma_start3A_77] : memref<80x100xf32, #tpu.memory_space<vmem>> -> memref<1x100xf32, #tpu.memory_space<vmem>>
    %dma_start3A_79 = arith.constant 0 : i32
    %dma_start3A_80 = tpu.memref_slice %arg3[%squeeze3A_75, %dma_start3A_79] : memref<100000x100xf32, #tpu.memory_space<hbm>> -> memref<1x100xf32, #tpu.memory_space<hbm>>
    %dma_start3A_81 = arith.constant 6 : i32
    %dma_start3A_82 = arith.constant 0 : i32
    %dma_start3A_83 = tpu.memref_slice %arg8[%dma_start3A_81, %dma_start3A_82] : memref<80x100xf32, #tpu.memory_space<vmem>> -> memref<1x100xf32, #tpu.memory_space<vmem>>
    %dma_start3A_84 = arith.constant 0 : i32
    %dma_start3A_85 = tpu.memref_slice %arg3[%squeeze3A_75, %dma_start3A_84] : memref<100000x100xf32, #tpu.memory_space<hbm>> -> memref<1x100xf32, #tpu.memory_space<hbm>>
    tpu.enqueue_dma source(%dma_start3A_85 : memref<1x100xf32, #tpu.memory_space<hbm>>) target(%dma_start3A_83 : memref<1x100xf32, #tpu.memory_space<vmem>>) target_semaphore(%arg12 : memref<!tpu.dma_semaphore, #tpu.memory_space<semaphore_mem>>)
    %slice3A_86 = vector.extract_strided_slice %get3A_4 {offsets = [7], sizes = [1], strides = [1]} : vector<16xi32> to vector<1xi32>
    %squeeze3A_87 = vector.extract %slice3A_86[0] : i32 from vector<1xi32>
    %dma_start3A_88 = arith.constant 7 : i32
    %dma_start3A_89 = arith.constant 0 : i32
    %dma_start3A_90 = tpu.memref_slice %arg8[%dma_start3A_88, %dma_start3A_89] : memref<80x100xf32, #tpu.memory_space<vmem>> -> memref<1x100xf32, #tpu.memory_space<vmem>>
    %dma_start3A_91 = arith.constant 0 : i32
    %dma_start3A_92 = tpu.memref_slice %arg3[%squeeze3A_87, %dma_start3A_91] : memref<100000x100xf32, #tpu.memory_space<hbm>> -> memref<1x100xf32, #tpu.memory_space<hbm>>
    %dma_start3A_93 = arith.constant 7 : i32
    %dma_start3A_94 = arith.constant 0 : i32
    %dma_start3A_95 = tpu.memref_slice %arg8[%dma_start3A_93, %dma_start3A_94] : memref<80x100xf32, #tpu.memory_space<vmem>> -> memref<1x100xf32, #tpu.memory_space<vmem>>
    %dma_start3A_96 = arith.constant 0 : i32
    %dma_start3A_97 = tpu.memref_slice %arg3[%squeeze3A_87, %dma_start3A_96] : memref<100000x100xf32, #tpu.memory_space<hbm>> -> memref<1x100xf32, #tpu.memory_space<hbm>>
    tpu.enqueue_dma source(%dma_start3A_97 : memref<1x100xf32, #tpu.memory_space<hbm>>) target(%dma_start3A_95 : memref<1x100xf32, #tpu.memory_space<vmem>>) target_semaphore(%arg12 : memref<!tpu.dma_semaphore, #tpu.memory_space<semaphore_mem>>)
    %slice3A_98 = vector.extract_strided_slice %get3A_4 {offsets = [8], sizes = [1], strides = [1]} : vector<16xi32> to vector<1xi32>
    %squeeze3A_99 = vector.extract %slice3A_98[0] : i32 from vector<1xi32>
    %dma_start3A_100 = arith.constant 8 : i32
    %dma_start3A_101 = arith.constant 0 : i32
    %dma_start3A_102 = tpu.memref_slice %arg8[%dma_start3A_100, %dma_start3A_101] : memref<80x100xf32, #tpu.memory_space<vmem>> -> memref<1x100xf32, #tpu.memory_space<vmem>>
    %dma_start3A_103 = arith.constant 0 : i32
    %dma_start3A_104 = tpu.memref_slice %arg3[%squeeze3A_99, %dma_start3A_103] : memref<100000x100xf32, #tpu.memory_space<hbm>> -> memref<1x100xf32, #tpu.memory_space<hbm>>
    %dma_start3A_105 = arith.constant 8 : i32
    %dma_start3A_106 = arith.constant 0 : i32
    %dma_start3A_107 = tpu.memref_slice %arg8[%dma_start3A_105, %dma_start3A_106] : memref<80x100xf32, #tpu.memory_space<vmem>> -> memref<1x100xf32, #tpu.memory_space<vmem>>
    %dma_start3A_108 = arith.constant 0 : i32
    %dma_start3A_109 = tpu.memref_slice %arg3[%squeeze3A_99, %dma_start3A_108] : memref<100000x100xf32, #tpu.memory_space<hbm>> -> memref<1x100xf32, #tpu.memory_space<hbm>>
    tpu.enqueue_dma source(%dma_start3A_109 : memref<1x100xf32, #tpu.memory_space<hbm>>) target(%dma_start3A_107 : memref<1x100xf32, #tpu.memory_space<vmem>>) target_semaphore(%arg12 : memref<!tpu.dma_semaphore, #tpu.memory_space<semaphore_mem>>)
    %slice3A_110 = vector.extract_strided_slice %get3A_4 {offsets = [9], sizes = [1], strides = [1]} : vector<16xi32> to vector<1xi32>
    %squeeze3A_111 = vector.extract %slice3A_110[0] : i32 from vector<1xi32>
    %dma_start3A_112 = arith.constant 9 : i32
    %dma_start3A_113 = arith.constant 0 : i32
    %dma_start3A_114 = tpu.memref_slice %arg8[%dma_start3A_112, %dma_start3A_113] : memref<80x100xf32, #tpu.memory_space<vmem>> -> memref<1x100xf32, #tpu.memory_space<vmem>>
    %dma_start3A_115 = arith.constant 0 : i32
    %dma_start3A_116 = tpu.memref_slice %arg3[%squeeze3A_111, %dma_start3A_115] : memref<100000x100xf32, #tpu.memory_space<hbm>> -> memref<1x100xf32, #tpu.memory_space<hbm>>
    %dma_start3A_117 = arith.constant 9 : i32
    %dma_start3A_118 = arith.constant 0 : i32
    %dma_start3A_119 = tpu.memref_slice %arg8[%dma_start3A_117, %dma_start3A_118] : memref<80x100xf32, #tpu.memory_space<vmem>> -> memref<1x100xf32, #tpu.memory_space<vmem>>
    %dma_start3A_120 = arith.constant 0 : i32
    %dma_start3A_121 = tpu.memref_slice %arg3[%squeeze3A_111, %dma_start3A_120] : memref<100000x100xf32, #tpu.memory_space<hbm>> -> memref<1x100xf32, #tpu.memory_space<hbm>>
    tpu.enqueue_dma source(%dma_start3A_121 : memref<1x100xf32, #tpu.memory_space<hbm>>) target(%dma_start3A_119 : memref<1x100xf32, #tpu.memory_space<vmem>>) target_semaphore(%arg12 : memref<!tpu.dma_semaphore, #tpu.memory_space<semaphore_mem>>)
    %slice3A_122 = vector.extract_strided_slice %get3A_4 {offsets = [10], sizes = [1], strides = [1]} : vector<16xi32> to vector<1xi32>
    %squeeze3A_123 = vector.extract %slice3A_122[0] : i32 from vector<1xi32>
    %dma_start3A_124 = arith.constant 10 : i32
    %dma_start3A_125 = arith.constant 0 : i32
    %dma_start3A_126 = tpu.memref_slice %arg8[%dma_start3A_124, %dma_start3A_125] : memref<80x100xf32, #tpu.memory_space<vmem>> -> memref<1x100xf32, #tpu.memory_space<vmem>>
    %dma_start3A_127 = arith.constant 0 : i32
    %dma_start3A_128 = tpu.memref_slice %arg3[%squeeze3A_123, %dma_start3A_127] : memref<100000x100xf32, #tpu.memory_space<hbm>> -> memref<1x100xf32, #tpu.memory_space<hbm>>
    %dma_start3A_129 = arith.constant 10 : i32
    %dma_start3A_130 = arith.constant 0 : i32
    %dma_start3A_131 = tpu.memref_slice %arg8[%dma_start3A_129, %dma_start3A_130] : memref<80x100xf32, #tpu.memory_space<vmem>> -> memref<1x100xf32, #tpu.memory_space<vmem>>
    %dma_start3A_132 = arith.constant 0 : i32
    %dma_start3A_133 = tpu.memref_slice %arg3[%squeeze3A_123, %dma_start3A_132] : memref<100000x100xf32, #tpu.memory_space<hbm>> -> memref<1x100xf32, #tpu.memory_space<hbm>>
    tpu.enqueue_dma source(%dma_start3A_133 : memref<1x100xf32, #tpu.memory_space<hbm>>) target(%dma_start3A_131 : memref<1x100xf32, #tpu.memory_space<vmem>>) target_semaphore(%arg12 : memref<!tpu.dma_semaphore, #tpu.memory_space<semaphore_mem>>)
    %slice3A_134 = vector.extract_strided_slice %get3A_4 {offsets = [11], sizes = [1], strides = [1]} : vector<16xi32> to vector<1xi32>
    %squeeze3A_135 = vector.extract %slice3A_134[0] : i32 from vector<1xi32>
    %dma_start3A_136 = arith.constant 11 : i32
    %dma_start3A_137 = arith.constant 0 : i32
    %dma_start3A_138 = tpu.memref_slice %arg8[%dma_start3A_136, %dma_start3A_137] : memref<80x100xf32, #tpu.memory_space<vmem>> -> memref<1x100xf32, #tpu.memory_space<vmem>>
    %dma_start3A_139 = arith.constant 0 : i32
    %dma_start3A_140 = tpu.memref_slice %arg3[%squeeze3A_135, %dma_start3A_139] : memref<100000x100xf32, #tpu.memory_space<hbm>> -> memref<1x100xf32, #tpu.memory_space<hbm>>
    %dma_start3A_141 = arith.constant 11 : i32
    %dma_start3A_142 = arith.constant 0 : i32
    %dma_start3A_143 = tpu.memref_slice %arg8[%dma_start3A_141, %dma_start3A_142] : memref<80x100xf32, #tpu.memory_space<vmem>> -> memref<1x100xf32, #tpu.memory_space<vmem>>
    %dma_start3A_144 = arith.constant 0 : i32
    %dma_start3A_145 = tpu.memref_slice %arg3[%squeeze3A_135, %dma_start3A_144] : memref<100000x100xf32, #tpu.memory_space<hbm>> -> memref<1x100xf32, #tpu.memory_space<hbm>>
    tpu.enqueue_dma source(%dma_start3A_145 : memref<1x100xf32, #tpu.memory_space<hbm>>) target(%dma_start3A_143 : memref<1x100xf32, #tpu.memory_space<vmem>>) target_semaphore(%arg12 : memref<!tpu.dma_semaphore, #tpu.memory_space<semaphore_mem>>)
    %slice3A_146 = vector.extract_strided_slice %get3A_4 {offsets = [12], sizes = [1], strides = [1]} : vector<16xi32> to vector<1xi32>
    %squeeze3A_147 = vector.extract %slice3A_146[0] : i32 from vector<1xi32>
    %dma_start3A_148 = arith.constant 12 : i32
    %dma_start3A_149 = arith.constant 0 : i32
    %dma_start3A_150 = tpu.memref_slice %arg8[%dma_start3A_148, %dma_start3A_149] : memref<80x100xf32, #tpu.memory_space<vmem>> -> memref<1x100xf32, #tpu.memory_space<vmem>>
    %dma_start3A_151 = arith.constant 0 : i32
    %dma_start3A_152 = tpu.memref_slice %arg3[%squeeze3A_147, %dma_start3A_151] : memref<100000x100xf32, #tpu.memory_space<hbm>> -> memref<1x100xf32, #tpu.memory_space<hbm>>
    %dma_start3A_153 = arith.constant 12 : i32
    %dma_start3A_154 = arith.constant 0 : i32
    %dma_start3A_155 = tpu.memref_slice %arg8[%dma_start3A_153, %dma_start3A_154] : memref<80x100xf32, #tpu.memory_space<vmem>> -> memref<1x100xf32, #tpu.memory_space<vmem>>
    %dma_start3A_156 = arith.constant 0 : i32
    %dma_start3A_157 = tpu.memref_slice %arg3[%squeeze3A_147, %dma_start3A_156] : memref<100000x100xf32, #tpu.memory_space<hbm>> -> memref<1x100xf32, #tpu.memory_space<hbm>>
    tpu.enqueue_dma source(%dma_start3A_157 : memref<1x100xf32, #tpu.memory_space<hbm>>) target(%dma_start3A_155 : memref<1x100xf32, #tpu.memory_space<vmem>>) target_semaphore(%arg12 : memref<!tpu.dma_semaphore, #tpu.memory_space<semaphore_mem>>)
    %slice3A_158 = vector.extract_strided_slice %get3A_4 {offsets = [13], sizes = [1], strides = [1]} : vector<16xi32> to vector<1xi32>
    %squeeze3A_159 = vector.extract %slice3A_158[0] : i32 from vector<1xi32>
    %dma_start3A_160 = arith.constant 13 : i32
    %dma_start3A_161 = arith.constant 0 : i32
    %dma_start3A_162 = tpu.memref_slice %arg8[%dma_start3A_160, %dma_start3A_161] : memref<80x100xf32, #tpu.memory_space<vmem>> -> memref<1x100xf32, #tpu.memory_space<vmem>>
    %dma_start3A_163 = arith.constant 0 : i32
    %dma_start3A_164 = tpu.memref_slice %arg3[%squeeze3A_159, %dma_start3A_163] : memref<100000x100xf32, #tpu.memory_space<hbm>> -> memref<1x100xf32, #tpu.memory_space<hbm>>
    %dma_start3A_165 = arith.constant 13 : i32
    %dma_start3A_166 = arith.constant 0 : i32
    %dma_start3A_167 = tpu.memref_slice %arg8[%dma_start3A_165, %dma_start3A_166] : memref<80x100xf32, #tpu.memory_space<vmem>> -> memref<1x100xf32, #tpu.memory_space<vmem>>
    %dma_start3A_168 = arith.constant 0 : i32
    %dma_start3A_169 = tpu.memref_slice %arg3[%squeeze3A_159, %dma_start3A_168] : memref<100000x100xf32, #tpu.memory_space<hbm>> -> memref<1x100xf32, #tpu.memory_space<hbm>>
    tpu.enqueue_dma source(%dma_start3A_169 : memref<1x100xf32, #tpu.memory_space<hbm>>) target(%dma_start3A_167 : memref<1x100xf32, #tpu.memory_space<vmem>>) target_semaphore(%arg12 : memref<!tpu.dma_semaphore, #tpu.memory_space<semaphore_mem>>)
    %slice3A_170 = vector.extract_strided_slice %get3A_4 {offsets = [14], sizes = [1], strides = [1]} : vector<16xi32> to vector<1xi32>
    %squeeze3A_171 = vector.extract %slice3A_170[0] : i32 from vector<1xi32>
    %dma_start3A_172 = arith.constant 14 : i32
    %dma_start3A_173 = arith.constant 0 : i32
    %dma_start3A_174 = tpu.memref_slice %arg8[%dma_start3A_172, %dma_start3A_173] : memref<80x100xf32, #tpu.memory_space<vmem>> -> memref<1x100xf32, #tpu.memory_space<vmem>>
    %dma_start3A_175 = arith.constant 0 : i32
    %dma_start3A_176 = tpu.memref_slice %arg3[%squeeze3A_171, %dma_start3A_175] : memref<100000x100xf32, #tpu.memory_space<hbm>> -> memref<1x100xf32, #tpu.memory_space<hbm>>
    %dma_start3A_177 = arith.constant 14 : i32
    %dma_start3A_178 = arith.constant 0 : i32
    %dma_start3A_179 = tpu.memref_slice %arg8[%dma_start3A_177, %dma_start3A_178] : memref<80x100xf32, #tpu.memory_space<vmem>> -> memref<1x100xf32, #tpu.memory_space<vmem>>
    %dma_start3A_180 = arith.constant 0 : i32
    %dma_start3A_181 = tpu.memref_slice %arg3[%squeeze3A_171, %dma_start3A_180] : memref<100000x100xf32, #tpu.memory_space<hbm>> -> memref<1x100xf32, #tpu.memory_space<hbm>>
    tpu.enqueue_dma source(%dma_start3A_181 : memref<1x100xf32, #tpu.memory_space<hbm>>) target(%dma_start3A_179 : memref<1x100xf32, #tpu.memory_space<vmem>>) target_semaphore(%arg12 : memref<!tpu.dma_semaphore, #tpu.memory_space<semaphore_mem>>)
    %slice3A_182 = vector.extract_strided_slice %get3A_4 {offsets = [15], sizes = [1], strides = [1]} : vector<16xi32> to vector<1xi32>
    %squeeze3A_183 = vector.extract %slice3A_182[0] : i32 from vector<1xi32>
    %dma_start3A_184 = arith.constant 15 : i32
    %dma_start3A_185 = arith.constant 0 : i32
    %dma_start3A_186 = tpu.memref_slice %arg8[%dma_start3A_184, %dma_start3A_185] : memref<80x100xf32, #tpu.memory_space<vmem>> -> memref<1x100xf32, #tpu.memory_space<vmem>>
    %dma_start3A_187 = arith.constant 0 : i32
    %dma_start3A_188 = tpu.memref_slice %arg3[%squeeze3A_183, %dma_start3A_187] : memref<100000x100xf32, #tpu.memory_space<hbm>> -> memref<1x100xf32, #tpu.memory_space<hbm>>
    %dma_start3A_189 = arith.constant 15 : i32
    %dma_start3A_190 = arith.constant 0 : i32
    %dma_start3A_191 = tpu.memref_slice %arg8[%dma_start3A_189, %dma_start3A_190] : memref<80x100xf32, #tpu.memory_space<vmem>> -> memref<1x100xf32, #tpu.memory_space<vmem>>
    %dma_start3A_192 = arith.constant 0 : i32
    %dma_start3A_193 = tpu.memref_slice %arg3[%squeeze3A_183, %dma_start3A_192] : memref<100000x100xf32, #tpu.memory_space<hbm>> -> memref<1x100xf32, #tpu.memory_space<hbm>>
    tpu.enqueue_dma source(%dma_start3A_193 : memref<1x100xf32, #tpu.memory_space<hbm>>) target(%dma_start3A_191 : memref<1x100xf32, #tpu.memory_space<vmem>>) target_semaphore(%arg12 : memref<!tpu.dma_semaphore, #tpu.memory_space<semaphore_mem>>)
    %get3A_194 = arith.constant 16 : index
    %get3A_195 = tpu.vector_load %arg7[%get3A_194] {strides = array<i32>} : memref<80xi32, #tpu.memory_space<vmem>>, vector<16xi32>,
    %get3A_196 = vector.shape_cast %get3A_195 : vector<16xi32> to vector<16xi32>
    %slice3A_197 = vector.extract_strided_slice %get3A_196 {offsets = [0], sizes = [1], strides = [1]} : vector<16xi32> to vector<1xi32>
    %squeeze3A_198 = vector.extract %slice3A_197[0] : i32 from vector<1xi32>
    %dma_start3A_199 = arith.constant 16 : i32
    %dma_start3A_200 = arith.constant 0 : i32
    %dma_start3A_201 = tpu.memref_slice %arg8[%dma_start3A_199, %dma_start3A_200] : memref<80x100xf32, #tpu.memory_space<vmem>> -> memref<1x100xf32, #tpu.memory_space<vmem>>
    %dma_start3A_202 = arith.constant 0 : i32
    %dma_start3A_203 = tpu.memref_slice %arg3[%squeeze3A_198, %dma_start3A_202] : memref<100000x100xf32, #tpu.memory_space<hbm>> -> memref<1x100xf32, #tpu.memory_space<hbm>>
    %dma_start3A_204 = arith.constant 16 : i32
    %dma_start3A_205 = arith.constant 0 : i32
    %dma_start3A_206 = tpu.memref_slice %arg8[%dma_start3A_204, %dma_start3A_205] : memref<80x100xf32, #tpu.memory_space<vmem>> -> memref<1x100xf32, #tpu.memory_space<vmem>>
    %dma_start3A_207 = arith.constant 0 : i32
    %dma_start3A_208 = tpu.memref_slice %arg3[%squeeze3A_198, %dma_start3A_207] : memref<100000x100xf32, #tpu.memory_space<hbm>> -> memref<1x100xf32, #tpu.memory_space<hbm>>
    tpu.enqueue_dma source(%dma_start3A_208 : memref<1x100xf32, #tpu.memory_space<hbm>>) target(%dma_start3A_206 : memref<1x100xf32, #tpu.memory_space<vmem>>) target_semaphore(%arg12 : memref<!tpu.dma_semaphore, #tpu.memory_space<semaphore_mem>>)
    %slice3A_209 = vector.extract_strided_slice %get3A_196 {offsets = [1], sizes = [1], strides = [1]} : vector<16xi32> to vector<1xi32>
    %squeeze3A_210 = vector.extract %slice3A_209[0] : i32 from vector<1xi32>
    %dma_start3A_211 = arith.constant 17 : i32
    %dma_start3A_212 = arith.constant 0 : i32
    %dma_start3A_213 = tpu.memref_slice %arg8[%dma_start3A_211, %dma_start3A_212] : memref<80x100xf32, #tpu.memory_space<vmem>> -> memref<1x100xf32, #tpu.memory_space<vmem>>
    %dma_start3A_214 = arith.constant 0 : i32
    %dma_start3A_215 = tpu.memref_slice %arg3[%squeeze3A_210, %dma_start3A_214] : memref<100000x100xf32, #tpu.memory_space<hbm>> -> memref<1x100xf32, #tpu.memory_space<hbm>>
    %dma_start3A_216 = arith.constant 17 : i32
    %dma_start3A_217 = arith.constant 0 : i32
    %dma_start3A_218 = tpu.memref_slice %arg8[%dma_start3A_216, %dma_start3A_217] : memref<80x100xf32, #tpu.memory_space<vmem>> -> memref<1x100xf32, #tpu.memory_space<vmem>>
    %dma_start3A_219 = arith.constant 0 : i32
    %dma_start3A_220 = tpu.memref_slice %arg3[%squeeze3A_210, %dma_start3A_219] : memref<100000x100xf32, #tpu.memory_space<hbm>> -> memref<1x100xf32, #tpu.memory_space<hbm>>
    tpu.enqueue_dma source(%dma_start3A_220 : memref<1x100xf32, #tpu.memory_space<hbm>>) target(%dma_start3A_218 : memref<1x100xf32, #tpu.memory_space<vmem>>) target_semaphore(%arg12 : memref<!tpu.dma_semaphore, #tpu.memory_space<semaphore_mem>>)
    %slice3A_221 = vector.extract_strided_slice %get3A_196 {offsets = [2], sizes = [1], strides = [1]} : vector<16xi32> to vector<1xi32>
    %squeeze3A_222 = vector.extract %slice3A_221[0] : i32 from vector<1xi32>
    %dma_start3A_223 = arith.constant 18 : i32
    %dma_start3A_224 = arith.constant 0 : i32
    %dma_start3A_225 = tpu.memref_slice %arg8[%dma_start3A_223, %dma_start3A_224] : memref<80x100xf32, #tpu.memory_space<vmem>> -> memref<1x100xf32, #tpu.memory_space<vmem>>
    %dma_start3A_226 = arith.constant 0 : i32
    %dma_start3A_227 = tpu.memref_slice %arg3[%squeeze3A_222, %dma_start3A_226] : memref<100000x100xf32, #tpu.memory_space<hbm>> -> memref<1x100xf32, #tpu.memory_space<hbm>>
    %dma_start3A_228 = arith.constant 18 : i32
    %dma_start3A_229 = arith.constant 0 : i32
    %dma_start3A_230 = tpu.memref_slice %arg8[%dma_start3A_228, %dma_start3A_229] : memref<80x100xf32, #tpu.memory_space<vmem>> -> memref<1x100xf32, #tpu.memory_space<vmem>>
    %dma_start3A_231 = arith.constant 0 : i32
    %dma_start3A_232 = tpu.memref_slice %arg3[%squeeze3A_222, %dma_start3A_231] : memref<100000x100xf32, #tpu.memory_space<hbm>> -> memref<1x100xf32, #tpu.memory_space<hbm>>
    tpu.enqueue_dma source(%dma_start3A_232 : memref<1x100xf32, #tpu.memory_space<hbm>>) target(%dma_start3A_230 : memref<1x100xf32, #tpu.memory_space<vmem>>) target_semaphore(%arg12 : memref<!tpu.dma_semaphore, #tpu.memory_space<semaphore_mem>>)
    %slice3A_233 = vector.extract_strided_slice %get3A_196 {offsets = [3], sizes = [1], strides = [1]} : vector<16xi32> to vector<1xi32>
    %squeeze3A_234 = vector.extract %slice3A_233[0] : i32 from vector<1xi32>
    %dma_start3A_235 = arith.constant 19 : i32
    %dma_start3A_236 = arith.constant 0 : i32
    %dma_start3A_237 = tpu.memref_slice %arg8[%dma_start3A_235, %dma_start3A_236] : memref<80x100xf32, #tpu.memory_space<vmem>> -> memref<1x100xf32, #tpu.memory_space<vmem>>
    %dma_start3A_238 = arith.constant 0 : i32
    %dma_start3A_239 = tpu.memref_slice %arg3[%squeeze3A_234, %dma_start3A_238] : memref<100000x100xf32, #tpu.memory_space<hbm>> -> memref<1x100xf32, #tpu.memory_space<hbm>>
    %dma_start3A_240 = arith.constant 19 : i32
    %dma_start3A_241 = arith.constant 0 : i32
    %dma_start3A_242 = tpu.memref_slice %arg8[%dma_start3A_240, %dma_start3A_241] : memref<80x100xf32, #tpu.memory_space<vmem>> -> memref<1x100xf32, #tpu.memory_space<vmem>>
    %dma_start3A_243 = arith.constant 0 : i32
    %dma_start3A_244 = tpu.memref_slice %arg3[%squeeze3A_234, %dma_start3A_243] : memref<100000x100xf32, #tpu.memory_space<hbm>> -> memref<1x100xf32, #tpu.memory_space<hbm>>
    tpu.enqueue_dma source(%dma_start3A_244 : memref<1x100xf32, #tpu.memory_space<hbm>>) target(%dma_start3A_242 : memref<1x100xf32, #tpu.memory_space<vmem>>) target_semaphore(%arg12 : memref<!tpu.dma_semaphore, #tpu.memory_space<semaphore_mem>>)
    %slice3A_245 = vector.extract_strided_slice %get3A_196 {offsets = [4], sizes = [1], strides = [1]} : vector<16xi32> to vector<1xi32>
    %squeeze3A_246 = vector.extract %slice3A_245[0] : i32 from vector<1xi32>
    %dma_start3A_247 = arith.constant 20 : i32
    %dma_start3A_248 = arith.constant 0 : i32
    %dma_start3A_249 = tpu.memref_slice %arg8[%dma_start3A_247, %dma_start3A_248] : memref<80x100xf32, #tpu.memory_space<vmem>> -> memref<1x100xf32, #tpu.memory_space<vmem>>
    %dma_start3A_250 = arith.constant 0 : i32
    %dma_start3A_251 = tpu.memref_slice %arg3[%squeeze3A_246, %dma_start3A_250] : memref<100000x100xf32, #tpu.memory_space<hbm>> -> memref<1x100xf32, #tpu.memory_space<hbm>>
    %dma_start3A_252 = arith.constant 20 : i32
    %dma_start3A_253 = arith.constant 0 : i32
    %dma_start3A_254 = tpu.memref_slice %arg8[%dma_start3A_252, %dma_start3A_253] : memref<80x100xf32, #tpu.memory_space<vmem>> -> memref<1x100xf32, #tpu.memory_space<vmem>>
    %dma_start3A_255 = arith.constant 0 : i32
    %dma_start3A_256 = tpu.memref_slice %arg3[%squeeze3A_246, %dma_start3A_255] : memref<100000x100xf32, #tpu.memory_space<hbm>> -> memref<1x100xf32, #tpu.memory_space<hbm>>
    tpu.enqueue_dma source(%dma_start3A_256 : memref<1x100xf32, #tpu.memory_space<hbm>>) target(%dma_start3A_254 : memref<1x100xf32, #tpu.memory_space<vmem>>) target_semaphore(%arg12 : memref<!tpu.dma_semaphore, #tpu.memory_space<semaphore_mem>>)
    %slice3A_257 = vector.extract_strided_slice %get3A_196 {offsets = [5], sizes = [1], strides = [1]} : vector<16xi32> to vector<1xi32>
    %squeeze3A_258 = vector.extract %slice3A_257[0] : i32 from vector<1xi32>
    %dma_start3A_259 = arith.constant 21 : i32
    %dma_start3A_260 = arith.constant 0 : i32
    %dma_start3A_261 = tpu.memref_slice %arg8[%dma_start3A_259, %dma_start3A_260] : memref<80x100xf32, #tpu.memory_space<vmem>> -> memref<1x100xf32, #tpu.memory_space<vmem>>
    %dma_start3A_262 = arith.constant 0 : i32
    %dma_start3A_263 = tpu.memref_slice %arg3[%squeeze3A_258, %dma_start3A_262] : memref<100000x100xf32, #tpu.memory_space<hbm>> -> memref<1x100xf32, #tpu.memory_space<hbm>>
    %dma_start3A_264 = arith.constant 21 : i32
    %dma_start3A_265 = arith.constant 0 : i32
    %dma_start3A_266 = tpu.memref_slice %arg8[%dma_start3A_264, %dma_start3A_265] : memref<80x100xf32, #tpu.memory_space<vmem>> -> memref<1x100xf32, #tpu.memory_space<vmem>>
    %dma_start3A_267 = arith.constant 0 : i32
    %dma_start3A_268 = tpu.memref_slice %arg3[%squeeze3A_258, %dma_start3A_267] : memref<100000x100xf32, #tpu.memory_space<hbm>> -> memref<1x100xf32, #tpu.memory_space<hbm>>
    tpu.enqueue_dma source(%dma_start3A_268 : memref<1x100xf32, #tpu.memory_space<hbm>>) target(%dma_start3A_266 : memref<1x100xf32, #tpu.memory_space<vmem>>) target_semaphore(%arg12 : memref<!tpu.dma_semaphore, #tpu.memory_space<semaphore_mem>>)
    %slice3A_269 = vector.extract_strided_slice %get3A_196 {offsets = [6], sizes = [1], strides = [1]} : vector<16xi32> to vector<1xi32>
    %squeeze3A_270 = vector.extract %slice3A_269[0] : i32 from vector<1xi32>
    %dma_start3A_271 = arith.constant 22 : i32
    %dma_start3A_272 = arith.constant 0 : i32
    %dma_start3A_273 = tpu.memref_slice %arg8[%dma_start3A_271, %dma_start3A_272] : memref<80x100xf32, #tpu.memory_space<vmem>> -> memref<1x100xf32, #tpu.memory_space<vmem>>
    %dma_start3A_274 = arith.constant 0 : i32
    %dma_start3A_275 = tpu.memref_slice %arg3[%squeeze3A_270, %dma_start3A_274] : memref<100000x100xf32, #tpu.memory_space<hbm>> -> memref<1x100xf32, #tpu.memory_space<hbm>>
    %dma_start3A_276 = arith.constant 22 : i32
    %dma_start3A_277 = arith.constant 0 : i32
    %dma_start3A_278 = tpu.memref_slice %arg8[%dma_start3A_276, %dma_start3A_277] : memref<80x100xf32, #tpu.memory_space<vmem>> -> memref<1x100xf32, #tpu.memory_space<vmem>>
    %dma_start3A_279 = arith.constant 0 : i32
    %dma_start3A_280 = tpu.memref_slice %arg3[%squeeze3A_270, %dma_start3A_279] : memref<100000x100xf32, #tpu.memory_space<hbm>> -> memref<1x100xf32, #tpu.memory_space<hbm>>
    tpu.enqueue_dma source(%dma_start3A_280 : memref<1x100xf32, #tpu.memory_space<hbm>>) target(%dma_start3A_278 : memref<1x100xf32, #tpu.memory_space<vmem>>) target_semaphore(%arg12 : memref<!tpu.dma_semaphore, #tpu.memory_space<semaphore_mem>>)
    %slice3A_281 = vector.extract_strided_slice %get3A_196 {offsets = [7], sizes = [1], strides = [1]} : vector<16xi32> to vector<1xi32>
    %squeeze3A_282 = vector.extract %slice3A_281[0] : i32 from vector<1xi32>
    %dma_start3A_283 = arith.constant 23 : i32
    %dma_start3A_284 = arith.constant 0 : i32
    %dma_start3A_285 = tpu.memref_slice %arg8[%dma_start3A_283, %dma_start3A_284] : memref<80x100xf32, #tpu.memory_space<vmem>> -> memref<1x100xf32, #tpu.memory_space<vmem>>
    %dma_start3A_286 = arith.constant 0 : i32
    %dma_start3A_287 = tpu.memref_slice %arg3[%squeeze3A_282, %dma_start3A_286] : memref<100000x100xf32, #tpu.memory_space<hbm>> -> memref<1x100xf32, #tpu.memory_space<hbm>>
    %dma_start3A_288 = arith.constant 23 : i32
    %dma_start3A_289 = arith.constant 0 : i32
    %dma_start3A_290 = tpu.memref_slice %arg8[%dma_start3A_288, %dma_start3A_289] : memref<80x100xf32, #tpu.memory_space<vmem>> -> memref<1x100xf32, #tpu.memory_space<vmem>>
    %dma_start3A_291 = arith.constant 0 : i32
    %dma_start3A_292 = tpu.memref_slice %arg3[%squeeze3A_282, %dma_start3A_291] : memref<100000x100xf32, #tpu.memory_space<hbm>> -> memref<1x100xf32, #tpu.memory_space<hbm>>
    tpu.enqueue_dma source(%dma_start3A_292 : memref<1x100xf32, #tpu.memory_space<hbm>>) target(%dma_start3A_290 : memref<1x100xf32, #tpu.memory_space<vmem>>) target_semaphore(%arg12 : memref<!tpu.dma_semaphore, #tpu.memory_space<semaphore_mem>>)
    %slice3A_293 = vector.extract_strided_slice %get3A_196 {offsets = [8], sizes = [1], strides = [1]} : vector<16xi32> to vector<1xi32>
    %squeeze3A_294 = vector.extract %slice3A_293[0] : i32 from vector<1xi32>
    %dma_start3A_295 = arith.constant 24 : i32
    %dma_start3A_296 = arith.constant 0 : i32
    %dma_start3A_297 = tpu.memref_slice %arg8[%dma_start3A_295, %dma_start3A_296] : memref<80x100xf32, #tpu.memory_space<vmem>> -> memref<1x100xf32, #tpu.memory_space<vmem>>
    %dma_start3A_298 = arith.constant 0 : i32
    %dma_start3A_299 = tpu.memref_slice %arg3[%squeeze3A_294, %dma_start3A_298] : memref<100000x100xf32, #tpu.memory_space<hbm>> -> memref<1x100xf32, #tpu.memory_space<hbm>>
    %dma_start3A_300 = arith.constant 24 : i32
    %dma_start3A_301 = arith.constant 0 : i32
    %dma_start3A_302 = tpu.memref_slice %arg8[%dma_start3A_300, %dma_start3A_301] : memref<80x100xf32, #tpu.memory_space<vmem>> -> memref<1x100xf32, #tpu.memory_space<vmem>>
    %dma_start3A_303 = arith.constant 0 : i32
    %dma_start3A_304 = tpu.memref_slice %arg3[%squeeze3A_294, %dma_start3A_303] : memref<100000x100xf32, #tpu.memory_space<hbm>> -> memref<1x100xf32, #tpu.memory_space<hbm>>
    tpu.enqueue_dma source(%dma_start3A_304 : memref<1x100xf32, #tpu.memory_space<hbm>>) target(%dma_start3A_302 : memref<1x100xf32, #tpu.memory_space<vmem>>) target_semaphore(%arg12 : memref<!tpu.dma_semaphore, #tpu.memory_space<semaphore_mem>>)
    %slice3A_305 = vector.extract_strided_slice %get3A_196 {offsets = [9], sizes = [1], strides = [1]} : vector<16xi32> to vector<1xi32>
    %squeeze3A_306 = vector.extract %slice3A_305[0] : i32 from vector<1xi32>
    %dma_start3A_307 = arith.constant 25 : i32
    %dma_start3A_308 = arith.constant 0 : i32
    %dma_start3A_309 = tpu.memref_slice %arg8[%dma_start3A_307, %dma_start3A_308] : memref<80x100xf32, #tpu.memory_space<vmem>> -> memref<1x100xf32, #tpu.memory_space<vmem>>
    %dma_start3A_310 = arith.constant 0 : i32
    %dma_start3A_311 = tpu.memref_slice %arg3[%squeeze3A_306, %dma_start3A_310] : memref<100000x100xf32, #tpu.memory_space<hbm>> -> memref<1x100xf32, #tpu.memory_space<hbm>>
    %dma_start3A_312 = arith.constant 25 : i32
    %dma_start3A_313 = arith.constant 0 : i32
    %dma_start3A_314 = tpu.memref_slice %arg8[%dma_start3A_312, %dma_start3A_313] : memref<80x100xf32, #tpu.memory_space<vmem>> -> memref<1x100xf32, #tpu.memory_space<vmem>>
    %dma_start3A_315 = arith.constant 0 : i32
    %dma_start3A_316 = tpu.memref_slice %arg3[%squeeze3A_306, %dma_start3A_315] : memref<100000x100xf32, #tpu.memory_space<hbm>> -> memref<1x100xf32, #tpu.memory_space<hbm>>
    tpu.enqueue_dma source(%dma_start3A_316 : memref<1x100xf32, #tpu.memory_space<hbm>>) target(%dma_start3A_314 : memref<1x100xf32, #tpu.memory_space<vmem>>) target_semaphore(%arg12 : memref<!tpu.dma_semaphore, #tpu.memory_space<semaphore_mem>>)
    %slice3A_317 = vector.extract_strided_slice %get3A_196 {offsets = [10], sizes = [1], strides = [1]} : vector<16xi32> to vector<1xi32>
    %squeeze3A_318 = vector.extract %slice3A_317[0] : i32 from vector<1xi32>
    %dma_start3A_319 = arith.constant 26 : i32
    %dma_start3A_320 = arith.constant 0 : i32
    %dma_start3A_321 = tpu.memref_slice %arg8[%dma_start3A_319, %dma_start3A_320] : memref<80x100xf32, #tpu.memory_space<vmem>> -> memref<1x100xf32, #tpu.memory_space<vmem>>
    %dma_start3A_322 = arith.constant 0 : i32
    %dma_start3A_323 = tpu.memref_slice %arg3[%squeeze3A_318, %dma_start3A_322] : memref<100000x100xf32, #tpu.memory_space<hbm>> -> memref<1x100xf32, #tpu.memory_space<hbm>>
    %dma_start3A_324 = arith.constant 26 : i32
    %dma_start3A_325 = arith.constant 0 : i32
    %dma_start3A_326 = tpu.memref_slice %arg8[%dma_start3A_324, %dma_start3A_325] : memref<80x100xf32, #tpu.memory_space<vmem>> -> memref<1x100xf32, #tpu.memory_space<vmem>>
    %dma_start3A_327 = arith.constant 0 : i32
    %dma_start3A_328 = tpu.memref_slice %arg3[%squeeze3A_318, %dma_start3A_327] : memref<100000x100xf32, #tpu.memory_space<hbm>> -> memref<1x100xf32, #tpu.memory_space<hbm>>
    tpu.enqueue_dma source(%dma_start3A_328 : memref<1x100xf32, #tpu.memory_space<hbm>>) target(%dma_start3A_326 : memref<1x100xf32, #tpu.memory_space<vmem>>) target_semaphore(%arg12 : memref<!tpu.dma_semaphore, #tpu.memory_space<semaphore_mem>>)
    %slice3A_329 = vector.extract_strided_slice %get3A_196 {offsets = [11], sizes = [1], strides = [1]} : vector<16xi32> to vector<1xi32>
    %squeeze3A_330 = vector.extract %slice3A_329[0] : i32 from vector<1xi32>
    %dma_start3A_331 = arith.constant 27 : i32
    %dma_start3A_332 = arith.constant 0 : i32
    %dma_start3A_333 = tpu.memref_slice %arg8[%dma_start3A_331, %dma_start3A_332] : memref<80x100xf32, #tpu.memory_space<vmem>> -> memref<1x100xf32, #tpu.memory_space<vmem>>
    %dma_start3A_334 = arith.constant 0 : i32
    %dma_start3A_335 = tpu.memref_slice %arg3[%squeeze3A_330, %dma_start3A_334] : memref<100000x100xf32, #tpu.memory_space<hbm>> -> memref<1x100xf32, #tpu.memory_space<hbm>>
    %dma_start3A_336 = arith.constant 27 : i32
    %dma_start3A_337 = arith.constant 0 : i32
    %dma_start3A_338 = tpu.memref_slice %arg8[%dma_start3A_336, %dma_start3A_337] : memref<80x100xf32, #tpu.memory_space<vmem>> -> memref<1x100xf32, #tpu.memory_space<vmem>>
    %dma_start3A_339 = arith.constant 0 : i32
    %dma_start3A_340 = tpu.memref_slice %arg3[%squeeze3A_330, %dma_start3A_339] : memref<100000x100xf32, #tpu.memory_space<hbm>> -> memref<1x100xf32, #tpu.memory_space<hbm>>
    tpu.enqueue_dma source(%dma_start3A_340 : memref<1x100xf32, #tpu.memory_space<hbm>>) target(%dma_start3A_338 : memref<1x100xf32, #tpu.memory_space<vmem>>) target_semaphore(%arg12 : memref<!tpu.dma_semaphore, #tpu.memory_space<semaphore_mem>>)
    %slice3A_341 = vector.extract_strided_slice %get3A_196 {offsets = [12], sizes = [1], strides = [1]} : vector<16xi32> to vector<1xi32>
    %squeeze3A_342 = vector.extract %slice3A_341[0] : i32 from vector<1xi32>
    %dma_start3A_343 = arith.constant 28 : i32
    %dma_start3A_344 = arith.constant 0 : i32
    %dma_start3A_345 = tpu.memref_slice %arg8[%dma_start3A_343, %dma_start3A_344] : memref<80x100xf32, #tpu.memory_space<vmem>> -> memref<1x100xf32, #tpu.memory_space<vmem>>
    %dma_start3A_346 = arith.constant 0 : i32
    %dma_start3A_347 = tpu.memref_slice %arg3[%squeeze3A_342, %dma_start3A_346] : memref<100000x100xf32, #tpu.memory_space<hbm>> -> memref<1x100xf32, #tpu.memory_space<hbm>>
    %dma_start3A_348 = arith.constant 28 : i32
    %dma_start3A_349 = arith.constant 0 : i32
    %dma_start3A_350 = tpu.memref_slice %arg8[%dma_start3A_348, %dma_start3A_349] : memref<80x100xf32, #tpu.memory_space<vmem>> -> memref<1x100xf32, #tpu.memory_space<vmem>>
    %dma_start3A_351 = arith.constant 0 : i32
    %dma_start3A_352 = tpu.memref_slice %arg3[%squeeze3A_342, %dma_start3A_351] : memref<100000x100xf32, #tpu.memory_space<hbm>> -> memref<1x100xf32, #tpu.memory_space<hbm>>
    tpu.enqueue_dma source(%dma_start3A_352 : memref<1x100xf32, #tpu.memory_space<hbm>>) target(%dma_start3A_350 : memref<1x100xf32, #tpu.memory_space<vmem>>) target_semaphore(%arg12 : memref<!tpu.dma_semaphore, #tpu.memory_space<semaphore_mem>>)
    %slice3A_353 = vector.extract_strided_slice %get3A_196 {offsets = [13], sizes = [1], strides = [1]} : vector<16xi32> to vector<1xi32>
    %squeeze3A_354 = vector.extract %slice3A_353[0] : i32 from vector<1xi32>
    %dma_start3A_355 = arith.constant 29 : i32
    %dma_start3A_356 = arith.constant 0 : i32
    %dma_start3A_357 = tpu.memref_slice %arg8[%dma_start3A_355, %dma_start3A_356] : memref<80x100xf32, #tpu.memory_space<vmem>> -> memref<1x100xf32, #tpu.memory_space<vmem>>
    %dma_start3A_358 = arith.constant 0 : i32
    %dma_start3A_359 = tpu.memref_slice %arg3[%squeeze3A_354, %dma_start3A_358] : memref<100000x100xf32, #tpu.memory_space<hbm>> -> memref<1x100xf32, #tpu.memory_space<hbm>>
    %dma_start3A_360 = arith.constant 29 : i32
    %dma_start3A_361 = arith.constant 0 : i32
    %dma_start3A_362 = tpu.memref_slice %arg8[%dma_start3A_360, %dma_start3A_361] : memref<80x100xf32, #tpu.memory_space<vmem>> -> memref<1x100xf32, #tpu.memory_space<vmem>>
    %dma_start3A_363 = arith.constant 0 : i32
    %dma_start3A_364 = tpu.memref_slice %arg3[%squeeze3A_354, %dma_start3A_363] : memref<100000x100xf32, #tpu.memory_space<hbm>> -> memref<1x100xf32, #tpu.memory_space<hbm>>
    tpu.enqueue_dma source(%dma_start3A_364 : memref<1x100xf32, #tpu.memory_space<hbm>>) target(%dma_start3A_362 : memref<1x100xf32, #tpu.memory_space<vmem>>) target_semaphore(%arg12 : memref<!tpu.dma_semaphore, #tpu.memory_space<semaphore_mem>>)
    %slice3A_365 = vector.extract_strided_slice %get3A_196 {offsets = [14], sizes = [1], strides = [1]} : vector<16xi32> to vector<1xi32>
    %squeeze3A_366 = vector.extract %slice3A_365[0] : i32 from vector<1xi32>
    %dma_start3A_367 = arith.constant 30 : i32
    %dma_start3A_368 = arith.constant 0 : i32
    %dma_start3A_369 = tpu.memref_slice %arg8[%dma_start3A_367, %dma_start3A_368] : memref<80x100xf32, #tpu.memory_space<vmem>> -> memref<1x100xf32, #tpu.memory_space<vmem>>
    %dma_start3A_370 = arith.constant 0 : i32
    %dma_start3A_371 = tpu.memref_slice %arg3[%squeeze3A_366, %dma_start3A_370] : memref<100000x100xf32, #tpu.memory_space<hbm>> -> memref<1x100xf32, #tpu.memory_space<hbm>>
    %dma_start3A_372 = arith.constant 30 : i32
    %dma_start3A_373 = arith.constant 0 : i32
    %dma_start3A_374 = tpu.memref_slice %arg8[%dma_start3A_372, %dma_start3A_373] : memref<80x100xf32, #tpu.memory_space<vmem>> -> memref<1x100xf32, #tpu.memory_space<vmem>>
    %dma_start3A_375 = arith.constant 0 : i32
    %dma_start3A_376 = tpu.memref_slice %arg3[%squeeze3A_366, %dma_start3A_375] : memref<100000x100xf32, #tpu.memory_space<hbm>> -> memref<1x100xf32, #tpu.memory_space<hbm>>
    tpu.enqueue_dma source(%dma_start3A_376 : memref<1x100xf32, #tpu.memory_space<hbm>>) target(%dma_start3A_374 : memref<1x100xf32, #tpu.memory_space<vmem>>) target_semaphore(%arg12 : memref<!tpu.dma_semaphore, #tpu.memory_space<semaphore_mem>>)
    %slice3A_377 = vector.extract_strided_slice %get3A_196 {offsets = [15], sizes = [1], strides = [1]} : vector<16xi32> to vector<1xi32>
    %squeeze3A_378 = vector.extract %slice3A_377[0] : i32 from vector<1xi32>
    %dma_start3A_379 = arith.constant 31 : i32
    %dma_start3A_380 = arith.constant 0 : i32
    %dma_start3A_381 = tpu.memref_slice %arg8[%dma_start3A_379, %dma_start3A_380] : memref<80x100xf32, #tpu.memory_space<vmem>> -> memref<1x100xf32, #tpu.memory_space<vmem>>
    %dma_start3A_382 = arith.constant 0 : i32
    %dma_start3A_383 = tpu.memref_slice %arg3[%squeeze3A_378, %dma_start3A_382] : memref<100000x100xf32, #tpu.memory_space<hbm>> -> memref<1x100xf32, #tpu.memory_space<hbm>>
    %dma_start3A_384 = arith.constant 31 : i32
    %dma_start3A_385 = arith.constant 0 : i32
    %dma_start3A_386 = tpu.memref_slice %arg8[%dma_start3A_384, %dma_start3A_385] : memref<80x100xf32, #tpu.memory_space<vmem>> -> memref<1x100xf32, #tpu.memory_space<vmem>>
    %dma_start3A_387 = arith.constant 0 : i32
    %dma_start3A_388 = tpu.memref_slice %arg3[%squeeze3A_378, %dma_start3A_387] : memref<100000x100xf32, #tpu.memory_space<hbm>> -> memref<1x100xf32, #tpu.memory_space<hbm>>
    tpu.enqueue_dma source(%dma_start3A_388 : memref<1x100xf32, #tpu.memory_space<hbm>>) target(%dma_start3A_386 : memref<1x100xf32, #tpu.memory_space<vmem>>) target_semaphore(%arg12 : memref<!tpu.dma_semaphore, #tpu.memory_space<semaphore_mem>>)
    %get3A_389 = arith.constant 32 : index
    %get3A_390 = tpu.vector_load %arg7[%get3A_389] {strides = array<i32>} : memref<80xi32, #tpu.memory_space<vmem>>, vector<16xi32>,
    %get3A_391 = vector.shape_cast %get3A_390 : vector<16xi32> to vector<16xi32>
    %slice3A_392 = vector.extract_strided_slice %get3A_391 {offsets = [0], sizes = [1], strides = [1]} : vector<16xi32> to vector<1xi32>
    %squeeze3A_393 = vector.extract %slice3A_392[0] : i32 from vector<1xi32>
    %dma_start3A_394 = arith.constant 32 : i32
    %dma_start3A_395 = arith.constant 0 : i32
    %dma_start3A_396 = tpu.memref_slice %arg8[%dma_start3A_394, %dma_start3A_395] : memref<80x100xf32, #tpu.memory_space<vmem>> -> memref<1x100xf32, #tpu.memory_space<vmem>>
    %dma_start3A_397 = arith.constant 0 : i32
    %dma_start3A_398 = tpu.memref_slice %arg3[%squeeze3A_393, %dma_start3A_397] : memref<100000x100xf32, #tpu.memory_space<hbm>> -> memref<1x100xf32, #tpu.memory_space<hbm>>
    %dma_start3A_399 = arith.constant 32 : i32
    %dma_start3A_400 = arith.constant 0 : i32
    %dma_start3A_401 = tpu.memref_slice %arg8[%dma_start3A_399, %dma_start3A_400] : memref<80x100xf32, #tpu.memory_space<vmem>> -> memref<1x100xf32, #tpu.memory_space<vmem>>
    %dma_start3A_402 = arith.constant 0 : i32
    %dma_start3A_403 = tpu.memref_slice %arg3[%squeeze3A_393, %dma_start3A_402] : memref<100000x100xf32, #tpu.memory_space<hbm>> -> memref<1x100xf32, #tpu.memory_space<hbm>>
    tpu.enqueue_dma source(%dma_start3A_403 : memref<1x100xf32, #tpu.memory_space<hbm>>) target(%dma_start3A_401 : memref<1x100xf32, #tpu.memory_space<vmem>>) target_semaphore(%arg12 : memref<!tpu.dma_semaphore, #tpu.memory_space<semaphore_mem>>)
    %slice3A_404 = vector.extract_strided_slice %get3A_391 {offsets = [1], sizes = [1], strides = [1]} : vector<16xi32> to vector<1xi32>
    %squeeze3A_405 = vector.extract %slice3A_404[0] : i32 from vector<1xi32>
    %dma_start3A_406 = arith.constant 33 : i32
    %dma_start3A_407 = arith.constant 0 : i32
    %dma_start3A_408 = tpu.memref_slice %arg8[%dma_start3A_406, %dma_start3A_407] : memref<80x100xf32, #tpu.memory_space<vmem>> -> memref<1x100xf32, #tpu.memory_space<vmem>>
    %dma_start3A_409 = arith.constant 0 : i32
    %dma_start3A_410 = tpu.memref_slice %arg3[%squeeze3A_405, %dma_start3A_409] : memref<100000x100xf32, #tpu.memory_space<hbm>> -> memref<1x100xf32, #tpu.memory_space<hbm>>
    %dma_start3A_411 = arith.constant 33 : i32
    %dma_start3A_412 = arith.constant 0 : i32
    %dma_start3A_413 = tpu.memref_slice %arg8[%dma_start3A_411, %dma_start3A_412] : memref<80x100xf32, #tpu.memory_space<vmem>> -> memref<1x100xf32, #tpu.memory_space<vmem>>
    %dma_start3A_414 = arith.constant 0 : i32
    %dma_start3A_415 = tpu.memref_slice %arg3[%squeeze3A_405, %dma_start3A_414] : memref<100000x100xf32, #tpu.memory_space<hbm>> -> memref<1x100xf32, #tpu.memory_space<hbm>>
    tpu.enqueue_dma source(%dma_start3A_415 : memref<1x100xf32, #tpu.memory_space<hbm>>) target(%dma_start3A_413 : memref<1x100xf32, #tpu.memory_space<vmem>>) target_semaphore(%arg12 : memref<!tpu.dma_semaphore, #tpu.memory_space<semaphore_mem>>)
    %slice3A_416 = vector.extract_strided_slice %get3A_391 {offsets = [2], sizes = [1], strides = [1]} : vector<16xi32> to vector<1xi32>
    %squeeze3A_417 = vector.extract %slice3A_416[0] : i32 from vector<1xi32>
    %dma_start3A_418 = arith.constant 34 : i32
    %dma_start3A_419 = arith.constant 0 : i32
    %dma_start3A_420 = tpu.memref_slice %arg8[%dma_start3A_418, %dma_start3A_419] : memref<80x100xf32, #tpu.memory_space<vmem>> -> memref<1x100xf32, #tpu.memory_space<vmem>>
    %dma_start3A_421 = arith.constant 0 : i32
    %dma_start3A_422 = tpu.memref_slice %arg3[%squeeze3A_417, %dma_start3A_421] : memref<100000x100xf32, #tpu.memory_space<hbm>> -> memref<1x100xf32, #tpu.memory_space<hbm>>
    %dma_start3A_423 = arith.constant 34 : i32
    %dma_start3A_424 = arith.constant 0 : i32
    %dma_start3A_425 = tpu.memref_slice %arg8[%dma_start3A_423, %dma_start3A_424] : memref<80x100xf32, #tpu.memory_space<vmem>> -> memref<1x100xf32, #tpu.memory_space<vmem>>
    %dma_start3A_426 = arith.constant 0 : i32
    %dma_start3A_427 = tpu.memref_slice %arg3[%squeeze3A_417, %dma_start3A_426] : memref<100000x100xf32, #tpu.memory_space<hbm>> -> memref<1x100xf32, #tpu.memory_space<hbm>>
    tpu.enqueue_dma source(%dma_start3A_427 : memref<1x100xf32, #tpu.memory_space<hbm>>) target(%dma_start3A_425 : memref<1x100xf32, #tpu.memory_space<vmem>>) target_semaphore(%arg12 : memref<!tpu.dma_semaphore, #tpu.memory_space<semaphore_mem>>)
    %slice3A_428 = vector.extract_strided_slice %get3A_391 {offsets = [3], sizes = [1], strides = [1]} : vector<16xi32> to vector<1xi32>
    %squeeze3A_429 = vector.extract %slice3A_428[0] : i32 from vector<1xi32>
    %dma_start3A_430 = arith.constant 35 : i32
    %dma_start3A_431 = arith.constant 0 : i32
    %dma_start3A_432 = tpu.memref_slice %arg8[%dma_start3A_430, %dma_start3A_431] : memref<80x100xf32, #tpu.memory_space<vmem>> -> memref<1x100xf32, #tpu.memory_space<vmem>>
    %dma_start3A_433 = arith.constant 0 : i32
    %dma_start3A_434 = tpu.memref_slice %arg3[%squeeze3A_429, %dma_start3A_433] : memref<100000x100xf32, #tpu.memory_space<hbm>> -> memref<1x100xf32, #tpu.memory_space<hbm>>
    %dma_start3A_435 = arith.constant 35 : i32
    %dma_start3A_436 = arith.constant 0 : i32
    %dma_start3A_437 = tpu.memref_slice %arg8[%dma_start3A_435, %dma_start3A_436] : memref<80x100xf32, #tpu.memory_space<vmem>> -> memref<1x100xf32, #tpu.memory_space<vmem>>
    %dma_start3A_438 = arith.constant 0 : i32
    %dma_start3A_439 = tpu.memref_slice %arg3[%squeeze3A_429, %dma_start3A_438] : memref<100000x100xf32, #tpu.memory_space<hbm>> -> memref<1x100xf32, #tpu.memory_space<hbm>>
    tpu.enqueue_dma source(%dma_start3A_439 : memref<1x100xf32, #tpu.memory_space<hbm>>) target(%dma_start3A_437 : memref<1x100xf32, #tpu.memory_space<vmem>>) target_semaphore(%arg12 : memref<!tpu.dma_semaphore, #tpu.memory_space<semaphore_mem>>)
    %slice3A_440 = vector.extract_strided_slice %get3A_391 {offsets = [4], sizes = [1], strides = [1]} : vector<16xi32> to vector<1xi32>
    %squeeze3A_441 = vector.extract %slice3A_440[0] : i32 from vector<1xi32>
    %dma_start3A_442 = arith.constant 36 : i32
    %dma_start3A_443 = arith.constant 0 : i32
    %dma_start3A_444 = tpu.memref_slice %arg8[%dma_start3A_442, %dma_start3A_443] : memref<80x100xf32, #tpu.memory_space<vmem>> -> memref<1x100xf32, #tpu.memory_space<vmem>>
    %dma_start3A_445 = arith.constant 0 : i32
    %dma_start3A_446 = tpu.memref_slice %arg3[%squeeze3A_441, %dma_start3A_445] : memref<100000x100xf32, #tpu.memory_space<hbm>> -> memref<1x100xf32, #tpu.memory_space<hbm>>
    %dma_start3A_447 = arith.constant 36 : i32
    %dma_start3A_448 = arith.constant 0 : i32
    %dma_start3A_449 = tpu.memref_slice %arg8[%dma_start3A_447, %dma_start3A_448] : memref<80x100xf32, #tpu.memory_space<vmem>> -> memref<1x100xf32, #tpu.memory_space<vmem>>
    %dma_start3A_450 = arith.constant 0 : i32
    %dma_start3A_451 = tpu.memref_slice %arg3[%squeeze3A_441, %dma_start3A_450] : memref<100000x100xf32, #tpu.memory_space<hbm>> -> memref<1x100xf32, #tpu.memory_space<hbm>>
    tpu.enqueue_dma source(%dma_start3A_451 : memref<1x100xf32, #tpu.memory_space<hbm>>) target(%dma_start3A_449 : memref<1x100xf32, #tpu.memory_space<vmem>>) target_semaphore(%arg12 : memref<!tpu.dma_semaphore, #tpu.memory_space<semaphore_mem>>)
    %slice3A_452 = vector.extract_strided_slice %get3A_391 {offsets = [5], sizes = [1], strides = [1]} : vector<16xi32> to vector<1xi32>
    %squeeze3A_453 = vector.extract %slice3A_452[0] : i32 from vector<1xi32>
    %dma_start3A_454 = arith.constant 37 : i32
    %dma_start3A_455 = arith.constant 0 : i32
    %dma_start3A_456 = tpu.memref_slice %arg8[%dma_start3A_454, %dma_start3A_455] : memref<80x100xf32, #tpu.memory_space<vmem>> -> memref<1x100xf32, #tpu.memory_space<vmem>>
    %dma_start3A_457 = arith.constant 0 : i32
    %dma_start3A_458 = tpu.memref_slice %arg3[%squeeze3A_453, %dma_start3A_457] : memref<100000x100xf32, #tpu.memory_space<hbm>> -> memref<1x100xf32, #tpu.memory_space<hbm>>
    %dma_start3A_459 = arith.constant 37 : i32
    %dma_start3A_460 = arith.constant 0 : i32
    %dma_start3A_461 = tpu.memref_slice %arg8[%dma_start3A_459, %dma_start3A_460] : memref<80x100xf32, #tpu.memory_space<vmem>> -> memref<1x100xf32, #tpu.memory_space<vmem>>
    %dma_start3A_462 = arith.constant 0 : i32
    %dma_start3A_463 = tpu.memref_slice %arg3[%squeeze3A_453, %dma_start3A_462] : memref<100000x100xf32, #tpu.memory_space<hbm>> -> memref<1x100xf32, #tpu.memory_space<hbm>>
    tpu.enqueue_dma source(%dma_start3A_463 : memref<1x100xf32, #tpu.memory_space<hbm>>) target(%dma_start3A_461 : memref<1x100xf32, #tpu.memory_space<vmem>>) target_semaphore(%arg12 : memref<!tpu.dma_semaphore, #tpu.memory_space<semaphore_mem>>)
    %slice3A_464 = vector.extract_strided_slice %get3A_391 {offsets = [6], sizes = [1], strides = [1]} : vector<16xi32> to vector<1xi32>
    %squeeze3A_465 = vector.extract %slice3A_464[0] : i32 from vector<1xi32>
    %dma_start3A_466 = arith.constant 38 : i32
    %dma_start3A_467 = arith.constant 0 : i32
    %dma_start3A_468 = tpu.memref_slice %arg8[%dma_start3A_466, %dma_start3A_467] : memref<80x100xf32, #tpu.memory_space<vmem>> -> memref<1x100xf32, #tpu.memory_space<vmem>>
    %dma_start3A_469 = arith.constant 0 : i32
    %dma_start3A_470 = tpu.memref_slice %arg3[%squeeze3A_465, %dma_start3A_469] : memref<100000x100xf32, #tpu.memory_space<hbm>> -> memref<1x100xf32, #tpu.memory_space<hbm>>
    %dma_start3A_471 = arith.constant 38 : i32
    %dma_start3A_472 = arith.constant 0 : i32
    %dma_start3A_473 = tpu.memref_slice %arg8[%dma_start3A_471, %dma_start3A_472] : memref<80x100xf32, #tpu.memory_space<vmem>> -> memref<1x100xf32, #tpu.memory_space<vmem>>
    %dma_start3A_474 = arith.constant 0 : i32
    %dma_start3A_475 = tpu.memref_slice %arg3[%squeeze3A_465, %dma_start3A_474] : memref<100000x100xf32, #tpu.memory_space<hbm>> -> memref<1x100xf32, #tpu.memory_space<hbm>>
    tpu.enqueue_dma source(%dma_start3A_475 : memref<1x100xf32, #tpu.memory_space<hbm>>) target(%dma_start3A_473 : memref<1x100xf32, #tpu.memory_space<vmem>>) target_semaphore(%arg12 : memref<!tpu.dma_semaphore, #tpu.memory_space<semaphore_mem>>)
    %slice3A_476 = vector.extract_strided_slice %get3A_391 {offsets = [7], sizes = [1], strides = [1]} : vector<16xi32> to vector<1xi32>
    %squeeze3A_477 = vector.extract %slice3A_476[0] : i32 from vector<1xi32>
    %dma_start3A_478 = arith.constant 39 : i32
    %dma_start3A_479 = arith.constant 0 : i32
    %dma_start3A_480 = tpu.memref_slice %arg8[%dma_start3A_478, %dma_start3A_479] : memref<80x100xf32, #tpu.memory_space<vmem>> -> memref<1x100xf32, #tpu.memory_space<vmem>>
    %dma_start3A_481 = arith.constant 0 : i32
    %dma_start3A_482 = tpu.memref_slice %arg3[%squeeze3A_477, %dma_start3A_481] : memref<100000x100xf32, #tpu.memory_space<hbm>> -> memref<1x100xf32, #tpu.memory_space<hbm>>
    %dma_start3A_483 = arith.constant 39 : i32
    %dma_start3A_484 = arith.constant 0 : i32
    %dma_start3A_485 = tpu.memref_slice %arg8[%dma_start3A_483, %dma_start3A_484] : memref<80x100xf32, #tpu.memory_space<vmem>> -> memref<1x100xf32, #tpu.memory_space<vmem>>
    %dma_start3A_486 = arith.constant 0 : i32
    %dma_start3A_487 = tpu.memref_slice %arg3[%squeeze3A_477, %dma_start3A_486] : memref<100000x100xf32, #tpu.memory_space<hbm>> -> memref<1x100xf32, #tpu.memory_space<hbm>>
    tpu.enqueue_dma source(%dma_start3A_487 : memref<1x100xf32, #tpu.memory_space<hbm>>) target(%dma_start3A_485 : memref<1x100xf32, #tpu.memory_space<vmem>>) target_semaphore(%arg12 : memref<!tpu.dma_semaphore, #tpu.memory_space<semaphore_mem>>)
    %slice3A_488 = vector.extract_strided_slice %get3A_391 {offsets = [8], sizes = [1], strides = [1]} : vector<16xi32> to vector<1xi32>
    %squeeze3A_489 = vector.extract %slice3A_488[0] : i32 from vector<1xi32>
    %dma_start3A_490 = arith.constant 40 : i32
    %dma_start3A_491 = arith.constant 0 : i32
    %dma_start3A_492 = tpu.memref_slice %arg8[%dma_start3A_490, %dma_start3A_491] : memref<80x100xf32, #tpu.memory_space<vmem>> -> memref<1x100xf32, #tpu.memory_space<vmem>>
    %dma_start3A_493 = arith.constant 0 : i32
    %dma_start3A_494 = tpu.memref_slice %arg3[%squeeze3A_489, %dma_start3A_493] : memref<100000x100xf32, #tpu.memory_space<hbm>> -> memref<1x100xf32, #tpu.memory_space<hbm>>
    %dma_start3A_495 = arith.constant 40 : i32
    %dma_start3A_496 = arith.constant 0 : i32
    %dma_start3A_497 = tpu.memref_slice %arg8[%dma_start3A_495, %dma_start3A_496] : memref<80x100xf32, #tpu.memory_space<vmem>> -> memref<1x100xf32, #tpu.memory_space<vmem>>
    %dma_start3A_498 = arith.constant 0 : i32
    %dma_start3A_499 = tpu.memref_slice %arg3[%squeeze3A_489, %dma_start3A_498] : memref<100000x100xf32, #tpu.memory_space<hbm>> -> memref<1x100xf32, #tpu.memory_space<hbm>>
    tpu.enqueue_dma source(%dma_start3A_499 : memref<1x100xf32, #tpu.memory_space<hbm>>) target(%dma_start3A_497 : memref<1x100xf32, #tpu.memory_space<vmem>>) target_semaphore(%arg12 : memref<!tpu.dma_semaphore, #tpu.memory_space<semaphore_mem>>)
    %slice3A_500 = vector.extract_strided_slice %get3A_391 {offsets = [9], sizes = [1], strides = [1]} : vector<16xi32> to vector<1xi32>
    %squeeze3A_501 = vector.extract %slice3A_500[0] : i32 from vector<1xi32>
    %dma_start3A_502 = arith.constant 41 : i32
    %dma_start3A_503 = arith.constant 0 : i32
    %dma_start3A_504 = tpu.memref_slice %arg8[%dma_start3A_502, %dma_start3A_503] : memref<80x100xf32, #tpu.memory_space<vmem>> -> memref<1x100xf32, #tpu.memory_space<vmem>>
    %dma_start3A_505 = arith.constant 0 : i32
    %dma_start3A_506 = tpu.memref_slice %arg3[%squeeze3A_501, %dma_start3A_505] : memref<100000x100xf32, #tpu.memory_space<hbm>> -> memref<1x100xf32, #tpu.memory_space<hbm>>
    %dma_start3A_507 = arith.constant 41 : i32
    %dma_start3A_508 = arith.constant 0 : i32
    %dma_start3A_509 = tpu.memref_slice %arg8[%dma_start3A_507, %dma_start3A_508] : memref<80x100xf32, #tpu.memory_space<vmem>> -> memref<1x100xf32, #tpu.memory_space<vmem>>
    %dma_start3A_510 = arith.constant 0 : i32
    %dma_start3A_511 = tpu.memref_slice %arg3[%squeeze3A_501, %dma_start3A_510] : memref<100000x100xf32, #tpu.memory_space<hbm>> -> memref<1x100xf32, #tpu.memory_space<hbm>>
    tpu.enqueue_dma source(%dma_start3A_511 : memref<1x100xf32, #tpu.memory_space<hbm>>) target(%dma_start3A_509 : memref<1x100xf32, #tpu.memory_space<vmem>>) target_semaphore(%arg12 : memref<!tpu.dma_semaphore, #tpu.memory_space<semaphore_mem>>)
    %slice3A_512 = vector.extract_strided_slice %get3A_391 {offsets = [10], sizes = [1], strides = [1]} : vector<16xi32> to vector<1xi32>
    %squeeze3A_513 = vector.extract %slice3A_512[0] : i32 from vector<1xi32>
    %dma_start3A_514 = arith.constant 42 : i32
    %dma_start3A_515 = arith.constant 0 : i32
    %dma_start3A_516 = tpu.memref_slice %arg8[%dma_start3A_514, %dma_start3A_515] : memref<80x100xf32, #tpu.memory_space<vmem>> -> memref<1x100xf32, #tpu.memory_space<vmem>>
    %dma_start3A_517 = arith.constant 0 : i32
    %dma_start3A_518 = tpu.memref_slice %arg3[%squeeze3A_513, %dma_start3A_517] : memref<100000x100xf32, #tpu.memory_space<hbm>> -> memref<1x100xf32, #tpu.memory_space<hbm>>
    %dma_start3A_519 = arith.constant 42 : i32
    %dma_start3A_520 = arith.constant 0 : i32
    %dma_start3A_521 = tpu.memref_slice %arg8[%dma_start3A_519, %dma_start3A_520] : memref<80x100xf32, #tpu.memory_space<vmem>> -> memref<1x100xf32, #tpu.memory_space<vmem>>
    %dma_start3A_522 = arith.constant 0 : i32
    %dma_start3A_523 = tpu.memref_slice %arg3[%squeeze3A_513, %dma_start3A_522] : memref<100000x100xf32, #tpu.memory_space<hbm>> -> memref<1x100xf32, #tpu.memory_space<hbm>>
    tpu.enqueue_dma source(%dma_start3A_523 : memref<1x100xf32, #tpu.memory_space<hbm>>) target(%dma_start3A_521 : memref<1x100xf32, #tpu.memory_space<vmem>>) target_semaphore(%arg12 : memref<!tpu.dma_semaphore, #tpu.memory_space<semaphore_mem>>)
    %slice3A_524 = vector.extract_strided_slice %get3A_391 {offsets = [11], sizes = [1], strides = [1]} : vector<16xi32> to vector<1xi32>
    %squeeze3A_525 = vector.extract %slice3A_524[0] : i32 from vector<1xi32>
    %dma_start3A_526 = arith.constant 43 : i32
    %dma_start3A_527 = arith.constant 0 : i32
    %dma_start3A_528 = tpu.memref_slice %arg8[%dma_start3A_526, %dma_start3A_527] : memref<80x100xf32, #tpu.memory_space<vmem>> -> memref<1x100xf32, #tpu.memory_space<vmem>>
    %dma_start3A_529 = arith.constant 0 : i32
    %dma_start3A_530 = tpu.memref_slice %arg3[%squeeze3A_525, %dma_start3A_529] : memref<100000x100xf32, #tpu.memory_space<hbm>> -> memref<1x100xf32, #tpu.memory_space<hbm>>
    %dma_start3A_531 = arith.constant 43 : i32
    %dma_start3A_532 = arith.constant 0 : i32
    %dma_start3A_533 = tpu.memref_slice %arg8[%dma_start3A_531, %dma_start3A_532] : memref<80x100xf32, #tpu.memory_space<vmem>> -> memref<1x100xf32, #tpu.memory_space<vmem>>
    %dma_start3A_534 = arith.constant 0 : i32
    %dma_start3A_535 = tpu.memref_slice %arg3[%squeeze3A_525, %dma_start3A_534] : memref<100000x100xf32, #tpu.memory_space<hbm>> -> memref<1x100xf32, #tpu.memory_space<hbm>>
    tpu.enqueue_dma source(%dma_start3A_535 : memref<1x100xf32, #tpu.memory_space<hbm>>) target(%dma_start3A_533 : memref<1x100xf32, #tpu.memory_space<vmem>>) target_semaphore(%arg12 : memref<!tpu.dma_semaphore, #tpu.memory_space<semaphore_mem>>)
    %slice3A_536 = vector.extract_strided_slice %get3A_391 {offsets = [12], sizes = [1], strides = [1]} : vector<16xi32> to vector<1xi32>
    %squeeze3A_537 = vector.extract %slice3A_536[0] : i32 from vector<1xi32>
    %dma_start3A_538 = arith.constant 44 : i32
    %dma_start3A_539 = arith.constant 0 : i32
    %dma_start3A_540 = tpu.memref_slice %arg8[%dma_start3A_538, %dma_start3A_539] : memref<80x100xf32, #tpu.memory_space<vmem>> -> memref<1x100xf32, #tpu.memory_space<vmem>>
    %dma_start3A_541 = arith.constant 0 : i32
    %dma_start3A_542 = tpu.memref_slice %arg3[%squeeze3A_537, %dma_start3A_541] : memref<100000x100xf32, #tpu.memory_space<hbm>> -> memref<1x100xf32, #tpu.memory_space<hbm>>
    %dma_start3A_543 = arith.constant 44 : i32
    %dma_start3A_544 = arith.constant 0 : i32
    %dma_start3A_545 = tpu.memref_slice %arg8[%dma_start3A_543, %dma_start3A_544] : memref<80x100xf32, #tpu.memory_space<vmem>> -> memref<1x100xf32, #tpu.memory_space<vmem>>
    %dma_start3A_546 = arith.constant 0 : i32
    %dma_start3A_547 = tpu.memref_slice %arg3[%squeeze3A_537, %dma_start3A_546] : memref<100000x100xf32, #tpu.memory_space<hbm>> -> memref<1x100xf32, #tpu.memory_space<hbm>>
    tpu.enqueue_dma source(%dma_start3A_547 : memref<1x100xf32, #tpu.memory_space<hbm>>) target(%dma_start3A_545 : memref<1x100xf32, #tpu.memory_space<vmem>>) target_semaphore(%arg12 : memref<!tpu.dma_semaphore, #tpu.memory_space<semaphore_mem>>)
    %slice3A_548 = vector.extract_strided_slice %get3A_391 {offsets = [13], sizes = [1], strides = [1]} : vector<16xi32> to vector<1xi32>
    %squeeze3A_549 = vector.extract %slice3A_548[0] : i32 from vector<1xi32>
    %dma_start3A_550 = arith.constant 45 : i32
    %dma_start3A_551 = arith.constant 0 : i32
    %dma_start3A_552 = tpu.memref_slice %arg8[%dma_start3A_550, %dma_start3A_551] : memref<80x100xf32, #tpu.memory_space<vmem>> -> memref<1x100xf32, #tpu.memory_space<vmem>>
    %dma_start3A_553 = arith.constant 0 : i32
    %dma_start3A_554 = tpu.memref_slice %arg3[%squeeze3A_549, %dma_start3A_553] : memref<100000x100xf32, #tpu.memory_space<hbm>> -> memref<1x100xf32, #tpu.memory_space<hbm>>
    %dma_start3A_555 = arith.constant 45 : i32
    %dma_start3A_556 = arith.constant 0 : i32
    %dma_start3A_557 = tpu.memref_slice %arg8[%dma_start3A_555, %dma_start3A_556] : memref<80x100xf32, #tpu.memory_space<vmem>> -> memref<1x100xf32, #tpu.memory_space<vmem>>
    %dma_start3A_558 = arith.constant 0 : i32
    %dma_start3A_559 = tpu.memref_slice %arg3[%squeeze3A_549, %dma_start3A_558] : memref<100000x100xf32, #tpu.memory_space<hbm>> -> memref<1x100xf32, #tpu.memory_space<hbm>>
    tpu.enqueue_dma source(%dma_start3A_559 : memref<1x100xf32, #tpu.memory_space<hbm>>) target(%dma_start3A_557 : memref<1x100xf32, #tpu.memory_space<vmem>>) target_semaphore(%arg12 : memref<!tpu.dma_semaphore, #tpu.memory_space<semaphore_mem>>)
    %slice3A_560 = vector.extract_strided_slice %get3A_391 {offsets = [14], sizes = [1], strides = [1]} : vector<16xi32> to vector<1xi32>
    %squeeze3A_561 = vector.extract %slice3A_560[0] : i32 from vector<1xi32>
    %dma_start3A_562 = arith.constant 46 : i32
    %dma_start3A_563 = arith.constant 0 : i32
    %dma_start3A_564 = tpu.memref_slice %arg8[%dma_start3A_562, %dma_start3A_563] : memref<80x100xf32, #tpu.memory_space<vmem>> -> memref<1x100xf32, #tpu.memory_space<vmem>>
    %dma_start3A_565 = arith.constant 0 : i32
    %dma_start3A_566 = tpu.memref_slice %arg3[%squeeze3A_561, %dma_start3A_565] : memref<100000x100xf32, #tpu.memory_space<hbm>> -> memref<1x100xf32, #tpu.memory_space<hbm>>
    %dma_start3A_567 = arith.constant 46 : i32
    %dma_start3A_568 = arith.constant 0 : i32
    %dma_start3A_569 = tpu.memref_slice %arg8[%dma_start3A_567, %dma_start3A_568] : memref<80x100xf32, #tpu.memory_space<vmem>> -> memref<1x100xf32, #tpu.memory_space<vmem>>
    %dma_start3A_570 = arith.constant 0 : i32
    %dma_start3A_571 = tpu.memref_slice %arg3[%squeeze3A_561, %dma_start3A_570] : memref<100000x100xf32, #tpu.memory_space<hbm>> -> memref<1x100xf32, #tpu.memory_space<hbm>>
    tpu.enqueue_dma source(%dma_start3A_571 : memref<1x100xf32, #tpu.memory_space<hbm>>) target(%dma_start3A_569 : memref<1x100xf32, #tpu.memory_space<vmem>>) target_semaphore(%arg12 : memref<!tpu.dma_semaphore, #tpu.memory_space<semaphore_mem>>)
    %slice3A_572 = vector.extract_strided_slice %get3A_391 {offsets = [15], sizes = [1], strides = [1]} : vector<16xi32> to vector<1xi32>
    %squeeze3A_573 = vector.extract %slice3A_572[0] : i32 from vector<1xi32>
    %dma_start3A_574 = arith.constant 47 : i32
    %dma_start3A_575 = arith.constant 0 : i32
    %dma_start3A_576 = tpu.memref_slice %arg8[%dma_start3A_574, %dma_start3A_575] : memref<80x100xf32, #tpu.memory_space<vmem>> -> memref<1x100xf32, #tpu.memory_space<vmem>>
    %dma_start3A_577 = arith.constant 0 : i32
    %dma_start3A_578 = tpu.memref_slice %arg3[%squeeze3A_573, %dma_start3A_577] : memref<100000x100xf32, #tpu.memory_space<hbm>> -> memref<1x100xf32, #tpu.memory_space<hbm>>
    %dma_start3A_579 = arith.constant 47 : i32
    %dma_start3A_580 = arith.constant 0 : i32
    %dma_start3A_581 = tpu.memref_slice %arg8[%dma_start3A_579, %dma_start3A_580] : memref<80x100xf32, #tpu.memory_space<vmem>> -> memref<1x100xf32, #tpu.memory_space<vmem>>
    %dma_start3A_582 = arith.constant 0 : i32
    %dma_start3A_583 = tpu.memref_slice %arg3[%squeeze3A_573, %dma_start3A_582] : memref<100000x100xf32, #tpu.memory_space<hbm>> -> memref<1x100xf32, #tpu.memory_space<hbm>>
    tpu.enqueue_dma source(%dma_start3A_583 : memref<1x100xf32, #tpu.memory_space<hbm>>) target(%dma_start3A_581 : memref<1x100xf32, #tpu.memory_space<vmem>>) target_semaphore(%arg12 : memref<!tpu.dma_semaphore, #tpu.memory_space<semaphore_mem>>)
    %get3A_584 = arith.constant 48 : index
    %get3A_585 = tpu.vector_load %arg7[%get3A_584] {strides = array<i32>} : memref<80xi32, #tpu.memory_space<vmem>>, vector<16xi32>,
    %get3A_586 = vector.shape_cast %get3A_585 : vector<16xi32> to vector<16xi32>
    %slice3A_587 = vector.extract_strided_slice %get3A_586 {offsets = [0], sizes = [1], strides = [1]} : vector<16xi32> to vector<1xi32>
    %squeeze3A_588 = vector.extract %slice3A_587[0] : i32 from vector<1xi32>
    %dma_start3A_589 = arith.constant 48 : i32
    %dma_start3A_590 = arith.constant 0 : i32
    %dma_start3A_591 = tpu.memref_slice %arg8[%dma_start3A_589, %dma_start3A_590] : memref<80x100xf32, #tpu.memory_space<vmem>> -> memref<1x100xf32, #tpu.memory_space<vmem>>
    %dma_start3A_592 = arith.constant 0 : i32
    %dma_start3A_593 = tpu.memref_slice %arg3[%squeeze3A_588, %dma_start3A_592] : memref<100000x100xf32, #tpu.memory_space<hbm>> -> memref<1x100xf32, #tpu.memory_space<hbm>>
    %dma_start3A_594 = arith.constant 48 : i32
    %dma_start3A_595 = arith.constant 0 : i32
    %dma_start3A_596 = tpu.memref_slice %arg8[%dma_start3A_594, %dma_start3A_595] : memref<80x100xf32, #tpu.memory_space<vmem>> -> memref<1x100xf32, #tpu.memory_space<vmem>>
    %dma_start3A_597 = arith.constant 0 : i32
    %dma_start3A_598 = tpu.memref_slice %arg3[%squeeze3A_588, %dma_start3A_597] : memref<100000x100xf32, #tpu.memory_space<hbm>> -> memref<1x100xf32, #tpu.memory_space<hbm>>
    tpu.enqueue_dma source(%dma_start3A_598 : memref<1x100xf32, #tpu.memory_space<hbm>>) target(%dma_start3A_596 : memref<1x100xf32, #tpu.memory_space<vmem>>) target_semaphore(%arg12 : memref<!tpu.dma_semaphore, #tpu.memory_space<semaphore_mem>>)
    %slice3A_599 = vector.extract_strided_slice %get3A_586 {offsets = [1], sizes = [1], strides = [1]} : vector<16xi32> to vector<1xi32>
    %squeeze3A_600 = vector.extract %slice3A_599[0] : i32 from vector<1xi32>
    %dma_start3A_601 = arith.constant 49 : i32
    %dma_start3A_602 = arith.constant 0 : i32
    %dma_start3A_603 = tpu.memref_slice %arg8[%dma_start3A_601, %dma_start3A_602] : memref<80x100xf32, #tpu.memory_space<vmem>> -> memref<1x100xf32, #tpu.memory_space<vmem>>
    %dma_start3A_604 = arith.constant 0 : i32
    %dma_start3A_605 = tpu.memref_slice %arg3[%squeeze3A_600, %dma_start3A_604] : memref<100000x100xf32, #tpu.memory_space<hbm>> -> memref<1x100xf32, #tpu.memory_space<hbm>>
    %dma_start3A_606 = arith.constant 49 : i32
    %dma_start3A_607 = arith.constant 0 : i32
    %dma_start3A_608 = tpu.memref_slice %arg8[%dma_start3A_606, %dma_start3A_607] : memref<80x100xf32, #tpu.memory_space<vmem>> -> memref<1x100xf32, #tpu.memory_space<vmem>>
    %dma_start3A_609 = arith.constant 0 : i32
    %dma_start3A_610 = tpu.memref_slice %arg3[%squeeze3A_600, %dma_start3A_609] : memref<100000x100xf32, #tpu.memory_space<hbm>> -> memref<1x100xf32, #tpu.memory_space<hbm>>
    tpu.enqueue_dma source(%dma_start3A_610 : memref<1x100xf32, #tpu.memory_space<hbm>>) target(%dma_start3A_608 : memref<1x100xf32, #tpu.memory_space<vmem>>) target_semaphore(%arg12 : memref<!tpu.dma_semaphore, #tpu.memory_space<semaphore_mem>>)
    %slice3A_611 = vector.extract_strided_slice %get3A_586 {offsets = [2], sizes = [1], strides = [1]} : vector<16xi32> to vector<1xi32>
    %squeeze3A_612 = vector.extract %slice3A_611[0] : i32 from vector<1xi32>
    %dma_start3A_613 = arith.constant 50 : i32
    %dma_start3A_614 = arith.constant 0 : i32
    %dma_start3A_615 = tpu.memref_slice %arg8[%dma_start3A_613, %dma_start3A_614] : memref<80x100xf32, #tpu.memory_space<vmem>> -> memref<1x100xf32, #tpu.memory_space<vmem>>
    %dma_start3A_616 = arith.constant 0 : i32
    %dma_start3A_617 = tpu.memref_slice %arg3[%squeeze3A_612, %dma_start3A_616] : memref<100000x100xf32, #tpu.memory_space<hbm>> -> memref<1x100xf32, #tpu.memory_space<hbm>>
    %dma_start3A_618 = arith.constant 50 : i32
    %dma_start3A_619 = arith.constant 0 : i32
    %dma_start3A_620 = tpu.memref_slice %arg8[%dma_start3A_618, %dma_start3A_619] : memref<80x100xf32, #tpu.memory_space<vmem>> -> memref<1x100xf32, #tpu.memory_space<vmem>>
    %dma_start3A_621 = arith.constant 0 : i32
    %dma_start3A_622 = tpu.memref_slice %arg3[%squeeze3A_612, %dma_start3A_621] : memref<100000x100xf32, #tpu.memory_space<hbm>> -> memref<1x100xf32, #tpu.memory_space<hbm>>
    tpu.enqueue_dma source(%dma_start3A_622 : memref<1x100xf32, #tpu.memory_space<hbm>>) target(%dma_start3A_620 : memref<1x100xf32, #tpu.memory_space<vmem>>) target_semaphore(%arg12 : memref<!tpu.dma_semaphore, #tpu.memory_space<semaphore_mem>>)
    %slice3A_623 = vector.extract_strided_slice %get3A_586 {offsets = [3], sizes = [1], strides = [1]} : vector<16xi32> to vector<1xi32>
    %squeeze3A_624 = vector.extract %slice3A_623[0] : i32 from vector<1xi32>
    %dma_start3A_625 = arith.constant 51 : i32
    %dma_start3A_626 = arith.constant 0 : i32
    %dma_start3A_627 = tpu.memref_slice %arg8[%dma_start3A_625, %dma_start3A_626] : memref<80x100xf32, #tpu.memory_space<vmem>> -> memref<1x100xf32, #tpu.memory_space<vmem>>
    %dma_start3A_628 = arith.constant 0 : i32
    %dma_start3A_629 = tpu.memref_slice %arg3[%squeeze3A_624, %dma_start3A_628] : memref<100000x100xf32, #tpu.memory_space<hbm>> -> memref<1x100xf32, #tpu.memory_space<hbm>>
    %dma_start3A_630 = arith.constant 51 : i32
    %dma_start3A_631 = arith.constant 0 : i32
    %dma_start3A_632 = tpu.memref_slice %arg8[%dma_start3A_630, %dma_start3A_631] : memref<80x100xf32, #tpu.memory_space<vmem>> -> memref<1x100xf32, #tpu.memory_space<vmem>>
    %dma_start3A_633 = arith.constant 0 : i32
    %dma_start3A_634 = tpu.memref_slice %arg3[%squeeze3A_624, %dma_start3A_633] : memref<100000x100xf32, #tpu.memory_space<hbm>> -> memref<1x100xf32, #tpu.memory_space<hbm>>
    tpu.enqueue_dma source(%dma_start3A_634 : memref<1x100xf32, #tpu.memory_space<hbm>>) target(%dma_start3A_632 : memref<1x100xf32, #tpu.memory_space<vmem>>) target_semaphore(%arg12 : memref<!tpu.dma_semaphore, #tpu.memory_space<semaphore_mem>>)
    %slice3A_635 = vector.extract_strided_slice %get3A_586 {offsets = [4], sizes = [1], strides = [1]} : vector<16xi32> to vector<1xi32>
    %squeeze3A_636 = vector.extract %slice3A_635[0] : i32 from vector<1xi32>
    %dma_start3A_637 = arith.constant 52 : i32
    %dma_start3A_638 = arith.constant 0 : i32
    %dma_start3A_639 = tpu.memref_slice %arg8[%dma_start3A_637, %dma_start3A_638] : memref<80x100xf32, #tpu.memory_space<vmem>> -> memref<1x100xf32, #tpu.memory_space<vmem>>
    %dma_start3A_640 = arith.constant 0 : i32
    %dma_start3A_641 = tpu.memref_slice %arg3[%squeeze3A_636, %dma_start3A_640] : memref<100000x100xf32, #tpu.memory_space<hbm>> -> memref<1x100xf32, #tpu.memory_space<hbm>>
    %dma_start3A_642 = arith.constant 52 : i32
    %dma_start3A_643 = arith.constant 0 : i32
    %dma_start3A_644 = tpu.memref_slice %arg8[%dma_start3A_642, %dma_start3A_643] : memref<80x100xf32, #tpu.memory_space<vmem>> -> memref<1x100xf32, #tpu.memory_space<vmem>>
    %dma_start3A_645 = arith.constant 0 : i32
    %dma_start3A_646 = tpu.memref_slice %arg3[%squeeze3A_636, %dma_start3A_645] : memref<100000x100xf32, #tpu.memory_space<hbm>> -> memref<1x100xf32, #tpu.memory_space<hbm>>
    tpu.enqueue_dma source(%dma_start3A_646 : memref<1x100xf32, #tpu.memory_space<hbm>>) target(%dma_start3A_644 : memref<1x100xf32, #tpu.memory_space<vmem>>) target_semaphore(%arg12 : memref<!tpu.dma_semaphore, #tpu.memory_space<semaphore_mem>>)
    %slice3A_647 = vector.extract_strided_slice %get3A_586 {offsets = [5], sizes = [1], strides = [1]} : vector<16xi32> to vector<1xi32>
    %squeeze3A_648 = vector.extract %slice3A_647[0] : i32 from vector<1xi32>
    %dma_start3A_649 = arith.constant 53 : i32
    %dma_start3A_650 = arith.constant 0 : i32
    %dma_start3A_651 = tpu.memref_slice %arg8[%dma_start3A_649, %dma_start3A_650] : memref<80x100xf32, #tpu.memory_space<vmem>> -> memref<1x100xf32, #tpu.memory_space<vmem>>
    %dma_start3A_652 = arith.constant 0 : i32
    %dma_start3A_653 = tpu.memref_slice %arg3[%squeeze3A_648, %dma_start3A_652] : memref<100000x100xf32, #tpu.memory_space<hbm>> -> memref<1x100xf32, #tpu.memory_space<hbm>>
    %dma_start3A_654 = arith.constant 53 : i32
    %dma_start3A_655 = arith.constant 0 : i32
    %dma_start3A_656 = tpu.memref_slice %arg8[%dma_start3A_654, %dma_start3A_655] : memref<80x100xf32, #tpu.memory_space<vmem>> -> memref<1x100xf32, #tpu.memory_space<vmem>>
    %dma_start3A_657 = arith.constant 0 : i32
    %dma_start3A_658 = tpu.memref_slice %arg3[%squeeze3A_648, %dma_start3A_657] : memref<100000x100xf32, #tpu.memory_space<hbm>> -> memref<1x100xf32, #tpu.memory_space<hbm>>
    tpu.enqueue_dma source(%dma_start3A_658 : memref<1x100xf32, #tpu.memory_space<hbm>>) target(%dma_start3A_656 : memref<1x100xf32, #tpu.memory_space<vmem>>) target_semaphore(%arg12 : memref<!tpu.dma_semaphore, #tpu.memory_space<semaphore_mem>>)
    %slice3A_659 = vector.extract_strided_slice %get3A_586 {offsets = [6], sizes = [1], strides = [1]} : vector<16xi32> to vector<1xi32>
    %squeeze3A_660 = vector.extract %slice3A_659[0] : i32 from vector<1xi32>
    %dma_start3A_661 = arith.constant 54 : i32
    %dma_start3A_662 = arith.constant 0 : i32
    %dma_start3A_663 = tpu.memref_slice %arg8[%dma_start3A_661, %dma_start3A_662] : memref<80x100xf32, #tpu.memory_space<vmem>> -> memref<1x100xf32, #tpu.memory_space<vmem>>
    %dma_start3A_664 = arith.constant 0 : i32
    %dma_start3A_665 = tpu.memref_slice %arg3[%squeeze3A_660, %dma_start3A_664] : memref<100000x100xf32, #tpu.memory_space<hbm>> -> memref<1x100xf32, #tpu.memory_space<hbm>>
    %dma_start3A_666 = arith.constant 54 : i32
    %dma_start3A_667 = arith.constant 0 : i32
    %dma_start3A_668 = tpu.memref_slice %arg8[%dma_start3A_666, %dma_start3A_667] : memref<80x100xf32, #tpu.memory_space<vmem>> -> memref<1x100xf32, #tpu.memory_space<vmem>>
    %dma_start3A_669 = arith.constant 0 : i32
    %dma_start3A_670 = tpu.memref_slice %arg3[%squeeze3A_660, %dma_start3A_669] : memref<100000x100xf32, #tpu.memory_space<hbm>> -> memref<1x100xf32, #tpu.memory_space<hbm>>
    tpu.enqueue_dma source(%dma_start3A_670 : memref<1x100xf32, #tpu.memory_space<hbm>>) target(%dma_start3A_668 : memref<1x100xf32, #tpu.memory_space<vmem>>) target_semaphore(%arg12 : memref<!tpu.dma_semaphore, #tpu.memory_space<semaphore_mem>>)
    %slice3A_671 = vector.extract_strided_slice %get3A_586 {offsets = [7], sizes = [1], strides = [1]} : vector<16xi32> to vector<1xi32>
    %squeeze3A_672 = vector.extract %slice3A_671[0] : i32 from vector<1xi32>
    %dma_start3A_673 = arith.constant 55 : i32
    %dma_start3A_674 = arith.constant 0 : i32
    %dma_start3A_675 = tpu.memref_slice %arg8[%dma_start3A_673, %dma_start3A_674] : memref<80x100xf32, #tpu.memory_space<vmem>> -> memref<1x100xf32, #tpu.memory_space<vmem>>
    %dma_start3A_676 = arith.constant 0 : i32
    %dma_start3A_677 = tpu.memref_slice %arg3[%squeeze3A_672, %dma_start3A_676] : memref<100000x100xf32, #tpu.memory_space<hbm>> -> memref<1x100xf32, #tpu.memory_space<hbm>>
    %dma_start3A_678 = arith.constant 55 : i32
    %dma_start3A_679 = arith.constant 0 : i32
    %dma_start3A_680 = tpu.memref_slice %arg8[%dma_start3A_678, %dma_start3A_679] : memref<80x100xf32, #tpu.memory_space<vmem>> -> memref<1x100xf32, #tpu.memory_space<vmem>>
    %dma_start3A_681 = arith.constant 0 : i32
    %dma_start3A_682 = tpu.memref_slice %arg3[%squeeze3A_672, %dma_start3A_681] : memref<100000x100xf32, #tpu.memory_space<hbm>> -> memref<1x100xf32, #tpu.memory_space<hbm>>
    tpu.enqueue_dma source(%dma_start3A_682 : memref<1x100xf32, #tpu.memory_space<hbm>>) target(%dma_start3A_680 : memref<1x100xf32, #tpu.memory_space<vmem>>) target_semaphore(%arg12 : memref<!tpu.dma_semaphore, #tpu.memory_space<semaphore_mem>>)
    %slice3A_683 = vector.extract_strided_slice %get3A_586 {offsets = [8], sizes = [1], strides = [1]} : vector<16xi32> to vector<1xi32>
    %squeeze3A_684 = vector.extract %slice3A_683[0] : i32 from vector<1xi32>
    %dma_start3A_685 = arith.constant 56 : i32
    %dma_start3A_686 = arith.constant 0 : i32
    %dma_start3A_687 = tpu.memref_slice %arg8[%dma_start3A_685, %dma_start3A_686] : memref<80x100xf32, #tpu.memory_space<vmem>> -> memref<1x100xf32, #tpu.memory_space<vmem>>
    %dma_start3A_688 = arith.constant 0 : i32
    %dma_start3A_689 = tpu.memref_slice %arg3[%squeeze3A_684, %dma_start3A_688] : memref<100000x100xf32, #tpu.memory_space<hbm>> -> memref<1x100xf32, #tpu.memory_space<hbm>>
    %dma_start3A_690 = arith.constant 56 : i32
    %dma_start3A_691 = arith.constant 0 : i32
    %dma_start3A_692 = tpu.memref_slice %arg8[%dma_start3A_690, %dma_start3A_691] : memref<80x100xf32, #tpu.memory_space<vmem>> -> memref<1x100xf32, #tpu.memory_space<vmem>>
    %dma_start3A_693 = arith.constant 0 : i32
    %dma_start3A_694 = tpu.memref_slice %arg3[%squeeze3A_684, %dma_start3A_693] : memref<100000x100xf32, #tpu.memory_space<hbm>> -> memref<1x100xf32, #tpu.memory_space<hbm>>
    tpu.enqueue_dma source(%dma_start3A_694 : memref<1x100xf32, #tpu.memory_space<hbm>>) target(%dma_start3A_692 : memref<1x100xf32, #tpu.memory_space<vmem>>) target_semaphore(%arg12 : memref<!tpu.dma_semaphore, #tpu.memory_space<semaphore_mem>>)
    %slice3A_695 = vector.extract_strided_slice %get3A_586 {offsets = [9], sizes = [1], strides = [1]} : vector<16xi32> to vector<1xi32>
    %squeeze3A_696 = vector.extract %slice3A_695[0] : i32 from vector<1xi32>
    %dma_start3A_697 = arith.constant 57 : i32
    %dma_start3A_698 = arith.constant 0 : i32
    %dma_start3A_699 = tpu.memref_slice %arg8[%dma_start3A_697, %dma_start3A_698] : memref<80x100xf32, #tpu.memory_space<vmem>> -> memref<1x100xf32, #tpu.memory_space<vmem>>
    %dma_start3A_700 = arith.constant 0 : i32
    %dma_start3A_701 = tpu.memref_slice %arg3[%squeeze3A_696, %dma_start3A_700] : memref<100000x100xf32, #tpu.memory_space<hbm>> -> memref<1x100xf32, #tpu.memory_space<hbm>>
    %dma_start3A_702 = arith.constant 57 : i32
    %dma_start3A_703 = arith.constant 0 : i32
    %dma_start3A_704 = tpu.memref_slice %arg8[%dma_start3A_702, %dma_start3A_703] : memref<80x100xf32, #tpu.memory_space<vmem>> -> memref<1x100xf32, #tpu.memory_space<vmem>>
    %dma_start3A_705 = arith.constant 0 : i32
    %dma_start3A_706 = tpu.memref_slice %arg3[%squeeze3A_696, %dma_start3A_705] : memref<100000x100xf32, #tpu.memory_space<hbm>> -> memref<1x100xf32, #tpu.memory_space<hbm>>
    tpu.enqueue_dma source(%dma_start3A_706 : memref<1x100xf32, #tpu.memory_space<hbm>>) target(%dma_start3A_704 : memref<1x100xf32, #tpu.memory_space<vmem>>) target_semaphore(%arg12 : memref<!tpu.dma_semaphore, #tpu.memory_space<semaphore_mem>>)
    %slice3A_707 = vector.extract_strided_slice %get3A_586 {offsets = [10], sizes = [1], strides = [1]} : vector<16xi32> to vector<1xi32>
    %squeeze3A_708 = vector.extract %slice3A_707[0] : i32 from vector<1xi32>
    %dma_start3A_709 = arith.constant 58 : i32
    %dma_start3A_710 = arith.constant 0 : i32
    %dma_start3A_711 = tpu.memref_slice %arg8[%dma_start3A_709, %dma_start3A_710] : memref<80x100xf32, #tpu.memory_space<vmem>> -> memref<1x100xf32, #tpu.memory_space<vmem>>
    %dma_start3A_712 = arith.constant 0 : i32
    %dma_start3A_713 = tpu.memref_slice %arg3[%squeeze3A_708, %dma_start3A_712] : memref<100000x100xf32, #tpu.memory_space<hbm>> -> memref<1x100xf32, #tpu.memory_space<hbm>>
    %dma_start3A_714 = arith.constant 58 : i32
    %dma_start3A_715 = arith.constant 0 : i32
    %dma_start3A_716 = tpu.memref_slice %arg8[%dma_start3A_714, %dma_start3A_715] : memref<80x100xf32, #tpu.memory_space<vmem>> -> memref<1x100xf32, #tpu.memory_space<vmem>>
    %dma_start3A_717 = arith.constant 0 : i32
    %dma_start3A_718 = tpu.memref_slice %arg3[%squeeze3A_708, %dma_start3A_717] : memref<100000x100xf32, #tpu.memory_space<hbm>> -> memref<1x100xf32, #tpu.memory_space<hbm>>
    tpu.enqueue_dma source(%dma_start3A_718 : memref<1x100xf32, #tpu.memory_space<hbm>>) target(%dma_start3A_716 : memref<1x100xf32, #tpu.memory_space<vmem>>) target_semaphore(%arg12 : memref<!tpu.dma_semaphore, #tpu.memory_space<semaphore_mem>>)
    %slice3A_719 = vector.extract_strided_slice %get3A_586 {offsets = [11], sizes = [1], strides = [1]} : vector<16xi32> to vector<1xi32>
    %squeeze3A_720 = vector.extract %slice3A_719[0] : i32 from vector<1xi32>
    %dma_start3A_721 = arith.constant 59 : i32
    %dma_start3A_722 = arith.constant 0 : i32
    %dma_start3A_723 = tpu.memref_slice %arg8[%dma_start3A_721, %dma_start3A_722] : memref<80x100xf32, #tpu.memory_space<vmem>> -> memref<1x100xf32, #tpu.memory_space<vmem>>
    %dma_start3A_724 = arith.constant 0 : i32
    %dma_start3A_725 = tpu.memref_slice %arg3[%squeeze3A_720, %dma_start3A_724] : memref<100000x100xf32, #tpu.memory_space<hbm>> -> memref<1x100xf32, #tpu.memory_space<hbm>>
    %dma_start3A_726 = arith.constant 59 : i32
    %dma_start3A_727 = arith.constant 0 : i32
    %dma_start3A_728 = tpu.memref_slice %arg8[%dma_start3A_726, %dma_start3A_727] : memref<80x100xf32, #tpu.memory_space<vmem>> -> memref<1x100xf32, #tpu.memory_space<vmem>>
    %dma_start3A_729 = arith.constant 0 : i32
    %dma_start3A_730 = tpu.memref_slice %arg3[%squeeze3A_720, %dma_start3A_729] : memref<100000x100xf32, #tpu.memory_space<hbm>> -> memref<1x100xf32, #tpu.memory_space<hbm>>
    tpu.enqueue_dma source(%dma_start3A_730 : memref<1x100xf32, #tpu.memory_space<hbm>>) target(%dma_start3A_728 : memref<1x100xf32, #tpu.memory_space<vmem>>) target_semaphore(%arg12 : memref<!tpu.dma_semaphore, #tpu.memory_space<semaphore_mem>>)
    %slice3A_731 = vector.extract_strided_slice %get3A_586 {offsets = [12], sizes = [1], strides = [1]} : vector<16xi32> to vector<1xi32>
    %squeeze3A_732 = vector.extract %slice3A_731[0] : i32 from vector<1xi32>
    %dma_start3A_733 = arith.constant 60 : i32
    %dma_start3A_734 = arith.constant 0 : i32
    %dma_start3A_735 = tpu.memref_slice %arg8[%dma_start3A_733, %dma_start3A_734] : memref<80x100xf32, #tpu.memory_space<vmem>> -> memref<1x100xf32, #tpu.memory_space<vmem>>
    %dma_start3A_736 = arith.constant 0 : i32
    %dma_start3A_737 = tpu.memref_slice %arg3[%squeeze3A_732, %dma_start3A_736] : memref<100000x100xf32, #tpu.memory_space<hbm>> -> memref<1x100xf32, #tpu.memory_space<hbm>>
    %dma_start3A_738 = arith.constant 60 : i32
    %dma_start3A_739 = arith.constant 0 : i32
    %dma_start3A_740 = tpu.memref_slice %arg8[%dma_start3A_738, %dma_start3A_739] : memref<80x100xf32, #tpu.memory_space<vmem>> -> memref<1x100xf32, #tpu.memory_space<vmem>>
    %dma_start3A_741 = arith.constant 0 : i32
    %dma_start3A_742 = tpu.memref_slice %arg3[%squeeze3A_732, %dma_start3A_741] : memref<100000x100xf32, #tpu.memory_space<hbm>> -> memref<1x100xf32, #tpu.memory_space<hbm>>
    tpu.enqueue_dma source(%dma_start3A_742 : memref<1x100xf32, #tpu.memory_space<hbm>>) target(%dma_start3A_740 : memref<1x100xf32, #tpu.memory_space<vmem>>) target_semaphore(%arg12 : memref<!tpu.dma_semaphore, #tpu.memory_space<semaphore_mem>>)
    %slice3A_743 = vector.extract_strided_slice %get3A_586 {offsets = [13], sizes = [1], strides = [1]} : vector<16xi32> to vector<1xi32>
    %squeeze3A_744 = vector.extract %slice3A_743[0] : i32 from vector<1xi32>
    %dma_start3A_745 = arith.constant 61 : i32
    %dma_start3A_746 = arith.constant 0 : i32
    %dma_start3A_747 = tpu.memref_slice %arg8[%dma_start3A_745, %dma_start3A_746] : memref<80x100xf32, #tpu.memory_space<vmem>> -> memref<1x100xf32, #tpu.memory_space<vmem>>
    %dma_start3A_748 = arith.constant 0 : i32
    %dma_start3A_749 = tpu.memref_slice %arg3[%squeeze3A_744, %dma_start3A_748] : memref<100000x100xf32, #tpu.memory_space<hbm>> -> memref<1x100xf32, #tpu.memory_space<hbm>>
    %dma_start3A_750 = arith.constant 61 : i32
    %dma_start3A_751 = arith.constant 0 : i32
    %dma_start3A_752 = tpu.memref_slice %arg8[%dma_start3A_750, %dma_start3A_751] : memref<80x100xf32, #tpu.memory_space<vmem>> -> memref<1x100xf32, #tpu.memory_space<vmem>>
    %dma_start3A_753 = arith.constant 0 : i32
    %dma_start3A_754 = tpu.memref_slice %arg3[%squeeze3A_744, %dma_start3A_753] : memref<100000x100xf32, #tpu.memory_space<hbm>> -> memref<1x100xf32, #tpu.memory_space<hbm>>
    tpu.enqueue_dma source(%dma_start3A_754 : memref<1x100xf32, #tpu.memory_space<hbm>>) target(%dma_start3A_752 : memref<1x100xf32, #tpu.memory_space<vmem>>) target_semaphore(%arg12 : memref<!tpu.dma_semaphore, #tpu.memory_space<semaphore_mem>>)
    %slice3A_755 = vector.extract_strided_slice %get3A_586 {offsets = [14], sizes = [1], strides = [1]} : vector<16xi32> to vector<1xi32>
    %squeeze3A_756 = vector.extract %slice3A_755[0] : i32 from vector<1xi32>
    %dma_start3A_757 = arith.constant 62 : i32
    %dma_start3A_758 = arith.constant 0 : i32
    %dma_start3A_759 = tpu.memref_slice %arg8[%dma_start3A_757, %dma_start3A_758] : memref<80x100xf32, #tpu.memory_space<vmem>> -> memref<1x100xf32, #tpu.memory_space<vmem>>
    %dma_start3A_760 = arith.constant 0 : i32
    %dma_start3A_761 = tpu.memref_slice %arg3[%squeeze3A_756, %dma_start3A_760] : memref<100000x100xf32, #tpu.memory_space<hbm>> -> memref<1x100xf32, #tpu.memory_space<hbm>>
    %dma_start3A_762 = arith.constant 62 : i32
    %dma_start3A_763 = arith.constant 0 : i32
    %dma_start3A_764 = tpu.memref_slice %arg8[%dma_start3A_762, %dma_start3A_763] : memref<80x100xf32, #tpu.memory_space<vmem>> -> memref<1x100xf32, #tpu.memory_space<vmem>>
    %dma_start3A_765 = arith.constant 0 : i32
    %dma_start3A_766 = tpu.memref_slice %arg3[%squeeze3A_756, %dma_start3A_765] : memref<100000x100xf32, #tpu.memory_space<hbm>> -> memref<1x100xf32, #tpu.memory_space<hbm>>
    tpu.enqueue_dma source(%dma_start3A_766 : memref<1x100xf32, #tpu.memory_space<hbm>>) target(%dma_start3A_764 : memref<1x100xf32, #tpu.memory_space<vmem>>) target_semaphore(%arg12 : memref<!tpu.dma_semaphore, #tpu.memory_space<semaphore_mem>>)
    %slice3A_767 = vector.extract_strided_slice %get3A_586 {offsets = [15], sizes = [1], strides = [1]} : vector<16xi32> to vector<1xi32>
    %squeeze3A_768 = vector.extract %slice3A_767[0] : i32 from vector<1xi32>
    %dma_start3A_769 = arith.constant 63 : i32
    %dma_start3A_770 = arith.constant 0 : i32
    %dma_start3A_771 = tpu.memref_slice %arg8[%dma_start3A_769, %dma_start3A_770] : memref<80x100xf32, #tpu.memory_space<vmem>> -> memref<1x100xf32, #tpu.memory_space<vmem>>
    %dma_start3A_772 = arith.constant 0 : i32
    %dma_start3A_773 = tpu.memref_slice %arg3[%squeeze3A_768, %dma_start3A_772] : memref<100000x100xf32, #tpu.memory_space<hbm>> -> memref<1x100xf32, #tpu.memory_space<hbm>>
    %dma_start3A_774 = arith.constant 63 : i32
    %dma_start3A_775 = arith.constant 0 : i32
    %dma_start3A_776 = tpu.memref_slice %arg8[%dma_start3A_774, %dma_start3A_775] : memref<80x100xf32, #tpu.memory_space<vmem>> -> memref<1x100xf32, #tpu.memory_space<vmem>>
    %dma_start3A_777 = arith.constant 0 : i32
    %dma_start3A_778 = tpu.memref_slice %arg3[%squeeze3A_768, %dma_start3A_777] : memref<100000x100xf32, #tpu.memory_space<hbm>> -> memref<1x100xf32, #tpu.memory_space<hbm>>
    tpu.enqueue_dma source(%dma_start3A_778 : memref<1x100xf32, #tpu.memory_space<hbm>>) target(%dma_start3A_776 : memref<1x100xf32, #tpu.memory_space<vmem>>) target_semaphore(%arg12 : memref<!tpu.dma_semaphore, #tpu.memory_space<semaphore_mem>>)
    %get3A_779 = arith.constant 64 : index
    %get3A_780 = tpu.vector_load %arg7[%get3A_779] {strides = array<i32>} : memref<80xi32, #tpu.memory_space<vmem>>, vector<16xi32>,
    %get3A_781 = vector.shape_cast %get3A_780 : vector<16xi32> to vector<16xi32>
    %slice3A_782 = vector.extract_strided_slice %get3A_781 {offsets = [0], sizes = [1], strides = [1]} : vector<16xi32> to vector<1xi32>
    %squeeze3A_783 = vector.extract %slice3A_782[0] : i32 from vector<1xi32>
    %dma_start3A_784 = arith.constant 64 : i32
    %dma_start3A_785 = arith.constant 0 : i32
    %dma_start3A_786 = tpu.memref_slice %arg8[%dma_start3A_784, %dma_start3A_785] : memref<80x100xf32, #tpu.memory_space<vmem>> -> memref<1x100xf32, #tpu.memory_space<vmem>>
    %dma_start3A_787 = arith.constant 0 : i32
    %dma_start3A_788 = tpu.memref_slice %arg3[%squeeze3A_783, %dma_start3A_787] : memref<100000x100xf32, #tpu.memory_space<hbm>> -> memref<1x100xf32, #tpu.memory_space<hbm>>
    %dma_start3A_789 = arith.constant 64 : i32
    %dma_start3A_790 = arith.constant 0 : i32
    %dma_start3A_791 = tpu.memref_slice %arg8[%dma_start3A_789, %dma_start3A_790] : memref<80x100xf32, #tpu.memory_space<vmem>> -> memref<1x100xf32, #tpu.memory_space<vmem>>
    %dma_start3A_792 = arith.constant 0 : i32
    %dma_start3A_793 = tpu.memref_slice %arg3[%squeeze3A_783, %dma_start3A_792] : memref<100000x100xf32, #tpu.memory_space<hbm>> -> memref<1x100xf32, #tpu.memory_space<hbm>>
    tpu.enqueue_dma source(%dma_start3A_793 : memref<1x100xf32, #tpu.memory_space<hbm>>) target(%dma_start3A_791 : memref<1x100xf32, #tpu.memory_space<vmem>>) target_semaphore(%arg12 : memref<!tpu.dma_semaphore, #tpu.memory_space<semaphore_mem>>)
    %slice3A_794 = vector.extract_strided_slice %get3A_781 {offsets = [1], sizes = [1], strides = [1]} : vector<16xi32> to vector<1xi32>
    %squeeze3A_795 = vector.extract %slice3A_794[0] : i32 from vector<1xi32>
    %dma_start3A_796 = arith.constant 65 : i32
    %dma_start3A_797 = arith.constant 0 : i32
    %dma_start3A_798 = tpu.memref_slice %arg8[%dma_start3A_796, %dma_start3A_797] : memref<80x100xf32, #tpu.memory_space<vmem>> -> memref<1x100xf32, #tpu.memory_space<vmem>>
    %dma_start3A_799 = arith.constant 0 : i32
    %dma_start3A_800 = tpu.memref_slice %arg3[%squeeze3A_795, %dma_start3A_799] : memref<100000x100xf32, #tpu.memory_space<hbm>> -> memref<1x100xf32, #tpu.memory_space<hbm>>
    %dma_start3A_801 = arith.constant 65 : i32
    %dma_start3A_802 = arith.constant 0 : i32
    %dma_start3A_803 = tpu.memref_slice %arg8[%dma_start3A_801, %dma_start3A_802] : memref<80x100xf32, #tpu.memory_space<vmem>> -> memref<1x100xf32, #tpu.memory_space<vmem>>
    %dma_start3A_804 = arith.constant 0 : i32
    %dma_start3A_805 = tpu.memref_slice %arg3[%squeeze3A_795, %dma_start3A_804] : memref<100000x100xf32, #tpu.memory_space<hbm>> -> memref<1x100xf32, #tpu.memory_space<hbm>>
    tpu.enqueue_dma source(%dma_start3A_805 : memref<1x100xf32, #tpu.memory_space<hbm>>) target(%dma_start3A_803 : memref<1x100xf32, #tpu.memory_space<vmem>>) target_semaphore(%arg12 : memref<!tpu.dma_semaphore, #tpu.memory_space<semaphore_mem>>)
    %slice3A_806 = vector.extract_strided_slice %get3A_781 {offsets = [2], sizes = [1], strides = [1]} : vector<16xi32> to vector<1xi32>
    %squeeze3A_807 = vector.extract %slice3A_806[0] : i32 from vector<1xi32>
    %dma_start3A_808 = arith.constant 66 : i32
    %dma_start3A_809 = arith.constant 0 : i32
    %dma_start3A_810 = tpu.memref_slice %arg8[%dma_start3A_808, %dma_start3A_809] : memref<80x100xf32, #tpu.memory_space<vmem>> -> memref<1x100xf32, #tpu.memory_space<vmem>>
    %dma_start3A_811 = arith.constant 0 : i32
    %dma_start3A_812 = tpu.memref_slice %arg3[%squeeze3A_807, %dma_start3A_811] : memref<100000x100xf32, #tpu.memory_space<hbm>> -> memref<1x100xf32, #tpu.memory_space<hbm>>
    %dma_start3A_813 = arith.constant 66 : i32
    %dma_start3A_814 = arith.constant 0 : i32
    %dma_start3A_815 = tpu.memref_slice %arg8[%dma_start3A_813, %dma_start3A_814] : memref<80x100xf32, #tpu.memory_space<vmem>> -> memref<1x100xf32, #tpu.memory_space<vmem>>
    %dma_start3A_816 = arith.constant 0 : i32
    %dma_start3A_817 = tpu.memref_slice %arg3[%squeeze3A_807, %dma_start3A_816] : memref<100000x100xf32, #tpu.memory_space<hbm>> -> memref<1x100xf32, #tpu.memory_space<hbm>>
    tpu.enqueue_dma source(%dma_start3A_817 : memref<1x100xf32, #tpu.memory_space<hbm>>) target(%dma_start3A_815 : memref<1x100xf32, #tpu.memory_space<vmem>>) target_semaphore(%arg12 : memref<!tpu.dma_semaphore, #tpu.memory_space<semaphore_mem>>)
    %slice3A_818 = vector.extract_strided_slice %get3A_781 {offsets = [3], sizes = [1], strides = [1]} : vector<16xi32> to vector<1xi32>
    %squeeze3A_819 = vector.extract %slice3A_818[0] : i32 from vector<1xi32>
    %dma_start3A_820 = arith.constant 67 : i32
    %dma_start3A_821 = arith.constant 0 : i32
    %dma_start3A_822 = tpu.memref_slice %arg8[%dma_start3A_820, %dma_start3A_821] : memref<80x100xf32, #tpu.memory_space<vmem>> -> memref<1x100xf32, #tpu.memory_space<vmem>>
    %dma_start3A_823 = arith.constant 0 : i32
    %dma_start3A_824 = tpu.memref_slice %arg3[%squeeze3A_819, %dma_start3A_823] : memref<100000x100xf32, #tpu.memory_space<hbm>> -> memref<1x100xf32, #tpu.memory_space<hbm>>
    %dma_start3A_825 = arith.constant 67 : i32
    %dma_start3A_826 = arith.constant 0 : i32
    %dma_start3A_827 = tpu.memref_slice %arg8[%dma_start3A_825, %dma_start3A_826] : memref<80x100xf32, #tpu.memory_space<vmem>> -> memref<1x100xf32, #tpu.memory_space<vmem>>
    %dma_start3A_828 = arith.constant 0 : i32
    %dma_start3A_829 = tpu.memref_slice %arg3[%squeeze3A_819, %dma_start3A_828] : memref<100000x100xf32, #tpu.memory_space<hbm>> -> memref<1x100xf32, #tpu.memory_space<hbm>>
    tpu.enqueue_dma source(%dma_start3A_829 : memref<1x100xf32, #tpu.memory_space<hbm>>) target(%dma_start3A_827 : memref<1x100xf32, #tpu.memory_space<vmem>>) target_semaphore(%arg12 : memref<!tpu.dma_semaphore, #tpu.memory_space<semaphore_mem>>)
    %slice3A_830 = vector.extract_strided_slice %get3A_781 {offsets = [4], sizes = [1], strides = [1]} : vector<16xi32> to vector<1xi32>
    %squeeze3A_831 = vector.extract %slice3A_830[0] : i32 from vector<1xi32>
    %dma_start3A_832 = arith.constant 68 : i32
    %dma_start3A_833 = arith.constant 0 : i32
    %dma_start3A_834 = tpu.memref_slice %arg8[%dma_start3A_832, %dma_start3A_833] : memref<80x100xf32, #tpu.memory_space<vmem>> -> memref<1x100xf32, #tpu.memory_space<vmem>>
    %dma_start3A_835 = arith.constant 0 : i32
    %dma_start3A_836 = tpu.memref_slice %arg3[%squeeze3A_831, %dma_start3A_835] : memref<100000x100xf32, #tpu.memory_space<hbm>> -> memref<1x100xf32, #tpu.memory_space<hbm>>
    %dma_start3A_837 = arith.constant 68 : i32
    %dma_start3A_838 = arith.constant 0 : i32
    %dma_start3A_839 = tpu.memref_slice %arg8[%dma_start3A_837, %dma_start3A_838] : memref<80x100xf32, #tpu.memory_space<vmem>> -> memref<1x100xf32, #tpu.memory_space<vmem>>
    %dma_start3A_840 = arith.constant 0 : i32
    %dma_start3A_841 = tpu.memref_slice %arg3[%squeeze3A_831, %dma_start3A_840] : memref<100000x100xf32, #tpu.memory_space<hbm>> -> memref<1x100xf32, #tpu.memory_space<hbm>>
    tpu.enqueue_dma source(%dma_start3A_841 : memref<1x100xf32, #tpu.memory_space<hbm>>) target(%dma_start3A_839 : memref<1x100xf32, #tpu.memory_space<vmem>>) target_semaphore(%arg12 : memref<!tpu.dma_semaphore, #tpu.memory_space<semaphore_mem>>)
    %slice3A_842 = vector.extract_strided_slice %get3A_781 {offsets = [5], sizes = [1], strides = [1]} : vector<16xi32> to vector<1xi32>
    %squeeze3A_843 = vector.extract %slice3A_842[0] : i32 from vector<1xi32>
    %dma_start3A_844 = arith.constant 69 : i32
    %dma_start3A_845 = arith.constant 0 : i32
    %dma_start3A_846 = tpu.memref_slice %arg8[%dma_start3A_844, %dma_start3A_845] : memref<80x100xf32, #tpu.memory_space<vmem>> -> memref<1x100xf32, #tpu.memory_space<vmem>>
    %dma_start3A_847 = arith.constant 0 : i32
    %dma_start3A_848 = tpu.memref_slice %arg3[%squeeze3A_843, %dma_start3A_847] : memref<100000x100xf32, #tpu.memory_space<hbm>> -> memref<1x100xf32, #tpu.memory_space<hbm>>
    %dma_start3A_849 = arith.constant 69 : i32
    %dma_start3A_850 = arith.constant 0 : i32
    %dma_start3A_851 = tpu.memref_slice %arg8[%dma_start3A_849, %dma_start3A_850] : memref<80x100xf32, #tpu.memory_space<vmem>> -> memref<1x100xf32, #tpu.memory_space<vmem>>
    %dma_start3A_852 = arith.constant 0 : i32
    %dma_start3A_853 = tpu.memref_slice %arg3[%squeeze3A_843, %dma_start3A_852] : memref<100000x100xf32, #tpu.memory_space<hbm>> -> memref<1x100xf32, #tpu.memory_space<hbm>>
    tpu.enqueue_dma source(%dma_start3A_853 : memref<1x100xf32, #tpu.memory_space<hbm>>) target(%dma_start3A_851 : memref<1x100xf32, #tpu.memory_space<vmem>>) target_semaphore(%arg12 : memref<!tpu.dma_semaphore, #tpu.memory_space<semaphore_mem>>)
    %slice3A_854 = vector.extract_strided_slice %get3A_781 {offsets = [6], sizes = [1], strides = [1]} : vector<16xi32> to vector<1xi32>
    %squeeze3A_855 = vector.extract %slice3A_854[0] : i32 from vector<1xi32>
    %dma_start3A_856 = arith.constant 70 : i32
    %dma_start3A_857 = arith.constant 0 : i32
    %dma_start3A_858 = tpu.memref_slice %arg8[%dma_start3A_856, %dma_start3A_857] : memref<80x100xf32, #tpu.memory_space<vmem>> -> memref<1x100xf32, #tpu.memory_space<vmem>>
    %dma_start3A_859 = arith.constant 0 : i32
    %dma_start3A_860 = tpu.memref_slice %arg3[%squeeze3A_855, %dma_start3A_859] : memref<100000x100xf32, #tpu.memory_space<hbm>> -> memref<1x100xf32, #tpu.memory_space<hbm>>
    %dma_start3A_861 = arith.constant 70 : i32
    %dma_start3A_862 = arith.constant 0 : i32
    %dma_start3A_863 = tpu.memref_slice %arg8[%dma_start3A_861, %dma_start3A_862] : memref<80x100xf32, #tpu.memory_space<vmem>> -> memref<1x100xf32, #tpu.memory_space<vmem>>
    %dma_start3A_864 = arith.constant 0 : i32
    %dma_start3A_865 = tpu.memref_slice %arg3[%squeeze3A_855, %dma_start3A_864] : memref<100000x100xf32, #tpu.memory_space<hbm>> -> memref<1x100xf32, #tpu.memory_space<hbm>>
    tpu.enqueue_dma source(%dma_start3A_865 : memref<1x100xf32, #tpu.memory_space<hbm>>) target(%dma_start3A_863 : memref<1x100xf32, #tpu.memory_space<vmem>>) target_semaphore(%arg12 : memref<!tpu.dma_semaphore, #tpu.memory_space<semaphore_mem>>)
    %slice3A_866 = vector.extract_strided_slice %get3A_781 {offsets = [7], sizes = [1], strides = [1]} : vector<16xi32> to vector<1xi32>
    %squeeze3A_867 = vector.extract %slice3A_866[0] : i32 from vector<1xi32>
    %dma_start3A_868 = arith.constant 71 : i32
    %dma_start3A_869 = arith.constant 0 : i32
    %dma_start3A_870 = tpu.memref_slice %arg8[%dma_start3A_868, %dma_start3A_869] : memref<80x100xf32, #tpu.memory_space<vmem>> -> memref<1x100xf32, #tpu.memory_space<vmem>>
    %dma_start3A_871 = arith.constant 0 : i32
    %dma_start3A_872 = tpu.memref_slice %arg3[%squeeze3A_867, %dma_start3A_871] : memref<100000x100xf32, #tpu.memory_space<hbm>> -> memref<1x100xf32, #tpu.memory_space<hbm>>
    %dma_start3A_873 = arith.constant 71 : i32
    %dma_start3A_874 = arith.constant 0 : i32
    %dma_start3A_875 = tpu.memref_slice %arg8[%dma_start3A_873, %dma_start3A_874] : memref<80x100xf32, #tpu.memory_space<vmem>> -> memref<1x100xf32, #tpu.memory_space<vmem>>
    %dma_start3A_876 = arith.constant 0 : i32
    %dma_start3A_877 = tpu.memref_slice %arg3[%squeeze3A_867, %dma_start3A_876] : memref<100000x100xf32, #tpu.memory_space<hbm>> -> memref<1x100xf32, #tpu.memory_space<hbm>>
    tpu.enqueue_dma source(%dma_start3A_877 : memref<1x100xf32, #tpu.memory_space<hbm>>) target(%dma_start3A_875 : memref<1x100xf32, #tpu.memory_space<vmem>>) target_semaphore(%arg12 : memref<!tpu.dma_semaphore, #tpu.memory_space<semaphore_mem>>)
    %slice3A_878 = vector.extract_strided_slice %get3A_781 {offsets = [8], sizes = [1], strides = [1]} : vector<16xi32> to vector<1xi32>
    %squeeze3A_879 = vector.extract %slice3A_878[0] : i32 from vector<1xi32>
    %dma_start3A_880 = arith.constant 72 : i32
    %dma_start3A_881 = arith.constant 0 : i32
    %dma_start3A_882 = tpu.memref_slice %arg8[%dma_start3A_880, %dma_start3A_881] : memref<80x100xf32, #tpu.memory_space<vmem>> -> memref<1x100xf32, #tpu.memory_space<vmem>>
    %dma_start3A_883 = arith.constant 0 : i32
    %dma_start3A_884 = tpu.memref_slice %arg3[%squeeze3A_879, %dma_start3A_883] : memref<100000x100xf32, #tpu.memory_space<hbm>> -> memref<1x100xf32, #tpu.memory_space<hbm>>
    %dma_start3A_885 = arith.constant 72 : i32
    %dma_start3A_886 = arith.constant 0 : i32
    %dma_start3A_887 = tpu.memref_slice %arg8[%dma_start3A_885, %dma_start3A_886] : memref<80x100xf32, #tpu.memory_space<vmem>> -> memref<1x100xf32, #tpu.memory_space<vmem>>
    %dma_start3A_888 = arith.constant 0 : i32
    %dma_start3A_889 = tpu.memref_slice %arg3[%squeeze3A_879, %dma_start3A_888] : memref<100000x100xf32, #tpu.memory_space<hbm>> -> memref<1x100xf32, #tpu.memory_space<hbm>>
    tpu.enqueue_dma source(%dma_start3A_889 : memref<1x100xf32, #tpu.memory_space<hbm>>) target(%dma_start3A_887 : memref<1x100xf32, #tpu.memory_space<vmem>>) target_semaphore(%arg12 : memref<!tpu.dma_semaphore, #tpu.memory_space<semaphore_mem>>)
    %slice3A_890 = vector.extract_strided_slice %get3A_781 {offsets = [9], sizes = [1], strides = [1]} : vector<16xi32> to vector<1xi32>
    %squeeze3A_891 = vector.extract %slice3A_890[0] : i32 from vector<1xi32>
    %dma_start3A_892 = arith.constant 73 : i32
    %dma_start3A_893 = arith.constant 0 : i32
    %dma_start3A_894 = tpu.memref_slice %arg8[%dma_start3A_892, %dma_start3A_893] : memref<80x100xf32, #tpu.memory_space<vmem>> -> memref<1x100xf32, #tpu.memory_space<vmem>>
    %dma_start3A_895 = arith.constant 0 : i32
    %dma_start3A_896 = tpu.memref_slice %arg3[%squeeze3A_891, %dma_start3A_895] : memref<100000x100xf32, #tpu.memory_space<hbm>> -> memref<1x100xf32, #tpu.memory_space<hbm>>
    %dma_start3A_897 = arith.constant 73 : i32
    %dma_start3A_898 = arith.constant 0 : i32
    %dma_start3A_899 = tpu.memref_slice %arg8[%dma_start3A_897, %dma_start3A_898] : memref<80x100xf32, #tpu.memory_space<vmem>> -> memref<1x100xf32, #tpu.memory_space<vmem>>
    %dma_start3A_900 = arith.constant 0 : i32
    %dma_start3A_901 = tpu.memref_slice %arg3[%squeeze3A_891, %dma_start3A_900] : memref<100000x100xf32, #tpu.memory_space<hbm>> -> memref<1x100xf32, #tpu.memory_space<hbm>>
    tpu.enqueue_dma source(%dma_start3A_901 : memref<1x100xf32, #tpu.memory_space<hbm>>) target(%dma_start3A_899 : memref<1x100xf32, #tpu.memory_space<vmem>>) target_semaphore(%arg12 : memref<!tpu.dma_semaphore, #tpu.memory_space<semaphore_mem>>)
    %slice3A_902 = vector.extract_strided_slice %get3A_781 {offsets = [10], sizes = [1], strides = [1]} : vector<16xi32> to vector<1xi32>
    %squeeze3A_903 = vector.extract %slice3A_902[0] : i32 from vector<1xi32>
    %dma_start3A_904 = arith.constant 74 : i32
    %dma_start3A_905 = arith.constant 0 : i32
    %dma_start3A_906 = tpu.memref_slice %arg8[%dma_start3A_904, %dma_start3A_905] : memref<80x100xf32, #tpu.memory_space<vmem>> -> memref<1x100xf32, #tpu.memory_space<vmem>>
    %dma_start3A_907 = arith.constant 0 : i32
    %dma_start3A_908 = tpu.memref_slice %arg3[%squeeze3A_903, %dma_start3A_907] : memref<100000x100xf32, #tpu.memory_space<hbm>> -> memref<1x100xf32, #tpu.memory_space<hbm>>
    %dma_start3A_909 = arith.constant 74 : i32
    %dma_start3A_910 = arith.constant 0 : i32
    %dma_start3A_911 = tpu.memref_slice %arg8[%dma_start3A_909, %dma_start3A_910] : memref<80x100xf32, #tpu.memory_space<vmem>> -> memref<1x100xf32, #tpu.memory_space<vmem>>
    %dma_start3A_912 = arith.constant 0 : i32
    %dma_start3A_913 = tpu.memref_slice %arg3[%squeeze3A_903, %dma_start3A_912] : memref<100000x100xf32, #tpu.memory_space<hbm>> -> memref<1x100xf32, #tpu.memory_space<hbm>>
    tpu.enqueue_dma source(%dma_start3A_913 : memref<1x100xf32, #tpu.memory_space<hbm>>) target(%dma_start3A_911 : memref<1x100xf32, #tpu.memory_space<vmem>>) target_semaphore(%arg12 : memref<!tpu.dma_semaphore, #tpu.memory_space<semaphore_mem>>)
    %slice3A_914 = vector.extract_strided_slice %get3A_781 {offsets = [11], sizes = [1], strides = [1]} : vector<16xi32> to vector<1xi32>
    %squeeze3A_915 = vector.extract %slice3A_914[0] : i32 from vector<1xi32>
    %dma_start3A_916 = arith.constant 75 : i32
    %dma_start3A_917 = arith.constant 0 : i32
    %dma_start3A_918 = tpu.memref_slice %arg8[%dma_start3A_916, %dma_start3A_917] : memref<80x100xf32, #tpu.memory_space<vmem>> -> memref<1x100xf32, #tpu.memory_space<vmem>>
    %dma_start3A_919 = arith.constant 0 : i32
    %dma_start3A_920 = tpu.memref_slice %arg3[%squeeze3A_915, %dma_start3A_919] : memref<100000x100xf32, #tpu.memory_space<hbm>> -> memref<1x100xf32, #tpu.memory_space<hbm>>
    %dma_start3A_921 = arith.constant 75 : i32
    %dma_start3A_922 = arith.constant 0 : i32
    %dma_start3A_923 = tpu.memref_slice %arg8[%dma_start3A_921, %dma_start3A_922] : memref<80x100xf32, #tpu.memory_space<vmem>> -> memref<1x100xf32, #tpu.memory_space<vmem>>
    %dma_start3A_924 = arith.constant 0 : i32
    %dma_start3A_925 = tpu.memref_slice %arg3[%squeeze3A_915, %dma_start3A_924] : memref<100000x100xf32, #tpu.memory_space<hbm>> -> memref<1x100xf32, #tpu.memory_space<hbm>>
    tpu.enqueue_dma source(%dma_start3A_925 : memref<1x100xf32, #tpu.memory_space<hbm>>) target(%dma_start3A_923 : memref<1x100xf32, #tpu.memory_space<vmem>>) target_semaphore(%arg12 : memref<!tpu.dma_semaphore, #tpu.memory_space<semaphore_mem>>)
    %slice3A_926 = vector.extract_strided_slice %get3A_781 {offsets = [12], sizes = [1], strides = [1]} : vector<16xi32> to vector<1xi32>
    %squeeze3A_927 = vector.extract %slice3A_926[0] : i32 from vector<1xi32>
    %dma_start3A_928 = arith.constant 76 : i32
    %dma_start3A_929 = arith.constant 0 : i32
    %dma_start3A_930 = tpu.memref_slice %arg8[%dma_start3A_928, %dma_start3A_929] : memref<80x100xf32, #tpu.memory_space<vmem>> -> memref<1x100xf32, #tpu.memory_space<vmem>>
    %dma_start3A_931 = arith.constant 0 : i32
    %dma_start3A_932 = tpu.memref_slice %arg3[%squeeze3A_927, %dma_start3A_931] : memref<100000x100xf32, #tpu.memory_space<hbm>> -> memref<1x100xf32, #tpu.memory_space<hbm>>
    %dma_start3A_933 = arith.constant 76 : i32
    %dma_start3A_934 = arith.constant 0 : i32
    %dma_start3A_935 = tpu.memref_slice %arg8[%dma_start3A_933, %dma_start3A_934] : memref<80x100xf32, #tpu.memory_space<vmem>> -> memref<1x100xf32, #tpu.memory_space<vmem>>
    %dma_start3A_936 = arith.constant 0 : i32
    %dma_start3A_937 = tpu.memref_slice %arg3[%squeeze3A_927, %dma_start3A_936] : memref<100000x100xf32, #tpu.memory_space<hbm>> -> memref<1x100xf32, #tpu.memory_space<hbm>>
    tpu.enqueue_dma source(%dma_start3A_937 : memref<1x100xf32, #tpu.memory_space<hbm>>) target(%dma_start3A_935 : memref<1x100xf32, #tpu.memory_space<vmem>>) target_semaphore(%arg12 : memref<!tpu.dma_semaphore, #tpu.memory_space<semaphore_mem>>)
    %slice3A_938 = vector.extract_strided_slice %get3A_781 {offsets = [13], sizes = [1], strides = [1]} : vector<16xi32> to vector<1xi32>
    %squeeze3A_939 = vector.extract %slice3A_938[0] : i32 from vector<1xi32>
    %dma_start3A_940 = arith.constant 77 : i32
    %dma_start3A_941 = arith.constant 0 : i32
    %dma_start3A_942 = tpu.memref_slice %arg8[%dma_start3A_940, %dma_start3A_941] : memref<80x100xf32, #tpu.memory_space<vmem>> -> memref<1x100xf32, #tpu.memory_space<vmem>>
    %dma_start3A_943 = arith.constant 0 : i32
    %dma_start3A_944 = tpu.memref_slice %arg3[%squeeze3A_939, %dma_start3A_943] : memref<100000x100xf32, #tpu.memory_space<hbm>> -> memref<1x100xf32, #tpu.memory_space<hbm>>
    %dma_start3A_945 = arith.constant 77 : i32
    %dma_start3A_946 = arith.constant 0 : i32
    %dma_start3A_947 = tpu.memref_slice %arg8[%dma_start3A_945, %dma_start3A_946] : memref<80x100xf32, #tpu.memory_space<vmem>> -> memref<1x100xf32, #tpu.memory_space<vmem>>
    %dma_start3A_948 = arith.constant 0 : i32
    %dma_start3A_949 = tpu.memref_slice %arg3[%squeeze3A_939, %dma_start3A_948] : memref<100000x100xf32, #tpu.memory_space<hbm>> -> memref<1x100xf32, #tpu.memory_space<hbm>>
    tpu.enqueue_dma source(%dma_start3A_949 : memref<1x100xf32, #tpu.memory_space<hbm>>) target(%dma_start3A_947 : memref<1x100xf32, #tpu.memory_space<vmem>>) target_semaphore(%arg12 : memref<!tpu.dma_semaphore, #tpu.memory_space<semaphore_mem>>)
    %slice3A_950 = vector.extract_strided_slice %get3A_781 {offsets = [14], sizes = [1], strides = [1]} : vector<16xi32> to vector<1xi32>
    %squeeze3A_951 = vector.extract %slice3A_950[0] : i32 from vector<1xi32>
    %dma_start3A_952 = arith.constant 78 : i32
    %dma_start3A_953 = arith.constant 0 : i32
    %dma_start3A_954 = tpu.memref_slice %arg8[%dma_start3A_952, %dma_start3A_953] : memref<80x100xf32, #tpu.memory_space<vmem>> -> memref<1x100xf32, #tpu.memory_space<vmem>>
    %dma_start3A_955 = arith.constant 0 : i32
    %dma_start3A_956 = tpu.memref_slice %arg3[%squeeze3A_951, %dma_start3A_955] : memref<100000x100xf32, #tpu.memory_space<hbm>> -> memref<1x100xf32, #tpu.memory_space<hbm>>
    %dma_start3A_957 = arith.constant 78 : i32
    %dma_start3A_958 = arith.constant 0 : i32
    %dma_start3A_959 = tpu.memref_slice %arg8[%dma_start3A_957, %dma_start3A_958] : memref<80x100xf32, #tpu.memory_space<vmem>> -> memref<1x100xf32, #tpu.memory_space<vmem>>
    %dma_start3A_960 = arith.constant 0 : i32
    %dma_start3A_961 = tpu.memref_slice %arg3[%squeeze3A_951, %dma_start3A_960] : memref<100000x100xf32, #tpu.memory_space<hbm>> -> memref<1x100xf32, #tpu.memory_space<hbm>>
    tpu.enqueue_dma source(%dma_start3A_961 : memref<1x100xf32, #tpu.memory_space<hbm>>) target(%dma_start3A_959 : memref<1x100xf32, #tpu.memory_space<vmem>>) target_semaphore(%arg12 : memref<!tpu.dma_semaphore, #tpu.memory_space<semaphore_mem>>)
    %slice3A_962 = vector.extract_strided_slice %get3A_781 {offsets = [15], sizes = [1], strides = [1]} : vector<16xi32> to vector<1xi32>
    %squeeze3A_963 = vector.extract %slice3A_962[0] : i32 from vector<1xi32>
    %dma_start3A_964 = arith.constant 79 : i32
    %dma_start3A_965 = arith.constant 0 : i32
    %dma_start3A_966 = tpu.memref_slice %arg8[%dma_start3A_964, %dma_start3A_965] : memref<80x100xf32, #tpu.memory_space<vmem>> -> memref<1x100xf32, #tpu.memory_space<vmem>>
    %dma_start3A_967 = arith.constant 0 : i32
    %dma_start3A_968 = tpu.memref_slice %arg3[%squeeze3A_963, %dma_start3A_967] : memref<100000x100xf32, #tpu.memory_space<hbm>> -> memref<1x100xf32, #tpu.memory_space<hbm>>
    %dma_start3A_969 = arith.constant 79 : i32
    %dma_start3A_970 = arith.constant 0 : i32
    %dma_start3A_971 = tpu.memref_slice %arg8[%dma_start3A_969, %dma_start3A_970] : memref<80x100xf32, #tpu.memory_space<vmem>> -> memref<1x100xf32, #tpu.memory_space<vmem>>
    %dma_start3A_972 = arith.constant 0 : i32
    %dma_start3A_973 = tpu.memref_slice %arg3[%squeeze3A_963, %dma_start3A_972] : memref<100000x100xf32, #tpu.memory_space<hbm>> -> memref<1x100xf32, #tpu.memory_space<hbm>>
    tpu.enqueue_dma source(%dma_start3A_973 : memref<1x100xf32, #tpu.memory_space<hbm>>) target(%dma_start3A_971 : memref<1x100xf32, #tpu.memory_space<vmem>>) target_semaphore(%arg12 : memref<!tpu.dma_semaphore, #tpu.memory_space<semaphore_mem>>)
    "tpu.region"() ({
      %run_scoped3A = tpu.sem_alloc : memref<!tpu.dma_semaphore, #tpu.memory_space<semaphore_mem>>
      tpu.enqueue_dma source(%arg4 : memref<5120xf32, #tpu.memory_space<hbm>>) target(%arg9 : memref<5120xf32, #tpu.memory_space<vmem>>) target_semaphore(%run_scoped3A : memref<!tpu.dma_semaphore, #tpu.memory_space<semaphore_mem>>)
      tpu.wait_dma2 semaphore(%run_scoped3A : memref<!tpu.dma_semaphore, #tpu.memory_space<semaphore_mem>>) src(%arg4 : memref<5120xf32, #tpu.memory_space<hbm>>) dst(%arg9 : memref<5120xf32, #tpu.memory_space<vmem>>)
      tpu.yield
    }) : () -> ()
    "tpu.region"() ({
      %run_scoped3A = tpu.sem_alloc : memref<!tpu.dma_semaphore, #tpu.memory_space<semaphore_mem>>
      tpu.enqueue_dma source(%arg5 : memref<16xf32, #tpu.memory_space<hbm>>) target(%arg10 : memref<16xf32, #tpu.memory_space<vmem>>) target_semaphore(%run_scoped3A : memref<!tpu.dma_semaphore, #tpu.memory_space<semaphore_mem>>)
      tpu.wait_dma2 semaphore(%run_scoped3A : memref<!tpu.dma_semaphore, #tpu.memory_space<semaphore_mem>>) src(%arg5 : memref<16xf32, #tpu.memory_space<hbm>>) dst(%arg10 : memref<16xf32, #tpu.memory_space<vmem>>)
      tpu.yield
    }) : () -> ()
    %dma_wait3A = arith.constant 0 : i32
    %dma_wait3A_974 = arith.constant 0 : i32
    %dma_wait3A_975 = tpu.memref_slice %arg8[%dma_wait3A, %dma_wait3A_974] : memref<80x100xf32, #tpu.memory_space<vmem>> -> memref<1x100xf32, #tpu.memory_space<vmem>>
    %dma_wait3A_976 = arith.constant 0 : i32
    %dma_wait3A_977 = tpu.memref_slice %arg3[%squeeze3A, %dma_wait3A_976] : memref<100000x100xf32, #tpu.memory_space<hbm>> -> memref<1x100xf32, #tpu.memory_space<hbm>>
    %dma_wait3A_978 = arith.constant 0 : i32
    %dma_wait3A_979 = arith.constant 0 : i32
    %dma_wait3A_980 = tpu.memref_slice %arg8[%dma_wait3A_978, %dma_wait3A_979] : memref<80x100xf32, #tpu.memory_space<vmem>> -> memref<1x100xf32, #tpu.memory_space<vmem>>
    %dma_wait3A_981 = arith.constant 0 : i32
    %dma_wait3A_982 = tpu.memref_slice %arg3[%squeeze3A, %dma_wait3A_981] : memref<100000x100xf32, #tpu.memory_space<hbm>> -> memref<1x100xf32, #tpu.memory_space<hbm>>
    tpu.wait_dma2 semaphore(%arg12 : memref<!tpu.dma_semaphore, #tpu.memory_space<semaphore_mem>>) src(%dma_wait3A_982 : memref<1x100xf32, #tpu.memory_space<hbm>>) dst(%dma_wait3A_980 : memref<1x100xf32, #tpu.memory_space<vmem>>)
    %dma_wait3A_983 = arith.constant 1 : i32
    %dma_wait3A_984 = arith.constant 0 : i32
    %dma_wait3A_985 = tpu.memref_slice %arg8[%dma_wait3A_983, %dma_wait3A_984] : memref<80x100xf32, #tpu.memory_space<vmem>> -> memref<1x100xf32, #tpu.memory_space<vmem>>
    %dma_wait3A_986 = arith.constant 0 : i32
    %dma_wait3A_987 = tpu.memref_slice %arg3[%squeeze3A_15, %dma_wait3A_986] : memref<100000x100xf32, #tpu.memory_space<hbm>> -> memref<1x100xf32, #tpu.memory_space<hbm>>
    %dma_wait3A_988 = arith.constant 1 : i32
    %dma_wait3A_989 = arith.constant 0 : i32
    %dma_wait3A_990 = tpu.memref_slice %arg8[%dma_wait3A_988, %dma_wait3A_989] : memref<80x100xf32, #tpu.memory_space<vmem>> -> memref<1x100xf32, #tpu.memory_space<vmem>>
    %dma_wait3A_991 = arith.constant 0 : i32
    %dma_wait3A_992 = tpu.memref_slice %arg3[%squeeze3A_15, %dma_wait3A_991] : memref<100000x100xf32, #tpu.memory_space<hbm>> -> memref<1x100xf32, #tpu.memory_space<hbm>>
    tpu.wait_dma2 semaphore(%arg12 : memref<!tpu.dma_semaphore, #tpu.memory_space<semaphore_mem>>) src(%dma_wait3A_992 : memref<1x100xf32, #tpu.memory_space<hbm>>) dst(%dma_wait3A_990 : memref<1x100xf32, #tpu.memory_space<vmem>>)
    %dma_wait3A_993 = arith.constant 2 : i32
    %dma_wait3A_994 = arith.constant 0 : i32
    %dma_wait3A_995 = tpu.memref_slice %arg8[%dma_wait3A_993, %dma_wait3A_994] : memref<80x100xf32, #tpu.memory_space<vmem>> -> memref<1x100xf32, #tpu.memory_space<vmem>>
    %dma_wait3A_996 = arith.constant 0 : i32
    %dma_wait3A_997 = tpu.memref_slice %arg3[%squeeze3A_27, %dma_wait3A_996] : memref<100000x100xf32, #tpu.memory_space<hbm>> -> memref<1x100xf32, #tpu.memory_space<hbm>>
    %dma_wait3A_998 = arith.constant 2 : i32
    %dma_wait3A_999 = arith.constant 0 : i32
    %dma_wait3A_1000 = tpu.memref_slice %arg8[%dma_wait3A_998, %dma_wait3A_999] : memref<80x100xf32, #tpu.memory_space<vmem>> -> memref<1x100xf32, #tpu.memory_space<vmem>>
    %dma_wait3A_1001 = arith.constant 0 : i32
    %dma_wait3A_1002 = tpu.memref_slice %arg3[%squeeze3A_27, %dma_wait3A_1001] : memref<100000x100xf32, #tpu.memory_space<hbm>> -> memref<1x100xf32, #tpu.memory_space<hbm>>
    tpu.wait_dma2 semaphore(%arg12 : memref<!tpu.dma_semaphore, #tpu.memory_space<semaphore_mem>>) src(%dma_wait3A_1002 : memref<1x100xf32, #tpu.memory_space<hbm>>) dst(%dma_wait3A_1000 : memref<1x100xf32, #tpu.memory_space<vmem>>)
    %dma_wait3A_1003 = arith.constant 3 : i32
    %dma_wait3A_1004 = arith.constant 0 : i32
    %dma_wait3A_1005 = tpu.memref_slice %arg8[%dma_wait3A_1003, %dma_wait3A_1004] : memref<80x100xf32, #tpu.memory_space<vmem>> -> memref<1x100xf32, #tpu.memory_space<vmem>>
    %dma_wait3A_1006 = arith.constant 0 : i32
    %dma_wait3A_1007 = tpu.memref_slice %arg3[%squeeze3A_39, %dma_wait3A_1006] : memref<100000x100xf32, #tpu.memory_space<hbm>> -> memref<1x100xf32, #tpu.memory_space<hbm>>
    %dma_wait3A_1008 = arith.constant 3 : i32
    %dma_wait3A_1009 = arith.constant 0 : i32
    %dma_wait3A_1010 = tpu.memref_slice %arg8[%dma_wait3A_1008, %dma_wait3A_1009] : memref<80x100xf32, #tpu.memory_space<vmem>> -> memref<1x100xf32, #tpu.memory_space<vmem>>
    %dma_wait3A_1011 = arith.constant 0 : i32
    %dma_wait3A_1012 = tpu.memref_slice %arg3[%squeeze3A_39, %dma_wait3A_1011] : memref<100000x100xf32, #tpu.memory_space<hbm>> -> memref<1x100xf32, #tpu.memory_space<hbm>>
    tpu.wait_dma2 semaphore(%arg12 : memref<!tpu.dma_semaphore, #tpu.memory_space<semaphore_mem>>) src(%dma_wait3A_1012 : memref<1x100xf32, #tpu.memory_space<hbm>>) dst(%dma_wait3A_1010 : memref<1x100xf32, #tpu.memory_space<vmem>>)
    %dma_wait3A_1013 = arith.constant 4 : i32
    %dma_wait3A_1014 = arith.constant 0 : i32
    %dma_wait3A_1015 = tpu.memref_slice %arg8[%dma_wait3A_1013, %dma_wait3A_1014] : memref<80x100xf32, #tpu.memory_space<vmem>> -> memref<1x100xf32, #tpu.memory_space<vmem>>
    %dma_wait3A_1016 = arith.constant 0 : i32
    %dma_wait3A_1017 = tpu.memref_slice %arg3[%squeeze3A_51, %dma_wait3A_1016] : memref<100000x100xf32, #tpu.memory_space<hbm>> -> memref<1x100xf32, #tpu.memory_space<hbm>>
    %dma_wait3A_1018 = arith.constant 4 : i32
    %dma_wait3A_1019 = arith.constant 0 : i32
    %dma_wait3A_1020 = tpu.memref_slice %arg8[%dma_wait3A_1018, %dma_wait3A_1019] : memref<80x100xf32, #tpu.memory_space<vmem>> -> memref<1x100xf32, #tpu.memory_space<vmem>>
    %dma_wait3A_1021 = arith.constant 0 : i32
    %dma_wait3A_1022 = tpu.memref_slice %arg3[%squeeze3A_51, %dma_wait3A_1021] : memref<100000x100xf32, #tpu.memory_space<hbm>> -> memref<1x100xf32, #tpu.memory_space<hbm>>
    tpu.wait_dma2 semaphore(%arg12 : memref<!tpu.dma_semaphore, #tpu.memory_space<semaphore_mem>>) src(%dma_wait3A_1022 : memref<1x100xf32, #tpu.memory_space<hbm>>) dst(%dma_wait3A_1020 : memref<1x100xf32, #tpu.memory_space<vmem>>)
    %dma_wait3A_1023 = arith.constant 5 : i32
    %dma_wait3A_1024 = arith.constant 0 : i32
    %dma_wait3A_1025 = tpu.memref_slice %arg8[%dma_wait3A_1023, %dma_wait3A_1024] : memref<80x100xf32, #tpu.memory_space<vmem>> -> memref<1x100xf32, #tpu.memory_space<vmem>>
    %dma_wait3A_1026 = arith.constant 0 : i32
    %dma_wait3A_1027 = tpu.memref_slice %arg3[%squeeze3A_63, %dma_wait3A_1026] : memref<100000x100xf32, #tpu.memory_space<hbm>> -> memref<1x100xf32, #tpu.memory_space<hbm>>
    %dma_wait3A_1028 = arith.constant 5 : i32
    %dma_wait3A_1029 = arith.constant 0 : i32
    %dma_wait3A_1030 = tpu.memref_slice %arg8[%dma_wait3A_1028, %dma_wait3A_1029] : memref<80x100xf32, #tpu.memory_space<vmem>> -> memref<1x100xf32, #tpu.memory_space<vmem>>
    %dma_wait3A_1031 = arith.constant 0 : i32
    %dma_wait3A_1032 = tpu.memref_slice %arg3[%squeeze3A_63, %dma_wait3A_1031] : memref<100000x100xf32, #tpu.memory_space<hbm>> -> memref<1x100xf32, #tpu.memory_space<hbm>>
    tpu.wait_dma2 semaphore(%arg12 : memref<!tpu.dma_semaphore, #tpu.memory_space<semaphore_mem>>) src(%dma_wait3A_1032 : memref<1x100xf32, #tpu.memory_space<hbm>>) dst(%dma_wait3A_1030 : memref<1x100xf32, #tpu.memory_space<vmem>>)
    %dma_wait3A_1033 = arith.constant 6 : i32
    %dma_wait3A_1034 = arith.constant 0 : i32
    %dma_wait3A_1035 = tpu.memref_slice %arg8[%dma_wait3A_1033, %dma_wait3A_1034] : memref<80x100xf32, #tpu.memory_space<vmem>> -> memref<1x100xf32, #tpu.memory_space<vmem>>
    %dma_wait3A_1036 = arith.constant 0 : i32
    %dma_wait3A_1037 = tpu.memref_slice %arg3[%squeeze3A_75, %dma_wait3A_1036] : memref<100000x100xf32, #tpu.memory_space<hbm>> -> memref<1x100xf32, #tpu.memory_space<hbm>>
    %dma_wait3A_1038 = arith.constant 6 : i32
    %dma_wait3A_1039 = arith.constant 0 : i32
    %dma_wait3A_1040 = tpu.memref_slice %arg8[%dma_wait3A_1038, %dma_wait3A_1039] : memref<80x100xf32, #tpu.memory_space<vmem>> -> memref<1x100xf32, #tpu.memory_space<vmem>>
    %dma_wait3A_1041 = arith.constant 0 : i32
    %dma_wait3A_1042 = tpu.memref_slice %arg3[%squeeze3A_75, %dma_wait3A_1041] : memref<100000x100xf32, #tpu.memory_space<hbm>> -> memref<1x100xf32, #tpu.memory_space<hbm>>
    tpu.wait_dma2 semaphore(%arg12 : memref<!tpu.dma_semaphore, #tpu.memory_space<semaphore_mem>>) src(%dma_wait3A_1042 : memref<1x100xf32, #tpu.memory_space<hbm>>) dst(%dma_wait3A_1040 : memref<1x100xf32, #tpu.memory_space<vmem>>)
    %dma_wait3A_1043 = arith.constant 7 : i32
    %dma_wait3A_1044 = arith.constant 0 : i32
    %dma_wait3A_1045 = tpu.memref_slice %arg8[%dma_wait3A_1043, %dma_wait3A_1044] : memref<80x100xf32, #tpu.memory_space<vmem>> -> memref<1x100xf32, #tpu.memory_space<vmem>>
    %dma_wait3A_1046 = arith.constant 0 : i32
    %dma_wait3A_1047 = tpu.memref_slice %arg3[%squeeze3A_87, %dma_wait3A_1046] : memref<100000x100xf32, #tpu.memory_space<hbm>> -> memref<1x100xf32, #tpu.memory_space<hbm>>
    %dma_wait3A_1048 = arith.constant 7 : i32
    %dma_wait3A_1049 = arith.constant 0 : i32
    %dma_wait3A_1050 = tpu.memref_slice %arg8[%dma_wait3A_1048, %dma_wait3A_1049] : memref<80x100xf32, #tpu.memory_space<vmem>> -> memref<1x100xf32, #tpu.memory_space<vmem>>
    %dma_wait3A_1051 = arith.constant 0 : i32
    %dma_wait3A_1052 = tpu.memref_slice %arg3[%squeeze3A_87, %dma_wait3A_1051] : memref<100000x100xf32, #tpu.memory_space<hbm>> -> memref<1x100xf32, #tpu.memory_space<hbm>>
    tpu.wait_dma2 semaphore(%arg12 : memref<!tpu.dma_semaphore, #tpu.memory_space<semaphore_mem>>) src(%dma_wait3A_1052 : memref<1x100xf32, #tpu.memory_space<hbm>>) dst(%dma_wait3A_1050 : memref<1x100xf32, #tpu.memory_space<vmem>>)
    %dma_wait3A_1053 = arith.constant 8 : i32
    %dma_wait3A_1054 = arith.constant 0 : i32
    %dma_wait3A_1055 = tpu.memref_slice %arg8[%dma_wait3A_1053, %dma_wait3A_1054] : memref<80x100xf32, #tpu.memory_space<vmem>> -> memref<1x100xf32, #tpu.memory_space<vmem>>
    %dma_wait3A_1056 = arith.constant 0 : i32
    %dma_wait3A_1057 = tpu.memref_slice %arg3[%squeeze3A_99, %dma_wait3A_1056] : memref<100000x100xf32, #tpu.memory_space<hbm>> -> memref<1x100xf32, #tpu.memory_space<hbm>>
    %dma_wait3A_1058 = arith.constant 8 : i32
    %dma_wait3A_1059 = arith.constant 0 : i32
    %dma_wait3A_1060 = tpu.memref_slice %arg8[%dma_wait3A_1058, %dma_wait3A_1059] : memref<80x100xf32, #tpu.memory_space<vmem>> -> memref<1x100xf32, #tpu.memory_space<vmem>>
    %dma_wait3A_1061 = arith.constant 0 : i32
    %dma_wait3A_1062 = tpu.memref_slice %arg3[%squeeze3A_99, %dma_wait3A_1061] : memref<100000x100xf32, #tpu.memory_space<hbm>> -> memref<1x100xf32, #tpu.memory_space<hbm>>
    tpu.wait_dma2 semaphore(%arg12 : memref<!tpu.dma_semaphore, #tpu.memory_space<semaphore_mem>>) src(%dma_wait3A_1062 : memref<1x100xf32, #tpu.memory_space<hbm>>) dst(%dma_wait3A_1060 : memref<1x100xf32, #tpu.memory_space<vmem>>)
    %dma_wait3A_1063 = arith.constant 9 : i32
    %dma_wait3A_1064 = arith.constant 0 : i32
    %dma_wait3A_1065 = tpu.memref_slice %arg8[%dma_wait3A_1063, %dma_wait3A_1064] : memref<80x100xf32, #tpu.memory_space<vmem>> -> memref<1x100xf32, #tpu.memory_space<vmem>>
    %dma_wait3A_1066 = arith.constant 0 : i32
    %dma_wait3A_1067 = tpu.memref_slice %arg3[%squeeze3A_111, %dma_wait3A_1066] : memref<100000x100xf32, #tpu.memory_space<hbm>> -> memref<1x100xf32, #tpu.memory_space<hbm>>
    %dma_wait3A_1068 = arith.constant 9 : i32
    %dma_wait3A_1069 = arith.constant 0 : i32
    %dma_wait3A_1070 = tpu.memref_slice %arg8[%dma_wait3A_1068, %dma_wait3A_1069] : memref<80x100xf32, #tpu.memory_space<vmem>> -> memref<1x100xf32, #tpu.memory_space<vmem>>
    %dma_wait3A_1071 = arith.constant 0 : i32
    %dma_wait3A_1072 = tpu.memref_slice %arg3[%squeeze3A_111, %dma_wait3A_1071] : memref<100000x100xf32, #tpu.memory_space<hbm>> -> memref<1x100xf32, #tpu.memory_space<hbm>>
    tpu.wait_dma2 semaphore(%arg12 : memref<!tpu.dma_semaphore, #tpu.memory_space<semaphore_mem>>) src(%dma_wait3A_1072 : memref<1x100xf32, #tpu.memory_space<hbm>>) dst(%dma_wait3A_1070 : memref<1x100xf32, #tpu.memory_space<vmem>>)
    %dma_wait3A_1073 = arith.constant 10 : i32
    %dma_wait3A_1074 = arith.constant 0 : i32
    %dma_wait3A_1075 = tpu.memref_slice %arg8[%dma_wait3A_1073, %dma_wait3A_1074] : memref<80x100xf32, #tpu.memory_space<vmem>> -> memref<1x100xf32, #tpu.memory_space<vmem>>
    %dma_wait3A_1076 = arith.constant 0 : i32
    %dma_wait3A_1077 = tpu.memref_slice %arg3[%squeeze3A_123, %dma_wait3A_1076] : memref<100000x100xf32, #tpu.memory_space<hbm>> -> memref<1x100xf32, #tpu.memory_space<hbm>>
    %dma_wait3A_1078 = arith.constant 10 : i32
    %dma_wait3A_1079 = arith.constant 0 : i32
    %dma_wait3A_1080 = tpu.memref_slice %arg8[%dma_wait3A_1078, %dma_wait3A_1079] : memref<80x100xf32, #tpu.memory_space<vmem>> -> memref<1x100xf32, #tpu.memory_space<vmem>>
    %dma_wait3A_1081 = arith.constant 0 : i32
    %dma_wait3A_1082 = tpu.memref_slice %arg3[%squeeze3A_123, %dma_wait3A_1081] : memref<100000x100xf32, #tpu.memory_space<hbm>> -> memref<1x100xf32, #tpu.memory_space<hbm>>
    tpu.wait_dma2 semaphore(%arg12 : memref<!tpu.dma_semaphore, #tpu.memory_space<semaphore_mem>>) src(%dma_wait3A_1082 : memref<1x100xf32, #tpu.memory_space<hbm>>) dst(%dma_wait3A_1080 : memref<1x100xf32, #tpu.memory_space<vmem>>)
    %dma_wait3A_1083 = arith.constant 11 : i32
    %dma_wait3A_1084 = arith.constant 0 : i32
    %dma_wait3A_1085 = tpu.memref_slice %arg8[%dma_wait3A_1083, %dma_wait3A_1084] : memref<80x100xf32, #tpu.memory_space<vmem>> -> memref<1x100xf32, #tpu.memory_space<vmem>>
    %dma_wait3A_1086 = arith.constant 0 : i32
    %dma_wait3A_1087 = tpu.memref_slice %arg3[%squeeze3A_135, %dma_wait3A_1086] : memref<100000x100xf32, #tpu.memory_space<hbm>> -> memref<1x100xf32, #tpu.memory_space<hbm>>
    %dma_wait3A_1088 = arith.constant 11 : i32
    %dma_wait3A_1089 = arith.constant 0 : i32
    %dma_wait3A_1090 = tpu.memref_slice %arg8[%dma_wait3A_1088, %dma_wait3A_1089] : memref<80x100xf32, #tpu.memory_space<vmem>> -> memref<1x100xf32, #tpu.memory_space<vmem>>
    %dma_wait3A_1091 = arith.constant 0 : i32
    %dma_wait3A_1092 = tpu.memref_slice %arg3[%squeeze3A_135, %dma_wait3A_1091] : memref<100000x100xf32, #tpu.memory_space<hbm>> -> memref<1x100xf32, #tpu.memory_space<hbm>>
    tpu.wait_dma2 semaphore(%arg12 : memref<!tpu.dma_semaphore, #tpu.memory_space<semaphore_mem>>) src(%dma_wait3A_1092 : memref<1x100xf32, #tpu.memory_space<hbm>>) dst(%dma_wait3A_1090 : memref<1x100xf32, #tpu.memory_space<vmem>>)
    %dma_wait3A_1093 = arith.constant 12 : i32
    %dma_wait3A_1094 = arith.constant 0 : i32
    %dma_wait3A_1095 = tpu.memref_slice %arg8[%dma_wait3A_1093, %dma_wait3A_1094] : memref<80x100xf32, #tpu.memory_space<vmem>> -> memref<1x100xf32, #tpu.memory_space<vmem>>
    %dma_wait3A_1096 = arith.constant 0 : i32
    %dma_wait3A_1097 = tpu.memref_slice %arg3[%squeeze3A_147, %dma_wait3A_1096] : memref<100000x100xf32, #tpu.memory_space<hbm>> -> memref<1x100xf32, #tpu.memory_space<hbm>>
    %dma_wait3A_1098 = arith.constant 12 : i32
    %dma_wait3A_1099 = arith.constant 0 : i32
    %dma_wait3A_1100 = tpu.memref_slice %arg8[%dma_wait3A_1098, %dma_wait3A_1099] : memref<80x100xf32, #tpu.memory_space<vmem>> -> memref<1x100xf32, #tpu.memory_space<vmem>>
    %dma_wait3A_1101 = arith.constant 0 : i32
    %dma_wait3A_1102 = tpu.memref_slice %arg3[%squeeze3A_147, %dma_wait3A_1101] : memref<100000x100xf32, #tpu.memory_space<hbm>> -> memref<1x100xf32, #tpu.memory_space<hbm>>
    tpu.wait_dma2 semaphore(%arg12 : memref<!tpu.dma_semaphore, #tpu.memory_space<semaphore_mem>>) src(%dma_wait3A_1102 : memref<1x100xf32, #tpu.memory_space<hbm>>) dst(%dma_wait3A_1100 : memref<1x100xf32, #tpu.memory_space<vmem>>)
    %dma_wait3A_1103 = arith.constant 13 : i32
    %dma_wait3A_1104 = arith.constant 0 : i32
    %dma_wait3A_1105 = tpu.memref_slice %arg8[%dma_wait3A_1103, %dma_wait3A_1104] : memref<80x100xf32, #tpu.memory_space<vmem>> -> memref<1x100xf32, #tpu.memory_space<vmem>>
    %dma_wait3A_1106 = arith.constant 0 : i32
    %dma_wait3A_1107 = tpu.memref_slice %arg3[%squeeze3A_159, %dma_wait3A_1106] : memref<100000x100xf32, #tpu.memory_space<hbm>> -> memref<1x100xf32, #tpu.memory_space<hbm>>
    %dma_wait3A_1108 = arith.constant 13 : i32
    %dma_wait3A_1109 = arith.constant 0 : i32
    %dma_wait3A_1110 = tpu.memref_slice %arg8[%dma_wait3A_1108, %dma_wait3A_1109] : memref<80x100xf32, #tpu.memory_space<vmem>> -> memref<1x100xf32, #tpu.memory_space<vmem>>
    %dma_wait3A_1111 = arith.constant 0 : i32
    %dma_wait3A_1112 = tpu.memref_slice %arg3[%squeeze3A_159, %dma_wait3A_1111] : memref<100000x100xf32, #tpu.memory_space<hbm>> -> memref<1x100xf32, #tpu.memory_space<hbm>>
    tpu.wait_dma2 semaphore(%arg12 : memref<!tpu.dma_semaphore, #tpu.memory_space<semaphore_mem>>) src(%dma_wait3A_1112 : memref<1x100xf32, #tpu.memory_space<hbm>>) dst(%dma_wait3A_1110 : memref<1x100xf32, #tpu.memory_space<vmem>>)
    %dma_wait3A_1113 = arith.constant 14 : i32
    %dma_wait3A_1114 = arith.constant 0 : i32
    %dma_wait3A_1115 = tpu.memref_slice %arg8[%dma_wait3A_1113, %dma_wait3A_1114] : memref<80x100xf32, #tpu.memory_space<vmem>> -> memref<1x100xf32, #tpu.memory_space<vmem>>
    %dma_wait3A_1116 = arith.constant 0 : i32
    %dma_wait3A_1117 = tpu.memref_slice %arg3[%squeeze3A_171, %dma_wait3A_1116] : memref<100000x100xf32, #tpu.memory_space<hbm>> -> memref<1x100xf32, #tpu.memory_space<hbm>>
    %dma_wait3A_1118 = arith.constant 14 : i32
    %dma_wait3A_1119 = arith.constant 0 : i32
    %dma_wait3A_1120 = tpu.memref_slice %arg8[%dma_wait3A_1118, %dma_wait3A_1119] : memref<80x100xf32, #tpu.memory_space<vmem>> -> memref<1x100xf32, #tpu.memory_space<vmem>>
    %dma_wait3A_1121 = arith.constant 0 : i32
    %dma_wait3A_1122 = tpu.memref_slice %arg3[%squeeze3A_171, %dma_wait3A_1121] : memref<100000x100xf32, #tpu.memory_space<hbm>> -> memref<1x100xf32, #tpu.memory_space<hbm>>
    tpu.wait_dma2 semaphore(%arg12 : memref<!tpu.dma_semaphore, #tpu.memory_space<semaphore_mem>>) src(%dma_wait3A_1122 : memref<1x100xf32, #tpu.memory_space<hbm>>) dst(%dma_wait3A_1120 : memref<1x100xf32, #tpu.memory_space<vmem>>)
    %dma_wait3A_1123 = arith.constant 15 : i32
    %dma_wait3A_1124 = arith.constant 0 : i32
    %dma_wait3A_1125 = tpu.memref_slice %arg8[%dma_wait3A_1123, %dma_wait3A_1124] : memref<80x100xf32, #tpu.memory_space<vmem>> -> memref<1x100xf32, #tpu.memory_space<vmem>>
    %dma_wait3A_1126 = arith.constant 0 : i32
    %dma_wait3A_1127 = tpu.memref_slice %arg3[%squeeze3A_183, %dma_wait3A_1126] : memref<100000x100xf32, #tpu.memory_space<hbm>> -> memref<1x100xf32, #tpu.memory_space<hbm>>
    %dma_wait3A_1128 = arith.constant 15 : i32
    %dma_wait3A_1129 = arith.constant 0 : i32
    %dma_wait3A_1130 = tpu.memref_slice %arg8[%dma_wait3A_1128, %dma_wait3A_1129] : memref<80x100xf32, #tpu.memory_space<vmem>> -> memref<1x100xf32, #tpu.memory_space<vmem>>
    %dma_wait3A_1131 = arith.constant 0 : i32
    %dma_wait3A_1132 = tpu.memref_slice %arg3[%squeeze3A_183, %dma_wait3A_1131] : memref<100000x100xf32, #tpu.memory_space<hbm>> -> memref<1x100xf32, #tpu.memory_space<hbm>>
    tpu.wait_dma2 semaphore(%arg12 : memref<!tpu.dma_semaphore, #tpu.memory_space<semaphore_mem>>) src(%dma_wait3A_1132 : memref<1x100xf32, #tpu.memory_space<hbm>>) dst(%dma_wait3A_1130 : memref<1x100xf32, #tpu.memory_space<vmem>>)
    %dma_wait3A_1133 = arith.constant 16 : i32
    %dma_wait3A_1134 = arith.constant 0 : i32
    %dma_wait3A_1135 = tpu.memref_slice %arg8[%dma_wait3A_1133, %dma_wait3A_1134] : memref<80x100xf32, #tpu.memory_space<vmem>> -> memref<1x100xf32, #tpu.memory_space<vmem>>
    %dma_wait3A_1136 = arith.constant 0 : i32
    %dma_wait3A_1137 = tpu.memref_slice %arg3[%squeeze3A_198, %dma_wait3A_1136] : memref<100000x100xf32, #tpu.memory_space<hbm>> -> memref<1x100xf32, #tpu.memory_space<hbm>>
    %dma_wait3A_1138 = arith.constant 16 : i32
    %dma_wait3A_1139 = arith.constant 0 : i32
    %dma_wait3A_1140 = tpu.memref_slice %arg8[%dma_wait3A_1138, %dma_wait3A_1139] : memref<80x100xf32, #tpu.memory_space<vmem>> -> memref<1x100xf32, #tpu.memory_space<vmem>>
    %dma_wait3A_1141 = arith.constant 0 : i32
    %dma_wait3A_1142 = tpu.memref_slice %arg3[%squeeze3A_198, %dma_wait3A_1141] : memref<100000x100xf32, #tpu.memory_space<hbm>> -> memref<1x100xf32, #tpu.memory_space<hbm>>
    tpu.wait_dma2 semaphore(%arg12 : memref<!tpu.dma_semaphore, #tpu.memory_space<semaphore_mem>>) src(%dma_wait3A_1142 : memref<1x100xf32, #tpu.memory_space<hbm>>) dst(%dma_wait3A_1140 : memref<1x100xf32, #tpu.memory_space<vmem>>)
    %dma_wait3A_1143 = arith.constant 17 : i32
    %dma_wait3A_1144 = arith.constant 0 : i32
    %dma_wait3A_1145 = tpu.memref_slice %arg8[%dma_wait3A_1143, %dma_wait3A_1144] : memref<80x100xf32, #tpu.memory_space<vmem>> -> memref<1x100xf32, #tpu.memory_space<vmem>>
    %dma_wait3A_1146 = arith.constant 0 : i32
    %dma_wait3A_1147 = tpu.memref_slice %arg3[%squeeze3A_210, %dma_wait3A_1146] : memref<100000x100xf32, #tpu.memory_space<hbm>> -> memref<1x100xf32, #tpu.memory_space<hbm>>
    %dma_wait3A_1148 = arith.constant 17 : i32
    %dma_wait3A_1149 = arith.constant 0 : i32
    %dma_wait3A_1150 = tpu.memref_slice %arg8[%dma_wait3A_1148, %dma_wait3A_1149] : memref<80x100xf32, #tpu.memory_space<vmem>> -> memref<1x100xf32, #tpu.memory_space<vmem>>
    %dma_wait3A_1151 = arith.constant 0 : i32
    %dma_wait3A_1152 = tpu.memref_slice %arg3[%squeeze3A_210, %dma_wait3A_1151] : memref<100000x100xf32, #tpu.memory_space<hbm>> -> memref<1x100xf32, #tpu.memory_space<hbm>>
    tpu.wait_dma2 semaphore(%arg12 : memref<!tpu.dma_semaphore, #tpu.memory_space<semaphore_mem>>) src(%dma_wait3A_1152 : memref<1x100xf32, #tpu.memory_space<hbm>>) dst(%dma_wait3A_1150 : memref<1x100xf32, #tpu.memory_space<vmem>>)
    %dma_wait3A_1153 = arith.constant 18 : i32
    %dma_wait3A_1154 = arith.constant 0 : i32
    %dma_wait3A_1155 = tpu.memref_slice %arg8[%dma_wait3A_1153, %dma_wait3A_1154] : memref<80x100xf32, #tpu.memory_space<vmem>> -> memref<1x100xf32, #tpu.memory_space<vmem>>
    %dma_wait3A_1156 = arith.constant 0 : i32
    %dma_wait3A_1157 = tpu.memref_slice %arg3[%squeeze3A_222, %dma_wait3A_1156] : memref<100000x100xf32, #tpu.memory_space<hbm>> -> memref<1x100xf32, #tpu.memory_space<hbm>>
    %dma_wait3A_1158 = arith.constant 18 : i32
    %dma_wait3A_1159 = arith.constant 0 : i32
    %dma_wait3A_1160 = tpu.memref_slice %arg8[%dma_wait3A_1158, %dma_wait3A_1159] : memref<80x100xf32, #tpu.memory_space<vmem>> -> memref<1x100xf32, #tpu.memory_space<vmem>>
    %dma_wait3A_1161 = arith.constant 0 : i32
    %dma_wait3A_1162 = tpu.memref_slice %arg3[%squeeze3A_222, %dma_wait3A_1161] : memref<100000x100xf32, #tpu.memory_space<hbm>> -> memref<1x100xf32, #tpu.memory_space<hbm>>
    tpu.wait_dma2 semaphore(%arg12 : memref<!tpu.dma_semaphore, #tpu.memory_space<semaphore_mem>>) src(%dma_wait3A_1162 : memref<1x100xf32, #tpu.memory_space<hbm>>) dst(%dma_wait3A_1160 : memref<1x100xf32, #tpu.memory_space<vmem>>)
    %dma_wait3A_1163 = arith.constant 19 : i32
    %dma_wait3A_1164 = arith.constant 0 : i32
    %dma_wait3A_1165 = tpu.memref_slice %arg8[%dma_wait3A_1163, %dma_wait3A_1164] : memref<80x100xf32, #tpu.memory_space<vmem>> -> memref<1x100xf32, #tpu.memory_space<vmem>>
    %dma_wait3A_1166 = arith.constant 0 : i32
    %dma_wait3A_1167 = tpu.memref_slice %arg3[%squeeze3A_234, %dma_wait3A_1166] : memref<100000x100xf32, #tpu.memory_space<hbm>> -> memref<1x100xf32, #tpu.memory_space<hbm>>
    %dma_wait3A_1168 = arith.constant 19 : i32
    %dma_wait3A_1169 = arith.constant 0 : i32
    %dma_wait3A_1170 = tpu.memref_slice %arg8[%dma_wait3A_1168, %dma_wait3A_1169] : memref<80x100xf32, #tpu.memory_space<vmem>> -> memref<1x100xf32, #tpu.memory_space<vmem>>
    %dma_wait3A_1171 = arith.constant 0 : i32
    %dma_wait3A_1172 = tpu.memref_slice %arg3[%squeeze3A_234, %dma_wait3A_1171] : memref<100000x100xf32, #tpu.memory_space<hbm>> -> memref<1x100xf32, #tpu.memory_space<hbm>>
    tpu.wait_dma2 semaphore(%arg12 : memref<!tpu.dma_semaphore, #tpu.memory_space<semaphore_mem>>) src(%dma_wait3A_1172 : memref<1x100xf32, #tpu.memory_space<hbm>>) dst(%dma_wait3A_1170 : memref<1x100xf32, #tpu.memory_space<vmem>>)
    %dma_wait3A_1173 = arith.constant 20 : i32
    %dma_wait3A_1174 = arith.constant 0 : i32
    %dma_wait3A_1175 = tpu.memref_slice %arg8[%dma_wait3A_1173, %dma_wait3A_1174] : memref<80x100xf32, #tpu.memory_space<vmem>> -> memref<1x100xf32, #tpu.memory_space<vmem>>
    %dma_wait3A_1176 = arith.constant 0 : i32
    %dma_wait3A_1177 = tpu.memref_slice %arg3[%squeeze3A_246, %dma_wait3A_1176] : memref<100000x100xf32, #tpu.memory_space<hbm>> -> memref<1x100xf32, #tpu.memory_space<hbm>>
    %dma_wait3A_1178 = arith.constant 20 : i32
    %dma_wait3A_1179 = arith.constant 0 : i32
    %dma_wait3A_1180 = tpu.memref_slice %arg8[%dma_wait3A_1178, %dma_wait3A_1179] : memref<80x100xf32, #tpu.memory_space<vmem>> -> memref<1x100xf32, #tpu.memory_space<vmem>>
    %dma_wait3A_1181 = arith.constant 0 : i32
    %dma_wait3A_1182 = tpu.memref_slice %arg3[%squeeze3A_246, %dma_wait3A_1181] : memref<100000x100xf32, #tpu.memory_space<hbm>> -> memref<1x100xf32, #tpu.memory_space<hbm>>
    tpu.wait_dma2 semaphore(%arg12 : memref<!tpu.dma_semaphore, #tpu.memory_space<semaphore_mem>>) src(%dma_wait3A_1182 : memref<1x100xf32, #tpu.memory_space<hbm>>) dst(%dma_wait3A_1180 : memref<1x100xf32, #tpu.memory_space<vmem>>)
    %dma_wait3A_1183 = arith.constant 21 : i32
    %dma_wait3A_1184 = arith.constant 0 : i32
    %dma_wait3A_1185 = tpu.memref_slice %arg8[%dma_wait3A_1183, %dma_wait3A_1184] : memref<80x100xf32, #tpu.memory_space<vmem>> -> memref<1x100xf32, #tpu.memory_space<vmem>>
    %dma_wait3A_1186 = arith.constant 0 : i32
    %dma_wait3A_1187 = tpu.memref_slice %arg3[%squeeze3A_258, %dma_wait3A_1186] : memref<100000x100xf32, #tpu.memory_space<hbm>> -> memref<1x100xf32, #tpu.memory_space<hbm>>
    %dma_wait3A_1188 = arith.constant 21 : i32
    %dma_wait3A_1189 = arith.constant 0 : i32
    %dma_wait3A_1190 = tpu.memref_slice %arg8[%dma_wait3A_1188, %dma_wait3A_1189] : memref<80x100xf32, #tpu.memory_space<vmem>> -> memref<1x100xf32, #tpu.memory_space<vmem>>
    %dma_wait3A_1191 = arith.constant 0 : i32
    %dma_wait3A_1192 = tpu.memref_slice %arg3[%squeeze3A_258, %dma_wait3A_1191] : memref<100000x100xf32, #tpu.memory_space<hbm>> -> memref<1x100xf32, #tpu.memory_space<hbm>>
    tpu.wait_dma2 semaphore(%arg12 : memref<!tpu.dma_semaphore, #tpu.memory_space<semaphore_mem>>) src(%dma_wait3A_1192 : memref<1x100xf32, #tpu.memory_space<hbm>>) dst(%dma_wait3A_1190 : memref<1x100xf32, #tpu.memory_space<vmem>>)
    %dma_wait3A_1193 = arith.constant 22 : i32
    %dma_wait3A_1194 = arith.constant 0 : i32
    %dma_wait3A_1195 = tpu.memref_slice %arg8[%dma_wait3A_1193, %dma_wait3A_1194] : memref<80x100xf32, #tpu.memory_space<vmem>> -> memref<1x100xf32, #tpu.memory_space<vmem>>
    %dma_wait3A_1196 = arith.constant 0 : i32
    %dma_wait3A_1197 = tpu.memref_slice %arg3[%squeeze3A_270, %dma_wait3A_1196] : memref<100000x100xf32, #tpu.memory_space<hbm>> -> memref<1x100xf32, #tpu.memory_space<hbm>>
    %dma_wait3A_1198 = arith.constant 22 : i32
    %dma_wait3A_1199 = arith.constant 0 : i32
    %dma_wait3A_1200 = tpu.memref_slice %arg8[%dma_wait3A_1198, %dma_wait3A_1199] : memref<80x100xf32, #tpu.memory_space<vmem>> -> memref<1x100xf32, #tpu.memory_space<vmem>>
    %dma_wait3A_1201 = arith.constant 0 : i32
    %dma_wait3A_1202 = tpu.memref_slice %arg3[%squeeze3A_270, %dma_wait3A_1201] : memref<100000x100xf32, #tpu.memory_space<hbm>> -> memref<1x100xf32, #tpu.memory_space<hbm>>
    tpu.wait_dma2 semaphore(%arg12 : memref<!tpu.dma_semaphore, #tpu.memory_space<semaphore_mem>>) src(%dma_wait3A_1202 : memref<1x100xf32, #tpu.memory_space<hbm>>) dst(%dma_wait3A_1200 : memref<1x100xf32, #tpu.memory_space<vmem>>)
    %dma_wait3A_1203 = arith.constant 23 : i32
    %dma_wait3A_1204 = arith.constant 0 : i32
    %dma_wait3A_1205 = tpu.memref_slice %arg8[%dma_wait3A_1203, %dma_wait3A_1204] : memref<80x100xf32, #tpu.memory_space<vmem>> -> memref<1x100xf32, #tpu.memory_space<vmem>>
    %dma_wait3A_1206 = arith.constant 0 : i32
    %dma_wait3A_1207 = tpu.memref_slice %arg3[%squeeze3A_282, %dma_wait3A_1206] : memref<100000x100xf32, #tpu.memory_space<hbm>> -> memref<1x100xf32, #tpu.memory_space<hbm>>
    %dma_wait3A_1208 = arith.constant 23 : i32
    %dma_wait3A_1209 = arith.constant 0 : i32
    %dma_wait3A_1210 = tpu.memref_slice %arg8[%dma_wait3A_1208, %dma_wait3A_1209] : memref<80x100xf32, #tpu.memory_space<vmem>> -> memref<1x100xf32, #tpu.memory_space<vmem>>
    %dma_wait3A_1211 = arith.constant 0 : i32
    %dma_wait3A_1212 = tpu.memref_slice %arg3[%squeeze3A_282, %dma_wait3A_1211] : memref<100000x100xf32, #tpu.memory_space<hbm>> -> memref<1x100xf32, #tpu.memory_space<hbm>>
    tpu.wait_dma2 semaphore(%arg12 : memref<!tpu.dma_semaphore, #tpu.memory_space<semaphore_mem>>) src(%dma_wait3A_1212 : memref<1x100xf32, #tpu.memory_space<hbm>>) dst(%dma_wait3A_1210 : memref<1x100xf32, #tpu.memory_space<vmem>>)
    %dma_wait3A_1213 = arith.constant 24 : i32
    %dma_wait3A_1214 = arith.constant 0 : i32
    %dma_wait3A_1215 = tpu.memref_slice %arg8[%dma_wait3A_1213, %dma_wait3A_1214] : memref<80x100xf32, #tpu.memory_space<vmem>> -> memref<1x100xf32, #tpu.memory_space<vmem>>
    %dma_wait3A_1216 = arith.constant 0 : i32
    %dma_wait3A_1217 = tpu.memref_slice %arg3[%squeeze3A_294, %dma_wait3A_1216] : memref<100000x100xf32, #tpu.memory_space<hbm>> -> memref<1x100xf32, #tpu.memory_space<hbm>>
    %dma_wait3A_1218 = arith.constant 24 : i32
    %dma_wait3A_1219 = arith.constant 0 : i32
    %dma_wait3A_1220 = tpu.memref_slice %arg8[%dma_wait3A_1218, %dma_wait3A_1219] : memref<80x100xf32, #tpu.memory_space<vmem>> -> memref<1x100xf32, #tpu.memory_space<vmem>>
    %dma_wait3A_1221 = arith.constant 0 : i32
    %dma_wait3A_1222 = tpu.memref_slice %arg3[%squeeze3A_294, %dma_wait3A_1221] : memref<100000x100xf32, #tpu.memory_space<hbm>> -> memref<1x100xf32, #tpu.memory_space<hbm>>
    tpu.wait_dma2 semaphore(%arg12 : memref<!tpu.dma_semaphore, #tpu.memory_space<semaphore_mem>>) src(%dma_wait3A_1222 : memref<1x100xf32, #tpu.memory_space<hbm>>) dst(%dma_wait3A_1220 : memref<1x100xf32, #tpu.memory_space<vmem>>)
    %dma_wait3A_1223 = arith.constant 25 : i32
    %dma_wait3A_1224 = arith.constant 0 : i32
    %dma_wait3A_1225 = tpu.memref_slice %arg8[%dma_wait3A_1223, %dma_wait3A_1224] : memref<80x100xf32, #tpu.memory_space<vmem>> -> memref<1x100xf32, #tpu.memory_space<vmem>>
    %dma_wait3A_1226 = arith.constant 0 : i32
    %dma_wait3A_1227 = tpu.memref_slice %arg3[%squeeze3A_306, %dma_wait3A_1226] : memref<100000x100xf32, #tpu.memory_space<hbm>> -> memref<1x100xf32, #tpu.memory_space<hbm>>
    %dma_wait3A_1228 = arith.constant 25 : i32
    %dma_wait3A_1229 = arith.constant 0 : i32
    %dma_wait3A_1230 = tpu.memref_slice %arg8[%dma_wait3A_1228, %dma_wait3A_1229] : memref<80x100xf32, #tpu.memory_space<vmem>> -> memref<1x100xf32, #tpu.memory_space<vmem>>
    %dma_wait3A_1231 = arith.constant 0 : i32
    %dma_wait3A_1232 = tpu.memref_slice %arg3[%squeeze3A_306, %dma_wait3A_1231] : memref<100000x100xf32, #tpu.memory_space<hbm>> -> memref<1x100xf32, #tpu.memory_space<hbm>>
    tpu.wait_dma2 semaphore(%arg12 : memref<!tpu.dma_semaphore, #tpu.memory_space<semaphore_mem>>) src(%dma_wait3A_1232 : memref<1x100xf32, #tpu.memory_space<hbm>>) dst(%dma_wait3A_1230 : memref<1x100xf32, #tpu.memory_space<vmem>>)
    %dma_wait3A_1233 = arith.constant 26 : i32
    %dma_wait3A_1234 = arith.constant 0 : i32
    %dma_wait3A_1235 = tpu.memref_slice %arg8[%dma_wait3A_1233, %dma_wait3A_1234] : memref<80x100xf32, #tpu.memory_space<vmem>> -> memref<1x100xf32, #tpu.memory_space<vmem>>
    %dma_wait3A_1236 = arith.constant 0 : i32
    %dma_wait3A_1237 = tpu.memref_slice %arg3[%squeeze3A_318, %dma_wait3A_1236] : memref<100000x100xf32, #tpu.memory_space<hbm>> -> memref<1x100xf32, #tpu.memory_space<hbm>>
    %dma_wait3A_1238 = arith.constant 26 : i32
    %dma_wait3A_1239 = arith.constant 0 : i32
    %dma_wait3A_1240 = tpu.memref_slice %arg8[%dma_wait3A_1238, %dma_wait3A_1239] : memref<80x100xf32, #tpu.memory_space<vmem>> -> memref<1x100xf32, #tpu.memory_space<vmem>>
    %dma_wait3A_1241 = arith.constant 0 : i32
    %dma_wait3A_1242 = tpu.memref_slice %arg3[%squeeze3A_318, %dma_wait3A_1241] : memref<100000x100xf32, #tpu.memory_space<hbm>> -> memref<1x100xf32, #tpu.memory_space<hbm>>
    tpu.wait_dma2 semaphore(%arg12 : memref<!tpu.dma_semaphore, #tpu.memory_space<semaphore_mem>>) src(%dma_wait3A_1242 : memref<1x100xf32, #tpu.memory_space<hbm>>) dst(%dma_wait3A_1240 : memref<1x100xf32, #tpu.memory_space<vmem>>)
    %dma_wait3A_1243 = arith.constant 27 : i32
    %dma_wait3A_1244 = arith.constant 0 : i32
    %dma_wait3A_1245 = tpu.memref_slice %arg8[%dma_wait3A_1243, %dma_wait3A_1244] : memref<80x100xf32, #tpu.memory_space<vmem>> -> memref<1x100xf32, #tpu.memory_space<vmem>>
    %dma_wait3A_1246 = arith.constant 0 : i32
    %dma_wait3A_1247 = tpu.memref_slice %arg3[%squeeze3A_330, %dma_wait3A_1246] : memref<100000x100xf32, #tpu.memory_space<hbm>> -> memref<1x100xf32, #tpu.memory_space<hbm>>
    %dma_wait3A_1248 = arith.constant 27 : i32
    %dma_wait3A_1249 = arith.constant 0 : i32
    %dma_wait3A_1250 = tpu.memref_slice %arg8[%dma_wait3A_1248, %dma_wait3A_1249] : memref<80x100xf32, #tpu.memory_space<vmem>> -> memref<1x100xf32, #tpu.memory_space<vmem>>
    %dma_wait3A_1251 = arith.constant 0 : i32
    %dma_wait3A_1252 = tpu.memref_slice %arg3[%squeeze3A_330, %dma_wait3A_1251] : memref<100000x100xf32, #tpu.memory_space<hbm>> -> memref<1x100xf32, #tpu.memory_space<hbm>>
    tpu.wait_dma2 semaphore(%arg12 : memref<!tpu.dma_semaphore, #tpu.memory_space<semaphore_mem>>) src(%dma_wait3A_1252 : memref<1x100xf32, #tpu.memory_space<hbm>>) dst(%dma_wait3A_1250 : memref<1x100xf32, #tpu.memory_space<vmem>>)
    %dma_wait3A_1253 = arith.constant 28 : i32
    %dma_wait3A_1254 = arith.constant 0 : i32
    %dma_wait3A_1255 = tpu.memref_slice %arg8[%dma_wait3A_1253, %dma_wait3A_1254] : memref<80x100xf32, #tpu.memory_space<vmem>> -> memref<1x100xf32, #tpu.memory_space<vmem>>
    %dma_wait3A_1256 = arith.constant 0 : i32
    %dma_wait3A_1257 = tpu.memref_slice %arg3[%squeeze3A_342, %dma_wait3A_1256] : memref<100000x100xf32, #tpu.memory_space<hbm>> -> memref<1x100xf32, #tpu.memory_space<hbm>>
    %dma_wait3A_1258 = arith.constant 28 : i32
    %dma_wait3A_1259 = arith.constant 0 : i32
    %dma_wait3A_1260 = tpu.memref_slice %arg8[%dma_wait3A_1258, %dma_wait3A_1259] : memref<80x100xf32, #tpu.memory_space<vmem>> -> memref<1x100xf32, #tpu.memory_space<vmem>>
    %dma_wait3A_1261 = arith.constant 0 : i32
    %dma_wait3A_1262 = tpu.memref_slice %arg3[%squeeze3A_342, %dma_wait3A_1261] : memref<100000x100xf32, #tpu.memory_space<hbm>> -> memref<1x100xf32, #tpu.memory_space<hbm>>
    tpu.wait_dma2 semaphore(%arg12 : memref<!tpu.dma_semaphore, #tpu.memory_space<semaphore_mem>>) src(%dma_wait3A_1262 : memref<1x100xf32, #tpu.memory_space<hbm>>) dst(%dma_wait3A_1260 : memref<1x100xf32, #tpu.memory_space<vmem>>)
    %dma_wait3A_1263 = arith.constant 29 : i32
    %dma_wait3A_1264 = arith.constant 0 : i32
    %dma_wait3A_1265 = tpu.memref_slice %arg8[%dma_wait3A_1263, %dma_wait3A_1264] : memref<80x100xf32, #tpu.memory_space<vmem>> -> memref<1x100xf32, #tpu.memory_space<vmem>>
    %dma_wait3A_1266 = arith.constant 0 : i32
    %dma_wait3A_1267 = tpu.memref_slice %arg3[%squeeze3A_354, %dma_wait3A_1266] : memref<100000x100xf32, #tpu.memory_space<hbm>> -> memref<1x100xf32, #tpu.memory_space<hbm>>
    %dma_wait3A_1268 = arith.constant 29 : i32
    %dma_wait3A_1269 = arith.constant 0 : i32
    %dma_wait3A_1270 = tpu.memref_slice %arg8[%dma_wait3A_1268, %dma_wait3A_1269] : memref<80x100xf32, #tpu.memory_space<vmem>> -> memref<1x100xf32, #tpu.memory_space<vmem>>
    %dma_wait3A_1271 = arith.constant 0 : i32
    %dma_wait3A_1272 = tpu.memref_slice %arg3[%squeeze3A_354, %dma_wait3A_1271] : memref<100000x100xf32, #tpu.memory_space<hbm>> -> memref<1x100xf32, #tpu.memory_space<hbm>>
    tpu.wait_dma2 semaphore(%arg12 : memref<!tpu.dma_semaphore, #tpu.memory_space<semaphore_mem>>) src(%dma_wait3A_1272 : memref<1x100xf32, #tpu.memory_space<hbm>>) dst(%dma_wait3A_1270 : memref<1x100xf32, #tpu.memory_space<vmem>>)
    %dma_wait3A_1273 = arith.constant 30 : i32
    %dma_wait3A_1274 = arith.constant 0 : i32
    %dma_wait3A_1275 = tpu.memref_slice %arg8[%dma_wait3A_1273, %dma_wait3A_1274] : memref<80x100xf32, #tpu.memory_space<vmem>> -> memref<1x100xf32, #tpu.memory_space<vmem>>
    %dma_wait3A_1276 = arith.constant 0 : i32
    %dma_wait3A_1277 = tpu.memref_slice %arg3[%squeeze3A_366, %dma_wait3A_1276] : memref<100000x100xf32, #tpu.memory_space<hbm>> -> memref<1x100xf32, #tpu.memory_space<hbm>>
    %dma_wait3A_1278 = arith.constant 30 : i32
    %dma_wait3A_1279 = arith.constant 0 : i32
    %dma_wait3A_1280 = tpu.memref_slice %arg8[%dma_wait3A_1278, %dma_wait3A_1279] : memref<80x100xf32, #tpu.memory_space<vmem>> -> memref<1x100xf32, #tpu.memory_space<vmem>>
    %dma_wait3A_1281 = arith.constant 0 : i32
    %dma_wait3A_1282 = tpu.memref_slice %arg3[%squeeze3A_366, %dma_wait3A_1281] : memref<100000x100xf32, #tpu.memory_space<hbm>> -> memref<1x100xf32, #tpu.memory_space<hbm>>
    tpu.wait_dma2 semaphore(%arg12 : memref<!tpu.dma_semaphore, #tpu.memory_space<semaphore_mem>>) src(%dma_wait3A_1282 : memref<1x100xf32, #tpu.memory_space<hbm>>) dst(%dma_wait3A_1280 : memref<1x100xf32, #tpu.memory_space<vmem>>)
    %dma_wait3A_1283 = arith.constant 31 : i32
    %dma_wait3A_1284 = arith.constant 0 : i32
    %dma_wait3A_1285 = tpu.memref_slice %arg8[%dma_wait3A_1283, %dma_wait3A_1284] : memref<80x100xf32, #tpu.memory_space<vmem>> -> memref<1x100xf32, #tpu.memory_space<vmem>>
    %dma_wait3A_1286 = arith.constant 0 : i32
    %dma_wait3A_1287 = tpu.memref_slice %arg3[%squeeze3A_378, %dma_wait3A_1286] : memref<100000x100xf32, #tpu.memory_space<hbm>> -> memref<1x100xf32, #tpu.memory_space<hbm>>
    %dma_wait3A_1288 = arith.constant 31 : i32
    %dma_wait3A_1289 = arith.constant 0 : i32
    %dma_wait3A_1290 = tpu.memref_slice %arg8[%dma_wait3A_1288, %dma_wait3A_1289] : memref<80x100xf32, #tpu.memory_space<vmem>> -> memref<1x100xf32, #tpu.memory_space<vmem>>
    %dma_wait3A_1291 = arith.constant 0 : i32
    %dma_wait3A_1292 = tpu.memref_slice %arg3[%squeeze3A_378, %dma_wait3A_1291] : memref<100000x100xf32, #tpu.memory_space<hbm>> -> memref<1x100xf32, #tpu.memory_space<hbm>>
    tpu.wait_dma2 semaphore(%arg12 : memref<!tpu.dma_semaphore, #tpu.memory_space<semaphore_mem>>) src(%dma_wait3A_1292 : memref<1x100xf32, #tpu.memory_space<hbm>>) dst(%dma_wait3A_1290 : memref<1x100xf32, #tpu.memory_space<vmem>>)
    %dma_wait3A_1293 = arith.constant 32 : i32
    %dma_wait3A_1294 = arith.constant 0 : i32
    %dma_wait3A_1295 = tpu.memref_slice %arg8[%dma_wait3A_1293, %dma_wait3A_1294] : memref<80x100xf32, #tpu.memory_space<vmem>> -> memref<1x100xf32, #tpu.memory_space<vmem>>
    %dma_wait3A_1296 = arith.constant 0 : i32
    %dma_wait3A_1297 = tpu.memref_slice %arg3[%squeeze3A_393, %dma_wait3A_1296] : memref<100000x100xf32, #tpu.memory_space<hbm>> -> memref<1x100xf32, #tpu.memory_space<hbm>>
    %dma_wait3A_1298 = arith.constant 32 : i32
    %dma_wait3A_1299 = arith.constant 0 : i32
    %dma_wait3A_1300 = tpu.memref_slice %arg8[%dma_wait3A_1298, %dma_wait3A_1299] : memref<80x100xf32, #tpu.memory_space<vmem>> -> memref<1x100xf32, #tpu.memory_space<vmem>>
    %dma_wait3A_1301 = arith.constant 0 : i32
    %dma_wait3A_1302 = tpu.memref_slice %arg3[%squeeze3A_393, %dma_wait3A_1301] : memref<100000x100xf32, #tpu.memory_space<hbm>> -> memref<1x100xf32, #tpu.memory_space<hbm>>
    tpu.wait_dma2 semaphore(%arg12 : memref<!tpu.dma_semaphore, #tpu.memory_space<semaphore_mem>>) src(%dma_wait3A_1302 : memref<1x100xf32, #tpu.memory_space<hbm>>) dst(%dma_wait3A_1300 : memref<1x100xf32, #tpu.memory_space<vmem>>)
    %dma_wait3A_1303 = arith.constant 33 : i32
    %dma_wait3A_1304 = arith.constant 0 : i32
    %dma_wait3A_1305 = tpu.memref_slice %arg8[%dma_wait3A_1303, %dma_wait3A_1304] : memref<80x100xf32, #tpu.memory_space<vmem>> -> memref<1x100xf32, #tpu.memory_space<vmem>>
    %dma_wait3A_1306 = arith.constant 0 : i32
    %dma_wait3A_1307 = tpu.memref_slice %arg3[%squeeze3A_405, %dma_wait3A_1306] : memref<100000x100xf32, #tpu.memory_space<hbm>> -> memref<1x100xf32, #tpu.memory_space<hbm>>
    %dma_wait3A_1308 = arith.constant 33 : i32
    %dma_wait3A_1309 = arith.constant 0 : i32
    %dma_wait3A_1310 = tpu.memref_slice %arg8[%dma_wait3A_1308, %dma_wait3A_1309] : memref<80x100xf32, #tpu.memory_space<vmem>> -> memref<1x100xf32, #tpu.memory_space<vmem>>
    %dma_wait3A_1311 = arith.constant 0 : i32
    %dma_wait3A_1312 = tpu.memref_slice %arg3[%squeeze3A_405, %dma_wait3A_1311] : memref<100000x100xf32, #tpu.memory_space<hbm>> -> memref<1x100xf32, #tpu.memory_space<hbm>>
    tpu.wait_dma2 semaphore(%arg12 : memref<!tpu.dma_semaphore, #tpu.memory_space<semaphore_mem>>) src(%dma_wait3A_1312 : memref<1x100xf32, #tpu.memory_space<hbm>>) dst(%dma_wait3A_1310 : memref<1x100xf32, #tpu.memory_space<vmem>>)
    %dma_wait3A_1313 = arith.constant 34 : i32
    %dma_wait3A_1314 = arith.constant 0 : i32
    %dma_wait3A_1315 = tpu.memref_slice %arg8[%dma_wait3A_1313, %dma_wait3A_1314] : memref<80x100xf32, #tpu.memory_space<vmem>> -> memref<1x100xf32, #tpu.memory_space<vmem>>
    %dma_wait3A_1316 = arith.constant 0 : i32
    %dma_wait3A_1317 = tpu.memref_slice %arg3[%squeeze3A_417, %dma_wait3A_1316] : memref<100000x100xf32, #tpu.memory_space<hbm>> -> memref<1x100xf32, #tpu.memory_space<hbm>>
    %dma_wait3A_1318 = arith.constant 34 : i32
    %dma_wait3A_1319 = arith.constant 0 : i32
    %dma_wait3A_1320 = tpu.memref_slice %arg8[%dma_wait3A_1318, %dma_wait3A_1319] : memref<80x100xf32, #tpu.memory_space<vmem>> -> memref<1x100xf32, #tpu.memory_space<vmem>>
    %dma_wait3A_1321 = arith.constant 0 : i32
    %dma_wait3A_1322 = tpu.memref_slice %arg3[%squeeze3A_417, %dma_wait3A_1321] : memref<100000x100xf32, #tpu.memory_space<hbm>> -> memref<1x100xf32, #tpu.memory_space<hbm>>
    tpu.wait_dma2 semaphore(%arg12 : memref<!tpu.dma_semaphore, #tpu.memory_space<semaphore_mem>>) src(%dma_wait3A_1322 : memref<1x100xf32, #tpu.memory_space<hbm>>) dst(%dma_wait3A_1320 : memref<1x100xf32, #tpu.memory_space<vmem>>)
    %dma_wait3A_1323 = arith.constant 35 : i32
    %dma_wait3A_1324 = arith.constant 0 : i32
    %dma_wait3A_1325 = tpu.memref_slice %arg8[%dma_wait3A_1323, %dma_wait3A_1324] : memref<80x100xf32, #tpu.memory_space<vmem>> -> memref<1x100xf32, #tpu.memory_space<vmem>>
    %dma_wait3A_1326 = arith.constant 0 : i32
    %dma_wait3A_1327 = tpu.memref_slice %arg3[%squeeze3A_429, %dma_wait3A_1326] : memref<100000x100xf32, #tpu.memory_space<hbm>> -> memref<1x100xf32, #tpu.memory_space<hbm>>
    %dma_wait3A_1328 = arith.constant 35 : i32
    %dma_wait3A_1329 = arith.constant 0 : i32
    %dma_wait3A_1330 = tpu.memref_slice %arg8[%dma_wait3A_1328, %dma_wait3A_1329] : memref<80x100xf32, #tpu.memory_space<vmem>> -> memref<1x100xf32, #tpu.memory_space<vmem>>
    %dma_wait3A_1331 = arith.constant 0 : i32
    %dma_wait3A_1332 = tpu.memref_slice %arg3[%squeeze3A_429, %dma_wait3A_1331] : memref<100000x100xf32, #tpu.memory_space<hbm>> -> memref<1x100xf32, #tpu.memory_space<hbm>>
    tpu.wait_dma2 semaphore(%arg12 : memref<!tpu.dma_semaphore, #tpu.memory_space<semaphore_mem>>) src(%dma_wait3A_1332 : memref<1x100xf32, #tpu.memory_space<hbm>>) dst(%dma_wait3A_1330 : memref<1x100xf32, #tpu.memory_space<vmem>>)
    %dma_wait3A_1333 = arith.constant 36 : i32
    %dma_wait3A_1334 = arith.constant 0 : i32
    %dma_wait3A_1335 = tpu.memref_slice %arg8[%dma_wait3A_1333, %dma_wait3A_1334] : memref<80x100xf32, #tpu.memory_space<vmem>> -> memref<1x100xf32, #tpu.memory_space<vmem>>
    %dma_wait3A_1336 = arith.constant 0 : i32
    %dma_wait3A_1337 = tpu.memref_slice %arg3[%squeeze3A_441, %dma_wait3A_1336] : memref<100000x100xf32, #tpu.memory_space<hbm>> -> memref<1x100xf32, #tpu.memory_space<hbm>>
    %dma_wait3A_1338 = arith.constant 36 : i32
    %dma_wait3A_1339 = arith.constant 0 : i32
    %dma_wait3A_1340 = tpu.memref_slice %arg8[%dma_wait3A_1338, %dma_wait3A_1339] : memref<80x100xf32, #tpu.memory_space<vmem>> -> memref<1x100xf32, #tpu.memory_space<vmem>>
    %dma_wait3A_1341 = arith.constant 0 : i32
    %dma_wait3A_1342 = tpu.memref_slice %arg3[%squeeze3A_441, %dma_wait3A_1341] : memref<100000x100xf32, #tpu.memory_space<hbm>> -> memref<1x100xf32, #tpu.memory_space<hbm>>
    tpu.wait_dma2 semaphore(%arg12 : memref<!tpu.dma_semaphore, #tpu.memory_space<semaphore_mem>>) src(%dma_wait3A_1342 : memref<1x100xf32, #tpu.memory_space<hbm>>) dst(%dma_wait3A_1340 : memref<1x100xf32, #tpu.memory_space<vmem>>)
    %dma_wait3A_1343 = arith.constant 37 : i32
    %dma_wait3A_1344 = arith.constant 0 : i32
    %dma_wait3A_1345 = tpu.memref_slice %arg8[%dma_wait3A_1343, %dma_wait3A_1344] : memref<80x100xf32, #tpu.memory_space<vmem>> -> memref<1x100xf32, #tpu.memory_space<vmem>>
    %dma_wait3A_1346 = arith.constant 0 : i32
    %dma_wait3A_1347 = tpu.memref_slice %arg3[%squeeze3A_453, %dma_wait3A_1346] : memref<100000x100xf32, #tpu.memory_space<hbm>> -> memref<1x100xf32, #tpu.memory_space<hbm>>
    %dma_wait3A_1348 = arith.constant 37 : i32
    %dma_wait3A_1349 = arith.constant 0 : i32
    %dma_wait3A_1350 = tpu.memref_slice %arg8[%dma_wait3A_1348, %dma_wait3A_1349] : memref<80x100xf32, #tpu.memory_space<vmem>> -> memref<1x100xf32, #tpu.memory_space<vmem>>
    %dma_wait3A_1351 = arith.constant 0 : i32
    %dma_wait3A_1352 = tpu.memref_slice %arg3[%squeeze3A_453, %dma_wait3A_1351] : memref<100000x100xf32, #tpu.memory_space<hbm>> -> memref<1x100xf32, #tpu.memory_space<hbm>>
    tpu.wait_dma2 semaphore(%arg12 : memref<!tpu.dma_semaphore, #tpu.memory_space<semaphore_mem>>) src(%dma_wait3A_1352 : memref<1x100xf32, #tpu.memory_space<hbm>>) dst(%dma_wait3A_1350 : memref<1x100xf32, #tpu.memory_space<vmem>>)
    %dma_wait3A_1353 = arith.constant 38 : i32
    %dma_wait3A_1354 = arith.constant 0 : i32
    %dma_wait3A_1355 = tpu.memref_slice %arg8[%dma_wait3A_1353, %dma_wait3A_1354] : memref<80x100xf32, #tpu.memory_space<vmem>> -> memref<1x100xf32, #tpu.memory_space<vmem>>
    %dma_wait3A_1356 = arith.constant 0 : i32
    %dma_wait3A_1357 = tpu.memref_slice %arg3[%squeeze3A_465, %dma_wait3A_1356] : memref<100000x100xf32, #tpu.memory_space<hbm>> -> memref<1x100xf32, #tpu.memory_space<hbm>>
    %dma_wait3A_1358 = arith.constant 38 : i32
    %dma_wait3A_1359 = arith.constant 0 : i32
    %dma_wait3A_1360 = tpu.memref_slice %arg8[%dma_wait3A_1358, %dma_wait3A_1359] : memref<80x100xf32, #tpu.memory_space<vmem>> -> memref<1x100xf32, #tpu.memory_space<vmem>>
    %dma_wait3A_1361 = arith.constant 0 : i32
    %dma_wait3A_1362 = tpu.memref_slice %arg3[%squeeze3A_465, %dma_wait3A_1361] : memref<100000x100xf32, #tpu.memory_space<hbm>> -> memref<1x100xf32, #tpu.memory_space<hbm>>
    tpu.wait_dma2 semaphore(%arg12 : memref<!tpu.dma_semaphore, #tpu.memory_space<semaphore_mem>>) src(%dma_wait3A_1362 : memref<1x100xf32, #tpu.memory_space<hbm>>) dst(%dma_wait3A_1360 : memref<1x100xf32, #tpu.memory_space<vmem>>)
    %dma_wait3A_1363 = arith.constant 39 : i32
    %dma_wait3A_1364 = arith.constant 0 : i32
    %dma_wait3A_1365 = tpu.memref_slice %arg8[%dma_wait3A_1363, %dma_wait3A_1364] : memref<80x100xf32, #tpu.memory_space<vmem>> -> memref<1x100xf32, #tpu.memory_space<vmem>>
    %dma_wait3A_1366 = arith.constant 0 : i32
    %dma_wait3A_1367 = tpu.memref_slice %arg3[%squeeze3A_477, %dma_wait3A_1366] : memref<100000x100xf32, #tpu.memory_space<hbm>> -> memref<1x100xf32, #tpu.memory_space<hbm>>
    %dma_wait3A_1368 = arith.constant 39 : i32
    %dma_wait3A_1369 = arith.constant 0 : i32
    %dma_wait3A_1370 = tpu.memref_slice %arg8[%dma_wait3A_1368, %dma_wait3A_1369] : memref<80x100xf32, #tpu.memory_space<vmem>> -> memref<1x100xf32, #tpu.memory_space<vmem>>
    %dma_wait3A_1371 = arith.constant 0 : i32
    %dma_wait3A_1372 = tpu.memref_slice %arg3[%squeeze3A_477, %dma_wait3A_1371] : memref<100000x100xf32, #tpu.memory_space<hbm>> -> memref<1x100xf32, #tpu.memory_space<hbm>>
    tpu.wait_dma2 semaphore(%arg12 : memref<!tpu.dma_semaphore, #tpu.memory_space<semaphore_mem>>) src(%dma_wait3A_1372 : memref<1x100xf32, #tpu.memory_space<hbm>>) dst(%dma_wait3A_1370 : memref<1x100xf32, #tpu.memory_space<vmem>>)
    %dma_wait3A_1373 = arith.constant 40 : i32
    %dma_wait3A_1374 = arith.constant 0 : i32
    %dma_wait3A_1375 = tpu.memref_slice %arg8[%dma_wait3A_1373, %dma_wait3A_1374] : memref<80x100xf32, #tpu.memory_space<vmem>> -> memref<1x100xf32, #tpu.memory_space<vmem>>
    %dma_wait3A_1376 = arith.constant 0 : i32
    %dma_wait3A_1377 = tpu.memref_slice %arg3[%squeeze3A_489, %dma_wait3A_1376] : memref<100000x100xf32, #tpu.memory_space<hbm>> -> memref<1x100xf32, #tpu.memory_space<hbm>>
    %dma_wait3A_1378 = arith.constant 40 : i32
    %dma_wait3A_1379 = arith.constant 0 : i32
    %dma_wait3A_1380 = tpu.memref_slice %arg8[%dma_wait3A_1378, %dma_wait3A_1379] : memref<80x100xf32, #tpu.memory_space<vmem>> -> memref<1x100xf32, #tpu.memory_space<vmem>>
    %dma_wait3A_1381 = arith.constant 0 : i32
    %dma_wait3A_1382 = tpu.memref_slice %arg3[%squeeze3A_489, %dma_wait3A_1381] : memref<100000x100xf32, #tpu.memory_space<hbm>> -> memref<1x100xf32, #tpu.memory_space<hbm>>
    tpu.wait_dma2 semaphore(%arg12 : memref<!tpu.dma_semaphore, #tpu.memory_space<semaphore_mem>>) src(%dma_wait3A_1382 : memref<1x100xf32, #tpu.memory_space<hbm>>) dst(%dma_wait3A_1380 : memref<1x100xf32, #tpu.memory_space<vmem>>)
    %dma_wait3A_1383 = arith.constant 41 : i32
    %dma_wait3A_1384 = arith.constant 0 : i32
    %dma_wait3A_1385 = tpu.memref_slice %arg8[%dma_wait3A_1383, %dma_wait3A_1384] : memref<80x100xf32, #tpu.memory_space<vmem>> -> memref<1x100xf32, #tpu.memory_space<vmem>>
    %dma_wait3A_1386 = arith.constant 0 : i32
    %dma_wait3A_1387 = tpu.memref_slice %arg3[%squeeze3A_501, %dma_wait3A_1386] : memref<100000x100xf32, #tpu.memory_space<hbm>> -> memref<1x100xf32, #tpu.memory_space<hbm>>
    %dma_wait3A_1388 = arith.constant 41 : i32
    %dma_wait3A_1389 = arith.constant 0 : i32
    %dma_wait3A_1390 = tpu.memref_slice %arg8[%dma_wait3A_1388, %dma_wait3A_1389] : memref<80x100xf32, #tpu.memory_space<vmem>> -> memref<1x100xf32, #tpu.memory_space<vmem>>
    %dma_wait3A_1391 = arith.constant 0 : i32
    %dma_wait3A_1392 = tpu.memref_slice %arg3[%squeeze3A_501, %dma_wait3A_1391] : memref<100000x100xf32, #tpu.memory_space<hbm>> -> memref<1x100xf32, #tpu.memory_space<hbm>>
    tpu.wait_dma2 semaphore(%arg12 : memref<!tpu.dma_semaphore, #tpu.memory_space<semaphore_mem>>) src(%dma_wait3A_1392 : memref<1x100xf32, #tpu.memory_space<hbm>>) dst(%dma_wait3A_1390 : memref<1x100xf32, #tpu.memory_space<vmem>>)
    %dma_wait3A_1393 = arith.constant 42 : i32
    %dma_wait3A_1394 = arith.constant 0 : i32
    %dma_wait3A_1395 = tpu.memref_slice %arg8[%dma_wait3A_1393, %dma_wait3A_1394] : memref<80x100xf32, #tpu.memory_space<vmem>> -> memref<1x100xf32, #tpu.memory_space<vmem>>
    %dma_wait3A_1396 = arith.constant 0 : i32
    %dma_wait3A_1397 = tpu.memref_slice %arg3[%squeeze3A_513, %dma_wait3A_1396] : memref<100000x100xf32, #tpu.memory_space<hbm>> -> memref<1x100xf32, #tpu.memory_space<hbm>>
    %dma_wait3A_1398 = arith.constant 42 : i32
    %dma_wait3A_1399 = arith.constant 0 : i32
    %dma_wait3A_1400 = tpu.memref_slice %arg8[%dma_wait3A_1398, %dma_wait3A_1399] : memref<80x100xf32, #tpu.memory_space<vmem>> -> memref<1x100xf32, #tpu.memory_space<vmem>>
    %dma_wait3A_1401 = arith.constant 0 : i32
    %dma_wait3A_1402 = tpu.memref_slice %arg3[%squeeze3A_513, %dma_wait3A_1401] : memref<100000x100xf32, #tpu.memory_space<hbm>> -> memref<1x100xf32, #tpu.memory_space<hbm>>
    tpu.wait_dma2 semaphore(%arg12 : memref<!tpu.dma_semaphore, #tpu.memory_space<semaphore_mem>>) src(%dma_wait3A_1402 : memref<1x100xf32, #tpu.memory_space<hbm>>) dst(%dma_wait3A_1400 : memref<1x100xf32, #tpu.memory_space<vmem>>)
    %dma_wait3A_1403 = arith.constant 43 : i32
    %dma_wait3A_1404 = arith.constant 0 : i32
    %dma_wait3A_1405 = tpu.memref_slice %arg8[%dma_wait3A_1403, %dma_wait3A_1404] : memref<80x100xf32, #tpu.memory_space<vmem>> -> memref<1x100xf32, #tpu.memory_space<vmem>>
    %dma_wait3A_1406 = arith.constant 0 : i32
    %dma_wait3A_1407 = tpu.memref_slice %arg3[%squeeze3A_525, %dma_wait3A_1406] : memref<100000x100xf32, #tpu.memory_space<hbm>> -> memref<1x100xf32, #tpu.memory_space<hbm>>
    %dma_wait3A_1408 = arith.constant 43 : i32
    %dma_wait3A_1409 = arith.constant 0 : i32
    %dma_wait3A_1410 = tpu.memref_slice %arg8[%dma_wait3A_1408, %dma_wait3A_1409] : memref<80x100xf32, #tpu.memory_space<vmem>> -> memref<1x100xf32, #tpu.memory_space<vmem>>
    %dma_wait3A_1411 = arith.constant 0 : i32
    %dma_wait3A_1412 = tpu.memref_slice %arg3[%squeeze3A_525, %dma_wait3A_1411] : memref<100000x100xf32, #tpu.memory_space<hbm>> -> memref<1x100xf32, #tpu.memory_space<hbm>>
    tpu.wait_dma2 semaphore(%arg12 : memref<!tpu.dma_semaphore, #tpu.memory_space<semaphore_mem>>) src(%dma_wait3A_1412 : memref<1x100xf32, #tpu.memory_space<hbm>>) dst(%dma_wait3A_1410 : memref<1x100xf32, #tpu.memory_space<vmem>>)
    %dma_wait3A_1413 = arith.constant 44 : i32
    %dma_wait3A_1414 = arith.constant 0 : i32
    %dma_wait3A_1415 = tpu.memref_slice %arg8[%dma_wait3A_1413, %dma_wait3A_1414] : memref<80x100xf32, #tpu.memory_space<vmem>> -> memref<1x100xf32, #tpu.memory_space<vmem>>
    %dma_wait3A_1416 = arith.constant 0 : i32
    %dma_wait3A_1417 = tpu.memref_slice %arg3[%squeeze3A_537, %dma_wait3A_1416] : memref<100000x100xf32, #tpu.memory_space<hbm>> -> memref<1x100xf32, #tpu.memory_space<hbm>>
    %dma_wait3A_1418 = arith.constant 44 : i32
    %dma_wait3A_1419 = arith.constant 0 : i32
    %dma_wait3A_1420 = tpu.memref_slice %arg8[%dma_wait3A_1418, %dma_wait3A_1419] : memref<80x100xf32, #tpu.memory_space<vmem>> -> memref<1x100xf32, #tpu.memory_space<vmem>>
    %dma_wait3A_1421 = arith.constant 0 : i32
    %dma_wait3A_1422 = tpu.memref_slice %arg3[%squeeze3A_537, %dma_wait3A_1421] : memref<100000x100xf32, #tpu.memory_space<hbm>> -> memref<1x100xf32, #tpu.memory_space<hbm>>
    tpu.wait_dma2 semaphore(%arg12 : memref<!tpu.dma_semaphore, #tpu.memory_space<semaphore_mem>>) src(%dma_wait3A_1422 : memref<1x100xf32, #tpu.memory_space<hbm>>) dst(%dma_wait3A_1420 : memref<1x100xf32, #tpu.memory_space<vmem>>)
    %dma_wait3A_1423 = arith.constant 45 : i32
    %dma_wait3A_1424 = arith.constant 0 : i32
    %dma_wait3A_1425 = tpu.memref_slice %arg8[%dma_wait3A_1423, %dma_wait3A_1424] : memref<80x100xf32, #tpu.memory_space<vmem>> -> memref<1x100xf32, #tpu.memory_space<vmem>>
    %dma_wait3A_1426 = arith.constant 0 : i32
    %dma_wait3A_1427 = tpu.memref_slice %arg3[%squeeze3A_549, %dma_wait3A_1426] : memref<100000x100xf32, #tpu.memory_space<hbm>> -> memref<1x100xf32, #tpu.memory_space<hbm>>
    %dma_wait3A_1428 = arith.constant 45 : i32
    %dma_wait3A_1429 = arith.constant 0 : i32
    %dma_wait3A_1430 = tpu.memref_slice %arg8[%dma_wait3A_1428, %dma_wait3A_1429] : memref<80x100xf32, #tpu.memory_space<vmem>> -> memref<1x100xf32, #tpu.memory_space<vmem>>
    %dma_wait3A_1431 = arith.constant 0 : i32
    %dma_wait3A_1432 = tpu.memref_slice %arg3[%squeeze3A_549, %dma_wait3A_1431] : memref<100000x100xf32, #tpu.memory_space<hbm>> -> memref<1x100xf32, #tpu.memory_space<hbm>>
    tpu.wait_dma2 semaphore(%arg12 : memref<!tpu.dma_semaphore, #tpu.memory_space<semaphore_mem>>) src(%dma_wait3A_1432 : memref<1x100xf32, #tpu.memory_space<hbm>>) dst(%dma_wait3A_1430 : memref<1x100xf32, #tpu.memory_space<vmem>>)
    %dma_wait3A_1433 = arith.constant 46 : i32
    %dma_wait3A_1434 = arith.constant 0 : i32
    %dma_wait3A_1435 = tpu.memref_slice %arg8[%dma_wait3A_1433, %dma_wait3A_1434] : memref<80x100xf32, #tpu.memory_space<vmem>> -> memref<1x100xf32, #tpu.memory_space<vmem>>
    %dma_wait3A_1436 = arith.constant 0 : i32
    %dma_wait3A_1437 = tpu.memref_slice %arg3[%squeeze3A_561, %dma_wait3A_1436] : memref<100000x100xf32, #tpu.memory_space<hbm>> -> memref<1x100xf32, #tpu.memory_space<hbm>>
    %dma_wait3A_1438 = arith.constant 46 : i32
    %dma_wait3A_1439 = arith.constant 0 : i32
    %dma_wait3A_1440 = tpu.memref_slice %arg8[%dma_wait3A_1438, %dma_wait3A_1439] : memref<80x100xf32, #tpu.memory_space<vmem>> -> memref<1x100xf32, #tpu.memory_space<vmem>>
    %dma_wait3A_1441 = arith.constant 0 : i32
    %dma_wait3A_1442 = tpu.memref_slice %arg3[%squeeze3A_561, %dma_wait3A_1441] : memref<100000x100xf32, #tpu.memory_space<hbm>> -> memref<1x100xf32, #tpu.memory_space<hbm>>
    tpu.wait_dma2 semaphore(%arg12 : memref<!tpu.dma_semaphore, #tpu.memory_space<semaphore_mem>>) src(%dma_wait3A_1442 : memref<1x100xf32, #tpu.memory_space<hbm>>) dst(%dma_wait3A_1440 : memref<1x100xf32, #tpu.memory_space<vmem>>)
    %dma_wait3A_1443 = arith.constant 47 : i32
    %dma_wait3A_1444 = arith.constant 0 : i32
    %dma_wait3A_1445 = tpu.memref_slice %arg8[%dma_wait3A_1443, %dma_wait3A_1444] : memref<80x100xf32, #tpu.memory_space<vmem>> -> memref<1x100xf32, #tpu.memory_space<vmem>>
    %dma_wait3A_1446 = arith.constant 0 : i32
    %dma_wait3A_1447 = tpu.memref_slice %arg3[%squeeze3A_573, %dma_wait3A_1446] : memref<100000x100xf32, #tpu.memory_space<hbm>> -> memref<1x100xf32, #tpu.memory_space<hbm>>
    %dma_wait3A_1448 = arith.constant 47 : i32
    %dma_wait3A_1449 = arith.constant 0 : i32
    %dma_wait3A_1450 = tpu.memref_slice %arg8[%dma_wait3A_1448, %dma_wait3A_1449] : memref<80x100xf32, #tpu.memory_space<vmem>> -> memref<1x100xf32, #tpu.memory_space<vmem>>
    %dma_wait3A_1451 = arith.constant 0 : i32
    %dma_wait3A_1452 = tpu.memref_slice %arg3[%squeeze3A_573, %dma_wait3A_1451] : memref<100000x100xf32, #tpu.memory_space<hbm>> -> memref<1x100xf32, #tpu.memory_space<hbm>>
    tpu.wait_dma2 semaphore(%arg12 : memref<!tpu.dma_semaphore, #tpu.memory_space<semaphore_mem>>) src(%dma_wait3A_1452 : memref<1x100xf32, #tpu.memory_space<hbm>>) dst(%dma_wait3A_1450 : memref<1x100xf32, #tpu.memory_space<vmem>>)
    %dma_wait3A_1453 = arith.constant 48 : i32
    %dma_wait3A_1454 = arith.constant 0 : i32
    %dma_wait3A_1455 = tpu.memref_slice %arg8[%dma_wait3A_1453, %dma_wait3A_1454] : memref<80x100xf32, #tpu.memory_space<vmem>> -> memref<1x100xf32, #tpu.memory_space<vmem>>
    %dma_wait3A_1456 = arith.constant 0 : i32
    %dma_wait3A_1457 = tpu.memref_slice %arg3[%squeeze3A_588, %dma_wait3A_1456] : memref<100000x100xf32, #tpu.memory_space<hbm>> -> memref<1x100xf32, #tpu.memory_space<hbm>>
    %dma_wait3A_1458 = arith.constant 48 : i32
    %dma_wait3A_1459 = arith.constant 0 : i32
    %dma_wait3A_1460 = tpu.memref_slice %arg8[%dma_wait3A_1458, %dma_wait3A_1459] : memref<80x100xf32, #tpu.memory_space<vmem>> -> memref<1x100xf32, #tpu.memory_space<vmem>>
    %dma_wait3A_1461 = arith.constant 0 : i32
    %dma_wait3A_1462 = tpu.memref_slice %arg3[%squeeze3A_588, %dma_wait3A_1461] : memref<100000x100xf32, #tpu.memory_space<hbm>> -> memref<1x100xf32, #tpu.memory_space<hbm>>
    tpu.wait_dma2 semaphore(%arg12 : memref<!tpu.dma_semaphore, #tpu.memory_space<semaphore_mem>>) src(%dma_wait3A_1462 : memref<1x100xf32, #tpu.memory_space<hbm>>) dst(%dma_wait3A_1460 : memref<1x100xf32, #tpu.memory_space<vmem>>)
    %dma_wait3A_1463 = arith.constant 49 : i32
    %dma_wait3A_1464 = arith.constant 0 : i32
    %dma_wait3A_1465 = tpu.memref_slice %arg8[%dma_wait3A_1463, %dma_wait3A_1464] : memref<80x100xf32, #tpu.memory_space<vmem>> -> memref<1x100xf32, #tpu.memory_space<vmem>>
    %dma_wait3A_1466 = arith.constant 0 : i32
    %dma_wait3A_1467 = tpu.memref_slice %arg3[%squeeze3A_600, %dma_wait3A_1466] : memref<100000x100xf32, #tpu.memory_space<hbm>> -> memref<1x100xf32, #tpu.memory_space<hbm>>
    %dma_wait3A_1468 = arith.constant 49 : i32
    %dma_wait3A_1469 = arith.constant 0 : i32
    %dma_wait3A_1470 = tpu.memref_slice %arg8[%dma_wait3A_1468, %dma_wait3A_1469] : memref<80x100xf32, #tpu.memory_space<vmem>> -> memref<1x100xf32, #tpu.memory_space<vmem>>
    %dma_wait3A_1471 = arith.constant 0 : i32
    %dma_wait3A_1472 = tpu.memref_slice %arg3[%squeeze3A_600, %dma_wait3A_1471] : memref<100000x100xf32, #tpu.memory_space<hbm>> -> memref<1x100xf32, #tpu.memory_space<hbm>>
    tpu.wait_dma2 semaphore(%arg12 : memref<!tpu.dma_semaphore, #tpu.memory_space<semaphore_mem>>) src(%dma_wait3A_1472 : memref<1x100xf32, #tpu.memory_space<hbm>>) dst(%dma_wait3A_1470 : memref<1x100xf32, #tpu.memory_space<vmem>>)
    %dma_wait3A_1473 = arith.constant 50 : i32
    %dma_wait3A_1474 = arith.constant 0 : i32
    %dma_wait3A_1475 = tpu.memref_slice %arg8[%dma_wait3A_1473, %dma_wait3A_1474] : memref<80x100xf32, #tpu.memory_space<vmem>> -> memref<1x100xf32, #tpu.memory_space<vmem>>
    %dma_wait3A_1476 = arith.constant 0 : i32
    %dma_wait3A_1477 = tpu.memref_slice %arg3[%squeeze3A_612, %dma_wait3A_1476] : memref<100000x100xf32, #tpu.memory_space<hbm>> -> memref<1x100xf32, #tpu.memory_space<hbm>>
    %dma_wait3A_1478 = arith.constant 50 : i32
    %dma_wait3A_1479 = arith.constant 0 : i32
    %dma_wait3A_1480 = tpu.memref_slice %arg8[%dma_wait3A_1478, %dma_wait3A_1479] : memref<80x100xf32, #tpu.memory_space<vmem>> -> memref<1x100xf32, #tpu.memory_space<vmem>>
    %dma_wait3A_1481 = arith.constant 0 : i32
    %dma_wait3A_1482 = tpu.memref_slice %arg3[%squeeze3A_612, %dma_wait3A_1481] : memref<100000x100xf32, #tpu.memory_space<hbm>> -> memref<1x100xf32, #tpu.memory_space<hbm>>
    tpu.wait_dma2 semaphore(%arg12 : memref<!tpu.dma_semaphore, #tpu.memory_space<semaphore_mem>>) src(%dma_wait3A_1482 : memref<1x100xf32, #tpu.memory_space<hbm>>) dst(%dma_wait3A_1480 : memref<1x100xf32, #tpu.memory_space<vmem>>)
    %dma_wait3A_1483 = arith.constant 51 : i32
    %dma_wait3A_1484 = arith.constant 0 : i32
    %dma_wait3A_1485 = tpu.memref_slice %arg8[%dma_wait3A_1483, %dma_wait3A_1484] : memref<80x100xf32, #tpu.memory_space<vmem>> -> memref<1x100xf32, #tpu.memory_space<vmem>>
    %dma_wait3A_1486 = arith.constant 0 : i32
    %dma_wait3A_1487 = tpu.memref_slice %arg3[%squeeze3A_624, %dma_wait3A_1486] : memref<100000x100xf32, #tpu.memory_space<hbm>> -> memref<1x100xf32, #tpu.memory_space<hbm>>
    %dma_wait3A_1488 = arith.constant 51 : i32
    %dma_wait3A_1489 = arith.constant 0 : i32
    %dma_wait3A_1490 = tpu.memref_slice %arg8[%dma_wait3A_1488, %dma_wait3A_1489] : memref<80x100xf32, #tpu.memory_space<vmem>> -> memref<1x100xf32, #tpu.memory_space<vmem>>
    %dma_wait3A_1491 = arith.constant 0 : i32
    %dma_wait3A_1492 = tpu.memref_slice %arg3[%squeeze3A_624, %dma_wait3A_1491] : memref<100000x100xf32, #tpu.memory_space<hbm>> -> memref<1x100xf32, #tpu.memory_space<hbm>>
    tpu.wait_dma2 semaphore(%arg12 : memref<!tpu.dma_semaphore, #tpu.memory_space<semaphore_mem>>) src(%dma_wait3A_1492 : memref<1x100xf32, #tpu.memory_space<hbm>>) dst(%dma_wait3A_1490 : memref<1x100xf32, #tpu.memory_space<vmem>>)
    %dma_wait3A_1493 = arith.constant 52 : i32
    %dma_wait3A_1494 = arith.constant 0 : i32
    %dma_wait3A_1495 = tpu.memref_slice %arg8[%dma_wait3A_1493, %dma_wait3A_1494] : memref<80x100xf32, #tpu.memory_space<vmem>> -> memref<1x100xf32, #tpu.memory_space<vmem>>
    %dma_wait3A_1496 = arith.constant 0 : i32
    %dma_wait3A_1497 = tpu.memref_slice %arg3[%squeeze3A_636, %dma_wait3A_1496] : memref<100000x100xf32, #tpu.memory_space<hbm>> -> memref<1x100xf32, #tpu.memory_space<hbm>>
    %dma_wait3A_1498 = arith.constant 52 : i32
    %dma_wait3A_1499 = arith.constant 0 : i32
    %dma_wait3A_1500 = tpu.memref_slice %arg8[%dma_wait3A_1498, %dma_wait3A_1499] : memref<80x100xf32, #tpu.memory_space<vmem>> -> memref<1x100xf32, #tpu.memory_space<vmem>>
    %dma_wait3A_1501 = arith.constant 0 : i32
    %dma_wait3A_1502 = tpu.memref_slice %arg3[%squeeze3A_636, %dma_wait3A_1501] : memref<100000x100xf32, #tpu.memory_space<hbm>> -> memref<1x100xf32, #tpu.memory_space<hbm>>
    tpu.wait_dma2 semaphore(%arg12 : memref<!tpu.dma_semaphore, #tpu.memory_space<semaphore_mem>>) src(%dma_wait3A_1502 : memref<1x100xf32, #tpu.memory_space<hbm>>) dst(%dma_wait3A_1500 : memref<1x100xf32, #tpu.memory_space<vmem>>)
    %dma_wait3A_1503 = arith.constant 53 : i32
    %dma_wait3A_1504 = arith.constant 0 : i32
    %dma_wait3A_1505 = tpu.memref_slice %arg8[%dma_wait3A_1503, %dma_wait3A_1504] : memref<80x100xf32, #tpu.memory_space<vmem>> -> memref<1x100xf32, #tpu.memory_space<vmem>>
    %dma_wait3A_1506 = arith.constant 0 : i32
    %dma_wait3A_1507 = tpu.memref_slice %arg3[%squeeze3A_648, %dma_wait3A_1506] : memref<100000x100xf32, #tpu.memory_space<hbm>> -> memref<1x100xf32, #tpu.memory_space<hbm>>
    %dma_wait3A_1508 = arith.constant 53 : i32
    %dma_wait3A_1509 = arith.constant 0 : i32
    %dma_wait3A_1510 = tpu.memref_slice %arg8[%dma_wait3A_1508, %dma_wait3A_1509] : memref<80x100xf32, #tpu.memory_space<vmem>> -> memref<1x100xf32, #tpu.memory_space<vmem>>
    %dma_wait3A_1511 = arith.constant 0 : i32
    %dma_wait3A_1512 = tpu.memref_slice %arg3[%squeeze3A_648, %dma_wait3A_1511] : memref<100000x100xf32, #tpu.memory_space<hbm>> -> memref<1x100xf32, #tpu.memory_space<hbm>>
    tpu.wait_dma2 semaphore(%arg12 : memref<!tpu.dma_semaphore, #tpu.memory_space<semaphore_mem>>) src(%dma_wait3A_1512 : memref<1x100xf32, #tpu.memory_space<hbm>>) dst(%dma_wait3A_1510 : memref<1x100xf32, #tpu.memory_space<vmem>>)
    %dma_wait3A_1513 = arith.constant 54 : i32
    %dma_wait3A_1514 = arith.constant 0 : i32
    %dma_wait3A_1515 = tpu.memref_slice %arg8[%dma_wait3A_1513, %dma_wait3A_1514] : memref<80x100xf32, #tpu.memory_space<vmem>> -> memref<1x100xf32, #tpu.memory_space<vmem>>
    %dma_wait3A_1516 = arith.constant 0 : i32
    %dma_wait3A_1517 = tpu.memref_slice %arg3[%squeeze3A_660, %dma_wait3A_1516] : memref<100000x100xf32, #tpu.memory_space<hbm>> -> memref<1x100xf32, #tpu.memory_space<hbm>>
    %dma_wait3A_1518 = arith.constant 54 : i32
    %dma_wait3A_1519 = arith.constant 0 : i32
    %dma_wait3A_1520 = tpu.memref_slice %arg8[%dma_wait3A_1518, %dma_wait3A_1519] : memref<80x100xf32, #tpu.memory_space<vmem>> -> memref<1x100xf32, #tpu.memory_space<vmem>>
    %dma_wait3A_1521 = arith.constant 0 : i32
    %dma_wait3A_1522 = tpu.memref_slice %arg3[%squeeze3A_660, %dma_wait3A_1521] : memref<100000x100xf32, #tpu.memory_space<hbm>> -> memref<1x100xf32, #tpu.memory_space<hbm>>
    tpu.wait_dma2 semaphore(%arg12 : memref<!tpu.dma_semaphore, #tpu.memory_space<semaphore_mem>>) src(%dma_wait3A_1522 : memref<1x100xf32, #tpu.memory_space<hbm>>) dst(%dma_wait3A_1520 : memref<1x100xf32, #tpu.memory_space<vmem>>)
    %dma_wait3A_1523 = arith.constant 55 : i32
    %dma_wait3A_1524 = arith.constant 0 : i32
    %dma_wait3A_1525 = tpu.memref_slice %arg8[%dma_wait3A_1523, %dma_wait3A_1524] : memref<80x100xf32, #tpu.memory_space<vmem>> -> memref<1x100xf32, #tpu.memory_space<vmem>>
    %dma_wait3A_1526 = arith.constant 0 : i32
    %dma_wait3A_1527 = tpu.memref_slice %arg3[%squeeze3A_672, %dma_wait3A_1526] : memref<100000x100xf32, #tpu.memory_space<hbm>> -> memref<1x100xf32, #tpu.memory_space<hbm>>
    %dma_wait3A_1528 = arith.constant 55 : i32
    %dma_wait3A_1529 = arith.constant 0 : i32
    %dma_wait3A_1530 = tpu.memref_slice %arg8[%dma_wait3A_1528, %dma_wait3A_1529] : memref<80x100xf32, #tpu.memory_space<vmem>> -> memref<1x100xf32, #tpu.memory_space<vmem>>
    %dma_wait3A_1531 = arith.constant 0 : i32
    %dma_wait3A_1532 = tpu.memref_slice %arg3[%squeeze3A_672, %dma_wait3A_1531] : memref<100000x100xf32, #tpu.memory_space<hbm>> -> memref<1x100xf32, #tpu.memory_space<hbm>>
    tpu.wait_dma2 semaphore(%arg12 : memref<!tpu.dma_semaphore, #tpu.memory_space<semaphore_mem>>) src(%dma_wait3A_1532 : memref<1x100xf32, #tpu.memory_space<hbm>>) dst(%dma_wait3A_1530 : memref<1x100xf32, #tpu.memory_space<vmem>>)
    %dma_wait3A_1533 = arith.constant 56 : i32
    %dma_wait3A_1534 = arith.constant 0 : i32
    %dma_wait3A_1535 = tpu.memref_slice %arg8[%dma_wait3A_1533, %dma_wait3A_1534] : memref<80x100xf32, #tpu.memory_space<vmem>> -> memref<1x100xf32, #tpu.memory_space<vmem>>
    %dma_wait3A_1536 = arith.constant 0 : i32
    %dma_wait3A_1537 = tpu.memref_slice %arg3[%squeeze3A_684, %dma_wait3A_1536] : memref<100000x100xf32, #tpu.memory_space<hbm>> -> memref<1x100xf32, #tpu.memory_space<hbm>>
    %dma_wait3A_1538 = arith.constant 56 : i32
    %dma_wait3A_1539 = arith.constant 0 : i32
    %dma_wait3A_1540 = tpu.memref_slice %arg8[%dma_wait3A_1538, %dma_wait3A_1539] : memref<80x100xf32, #tpu.memory_space<vmem>> -> memref<1x100xf32, #tpu.memory_space<vmem>>
    %dma_wait3A_1541 = arith.constant 0 : i32
    %dma_wait3A_1542 = tpu.memref_slice %arg3[%squeeze3A_684, %dma_wait3A_1541] : memref<100000x100xf32, #tpu.memory_space<hbm>> -> memref<1x100xf32, #tpu.memory_space<hbm>>
    tpu.wait_dma2 semaphore(%arg12 : memref<!tpu.dma_semaphore, #tpu.memory_space<semaphore_mem>>) src(%dma_wait3A_1542 : memref<1x100xf32, #tpu.memory_space<hbm>>) dst(%dma_wait3A_1540 : memref<1x100xf32, #tpu.memory_space<vmem>>)
    %dma_wait3A_1543 = arith.constant 57 : i32
    %dma_wait3A_1544 = arith.constant 0 : i32
    %dma_wait3A_1545 = tpu.memref_slice %arg8[%dma_wait3A_1543, %dma_wait3A_1544] : memref<80x100xf32, #tpu.memory_space<vmem>> -> memref<1x100xf32, #tpu.memory_space<vmem>>
    %dma_wait3A_1546 = arith.constant 0 : i32
    %dma_wait3A_1547 = tpu.memref_slice %arg3[%squeeze3A_696, %dma_wait3A_1546] : memref<100000x100xf32, #tpu.memory_space<hbm>> -> memref<1x100xf32, #tpu.memory_space<hbm>>
    %dma_wait3A_1548 = arith.constant 57 : i32
    %dma_wait3A_1549 = arith.constant 0 : i32
    %dma_wait3A_1550 = tpu.memref_slice %arg8[%dma_wait3A_1548, %dma_wait3A_1549] : memref<80x100xf32, #tpu.memory_space<vmem>> -> memref<1x100xf32, #tpu.memory_space<vmem>>
    %dma_wait3A_1551 = arith.constant 0 : i32
    %dma_wait3A_1552 = tpu.memref_slice %arg3[%squeeze3A_696, %dma_wait3A_1551] : memref<100000x100xf32, #tpu.memory_space<hbm>> -> memref<1x100xf32, #tpu.memory_space<hbm>>
    tpu.wait_dma2 semaphore(%arg12 : memref<!tpu.dma_semaphore, #tpu.memory_space<semaphore_mem>>) src(%dma_wait3A_1552 : memref<1x100xf32, #tpu.memory_space<hbm>>) dst(%dma_wait3A_1550 : memref<1x100xf32, #tpu.memory_space<vmem>>)
    %dma_wait3A_1553 = arith.constant 58 : i32
    %dma_wait3A_1554 = arith.constant 0 : i32
    %dma_wait3A_1555 = tpu.memref_slice %arg8[%dma_wait3A_1553, %dma_wait3A_1554] : memref<80x100xf32, #tpu.memory_space<vmem>> -> memref<1x100xf32, #tpu.memory_space<vmem>>
    %dma_wait3A_1556 = arith.constant 0 : i32
    %dma_wait3A_1557 = tpu.memref_slice %arg3[%squeeze3A_708, %dma_wait3A_1556] : memref<100000x100xf32, #tpu.memory_space<hbm>> -> memref<1x100xf32, #tpu.memory_space<hbm>>
    %dma_wait3A_1558 = arith.constant 58 : i32
    %dma_wait3A_1559 = arith.constant 0 : i32
    %dma_wait3A_1560 = tpu.memref_slice %arg8[%dma_wait3A_1558, %dma_wait3A_1559] : memref<80x100xf32, #tpu.memory_space<vmem>> -> memref<1x100xf32, #tpu.memory_space<vmem>>
    %dma_wait3A_1561 = arith.constant 0 : i32
    %dma_wait3A_1562 = tpu.memref_slice %arg3[%squeeze3A_708, %dma_wait3A_1561] : memref<100000x100xf32, #tpu.memory_space<hbm>> -> memref<1x100xf32, #tpu.memory_space<hbm>>
    tpu.wait_dma2 semaphore(%arg12 : memref<!tpu.dma_semaphore, #tpu.memory_space<semaphore_mem>>) src(%dma_wait3A_1562 : memref<1x100xf32, #tpu.memory_space<hbm>>) dst(%dma_wait3A_1560 : memref<1x100xf32, #tpu.memory_space<vmem>>)
    %dma_wait3A_1563 = arith.constant 59 : i32
    %dma_wait3A_1564 = arith.constant 0 : i32
    %dma_wait3A_1565 = tpu.memref_slice %arg8[%dma_wait3A_1563, %dma_wait3A_1564] : memref<80x100xf32, #tpu.memory_space<vmem>> -> memref<1x100xf32, #tpu.memory_space<vmem>>
    %dma_wait3A_1566 = arith.constant 0 : i32
    %dma_wait3A_1567 = tpu.memref_slice %arg3[%squeeze3A_720, %dma_wait3A_1566] : memref<100000x100xf32, #tpu.memory_space<hbm>> -> memref<1x100xf32, #tpu.memory_space<hbm>>
    %dma_wait3A_1568 = arith.constant 59 : i32
    %dma_wait3A_1569 = arith.constant 0 : i32
    %dma_wait3A_1570 = tpu.memref_slice %arg8[%dma_wait3A_1568, %dma_wait3A_1569] : memref<80x100xf32, #tpu.memory_space<vmem>> -> memref<1x100xf32, #tpu.memory_space<vmem>>
    %dma_wait3A_1571 = arith.constant 0 : i32
    %dma_wait3A_1572 = tpu.memref_slice %arg3[%squeeze3A_720, %dma_wait3A_1571] : memref<100000x100xf32, #tpu.memory_space<hbm>> -> memref<1x100xf32, #tpu.memory_space<hbm>>
    tpu.wait_dma2 semaphore(%arg12 : memref<!tpu.dma_semaphore, #tpu.memory_space<semaphore_mem>>) src(%dma_wait3A_1572 : memref<1x100xf32, #tpu.memory_space<hbm>>) dst(%dma_wait3A_1570 : memref<1x100xf32, #tpu.memory_space<vmem>>)
    %dma_wait3A_1573 = arith.constant 60 : i32
    %dma_wait3A_1574 = arith.constant 0 : i32
    %dma_wait3A_1575 = tpu.memref_slice %arg8[%dma_wait3A_1573, %dma_wait3A_1574] : memref<80x100xf32, #tpu.memory_space<vmem>> -> memref<1x100xf32, #tpu.memory_space<vmem>>
    %dma_wait3A_1576 = arith.constant 0 : i32
    %dma_wait3A_1577 = tpu.memref_slice %arg3[%squeeze3A_732, %dma_wait3A_1576] : memref<100000x100xf32, #tpu.memory_space<hbm>> -> memref<1x100xf32, #tpu.memory_space<hbm>>
    %dma_wait3A_1578 = arith.constant 60 : i32
    %dma_wait3A_1579 = arith.constant 0 : i32
    %dma_wait3A_1580 = tpu.memref_slice %arg8[%dma_wait3A_1578, %dma_wait3A_1579] : memref<80x100xf32, #tpu.memory_space<vmem>> -> memref<1x100xf32, #tpu.memory_space<vmem>>
    %dma_wait3A_1581 = arith.constant 0 : i32
    %dma_wait3A_1582 = tpu.memref_slice %arg3[%squeeze3A_732, %dma_wait3A_1581] : memref<100000x100xf32, #tpu.memory_space<hbm>> -> memref<1x100xf32, #tpu.memory_space<hbm>>
    tpu.wait_dma2 semaphore(%arg12 : memref<!tpu.dma_semaphore, #tpu.memory_space<semaphore_mem>>) src(%dma_wait3A_1582 : memref<1x100xf32, #tpu.memory_space<hbm>>) dst(%dma_wait3A_1580 : memref<1x100xf32, #tpu.memory_space<vmem>>)
    %dma_wait3A_1583 = arith.constant 61 : i32
    %dma_wait3A_1584 = arith.constant 0 : i32
    %dma_wait3A_1585 = tpu.memref_slice %arg8[%dma_wait3A_1583, %dma_wait3A_1584] : memref<80x100xf32, #tpu.memory_space<vmem>> -> memref<1x100xf32, #tpu.memory_space<vmem>>
    %dma_wait3A_1586 = arith.constant 0 : i32
    %dma_wait3A_1587 = tpu.memref_slice %arg3[%squeeze3A_744, %dma_wait3A_1586] : memref<100000x100xf32, #tpu.memory_space<hbm>> -> memref<1x100xf32, #tpu.memory_space<hbm>>
    %dma_wait3A_1588 = arith.constant 61 : i32
    %dma_wait3A_1589 = arith.constant 0 : i32
    %dma_wait3A_1590 = tpu.memref_slice %arg8[%dma_wait3A_1588, %dma_wait3A_1589] : memref<80x100xf32, #tpu.memory_space<vmem>> -> memref<1x100xf32, #tpu.memory_space<vmem>>
    %dma_wait3A_1591 = arith.constant 0 : i32
    %dma_wait3A_1592 = tpu.memref_slice %arg3[%squeeze3A_744, %dma_wait3A_1591] : memref<100000x100xf32, #tpu.memory_space<hbm>> -> memref<1x100xf32, #tpu.memory_space<hbm>>
    tpu.wait_dma2 semaphore(%arg12 : memref<!tpu.dma_semaphore, #tpu.memory_space<semaphore_mem>>) src(%dma_wait3A_1592 : memref<1x100xf32, #tpu.memory_space<hbm>>) dst(%dma_wait3A_1590 : memref<1x100xf32, #tpu.memory_space<vmem>>)
    %dma_wait3A_1593 = arith.constant 62 : i32
    %dma_wait3A_1594 = arith.constant 0 : i32
    %dma_wait3A_1595 = tpu.memref_slice %arg8[%dma_wait3A_1593, %dma_wait3A_1594] : memref<80x100xf32, #tpu.memory_space<vmem>> -> memref<1x100xf32, #tpu.memory_space<vmem>>
    %dma_wait3A_1596 = arith.constant 0 : i32
    %dma_wait3A_1597 = tpu.memref_slice %arg3[%squeeze3A_756, %dma_wait3A_1596] : memref<100000x100xf32, #tpu.memory_space<hbm>> -> memref<1x100xf32, #tpu.memory_space<hbm>>
    %dma_wait3A_1598 = arith.constant 62 : i32
    %dma_wait3A_1599 = arith.constant 0 : i32
    %dma_wait3A_1600 = tpu.memref_slice %arg8[%dma_wait3A_1598, %dma_wait3A_1599] : memref<80x100xf32, #tpu.memory_space<vmem>> -> memref<1x100xf32, #tpu.memory_space<vmem>>
    %dma_wait3A_1601 = arith.constant 0 : i32
    %dma_wait3A_1602 = tpu.memref_slice %arg3[%squeeze3A_756, %dma_wait3A_1601] : memref<100000x100xf32, #tpu.memory_space<hbm>> -> memref<1x100xf32, #tpu.memory_space<hbm>>
    tpu.wait_dma2 semaphore(%arg12 : memref<!tpu.dma_semaphore, #tpu.memory_space<semaphore_mem>>) src(%dma_wait3A_1602 : memref<1x100xf32, #tpu.memory_space<hbm>>) dst(%dma_wait3A_1600 : memref<1x100xf32, #tpu.memory_space<vmem>>)
    %dma_wait3A_1603 = arith.constant 63 : i32
    %dma_wait3A_1604 = arith.constant 0 : i32
    %dma_wait3A_1605 = tpu.memref_slice %arg8[%dma_wait3A_1603, %dma_wait3A_1604] : memref<80x100xf32, #tpu.memory_space<vmem>> -> memref<1x100xf32, #tpu.memory_space<vmem>>
    %dma_wait3A_1606 = arith.constant 0 : i32
    %dma_wait3A_1607 = tpu.memref_slice %arg3[%squeeze3A_768, %dma_wait3A_1606] : memref<100000x100xf32, #tpu.memory_space<hbm>> -> memref<1x100xf32, #tpu.memory_space<hbm>>
    %dma_wait3A_1608 = arith.constant 63 : i32
    %dma_wait3A_1609 = arith.constant 0 : i32
    %dma_wait3A_1610 = tpu.memref_slice %arg8[%dma_wait3A_1608, %dma_wait3A_1609] : memref<80x100xf32, #tpu.memory_space<vmem>> -> memref<1x100xf32, #tpu.memory_space<vmem>>
    %dma_wait3A_1611 = arith.constant 0 : i32
    %dma_wait3A_1612 = tpu.memref_slice %arg3[%squeeze3A_768, %dma_wait3A_1611] : memref<100000x100xf32, #tpu.memory_space<hbm>> -> memref<1x100xf32, #tpu.memory_space<hbm>>
    tpu.wait_dma2 semaphore(%arg12 : memref<!tpu.dma_semaphore, #tpu.memory_space<semaphore_mem>>) src(%dma_wait3A_1612 : memref<1x100xf32, #tpu.memory_space<hbm>>) dst(%dma_wait3A_1610 : memref<1x100xf32, #tpu.memory_space<vmem>>)
    %dma_wait3A_1613 = arith.constant 64 : i32
    %dma_wait3A_1614 = arith.constant 0 : i32
    %dma_wait3A_1615 = tpu.memref_slice %arg8[%dma_wait3A_1613, %dma_wait3A_1614] : memref<80x100xf32, #tpu.memory_space<vmem>> -> memref<1x100xf32, #tpu.memory_space<vmem>>
    %dma_wait3A_1616 = arith.constant 0 : i32
    %dma_wait3A_1617 = tpu.memref_slice %arg3[%squeeze3A_783, %dma_wait3A_1616] : memref<100000x100xf32, #tpu.memory_space<hbm>> -> memref<1x100xf32, #tpu.memory_space<hbm>>
    %dma_wait3A_1618 = arith.constant 64 : i32
    %dma_wait3A_1619 = arith.constant 0 : i32
    %dma_wait3A_1620 = tpu.memref_slice %arg8[%dma_wait3A_1618, %dma_wait3A_1619] : memref<80x100xf32, #tpu.memory_space<vmem>> -> memref<1x100xf32, #tpu.memory_space<vmem>>
    %dma_wait3A_1621 = arith.constant 0 : i32
    %dma_wait3A_1622 = tpu.memref_slice %arg3[%squeeze3A_783, %dma_wait3A_1621] : memref<100000x100xf32, #tpu.memory_space<hbm>> -> memref<1x100xf32, #tpu.memory_space<hbm>>
    tpu.wait_dma2 semaphore(%arg12 : memref<!tpu.dma_semaphore, #tpu.memory_space<semaphore_mem>>) src(%dma_wait3A_1622 : memref<1x100xf32, #tpu.memory_space<hbm>>) dst(%dma_wait3A_1620 : memref<1x100xf32, #tpu.memory_space<vmem>>)
    %dma_wait3A_1623 = arith.constant 65 : i32
    %dma_wait3A_1624 = arith.constant 0 : i32
    %dma_wait3A_1625 = tpu.memref_slice %arg8[%dma_wait3A_1623, %dma_wait3A_1624] : memref<80x100xf32, #tpu.memory_space<vmem>> -> memref<1x100xf32, #tpu.memory_space<vmem>>
    %dma_wait3A_1626 = arith.constant 0 : i32
    %dma_wait3A_1627 = tpu.memref_slice %arg3[%squeeze3A_795, %dma_wait3A_1626] : memref<100000x100xf32, #tpu.memory_space<hbm>> -> memref<1x100xf32, #tpu.memory_space<hbm>>
    %dma_wait3A_1628 = arith.constant 65 : i32
    %dma_wait3A_1629 = arith.constant 0 : i32
    %dma_wait3A_1630 = tpu.memref_slice %arg8[%dma_wait3A_1628, %dma_wait3A_1629] : memref<80x100xf32, #tpu.memory_space<vmem>> -> memref<1x100xf32, #tpu.memory_space<vmem>>
    %dma_wait3A_1631 = arith.constant 0 : i32
    %dma_wait3A_1632 = tpu.memref_slice %arg3[%squeeze3A_795, %dma_wait3A_1631] : memref<100000x100xf32, #tpu.memory_space<hbm>> -> memref<1x100xf32, #tpu.memory_space<hbm>>
    tpu.wait_dma2 semaphore(%arg12 : memref<!tpu.dma_semaphore, #tpu.memory_space<semaphore_mem>>) src(%dma_wait3A_1632 : memref<1x100xf32, #tpu.memory_space<hbm>>) dst(%dma_wait3A_1630 : memref<1x100xf32, #tpu.memory_space<vmem>>)
    %dma_wait3A_1633 = arith.constant 66 : i32
    %dma_wait3A_1634 = arith.constant 0 : i32
    %dma_wait3A_1635 = tpu.memref_slice %arg8[%dma_wait3A_1633, %dma_wait3A_1634] : memref<80x100xf32, #tpu.memory_space<vmem>> -> memref<1x100xf32, #tpu.memory_space<vmem>>
    %dma_wait3A_1636 = arith.constant 0 : i32
    %dma_wait3A_1637 = tpu.memref_slice %arg3[%squeeze3A_807, %dma_wait3A_1636] : memref<100000x100xf32, #tpu.memory_space<hbm>> -> memref<1x100xf32, #tpu.memory_space<hbm>>
    %dma_wait3A_1638 = arith.constant 66 : i32
    %dma_wait3A_1639 = arith.constant 0 : i32
    %dma_wait3A_1640 = tpu.memref_slice %arg8[%dma_wait3A_1638, %dma_wait3A_1639] : memref<80x100xf32, #tpu.memory_space<vmem>> -> memref<1x100xf32, #tpu.memory_space<vmem>>
    %dma_wait3A_1641 = arith.constant 0 : i32
    %dma_wait3A_1642 = tpu.memref_slice %arg3[%squeeze3A_807, %dma_wait3A_1641] : memref<100000x100xf32, #tpu.memory_space<hbm>> -> memref<1x100xf32, #tpu.memory_space<hbm>>
    tpu.wait_dma2 semaphore(%arg12 : memref<!tpu.dma_semaphore, #tpu.memory_space<semaphore_mem>>) src(%dma_wait3A_1642 : memref<1x100xf32, #tpu.memory_space<hbm>>) dst(%dma_wait3A_1640 : memref<1x100xf32, #tpu.memory_space<vmem>>)
    %dma_wait3A_1643 = arith.constant 67 : i32
    %dma_wait3A_1644 = arith.constant 0 : i32
    %dma_wait3A_1645 = tpu.memref_slice %arg8[%dma_wait3A_1643, %dma_wait3A_1644] : memref<80x100xf32, #tpu.memory_space<vmem>> -> memref<1x100xf32, #tpu.memory_space<vmem>>
    %dma_wait3A_1646 = arith.constant 0 : i32
    %dma_wait3A_1647 = tpu.memref_slice %arg3[%squeeze3A_819, %dma_wait3A_1646] : memref<100000x100xf32, #tpu.memory_space<hbm>> -> memref<1x100xf32, #tpu.memory_space<hbm>>
    %dma_wait3A_1648 = arith.constant 67 : i32
    %dma_wait3A_1649 = arith.constant 0 : i32
    %dma_wait3A_1650 = tpu.memref_slice %arg8[%dma_wait3A_1648, %dma_wait3A_1649] : memref<80x100xf32, #tpu.memory_space<vmem>> -> memref<1x100xf32, #tpu.memory_space<vmem>>
    %dma_wait3A_1651 = arith.constant 0 : i32
    %dma_wait3A_1652 = tpu.memref_slice %arg3[%squeeze3A_819, %dma_wait3A_1651] : memref<100000x100xf32, #tpu.memory_space<hbm>> -> memref<1x100xf32, #tpu.memory_space<hbm>>
    tpu.wait_dma2 semaphore(%arg12 : memref<!tpu.dma_semaphore, #tpu.memory_space<semaphore_mem>>) src(%dma_wait3A_1652 : memref<1x100xf32, #tpu.memory_space<hbm>>) dst(%dma_wait3A_1650 : memref<1x100xf32, #tpu.memory_space<vmem>>)
    %dma_wait3A_1653 = arith.constant 68 : i32
    %dma_wait3A_1654 = arith.constant 0 : i32
    %dma_wait3A_1655 = tpu.memref_slice %arg8[%dma_wait3A_1653, %dma_wait3A_1654] : memref<80x100xf32, #tpu.memory_space<vmem>> -> memref<1x100xf32, #tpu.memory_space<vmem>>
    %dma_wait3A_1656 = arith.constant 0 : i32
    %dma_wait3A_1657 = tpu.memref_slice %arg3[%squeeze3A_831, %dma_wait3A_1656] : memref<100000x100xf32, #tpu.memory_space<hbm>> -> memref<1x100xf32, #tpu.memory_space<hbm>>
    %dma_wait3A_1658 = arith.constant 68 : i32
    %dma_wait3A_1659 = arith.constant 0 : i32
    %dma_wait3A_1660 = tpu.memref_slice %arg8[%dma_wait3A_1658, %dma_wait3A_1659] : memref<80x100xf32, #tpu.memory_space<vmem>> -> memref<1x100xf32, #tpu.memory_space<vmem>>
    %dma_wait3A_1661 = arith.constant 0 : i32
    %dma_wait3A_1662 = tpu.memref_slice %arg3[%squeeze3A_831, %dma_wait3A_1661] : memref<100000x100xf32, #tpu.memory_space<hbm>> -> memref<1x100xf32, #tpu.memory_space<hbm>>
    tpu.wait_dma2 semaphore(%arg12 : memref<!tpu.dma_semaphore, #tpu.memory_space<semaphore_mem>>) src(%dma_wait3A_1662 : memref<1x100xf32, #tpu.memory_space<hbm>>) dst(%dma_wait3A_1660 : memref<1x100xf32, #tpu.memory_space<vmem>>)
    %dma_wait3A_1663 = arith.constant 69 : i32
    %dma_wait3A_1664 = arith.constant 0 : i32
    %dma_wait3A_1665 = tpu.memref_slice %arg8[%dma_wait3A_1663, %dma_wait3A_1664] : memref<80x100xf32, #tpu.memory_space<vmem>> -> memref<1x100xf32, #tpu.memory_space<vmem>>
    %dma_wait3A_1666 = arith.constant 0 : i32
    %dma_wait3A_1667 = tpu.memref_slice %arg3[%squeeze3A_843, %dma_wait3A_1666] : memref<100000x100xf32, #tpu.memory_space<hbm>> -> memref<1x100xf32, #tpu.memory_space<hbm>>
    %dma_wait3A_1668 = arith.constant 69 : i32
    %dma_wait3A_1669 = arith.constant 0 : i32
    %dma_wait3A_1670 = tpu.memref_slice %arg8[%dma_wait3A_1668, %dma_wait3A_1669] : memref<80x100xf32, #tpu.memory_space<vmem>> -> memref<1x100xf32, #tpu.memory_space<vmem>>
    %dma_wait3A_1671 = arith.constant 0 : i32
    %dma_wait3A_1672 = tpu.memref_slice %arg3[%squeeze3A_843, %dma_wait3A_1671] : memref<100000x100xf32, #tpu.memory_space<hbm>> -> memref<1x100xf32, #tpu.memory_space<hbm>>
    tpu.wait_dma2 semaphore(%arg12 : memref<!tpu.dma_semaphore, #tpu.memory_space<semaphore_mem>>) src(%dma_wait3A_1672 : memref<1x100xf32, #tpu.memory_space<hbm>>) dst(%dma_wait3A_1670 : memref<1x100xf32, #tpu.memory_space<vmem>>)
    %dma_wait3A_1673 = arith.constant 70 : i32
    %dma_wait3A_1674 = arith.constant 0 : i32
    %dma_wait3A_1675 = tpu.memref_slice %arg8[%dma_wait3A_1673, %dma_wait3A_1674] : memref<80x100xf32, #tpu.memory_space<vmem>> -> memref<1x100xf32, #tpu.memory_space<vmem>>
    %dma_wait3A_1676 = arith.constant 0 : i32
    %dma_wait3A_1677 = tpu.memref_slice %arg3[%squeeze3A_855, %dma_wait3A_1676] : memref<100000x100xf32, #tpu.memory_space<hbm>> -> memref<1x100xf32, #tpu.memory_space<hbm>>
    %dma_wait3A_1678 = arith.constant 70 : i32
    %dma_wait3A_1679 = arith.constant 0 : i32
    %dma_wait3A_1680 = tpu.memref_slice %arg8[%dma_wait3A_1678, %dma_wait3A_1679] : memref<80x100xf32, #tpu.memory_space<vmem>> -> memref<1x100xf32, #tpu.memory_space<vmem>>
    %dma_wait3A_1681 = arith.constant 0 : i32
    %dma_wait3A_1682 = tpu.memref_slice %arg3[%squeeze3A_855, %dma_wait3A_1681] : memref<100000x100xf32, #tpu.memory_space<hbm>> -> memref<1x100xf32, #tpu.memory_space<hbm>>
    tpu.wait_dma2 semaphore(%arg12 : memref<!tpu.dma_semaphore, #tpu.memory_space<semaphore_mem>>) src(%dma_wait3A_1682 : memref<1x100xf32, #tpu.memory_space<hbm>>) dst(%dma_wait3A_1680 : memref<1x100xf32, #tpu.memory_space<vmem>>)
    %dma_wait3A_1683 = arith.constant 71 : i32
    %dma_wait3A_1684 = arith.constant 0 : i32
    %dma_wait3A_1685 = tpu.memref_slice %arg8[%dma_wait3A_1683, %dma_wait3A_1684] : memref<80x100xf32, #tpu.memory_space<vmem>> -> memref<1x100xf32, #tpu.memory_space<vmem>>
    %dma_wait3A_1686 = arith.constant 0 : i32
    %dma_wait3A_1687 = tpu.memref_slice %arg3[%squeeze3A_867, %dma_wait3A_1686] : memref<100000x100xf32, #tpu.memory_space<hbm>> -> memref<1x100xf32, #tpu.memory_space<hbm>>
    %dma_wait3A_1688 = arith.constant 71 : i32
    %dma_wait3A_1689 = arith.constant 0 : i32
    %dma_wait3A_1690 = tpu.memref_slice %arg8[%dma_wait3A_1688, %dma_wait3A_1689] : memref<80x100xf32, #tpu.memory_space<vmem>> -> memref<1x100xf32, #tpu.memory_space<vmem>>
    %dma_wait3A_1691 = arith.constant 0 : i32
    %dma_wait3A_1692 = tpu.memref_slice %arg3[%squeeze3A_867, %dma_wait3A_1691] : memref<100000x100xf32, #tpu.memory_space<hbm>> -> memref<1x100xf32, #tpu.memory_space<hbm>>
    tpu.wait_dma2 semaphore(%arg12 : memref<!tpu.dma_semaphore, #tpu.memory_space<semaphore_mem>>) src(%dma_wait3A_1692 : memref<1x100xf32, #tpu.memory_space<hbm>>) dst(%dma_wait3A_1690 : memref<1x100xf32, #tpu.memory_space<vmem>>)
    %dma_wait3A_1693 = arith.constant 72 : i32
    %dma_wait3A_1694 = arith.constant 0 : i32
    %dma_wait3A_1695 = tpu.memref_slice %arg8[%dma_wait3A_1693, %dma_wait3A_1694] : memref<80x100xf32, #tpu.memory_space<vmem>> -> memref<1x100xf32, #tpu.memory_space<vmem>>
    %dma_wait3A_1696 = arith.constant 0 : i32
    %dma_wait3A_1697 = tpu.memref_slice %arg3[%squeeze3A_879, %dma_wait3A_1696] : memref<100000x100xf32, #tpu.memory_space<hbm>> -> memref<1x100xf32, #tpu.memory_space<hbm>>
    %dma_wait3A_1698 = arith.constant 72 : i32
    %dma_wait3A_1699 = arith.constant 0 : i32
    %dma_wait3A_1700 = tpu.memref_slice %arg8[%dma_wait3A_1698, %dma_wait3A_1699] : memref<80x100xf32, #tpu.memory_space<vmem>> -> memref<1x100xf32, #tpu.memory_space<vmem>>
    %dma_wait3A_1701 = arith.constant 0 : i32
    %dma_wait3A_1702 = tpu.memref_slice %arg3[%squeeze3A_879, %dma_wait3A_1701] : memref<100000x100xf32, #tpu.memory_space<hbm>> -> memref<1x100xf32, #tpu.memory_space<hbm>>
    tpu.wait_dma2 semaphore(%arg12 : memref<!tpu.dma_semaphore, #tpu.memory_space<semaphore_mem>>) src(%dma_wait3A_1702 : memref<1x100xf32, #tpu.memory_space<hbm>>) dst(%dma_wait3A_1700 : memref<1x100xf32, #tpu.memory_space<vmem>>)
    %dma_wait3A_1703 = arith.constant 73 : i32
    %dma_wait3A_1704 = arith.constant 0 : i32
    %dma_wait3A_1705 = tpu.memref_slice %arg8[%dma_wait3A_1703, %dma_wait3A_1704] : memref<80x100xf32, #tpu.memory_space<vmem>> -> memref<1x100xf32, #tpu.memory_space<vmem>>
    %dma_wait3A_1706 = arith.constant 0 : i32
    %dma_wait3A_1707 = tpu.memref_slice %arg3[%squeeze3A_891, %dma_wait3A_1706] : memref<100000x100xf32, #tpu.memory_space<hbm>> -> memref<1x100xf32, #tpu.memory_space<hbm>>
    %dma_wait3A_1708 = arith.constant 73 : i32
    %dma_wait3A_1709 = arith.constant 0 : i32
    %dma_wait3A_1710 = tpu.memref_slice %arg8[%dma_wait3A_1708, %dma_wait3A_1709] : memref<80x100xf32, #tpu.memory_space<vmem>> -> memref<1x100xf32, #tpu.memory_space<vmem>>
    %dma_wait3A_1711 = arith.constant 0 : i32
    %dma_wait3A_1712 = tpu.memref_slice %arg3[%squeeze3A_891, %dma_wait3A_1711] : memref<100000x100xf32, #tpu.memory_space<hbm>> -> memref<1x100xf32, #tpu.memory_space<hbm>>
    tpu.wait_dma2 semaphore(%arg12 : memref<!tpu.dma_semaphore, #tpu.memory_space<semaphore_mem>>) src(%dma_wait3A_1712 : memref<1x100xf32, #tpu.memory_space<hbm>>) dst(%dma_wait3A_1710 : memref<1x100xf32, #tpu.memory_space<vmem>>)
    %dma_wait3A_1713 = arith.constant 74 : i32
    %dma_wait3A_1714 = arith.constant 0 : i32
    %dma_wait3A_1715 = tpu.memref_slice %arg8[%dma_wait3A_1713, %dma_wait3A_1714] : memref<80x100xf32, #tpu.memory_space<vmem>> -> memref<1x100xf32, #tpu.memory_space<vmem>>
    %dma_wait3A_1716 = arith.constant 0 : i32
    %dma_wait3A_1717 = tpu.memref_slice %arg3[%squeeze3A_903, %dma_wait3A_1716] : memref<100000x100xf32, #tpu.memory_space<hbm>> -> memref<1x100xf32, #tpu.memory_space<hbm>>
    %dma_wait3A_1718 = arith.constant 74 : i32
    %dma_wait3A_1719 = arith.constant 0 : i32
    %dma_wait3A_1720 = tpu.memref_slice %arg8[%dma_wait3A_1718, %dma_wait3A_1719] : memref<80x100xf32, #tpu.memory_space<vmem>> -> memref<1x100xf32, #tpu.memory_space<vmem>>
    %dma_wait3A_1721 = arith.constant 0 : i32
    %dma_wait3A_1722 = tpu.memref_slice %arg3[%squeeze3A_903, %dma_wait3A_1721] : memref<100000x100xf32, #tpu.memory_space<hbm>> -> memref<1x100xf32, #tpu.memory_space<hbm>>
    tpu.wait_dma2 semaphore(%arg12 : memref<!tpu.dma_semaphore, #tpu.memory_space<semaphore_mem>>) src(%dma_wait3A_1722 : memref<1x100xf32, #tpu.memory_space<hbm>>) dst(%dma_wait3A_1720 : memref<1x100xf32, #tpu.memory_space<vmem>>)
    %dma_wait3A_1723 = arith.constant 75 : i32
    %dma_wait3A_1724 = arith.constant 0 : i32
    %dma_wait3A_1725 = tpu.memref_slice %arg8[%dma_wait3A_1723, %dma_wait3A_1724] : memref<80x100xf32, #tpu.memory_space<vmem>> -> memref<1x100xf32, #tpu.memory_space<vmem>>
    %dma_wait3A_1726 = arith.constant 0 : i32
    %dma_wait3A_1727 = tpu.memref_slice %arg3[%squeeze3A_915, %dma_wait3A_1726] : memref<100000x100xf32, #tpu.memory_space<hbm>> -> memref<1x100xf32, #tpu.memory_space<hbm>>
    %dma_wait3A_1728 = arith.constant 75 : i32
    %dma_wait3A_1729 = arith.constant 0 : i32
    %dma_wait3A_1730 = tpu.memref_slice %arg8[%dma_wait3A_1728, %dma_wait3A_1729] : memref<80x100xf32, #tpu.memory_space<vmem>> -> memref<1x100xf32, #tpu.memory_space<vmem>>
    %dma_wait3A_1731 = arith.constant 0 : i32
    %dma_wait3A_1732 = tpu.memref_slice %arg3[%squeeze3A_915, %dma_wait3A_1731] : memref<100000x100xf32, #tpu.memory_space<hbm>> -> memref<1x100xf32, #tpu.memory_space<hbm>>
    tpu.wait_dma2 semaphore(%arg12 : memref<!tpu.dma_semaphore, #tpu.memory_space<semaphore_mem>>) src(%dma_wait3A_1732 : memref<1x100xf32, #tpu.memory_space<hbm>>) dst(%dma_wait3A_1730 : memref<1x100xf32, #tpu.memory_space<vmem>>)
    %dma_wait3A_1733 = arith.constant 76 : i32
    %dma_wait3A_1734 = arith.constant 0 : i32
    %dma_wait3A_1735 = tpu.memref_slice %arg8[%dma_wait3A_1733, %dma_wait3A_1734] : memref<80x100xf32, #tpu.memory_space<vmem>> -> memref<1x100xf32, #tpu.memory_space<vmem>>
    %dma_wait3A_1736 = arith.constant 0 : i32
    %dma_wait3A_1737 = tpu.memref_slice %arg3[%squeeze3A_927, %dma_wait3A_1736] : memref<100000x100xf32, #tpu.memory_space<hbm>> -> memref<1x100xf32, #tpu.memory_space<hbm>>
    %dma_wait3A_1738 = arith.constant 76 : i32
    %dma_wait3A_1739 = arith.constant 0 : i32
    %dma_wait3A_1740 = tpu.memref_slice %arg8[%dma_wait3A_1738, %dma_wait3A_1739] : memref<80x100xf32, #tpu.memory_space<vmem>> -> memref<1x100xf32, #tpu.memory_space<vmem>>
    %dma_wait3A_1741 = arith.constant 0 : i32
    %dma_wait3A_1742 = tpu.memref_slice %arg3[%squeeze3A_927, %dma_wait3A_1741] : memref<100000x100xf32, #tpu.memory_space<hbm>> -> memref<1x100xf32, #tpu.memory_space<hbm>>
    tpu.wait_dma2 semaphore(%arg12 : memref<!tpu.dma_semaphore, #tpu.memory_space<semaphore_mem>>) src(%dma_wait3A_1742 : memref<1x100xf32, #tpu.memory_space<hbm>>) dst(%dma_wait3A_1740 : memref<1x100xf32, #tpu.memory_space<vmem>>)
    %dma_wait3A_1743 = arith.constant 77 : i32
    %dma_wait3A_1744 = arith.constant 0 : i32
    %dma_wait3A_1745 = tpu.memref_slice %arg8[%dma_wait3A_1743, %dma_wait3A_1744] : memref<80x100xf32, #tpu.memory_space<vmem>> -> memref<1x100xf32, #tpu.memory_space<vmem>>
    %dma_wait3A_1746 = arith.constant 0 : i32
    %dma_wait3A_1747 = tpu.memref_slice %arg3[%squeeze3A_939, %dma_wait3A_1746] : memref<100000x100xf32, #tpu.memory_space<hbm>> -> memref<1x100xf32, #tpu.memory_space<hbm>>
    %dma_wait3A_1748 = arith.constant 77 : i32
    %dma_wait3A_1749 = arith.constant 0 : i32
    %dma_wait3A_1750 = tpu.memref_slice %arg8[%dma_wait3A_1748, %dma_wait3A_1749] : memref<80x100xf32, #tpu.memory_space<vmem>> -> memref<1x100xf32, #tpu.memory_space<vmem>>
    %dma_wait3A_1751 = arith.constant 0 : i32
    %dma_wait3A_1752 = tpu.memref_slice %arg3[%squeeze3A_939, %dma_wait3A_1751] : memref<100000x100xf32, #tpu.memory_space<hbm>> -> memref<1x100xf32, #tpu.memory_space<hbm>>
    tpu.wait_dma2 semaphore(%arg12 : memref<!tpu.dma_semaphore, #tpu.memory_space<semaphore_mem>>) src(%dma_wait3A_1752 : memref<1x100xf32, #tpu.memory_space<hbm>>) dst(%dma_wait3A_1750 : memref<1x100xf32, #tpu.memory_space<vmem>>)
    %dma_wait3A_1753 = arith.constant 78 : i32
    %dma_wait3A_1754 = arith.constant 0 : i32
    %dma_wait3A_1755 = tpu.memref_slice %arg8[%dma_wait3A_1753, %dma_wait3A_1754] : memref<80x100xf32, #tpu.memory_space<vmem>> -> memref<1x100xf32, #tpu.memory_space<vmem>>
    %dma_wait3A_1756 = arith.constant 0 : i32
    %dma_wait3A_1757 = tpu.memref_slice %arg3[%squeeze3A_951, %dma_wait3A_1756] : memref<100000x100xf32, #tpu.memory_space<hbm>> -> memref<1x100xf32, #tpu.memory_space<hbm>>
    %dma_wait3A_1758 = arith.constant 78 : i32
    %dma_wait3A_1759 = arith.constant 0 : i32
    %dma_wait3A_1760 = tpu.memref_slice %arg8[%dma_wait3A_1758, %dma_wait3A_1759] : memref<80x100xf32, #tpu.memory_space<vmem>> -> memref<1x100xf32, #tpu.memory_space<vmem>>
    %dma_wait3A_1761 = arith.constant 0 : i32
    %dma_wait3A_1762 = tpu.memref_slice %arg3[%squeeze3A_951, %dma_wait3A_1761] : memref<100000x100xf32, #tpu.memory_space<hbm>> -> memref<1x100xf32, #tpu.memory_space<hbm>>
    tpu.wait_dma2 semaphore(%arg12 : memref<!tpu.dma_semaphore, #tpu.memory_space<semaphore_mem>>) src(%dma_wait3A_1762 : memref<1x100xf32, #tpu.memory_space<hbm>>) dst(%dma_wait3A_1760 : memref<1x100xf32, #tpu.memory_space<vmem>>)
    %dma_wait3A_1763 = arith.constant 79 : i32
    %dma_wait3A_1764 = arith.constant 0 : i32
    %dma_wait3A_1765 = tpu.memref_slice %arg8[%dma_wait3A_1763, %dma_wait3A_1764] : memref<80x100xf32, #tpu.memory_space<vmem>> -> memref<1x100xf32, #tpu.memory_space<vmem>>
    %dma_wait3A_1766 = arith.constant 0 : i32
    %dma_wait3A_1767 = tpu.memref_slice %arg3[%squeeze3A_963, %dma_wait3A_1766] : memref<100000x100xf32, #tpu.memory_space<hbm>> -> memref<1x100xf32, #tpu.memory_space<hbm>>
    %dma_wait3A_1768 = arith.constant 79 : i32
    %dma_wait3A_1769 = arith.constant 0 : i32
    %dma_wait3A_1770 = tpu.memref_slice %arg8[%dma_wait3A_1768, %dma_wait3A_1769] : memref<80x100xf32, #tpu.memory_space<vmem>> -> memref<1x100xf32, #tpu.memory_space<vmem>>
    %dma_wait3A_1771 = arith.constant 0 : i32
    %dma_wait3A_1772 = tpu.memref_slice %arg3[%squeeze3A_963, %dma_wait3A_1771] : memref<100000x100xf32, #tpu.memory_space<hbm>> -> memref<1x100xf32, #tpu.memory_space<hbm>>
    tpu.wait_dma2 semaphore(%arg12 : memref<!tpu.dma_semaphore, #tpu.memory_space<semaphore_mem>>) src(%dma_wait3A_1772 : memref<1x100xf32, #tpu.memory_space<hbm>>) dst(%dma_wait3A_1770 : memref<1x100xf32, #tpu.memory_space<vmem>>)
    %iota3A = tpu.iota {dimensions = array<i32: 0>} : vector<16xi32>
    %ge3A = arith.constant 12 : i32
    %ge3A_1773 = vector.broadcast %ge3A : i32 to vector<16xi32>
    %ge3A_1774 = arith.cmpi sge, %iota3A, %ge3A_1773 : vector<16xi32>
    %broadcast_in_dim3A = arith.constant 0.000000e+00 : f32
    %broadcast_in_dim3A_1775 = vector.broadcast %broadcast_in_dim3A : f32 to vector<16xf32>
    %broadcast_in_dim3A_1776 = arith.constant 0.000000e+00 : f32
    %broadcast_in_dim3A_1777 = vector.broadcast %broadcast_in_dim3A_1776 : f32 to vector<16xf32>
    %scan3A = arith.constant 0 : i32
    %scan3A_1778 = arith.constant 20 : i32
    %scan3A_1779 = arith.addi %scan3A, %scan3A_1778 : i32
    %scan3A_1780 = arith.constant 1 : i32
    %scan3A_1781:2 = scf.for %scan3A_2291 = %scan3A to %scan3A_1779 step %scan3A_1780 iter_args(%scan3A_2292 = %broadcast_in_dim3A_1777, %scan3A_2293 = %broadcast_in_dim3A_1777) -> (vector<16xf32>, vector<16xf32>)  : i32 {
      %add3A_2294 = arith.constant 0 : i32
      %add3A_2295 = arith.addi %add3A_2294, %scan3A_2291 : i32
      %get3A_2296 = arith.index_cast %add3A_2295 : i32 to index
      %get3A_2297 = arith.constant 0 : index
      %get3A_2298 = tpu.vector_load %arg8[%get3A_2296, %get3A_2297] {strides = array<i32>} : memref<80x100xf32, #tpu.memory_space<vmem>>, vector<1x16xf32>,
      %get3A_2299 = vector.shape_cast %get3A_2298 : vector<1x16xf32> to vector<16xf32>
      %mul3A_2300 = arith.constant 128 : i32
      %mul3A_2301 = arith.muli %scan3A_2291, %mul3A_2300 : i32
      %add3A_2302 = arith.constant 0 : i32
      %add3A_2303 = arith.addi %mul3A_2301, %add3A_2302 : i32
      %get3A_2304 = arith.index_cast %add3A_2303 : i32 to index
      %get3A_2305 = tpu.vector_load %arg9[%get3A_2304] {strides = array<i32>} : memref<5120xf32, #tpu.memory_space<vmem>>, vector<16xf32>,
      %get3A_2306 = vector.shape_cast %get3A_2305 : vector<16xf32> to vector<16xf32>
      %mul3A_2307 = arith.mulf %get3A_2299, %get3A_2306 : vector<16xf32>
      %add3A_2308 = arith.addf %scan3A_2292, %mul3A_2307 : vector<16xf32>
      %mul3A_2309 = arith.constant 128 : i32
      %mul3A_2310 = arith.muli %scan3A_2291, %mul3A_2309 : i32
      %add3A_2311 = arith.constant 2560 : i32
      %add3A_2312 = arith.addi %add3A_2311, %mul3A_2310 : i32
      %add3A_2313 = arith.constant 0 : i32
      %add3A_2314 = arith.addi %add3A_2312, %add3A_2313 : i32
      %get3A_2315 = arith.index_cast %add3A_2314 : i32 to index
      %get3A_2316 = tpu.vector_load %arg9[%get3A_2315] {strides = array<i32>} : memref<5120xf32, #tpu.memory_space<vmem>>, vector<16xf32>,
      %get3A_2317 = vector.shape_cast %get3A_2316 : vector<16xf32> to vector<16xf32>
      %mul3A_2318 = arith.mulf %get3A_2299, %get3A_2317 : vector<16xf32>
      %add3A_2319 = arith.addf %scan3A_2293, %mul3A_2318 : vector<16xf32>
      %get3A_2320 = arith.index_cast %add3A_2295 : i32 to index
      %get3A_2321 = arith.constant 16 : index
      %get3A_2322 = tpu.vector_load %arg8[%get3A_2320, %get3A_2321] {strides = array<i32>} : memref<80x100xf32, #tpu.memory_space<vmem>>, vector<1x16xf32>,
      %get3A_2323 = vector.shape_cast %get3A_2322 : vector<1x16xf32> to vector<16xf32>
      %mul3A_2324 = arith.constant 128 : i32
      %mul3A_2325 = arith.muli %scan3A_2291, %mul3A_2324 : i32
      %add3A_2326 = arith.constant 16 : i32
      %add3A_2327 = arith.addi %mul3A_2325, %add3A_2326 : i32
      %get3A_2328 = arith.index_cast %add3A_2327 : i32 to index
      %get3A_2329 = tpu.vector_load %arg9[%get3A_2328] {strides = array<i32>} : memref<5120xf32, #tpu.memory_space<vmem>>, vector<16xf32>,
      %get3A_2330 = vector.shape_cast %get3A_2329 : vector<16xf32> to vector<16xf32>
      %mul3A_2331 = arith.mulf %get3A_2323, %get3A_2330 : vector<16xf32>
      %add3A_2332 = arith.addf %add3A_2308, %mul3A_2331 : vector<16xf32>
      %mul3A_2333 = arith.constant 128 : i32
      %mul3A_2334 = arith.muli %scan3A_2291, %mul3A_2333 : i32
      %add3A_2335 = arith.constant 2560 : i32
      %add3A_2336 = arith.addi %add3A_2335, %mul3A_2334 : i32
      %add3A_2337 = arith.constant 16 : i32
      %add3A_2338 = arith.addi %add3A_2336, %add3A_2337 : i32
      %get3A_2339 = arith.index_cast %add3A_2338 : i32 to index
      %get3A_2340 = tpu.vector_load %arg9[%get3A_2339] {strides = array<i32>} : memref<5120xf32, #tpu.memory_space<vmem>>, vector<16xf32>,
      %get3A_2341 = vector.shape_cast %get3A_2340 : vector<16xf32> to vector<16xf32>
      %mul3A_2342 = arith.mulf %get3A_2323, %get3A_2341 : vector<16xf32>
      %add3A_2343 = arith.addf %add3A_2319, %mul3A_2342 : vector<16xf32>
      %get3A_2344 = arith.index_cast %add3A_2295 : i32 to index
      %get3A_2345 = arith.constant 32 : index
      %get3A_2346 = tpu.vector_load %arg8[%get3A_2344, %get3A_2345] {strides = array<i32>} : memref<80x100xf32, #tpu.memory_space<vmem>>, vector<1x16xf32>,
      %get3A_2347 = vector.shape_cast %get3A_2346 : vector<1x16xf32> to vector<16xf32>
      %mul3A_2348 = arith.constant 128 : i32
      %mul3A_2349 = arith.muli %scan3A_2291, %mul3A_2348 : i32
      %add3A_2350 = arith.constant 32 : i32
      %add3A_2351 = arith.addi %mul3A_2349, %add3A_2350 : i32
      %get3A_2352 = arith.index_cast %add3A_2351 : i32 to index
      %get3A_2353 = tpu.vector_load %arg9[%get3A_2352] {strides = array<i32>} : memref<5120xf32, #tpu.memory_space<vmem>>, vector<16xf32>,
      %get3A_2354 = vector.shape_cast %get3A_2353 : vector<16xf32> to vector<16xf32>
      %mul3A_2355 = arith.mulf %get3A_2347, %get3A_2354 : vector<16xf32>
      %add3A_2356 = arith.addf %add3A_2332, %mul3A_2355 : vector<16xf32>
      %mul3A_2357 = arith.constant 128 : i32
      %mul3A_2358 = arith.muli %scan3A_2291, %mul3A_2357 : i32
      %add3A_2359 = arith.constant 2560 : i32
      %add3A_2360 = arith.addi %add3A_2359, %mul3A_2358 : i32
      %add3A_2361 = arith.constant 32 : i32
      %add3A_2362 = arith.addi %add3A_2360, %add3A_2361 : i32
      %get3A_2363 = arith.index_cast %add3A_2362 : i32 to index
      %get3A_2364 = tpu.vector_load %arg9[%get3A_2363] {strides = array<i32>} : memref<5120xf32, #tpu.memory_space<vmem>>, vector<16xf32>,
      %get3A_2365 = vector.shape_cast %get3A_2364 : vector<16xf32> to vector<16xf32>
      %mul3A_2366 = arith.mulf %get3A_2347, %get3A_2365 : vector<16xf32>
      %add3A_2367 = arith.addf %add3A_2343, %mul3A_2366 : vector<16xf32>
      %get3A_2368 = arith.index_cast %add3A_2295 : i32 to index
      %get3A_2369 = arith.constant 48 : index
      %get3A_2370 = tpu.vector_load %arg8[%get3A_2368, %get3A_2369] {strides = array<i32>} : memref<80x100xf32, #tpu.memory_space<vmem>>, vector<1x16xf32>,
      %get3A_2371 = vector.shape_cast %get3A_2370 : vector<1x16xf32> to vector<16xf32>
      %mul3A_2372 = arith.constant 128 : i32
      %mul3A_2373 = arith.muli %scan3A_2291, %mul3A_2372 : i32
      %add3A_2374 = arith.constant 48 : i32
      %add3A_2375 = arith.addi %mul3A_2373, %add3A_2374 : i32
      %get3A_2376 = arith.index_cast %add3A_2375 : i32 to index
      %get3A_2377 = tpu.vector_load %arg9[%get3A_2376] {strides = array<i32>} : memref<5120xf32, #tpu.memory_space<vmem>>, vector<16xf32>,
      %get3A_2378 = vector.shape_cast %get3A_2377 : vector<16xf32> to vector<16xf32>
      %mul3A_2379 = arith.mulf %get3A_2371, %get3A_2378 : vector<16xf32>
      %add3A_2380 = arith.addf %add3A_2356, %mul3A_2379 : vector<16xf32>
      %mul3A_2381 = arith.constant 128 : i32
      %mul3A_2382 = arith.muli %scan3A_2291, %mul3A_2381 : i32
      %add3A_2383 = arith.constant 2560 : i32
      %add3A_2384 = arith.addi %add3A_2383, %mul3A_2382 : i32
      %add3A_2385 = arith.constant 48 : i32
      %add3A_2386 = arith.addi %add3A_2384, %add3A_2385 : i32
      %get3A_2387 = arith.index_cast %add3A_2386 : i32 to index
      %get3A_2388 = tpu.vector_load %arg9[%get3A_2387] {strides = array<i32>} : memref<5120xf32, #tpu.memory_space<vmem>>, vector<16xf32>,
      %get3A_2389 = vector.shape_cast %get3A_2388 : vector<16xf32> to vector<16xf32>
      %mul3A_2390 = arith.mulf %get3A_2371, %get3A_2389 : vector<16xf32>
      %add3A_2391 = arith.addf %add3A_2367, %mul3A_2390 : vector<16xf32>
      %get3A_2392 = arith.index_cast %add3A_2295 : i32 to index
      %get3A_2393 = arith.constant 64 : index
      %get3A_2394 = tpu.vector_load %arg8[%get3A_2392, %get3A_2393] {strides = array<i32>} : memref<80x100xf32, #tpu.memory_space<vmem>>, vector<1x16xf32>,
      %get3A_2395 = vector.shape_cast %get3A_2394 : vector<1x16xf32> to vector<16xf32>
      %mul3A_2396 = arith.constant 128 : i32
      %mul3A_2397 = arith.muli %scan3A_2291, %mul3A_2396 : i32
      %add3A_2398 = arith.constant 64 : i32
      %add3A_2399 = arith.addi %mul3A_2397, %add3A_2398 : i32
      %get3A_2400 = arith.index_cast %add3A_2399 : i32 to index
      %get3A_2401 = tpu.vector_load %arg9[%get3A_2400] {strides = array<i32>} : memref<5120xf32, #tpu.memory_space<vmem>>, vector<16xf32>,
      %get3A_2402 = vector.shape_cast %get3A_2401 : vector<16xf32> to vector<16xf32>
      %mul3A_2403 = arith.mulf %get3A_2395, %get3A_2402 : vector<16xf32>
      %add3A_2404 = arith.addf %add3A_2380, %mul3A_2403 : vector<16xf32>
      %mul3A_2405 = arith.constant 128 : i32
      %mul3A_2406 = arith.muli %scan3A_2291, %mul3A_2405 : i32
      %add3A_2407 = arith.constant 2560 : i32
      %add3A_2408 = arith.addi %add3A_2407, %mul3A_2406 : i32
      %add3A_2409 = arith.constant 64 : i32
      %add3A_2410 = arith.addi %add3A_2408, %add3A_2409 : i32
      %get3A_2411 = arith.index_cast %add3A_2410 : i32 to index
      %get3A_2412 = tpu.vector_load %arg9[%get3A_2411] {strides = array<i32>} : memref<5120xf32, #tpu.memory_space<vmem>>, vector<16xf32>,
      %get3A_2413 = vector.shape_cast %get3A_2412 : vector<16xf32> to vector<16xf32>
      %mul3A_2414 = arith.mulf %get3A_2395, %get3A_2413 : vector<16xf32>
      %add3A_2415 = arith.addf %add3A_2391, %mul3A_2414 : vector<16xf32>
      %get3A_2416 = arith.index_cast %add3A_2295 : i32 to index
      %get3A_2417 = arith.constant 80 : index
      %get3A_2418 = tpu.vector_load %arg8[%get3A_2416, %get3A_2417] {strides = array<i32>} : memref<80x100xf32, #tpu.memory_space<vmem>>, vector<1x16xf32>,
      %get3A_2419 = vector.shape_cast %get3A_2418 : vector<1x16xf32> to vector<16xf32>
      %mul3A_2420 = arith.constant 128 : i32
      %mul3A_2421 = arith.muli %scan3A_2291, %mul3A_2420 : i32
      %add3A_2422 = arith.constant 80 : i32
      %add3A_2423 = arith.addi %mul3A_2421, %add3A_2422 : i32
      %get3A_2424 = arith.index_cast %add3A_2423 : i32 to index
      %get3A_2425 = tpu.vector_load %arg9[%get3A_2424] {strides = array<i32>} : memref<5120xf32, #tpu.memory_space<vmem>>, vector<16xf32>,
      %get3A_2426 = vector.shape_cast %get3A_2425 : vector<16xf32> to vector<16xf32>
      %mul3A_2427 = arith.mulf %get3A_2419, %get3A_2426 : vector<16xf32>
      %add3A_2428 = arith.addf %add3A_2404, %mul3A_2427 : vector<16xf32>
      %mul3A_2429 = arith.constant 128 : i32
      %mul3A_2430 = arith.muli %scan3A_2291, %mul3A_2429 : i32
      %add3A_2431 = arith.constant 2560 : i32
      %add3A_2432 = arith.addi %add3A_2431, %mul3A_2430 : i32
      %add3A_2433 = arith.constant 80 : i32
      %add3A_2434 = arith.addi %add3A_2432, %add3A_2433 : i32
      %get3A_2435 = arith.index_cast %add3A_2434 : i32 to index
      %get3A_2436 = tpu.vector_load %arg9[%get3A_2435] {strides = array<i32>} : memref<5120xf32, #tpu.memory_space<vmem>>, vector<16xf32>,
      %get3A_2437 = vector.shape_cast %get3A_2436 : vector<16xf32> to vector<16xf32>
      %mul3A_2438 = arith.mulf %get3A_2419, %get3A_2437 : vector<16xf32>
      %add3A_2439 = arith.addf %add3A_2415, %mul3A_2438 : vector<16xf32>
      %get3A_2440 = arith.index_cast %add3A_2295 : i32 to index
      %get3A_2441 = arith.constant 84 : index
      %get3A_2442 = tpu.vector_load %arg8[%get3A_2440, %get3A_2441] {strides = array<i32>} : memref<80x100xf32, #tpu.memory_space<vmem>>, vector<1x16xf32>,
      %get3A_2443 = vector.shape_cast %get3A_2442 : vector<1x16xf32> to vector<16xf32>
      %jit3A = arith.constant 0.000000e+00 : f32
      %broadcast_in_dim3A_2444 = vector.broadcast %jit3A : f32 to vector<16xf32>
      %select_n3A_2445 = arith.select %ge3A_1774, %get3A_2443, %broadcast_in_dim3A_2444 : vector<16xi1>, vector<16xf32>
      %mul3A_2446 = arith.constant 128 : i32
      %mul3A_2447 = arith.muli %scan3A_2291, %mul3A_2446 : i32
      %add3A_2448 = arith.constant 84 : i32
      %add3A_2449 = arith.addi %mul3A_2447, %add3A_2448 : i32
      %get3A_2450 = arith.index_cast %add3A_2449 : i32 to index
      %get3A_2451 = tpu.vector_load %arg9[%get3A_2450] {strides = array<i32>} : memref<5120xf32, #tpu.memory_space<vmem>>, vector<16xf32>,
      %get3A_2452 = vector.shape_cast %get3A_2451 : vector<16xf32> to vector<16xf32>
      %mul3A_2453 = arith.mulf %select_n3A_2445, %get3A_2452 : vector<16xf32>
      %add3A_2454 = arith.addf %add3A_2428, %mul3A_2453 : vector<16xf32>
      %mul3A_2455 = arith.constant 128 : i32
      %mul3A_2456 = arith.muli %scan3A_2291, %mul3A_2455 : i32
      %add3A_2457 = arith.constant 2560 : i32
      %add3A_2458 = arith.addi %add3A_2457, %mul3A_2456 : i32
      %add3A_2459 = arith.constant 84 : i32
      %add3A_2460 = arith.addi %add3A_2458, %add3A_2459 : i32
      %get3A_2461 = arith.index_cast %add3A_2460 : i32 to index
      %get3A_2462 = tpu.vector_load %arg9[%get3A_2461] {strides = array<i32>} : memref<5120xf32, #tpu.memory_space<vmem>>, vector<16xf32>,
      %get3A_2463 = vector.shape_cast %get3A_2462 : vector<16xf32> to vector<16xf32>
      %mul3A_2464 = arith.mulf %select_n3A_2445, %get3A_2463 : vector<16xf32>
      %add3A_2465 = arith.addf %add3A_2439, %mul3A_2464 : vector<16xf32>
      scf.yield %add3A_2454, %add3A_2465 : vector<16xf32>, vector<16xf32>
    }
    %scan3A_1782 = arith.constant 20 : i32
    %eq3A = arith.constant 0 : i32
    %eq3A_1783 = vector.broadcast %eq3A : i32 to vector<16xi32>
    %eq3A_1784 = arith.cmpi eq, %iota3A, %eq3A_1783 : vector<16xi32>
    %xor3A = arith.constant 8 : i32
    %xor3A_1785 = vector.broadcast %xor3A : i32 to vector<16xi32>
    %xor3A_1786 = arith.xori %iota3A, %xor3A_1785 : vector<16xi32>
    %lt3A = arith.constant 0 : i32
    %lt3A_1787 = vector.broadcast %lt3A : i32 to vector<16xi32>
    %lt3A_1788 = arith.cmpi slt, %xor3A_1786, %lt3A_1787 : vector<16xi32>
    %add3A_1789 = arith.constant 16 : i32
    %add3A_1790 = vector.broadcast %add3A_1789 : i32 to vector<16xi32>
    %add3A_1791 = arith.addi %xor3A_1786, %add3A_1790 : vector<16xi32>
    %select_n3A = arith.select %lt3A_1788, %add3A_1791, %xor3A_1786 : vector<16xi1>, vector<16xi32>
    %broadcast_in_dim3A_1792 = vector.shape_cast %select_n3A : vector<16xi32> to vector<16x1xi32>
    %gather3A = vector.shape_cast %broadcast_in_dim3A_1792 : vector<16x1xi32> to vector<16xi32>
    %gather3A_1793 = tpu.dynamic_gather %scan3A_1781#0[%gather3A] in [0] : vector<16xf32>, vector<16xi32> -> vector<16xf32>
    %add3A_1794 = arith.addf %scan3A_1781#0, %gather3A_1793 : vector<16xf32>
    %xor3A_1795 = arith.constant 4 : i32
    %xor3A_1796 = vector.broadcast %xor3A_1795 : i32 to vector<16xi32>
    %xor3A_1797 = arith.xori %iota3A, %xor3A_1796 : vector<16xi32>
    %lt3A_1798 = arith.constant 0 : i32
    %lt3A_1799 = vector.broadcast %lt3A_1798 : i32 to vector<16xi32>
    %lt3A_1800 = arith.cmpi slt, %xor3A_1797, %lt3A_1799 : vector<16xi32>
    %add3A_1801 = arith.constant 16 : i32
    %add3A_1802 = vector.broadcast %add3A_1801 : i32 to vector<16xi32>
    %add3A_1803 = arith.addi %xor3A_1797, %add3A_1802 : vector<16xi32>
    %select_n3A_1804 = arith.select %lt3A_1800, %add3A_1803, %xor3A_1797 : vector<16xi1>, vector<16xi32>
    %broadcast_in_dim3A_1805 = vector.shape_cast %select_n3A_1804 : vector<16xi32> to vector<16x1xi32>
    %gather3A_1806 = vector.shape_cast %broadcast_in_dim3A_1805 : vector<16x1xi32> to vector<16xi32>
    %gather3A_1807 = tpu.dynamic_gather %add3A_1794[%gather3A_1806] in [0] : vector<16xf32>, vector<16xi32> -> vector<16xf32>
    %add3A_1808 = arith.addf %add3A_1794, %gather3A_1807 : vector<16xf32>
    %xor3A_1809 = arith.constant 2 : i32
    %xor3A_1810 = vector.broadcast %xor3A_1809 : i32 to vector<16xi32>
    %xor3A_1811 = arith.xori %iota3A, %xor3A_1810 : vector<16xi32>
    %lt3A_1812 = arith.constant 0 : i32
    %lt3A_1813 = vector.broadcast %lt3A_1812 : i32 to vector<16xi32>
    %lt3A_1814 = arith.cmpi slt, %xor3A_1811, %lt3A_1813 : vector<16xi32>
    %add3A_1815 = arith.constant 16 : i32
    %add3A_1816 = vector.broadcast %add3A_1815 : i32 to vector<16xi32>
    %add3A_1817 = arith.addi %xor3A_1811, %add3A_1816 : vector<16xi32>
    %select_n3A_1818 = arith.select %lt3A_1814, %add3A_1817, %xor3A_1811 : vector<16xi1>, vector<16xi32>
    %broadcast_in_dim3A_1819 = vector.shape_cast %select_n3A_1818 : vector<16xi32> to vector<16x1xi32>
    %gather3A_1820 = vector.shape_cast %broadcast_in_dim3A_1819 : vector<16x1xi32> to vector<16xi32>
    %gather3A_1821 = tpu.dynamic_gather %add3A_1808[%gather3A_1820] in [0] : vector<16xf32>, vector<16xi32> -> vector<16xf32>
    %add3A_1822 = arith.addf %add3A_1808, %gather3A_1821 : vector<16xf32>
    %xor3A_1823 = arith.constant 1 : i32
    %xor3A_1824 = vector.broadcast %xor3A_1823 : i32 to vector<16xi32>
    %xor3A_1825 = arith.xori %iota3A, %xor3A_1824 : vector<16xi32>
    %lt3A_1826 = arith.constant 0 : i32
    %lt3A_1827 = vector.broadcast %lt3A_1826 : i32 to vector<16xi32>
    %lt3A_1828 = arith.cmpi slt, %xor3A_1825, %lt3A_1827 : vector<16xi32>
    %add3A_1829 = arith.constant 16 : i32
    %add3A_1830 = vector.broadcast %add3A_1829 : i32 to vector<16xi32>
    %add3A_1831 = arith.addi %xor3A_1825, %add3A_1830 : vector<16xi32>
    %select_n3A_1832 = arith.select %lt3A_1828, %add3A_1831, %xor3A_1825 : vector<16xi1>, vector<16xi32>
    %broadcast_in_dim3A_1833 = vector.shape_cast %select_n3A_1832 : vector<16xi32> to vector<16x1xi32>
    %gather3A_1834 = vector.shape_cast %broadcast_in_dim3A_1833 : vector<16x1xi32> to vector<16xi32>
    %gather3A_1835 = tpu.dynamic_gather %add3A_1822[%gather3A_1834] in [0] : vector<16xf32>, vector<16xi32> -> vector<16xf32>
    %add3A_1836 = arith.addf %add3A_1822, %gather3A_1835 : vector<16xf32>
    %select_n3A_1837 = arith.select %eq3A_1784, %add3A_1836, %broadcast_in_dim3A_1775 : vector<16xi1>, vector<16xf32>
    %eq3A_1838 = arith.constant 1 : i32
    %eq3A_1839 = vector.broadcast %eq3A_1838 : i32 to vector<16xi32>
    %eq3A_1840 = arith.cmpi eq, %iota3A, %eq3A_1839 : vector<16xi32>
    %xor3A_1841 = arith.constant 8 : i32
    %xor3A_1842 = vector.broadcast %xor3A_1841 : i32 to vector<16xi32>
    %xor3A_1843 = arith.xori %iota3A, %xor3A_1842 : vector<16xi32>
    %lt3A_1844 = arith.constant 0 : i32
    %lt3A_1845 = vector.broadcast %lt3A_1844 : i32 to vector<16xi32>
    %lt3A_1846 = arith.cmpi slt, %xor3A_1843, %lt3A_1845 : vector<16xi32>
    %add3A_1847 = arith.constant 16 : i32
    %add3A_1848 = vector.broadcast %add3A_1847 : i32 to vector<16xi32>
    %add3A_1849 = arith.addi %xor3A_1843, %add3A_1848 : vector<16xi32>
    %select_n3A_1850 = arith.select %lt3A_1846, %add3A_1849, %xor3A_1843 : vector<16xi1>, vector<16xi32>
    %broadcast_in_dim3A_1851 = vector.shape_cast %select_n3A_1850 : vector<16xi32> to vector<16x1xi32>
    %gather3A_1852 = vector.shape_cast %broadcast_in_dim3A_1851 : vector<16x1xi32> to vector<16xi32>
    %gather3A_1853 = tpu.dynamic_gather %scan3A_1781#1[%gather3A_1852] in [0] : vector<16xf32>, vector<16xi32> -> vector<16xf32>
    %add3A_1854 = arith.addf %scan3A_1781#1, %gather3A_1853 : vector<16xf32>
    %xor3A_1855 = arith.constant 4 : i32
    %xor3A_1856 = vector.broadcast %xor3A_1855 : i32 to vector<16xi32>
    %xor3A_1857 = arith.xori %iota3A, %xor3A_1856 : vector<16xi32>
    %lt3A_1858 = arith.constant 0 : i32
    %lt3A_1859 = vector.broadcast %lt3A_1858 : i32 to vector<16xi32>
    %lt3A_1860 = arith.cmpi slt, %xor3A_1857, %lt3A_1859 : vector<16xi32>
    %add3A_1861 = arith.constant 16 : i32
    %add3A_1862 = vector.broadcast %add3A_1861 : i32 to vector<16xi32>
    %add3A_1863 = arith.addi %xor3A_1857, %add3A_1862 : vector<16xi32>
    %select_n3A_1864 = arith.select %lt3A_1860, %add3A_1863, %xor3A_1857 : vector<16xi1>, vector<16xi32>
    %broadcast_in_dim3A_1865 = vector.shape_cast %select_n3A_1864 : vector<16xi32> to vector<16x1xi32>
    %gather3A_1866 = vector.shape_cast %broadcast_in_dim3A_1865 : vector<16x1xi32> to vector<16xi32>
    %gather3A_1867 = tpu.dynamic_gather %add3A_1854[%gather3A_1866] in [0] : vector<16xf32>, vector<16xi32> -> vector<16xf32>
    %add3A_1868 = arith.addf %add3A_1854, %gather3A_1867 : vector<16xf32>
    %xor3A_1869 = arith.constant 2 : i32
    %xor3A_1870 = vector.broadcast %xor3A_1869 : i32 to vector<16xi32>
    %xor3A_1871 = arith.xori %iota3A, %xor3A_1870 : vector<16xi32>
    %lt3A_1872 = arith.constant 0 : i32
    %lt3A_1873 = vector.broadcast %lt3A_1872 : i32 to vector<16xi32>
    %lt3A_1874 = arith.cmpi slt, %xor3A_1871, %lt3A_1873 : vector<16xi32>
    %add3A_1875 = arith.constant 16 : i32
    %add3A_1876 = vector.broadcast %add3A_1875 : i32 to vector<16xi32>
    %add3A_1877 = arith.addi %xor3A_1871, %add3A_1876 : vector<16xi32>
    %select_n3A_1878 = arith.select %lt3A_1874, %add3A_1877, %xor3A_1871 : vector<16xi1>, vector<16xi32>
    %broadcast_in_dim3A_1879 = vector.shape_cast %select_n3A_1878 : vector<16xi32> to vector<16x1xi32>
    %gather3A_1880 = vector.shape_cast %broadcast_in_dim3A_1879 : vector<16x1xi32> to vector<16xi32>
    %gather3A_1881 = tpu.dynamic_gather %add3A_1868[%gather3A_1880] in [0] : vector<16xf32>, vector<16xi32> -> vector<16xf32>
    %add3A_1882 = arith.addf %add3A_1868, %gather3A_1881 : vector<16xf32>
    %xor3A_1883 = arith.constant 1 : i32
    %xor3A_1884 = vector.broadcast %xor3A_1883 : i32 to vector<16xi32>
    %xor3A_1885 = arith.xori %iota3A, %xor3A_1884 : vector<16xi32>
    %lt3A_1886 = arith.constant 0 : i32
    %lt3A_1887 = vector.broadcast %lt3A_1886 : i32 to vector<16xi32>
    %lt3A_1888 = arith.cmpi slt, %xor3A_1885, %lt3A_1887 : vector<16xi32>
    %add3A_1889 = arith.constant 16 : i32
    %add3A_1890 = vector.broadcast %add3A_1889 : i32 to vector<16xi32>
    %add3A_1891 = arith.addi %xor3A_1885, %add3A_1890 : vector<16xi32>
    %select_n3A_1892 = arith.select %lt3A_1888, %add3A_1891, %xor3A_1885 : vector<16xi1>, vector<16xi32>
    %broadcast_in_dim3A_1893 = vector.shape_cast %select_n3A_1892 : vector<16xi32> to vector<16x1xi32>
    %gather3A_1894 = vector.shape_cast %broadcast_in_dim3A_1893 : vector<16x1xi32> to vector<16xi32>
    %gather3A_1895 = tpu.dynamic_gather %add3A_1882[%gather3A_1894] in [0] : vector<16xf32>, vector<16xi32> -> vector<16xf32>
    %add3A_1896 = arith.addf %add3A_1882, %gather3A_1895 : vector<16xf32>
    %select_n3A_1897 = arith.select %eq3A_1840, %add3A_1896, %select_n3A_1837 : vector<16xi1>, vector<16xf32>
    %broadcast_in_dim3A_1898 = arith.constant 0.000000e+00 : f32
    %broadcast_in_dim3A_1899 = vector.broadcast %broadcast_in_dim3A_1898 : f32 to vector<16xf32>
    %scan3A_1900 = arith.constant 0 : i32
    %scan3A_1901 = arith.constant 20 : i32
    %scan3A_1902 = arith.addi %scan3A_1900, %scan3A_1901 : i32
    %scan3A_1903 = arith.constant 1 : i32
    %scan3A_1904:2 = scf.for %scan3A_2291 = %scan3A_1900 to %scan3A_1902 step %scan3A_1903 iter_args(%scan3A_2292 = %broadcast_in_dim3A_1899, %scan3A_2293 = %broadcast_in_dim3A_1899) -> (vector<16xf32>, vector<16xf32>)  : i32 {
      %add3A_2294 = arith.constant 20 : i32
      %add3A_2295 = arith.addi %add3A_2294, %scan3A_2291 : i32
      %get3A_2296 = arith.index_cast %add3A_2295 : i32 to index
      %get3A_2297 = arith.constant 0 : index
      %get3A_2298 = tpu.vector_load %arg8[%get3A_2296, %get3A_2297] {strides = array<i32>} : memref<80x100xf32, #tpu.memory_space<vmem>>, vector<1x16xf32>,
      %get3A_2299 = vector.shape_cast %get3A_2298 : vector<1x16xf32> to vector<16xf32>
      %mul3A_2300 = arith.constant 128 : i32
      %mul3A_2301 = arith.muli %scan3A_2291, %mul3A_2300 : i32
      %add3A_2302 = arith.constant 0 : i32
      %add3A_2303 = arith.addi %mul3A_2301, %add3A_2302 : i32
      %get3A_2304 = arith.index_cast %add3A_2303 : i32 to index
      %get3A_2305 = tpu.vector_load %arg9[%get3A_2304] {strides = array<i32>} : memref<5120xf32, #tpu.memory_space<vmem>>, vector<16xf32>,
      %get3A_2306 = vector.shape_cast %get3A_2305 : vector<16xf32> to vector<16xf32>
      %mul3A_2307 = arith.mulf %get3A_2299, %get3A_2306 : vector<16xf32>
      %add3A_2308 = arith.addf %scan3A_2292, %mul3A_2307 : vector<16xf32>
      %mul3A_2309 = arith.constant 128 : i32
      %mul3A_2310 = arith.muli %scan3A_2291, %mul3A_2309 : i32
      %add3A_2311 = arith.constant 2560 : i32
      %add3A_2312 = arith.addi %add3A_2311, %mul3A_2310 : i32
      %add3A_2313 = arith.constant 0 : i32
      %add3A_2314 = arith.addi %add3A_2312, %add3A_2313 : i32
      %get3A_2315 = arith.index_cast %add3A_2314 : i32 to index
      %get3A_2316 = tpu.vector_load %arg9[%get3A_2315] {strides = array<i32>} : memref<5120xf32, #tpu.memory_space<vmem>>, vector<16xf32>,
      %get3A_2317 = vector.shape_cast %get3A_2316 : vector<16xf32> to vector<16xf32>
      %mul3A_2318 = arith.mulf %get3A_2299, %get3A_2317 : vector<16xf32>
      %add3A_2319 = arith.addf %scan3A_2293, %mul3A_2318 : vector<16xf32>
      %get3A_2320 = arith.index_cast %add3A_2295 : i32 to index
      %get3A_2321 = arith.constant 16 : index
      %get3A_2322 = tpu.vector_load %arg8[%get3A_2320, %get3A_2321] {strides = array<i32>} : memref<80x100xf32, #tpu.memory_space<vmem>>, vector<1x16xf32>,
      %get3A_2323 = vector.shape_cast %get3A_2322 : vector<1x16xf32> to vector<16xf32>
      %mul3A_2324 = arith.constant 128 : i32
      %mul3A_2325 = arith.muli %scan3A_2291, %mul3A_2324 : i32
      %add3A_2326 = arith.constant 16 : i32
      %add3A_2327 = arith.addi %mul3A_2325, %add3A_2326 : i32
      %get3A_2328 = arith.index_cast %add3A_2327 : i32 to index
      %get3A_2329 = tpu.vector_load %arg9[%get3A_2328] {strides = array<i32>} : memref<5120xf32, #tpu.memory_space<vmem>>, vector<16xf32>,
      %get3A_2330 = vector.shape_cast %get3A_2329 : vector<16xf32> to vector<16xf32>
      %mul3A_2331 = arith.mulf %get3A_2323, %get3A_2330 : vector<16xf32>
      %add3A_2332 = arith.addf %add3A_2308, %mul3A_2331 : vector<16xf32>
      %mul3A_2333 = arith.constant 128 : i32
      %mul3A_2334 = arith.muli %scan3A_2291, %mul3A_2333 : i32
      %add3A_2335 = arith.constant 2560 : i32
      %add3A_2336 = arith.addi %add3A_2335, %mul3A_2334 : i32
      %add3A_2337 = arith.constant 16 : i32
      %add3A_2338 = arith.addi %add3A_2336, %add3A_2337 : i32
      %get3A_2339 = arith.index_cast %add3A_2338 : i32 to index
      %get3A_2340 = tpu.vector_load %arg9[%get3A_2339] {strides = array<i32>} : memref<5120xf32, #tpu.memory_space<vmem>>, vector<16xf32>,
      %get3A_2341 = vector.shape_cast %get3A_2340 : vector<16xf32> to vector<16xf32>
      %mul3A_2342 = arith.mulf %get3A_2323, %get3A_2341 : vector<16xf32>
      %add3A_2343 = arith.addf %add3A_2319, %mul3A_2342 : vector<16xf32>
      %get3A_2344 = arith.index_cast %add3A_2295 : i32 to index
      %get3A_2345 = arith.constant 32 : index
      %get3A_2346 = tpu.vector_load %arg8[%get3A_2344, %get3A_2345] {strides = array<i32>} : memref<80x100xf32, #tpu.memory_space<vmem>>, vector<1x16xf32>,
      %get3A_2347 = vector.shape_cast %get3A_2346 : vector<1x16xf32> to vector<16xf32>
      %mul3A_2348 = arith.constant 128 : i32
      %mul3A_2349 = arith.muli %scan3A_2291, %mul3A_2348 : i32
      %add3A_2350 = arith.constant 32 : i32
      %add3A_2351 = arith.addi %mul3A_2349, %add3A_2350 : i32
      %get3A_2352 = arith.index_cast %add3A_2351 : i32 to index
      %get3A_2353 = tpu.vector_load %arg9[%get3A_2352] {strides = array<i32>} : memref<5120xf32, #tpu.memory_space<vmem>>, vector<16xf32>,
      %get3A_2354 = vector.shape_cast %get3A_2353 : vector<16xf32> to vector<16xf32>
      %mul3A_2355 = arith.mulf %get3A_2347, %get3A_2354 : vector<16xf32>
      %add3A_2356 = arith.addf %add3A_2332, %mul3A_2355 : vector<16xf32>
      %mul3A_2357 = arith.constant 128 : i32
      %mul3A_2358 = arith.muli %scan3A_2291, %mul3A_2357 : i32
      %add3A_2359 = arith.constant 2560 : i32
      %add3A_2360 = arith.addi %add3A_2359, %mul3A_2358 : i32
      %add3A_2361 = arith.constant 32 : i32
      %add3A_2362 = arith.addi %add3A_2360, %add3A_2361 : i32
      %get3A_2363 = arith.index_cast %add3A_2362 : i32 to index
      %get3A_2364 = tpu.vector_load %arg9[%get3A_2363] {strides = array<i32>} : memref<5120xf32, #tpu.memory_space<vmem>>, vector<16xf32>,
      %get3A_2365 = vector.shape_cast %get3A_2364 : vector<16xf32> to vector<16xf32>
      %mul3A_2366 = arith.mulf %get3A_2347, %get3A_2365 : vector<16xf32>
      %add3A_2367 = arith.addf %add3A_2343, %mul3A_2366 : vector<16xf32>
      %get3A_2368 = arith.index_cast %add3A_2295 : i32 to index
      %get3A_2369 = arith.constant 48 : index
      %get3A_2370 = tpu.vector_load %arg8[%get3A_2368, %get3A_2369] {strides = array<i32>} : memref<80x100xf32, #tpu.memory_space<vmem>>, vector<1x16xf32>,
      %get3A_2371 = vector.shape_cast %get3A_2370 : vector<1x16xf32> to vector<16xf32>
      %mul3A_2372 = arith.constant 128 : i32
      %mul3A_2373 = arith.muli %scan3A_2291, %mul3A_2372 : i32
      %add3A_2374 = arith.constant 48 : i32
      %add3A_2375 = arith.addi %mul3A_2373, %add3A_2374 : i32
      %get3A_2376 = arith.index_cast %add3A_2375 : i32 to index
      %get3A_2377 = tpu.vector_load %arg9[%get3A_2376] {strides = array<i32>} : memref<5120xf32, #tpu.memory_space<vmem>>, vector<16xf32>,
      %get3A_2378 = vector.shape_cast %get3A_2377 : vector<16xf32> to vector<16xf32>
      %mul3A_2379 = arith.mulf %get3A_2371, %get3A_2378 : vector<16xf32>
      %add3A_2380 = arith.addf %add3A_2356, %mul3A_2379 : vector<16xf32>
      %mul3A_2381 = arith.constant 128 : i32
      %mul3A_2382 = arith.muli %scan3A_2291, %mul3A_2381 : i32
      %add3A_2383 = arith.constant 2560 : i32
      %add3A_2384 = arith.addi %add3A_2383, %mul3A_2382 : i32
      %add3A_2385 = arith.constant 48 : i32
      %add3A_2386 = arith.addi %add3A_2384, %add3A_2385 : i32
      %get3A_2387 = arith.index_cast %add3A_2386 : i32 to index
      %get3A_2388 = tpu.vector_load %arg9[%get3A_2387] {strides = array<i32>} : memref<5120xf32, #tpu.memory_space<vmem>>, vector<16xf32>,
      %get3A_2389 = vector.shape_cast %get3A_2388 : vector<16xf32> to vector<16xf32>
      %mul3A_2390 = arith.mulf %get3A_2371, %get3A_2389 : vector<16xf32>
      %add3A_2391 = arith.addf %add3A_2367, %mul3A_2390 : vector<16xf32>
      %get3A_2392 = arith.index_cast %add3A_2295 : i32 to index
      %get3A_2393 = arith.constant 64 : index
      %get3A_2394 = tpu.vector_load %arg8[%get3A_2392, %get3A_2393] {strides = array<i32>} : memref<80x100xf32, #tpu.memory_space<vmem>>, vector<1x16xf32>,
      %get3A_2395 = vector.shape_cast %get3A_2394 : vector<1x16xf32> to vector<16xf32>
      %mul3A_2396 = arith.constant 128 : i32
      %mul3A_2397 = arith.muli %scan3A_2291, %mul3A_2396 : i32
      %add3A_2398 = arith.constant 64 : i32
      %add3A_2399 = arith.addi %mul3A_2397, %add3A_2398 : i32
      %get3A_2400 = arith.index_cast %add3A_2399 : i32 to index
      %get3A_2401 = tpu.vector_load %arg9[%get3A_2400] {strides = array<i32>} : memref<5120xf32, #tpu.memory_space<vmem>>, vector<16xf32>,
      %get3A_2402 = vector.shape_cast %get3A_2401 : vector<16xf32> to vector<16xf32>
      %mul3A_2403 = arith.mulf %get3A_2395, %get3A_2402 : vector<16xf32>
      %add3A_2404 = arith.addf %add3A_2380, %mul3A_2403 : vector<16xf32>
      %mul3A_2405 = arith.constant 128 : i32
      %mul3A_2406 = arith.muli %scan3A_2291, %mul3A_2405 : i32
      %add3A_2407 = arith.constant 2560 : i32
      %add3A_2408 = arith.addi %add3A_2407, %mul3A_2406 : i32
      %add3A_2409 = arith.constant 64 : i32
      %add3A_2410 = arith.addi %add3A_2408, %add3A_2409 : i32
      %get3A_2411 = arith.index_cast %add3A_2410 : i32 to index
      %get3A_2412 = tpu.vector_load %arg9[%get3A_2411] {strides = array<i32>} : memref<5120xf32, #tpu.memory_space<vmem>>, vector<16xf32>,
      %get3A_2413 = vector.shape_cast %get3A_2412 : vector<16xf32> to vector<16xf32>
      %mul3A_2414 = arith.mulf %get3A_2395, %get3A_2413 : vector<16xf32>
      %add3A_2415 = arith.addf %add3A_2391, %mul3A_2414 : vector<16xf32>
      %get3A_2416 = arith.index_cast %add3A_2295 : i32 to index
      %get3A_2417 = arith.constant 80 : index
      %get3A_2418 = tpu.vector_load %arg8[%get3A_2416, %get3A_2417] {strides = array<i32>} : memref<80x100xf32, #tpu.memory_space<vmem>>, vector<1x16xf32>,
      %get3A_2419 = vector.shape_cast %get3A_2418 : vector<1x16xf32> to vector<16xf32>
      %mul3A_2420 = arith.constant 128 : i32
      %mul3A_2421 = arith.muli %scan3A_2291, %mul3A_2420 : i32
      %add3A_2422 = arith.constant 80 : i32
      %add3A_2423 = arith.addi %mul3A_2421, %add3A_2422 : i32
      %get3A_2424 = arith.index_cast %add3A_2423 : i32 to index
      %get3A_2425 = tpu.vector_load %arg9[%get3A_2424] {strides = array<i32>} : memref<5120xf32, #tpu.memory_space<vmem>>, vector<16xf32>,
      %get3A_2426 = vector.shape_cast %get3A_2425 : vector<16xf32> to vector<16xf32>
      %mul3A_2427 = arith.mulf %get3A_2419, %get3A_2426 : vector<16xf32>
      %add3A_2428 = arith.addf %add3A_2404, %mul3A_2427 : vector<16xf32>
      %mul3A_2429 = arith.constant 128 : i32
      %mul3A_2430 = arith.muli %scan3A_2291, %mul3A_2429 : i32
      %add3A_2431 = arith.constant 2560 : i32
      %add3A_2432 = arith.addi %add3A_2431, %mul3A_2430 : i32
      %add3A_2433 = arith.constant 80 : i32
      %add3A_2434 = arith.addi %add3A_2432, %add3A_2433 : i32
      %get3A_2435 = arith.index_cast %add3A_2434 : i32 to index
      %get3A_2436 = tpu.vector_load %arg9[%get3A_2435] {strides = array<i32>} : memref<5120xf32, #tpu.memory_space<vmem>>, vector<16xf32>,
      %get3A_2437 = vector.shape_cast %get3A_2436 : vector<16xf32> to vector<16xf32>
      %mul3A_2438 = arith.mulf %get3A_2419, %get3A_2437 : vector<16xf32>
      %add3A_2439 = arith.addf %add3A_2415, %mul3A_2438 : vector<16xf32>
      %get3A_2440 = arith.index_cast %add3A_2295 : i32 to index
      %get3A_2441 = arith.constant 84 : index
      %get3A_2442 = tpu.vector_load %arg8[%get3A_2440, %get3A_2441] {strides = array<i32>} : memref<80x100xf32, #tpu.memory_space<vmem>>, vector<1x16xf32>,
      %get3A_2443 = vector.shape_cast %get3A_2442 : vector<1x16xf32> to vector<16xf32>
      %jit3A = arith.constant 0.000000e+00 : f32
      %broadcast_in_dim3A_2444 = vector.broadcast %jit3A : f32 to vector<16xf32>
      %select_n3A_2445 = arith.select %ge3A_1774, %get3A_2443, %broadcast_in_dim3A_2444 : vector<16xi1>, vector<16xf32>
      %mul3A_2446 = arith.constant 128 : i32
      %mul3A_2447 = arith.muli %scan3A_2291, %mul3A_2446 : i32
      %add3A_2448 = arith.constant 84 : i32
      %add3A_2449 = arith.addi %mul3A_2447, %add3A_2448 : i32
      %get3A_2450 = arith.index_cast %add3A_2449 : i32 to index
      %get3A_2451 = tpu.vector_load %arg9[%get3A_2450] {strides = array<i32>} : memref<5120xf32, #tpu.memory_space<vmem>>, vector<16xf32>,
      %get3A_2452 = vector.shape_cast %get3A_2451 : vector<16xf32> to vector<16xf32>
      %mul3A_2453 = arith.mulf %select_n3A_2445, %get3A_2452 : vector<16xf32>
      %add3A_2454 = arith.addf %add3A_2428, %mul3A_2453 : vector<16xf32>
      %mul3A_2455 = arith.constant 128 : i32
      %mul3A_2456 = arith.muli %scan3A_2291, %mul3A_2455 : i32
      %add3A_2457 = arith.constant 2560 : i32
      %add3A_2458 = arith.addi %add3A_2457, %mul3A_2456 : i32
      %add3A_2459 = arith.constant 84 : i32
      %add3A_2460 = arith.addi %add3A_2458, %add3A_2459 : i32
      %get3A_2461 = arith.index_cast %add3A_2460 : i32 to index
      %get3A_2462 = tpu.vector_load %arg9[%get3A_2461] {strides = array<i32>} : memref<5120xf32, #tpu.memory_space<vmem>>, vector<16xf32>,
      %get3A_2463 = vector.shape_cast %get3A_2462 : vector<16xf32> to vector<16xf32>
      %mul3A_2464 = arith.mulf %select_n3A_2445, %get3A_2463 : vector<16xf32>
      %add3A_2465 = arith.addf %add3A_2439, %mul3A_2464 : vector<16xf32>
      scf.yield %add3A_2454, %add3A_2465 : vector<16xf32>, vector<16xf32>
    }
    %scan3A_1905 = arith.constant 20 : i32
    %eq3A_1906 = arith.constant 2 : i32
    %eq3A_1907 = vector.broadcast %eq3A_1906 : i32 to vector<16xi32>
    %eq3A_1908 = arith.cmpi eq, %iota3A, %eq3A_1907 : vector<16xi32>
    %xor3A_1909 = arith.constant 8 : i32
    %xor3A_1910 = vector.broadcast %xor3A_1909 : i32 to vector<16xi32>
    %xor3A_1911 = arith.xori %iota3A, %xor3A_1910 : vector<16xi32>
    %lt3A_1912 = arith.constant 0 : i32
    %lt3A_1913 = vector.broadcast %lt3A_1912 : i32 to vector<16xi32>
    %lt3A_1914 = arith.cmpi slt, %xor3A_1911, %lt3A_1913 : vector<16xi32>
    %add3A_1915 = arith.constant 16 : i32
    %add3A_1916 = vector.broadcast %add3A_1915 : i32 to vector<16xi32>
    %add3A_1917 = arith.addi %xor3A_1911, %add3A_1916 : vector<16xi32>
    %select_n3A_1918 = arith.select %lt3A_1914, %add3A_1917, %xor3A_1911 : vector<16xi1>, vector<16xi32>
    %broadcast_in_dim3A_1919 = vector.shape_cast %select_n3A_1918 : vector<16xi32> to vector<16x1xi32>
    %gather3A_1920 = vector.shape_cast %broadcast_in_dim3A_1919 : vector<16x1xi32> to vector<16xi32>
    %gather3A_1921 = tpu.dynamic_gather %scan3A_1904#0[%gather3A_1920] in [0] : vector<16xf32>, vector<16xi32> -> vector<16xf32>
    %add3A_1922 = arith.addf %scan3A_1904#0, %gather3A_1921 : vector<16xf32>
    %xor3A_1923 = arith.constant 4 : i32
    %xor3A_1924 = vector.broadcast %xor3A_1923 : i32 to vector<16xi32>
    %xor3A_1925 = arith.xori %iota3A, %xor3A_1924 : vector<16xi32>
    %lt3A_1926 = arith.constant 0 : i32
    %lt3A_1927 = vector.broadcast %lt3A_1926 : i32 to vector<16xi32>
    %lt3A_1928 = arith.cmpi slt, %xor3A_1925, %lt3A_1927 : vector<16xi32>
    %add3A_1929 = arith.constant 16 : i32
    %add3A_1930 = vector.broadcast %add3A_1929 : i32 to vector<16xi32>
    %add3A_1931 = arith.addi %xor3A_1925, %add3A_1930 : vector<16xi32>
    %select_n3A_1932 = arith.select %lt3A_1928, %add3A_1931, %xor3A_1925 : vector<16xi1>, vector<16xi32>
    %broadcast_in_dim3A_1933 = vector.shape_cast %select_n3A_1932 : vector<16xi32> to vector<16x1xi32>
    %gather3A_1934 = vector.shape_cast %broadcast_in_dim3A_1933 : vector<16x1xi32> to vector<16xi32>
    %gather3A_1935 = tpu.dynamic_gather %add3A_1922[%gather3A_1934] in [0] : vector<16xf32>, vector<16xi32> -> vector<16xf32>
    %add3A_1936 = arith.addf %add3A_1922, %gather3A_1935 : vector<16xf32>
    %xor3A_1937 = arith.constant 2 : i32
    %xor3A_1938 = vector.broadcast %xor3A_1937 : i32 to vector<16xi32>
    %xor3A_1939 = arith.xori %iota3A, %xor3A_1938 : vector<16xi32>
    %lt3A_1940 = arith.constant 0 : i32
    %lt3A_1941 = vector.broadcast %lt3A_1940 : i32 to vector<16xi32>
    %lt3A_1942 = arith.cmpi slt, %xor3A_1939, %lt3A_1941 : vector<16xi32>
    %add3A_1943 = arith.constant 16 : i32
    %add3A_1944 = vector.broadcast %add3A_1943 : i32 to vector<16xi32>
    %add3A_1945 = arith.addi %xor3A_1939, %add3A_1944 : vector<16xi32>
    %select_n3A_1946 = arith.select %lt3A_1942, %add3A_1945, %xor3A_1939 : vector<16xi1>, vector<16xi32>
    %broadcast_in_dim3A_1947 = vector.shape_cast %select_n3A_1946 : vector<16xi32> to vector<16x1xi32>
    %gather3A_1948 = vector.shape_cast %broadcast_in_dim3A_1947 : vector<16x1xi32> to vector<16xi32>
    %gather3A_1949 = tpu.dynamic_gather %add3A_1936[%gather3A_1948] in [0] : vector<16xf32>, vector<16xi32> -> vector<16xf32>
    %add3A_1950 = arith.addf %add3A_1936, %gather3A_1949 : vector<16xf32>
    %xor3A_1951 = arith.constant 1 : i32
    %xor3A_1952 = vector.broadcast %xor3A_1951 : i32 to vector<16xi32>
    %xor3A_1953 = arith.xori %iota3A, %xor3A_1952 : vector<16xi32>
    %lt3A_1954 = arith.constant 0 : i32
    %lt3A_1955 = vector.broadcast %lt3A_1954 : i32 to vector<16xi32>
    %lt3A_1956 = arith.cmpi slt, %xor3A_1953, %lt3A_1955 : vector<16xi32>
    %add3A_1957 = arith.constant 16 : i32
    %add3A_1958 = vector.broadcast %add3A_1957 : i32 to vector<16xi32>
    %add3A_1959 = arith.addi %xor3A_1953, %add3A_1958 : vector<16xi32>
    %select_n3A_1960 = arith.select %lt3A_1956, %add3A_1959, %xor3A_1953 : vector<16xi1>, vector<16xi32>
    %broadcast_in_dim3A_1961 = vector.shape_cast %select_n3A_1960 : vector<16xi32> to vector<16x1xi32>
    %gather3A_1962 = vector.shape_cast %broadcast_in_dim3A_1961 : vector<16x1xi32> to vector<16xi32>
    %gather3A_1963 = tpu.dynamic_gather %add3A_1950[%gather3A_1962] in [0] : vector<16xf32>, vector<16xi32> -> vector<16xf32>
    %add3A_1964 = arith.addf %add3A_1950, %gather3A_1963 : vector<16xf32>
    %select_n3A_1965 = arith.select %eq3A_1908, %add3A_1964, %select_n3A_1897 : vector<16xi1>, vector<16xf32>
    %eq3A_1966 = arith.constant 3 : i32
    %eq3A_1967 = vector.broadcast %eq3A_1966 : i32 to vector<16xi32>
    %eq3A_1968 = arith.cmpi eq, %iota3A, %eq3A_1967 : vector<16xi32>
    %xor3A_1969 = arith.constant 8 : i32
    %xor3A_1970 = vector.broadcast %xor3A_1969 : i32 to vector<16xi32>
    %xor3A_1971 = arith.xori %iota3A, %xor3A_1970 : vector<16xi32>
    %lt3A_1972 = arith.constant 0 : i32
    %lt3A_1973 = vector.broadcast %lt3A_1972 : i32 to vector<16xi32>
    %lt3A_1974 = arith.cmpi slt, %xor3A_1971, %lt3A_1973 : vector<16xi32>
    %add3A_1975 = arith.constant 16 : i32
    %add3A_1976 = vector.broadcast %add3A_1975 : i32 to vector<16xi32>
    %add3A_1977 = arith.addi %xor3A_1971, %add3A_1976 : vector<16xi32>
    %select_n3A_1978 = arith.select %lt3A_1974, %add3A_1977, %xor3A_1971 : vector<16xi1>, vector<16xi32>
    %broadcast_in_dim3A_1979 = vector.shape_cast %select_n3A_1978 : vector<16xi32> to vector<16x1xi32>
    %gather3A_1980 = vector.shape_cast %broadcast_in_dim3A_1979 : vector<16x1xi32> to vector<16xi32>
    %gather3A_1981 = tpu.dynamic_gather %scan3A_1904#1[%gather3A_1980] in [0] : vector<16xf32>, vector<16xi32> -> vector<16xf32>
    %add3A_1982 = arith.addf %scan3A_1904#1, %gather3A_1981 : vector<16xf32>
    %xor3A_1983 = arith.constant 4 : i32
    %xor3A_1984 = vector.broadcast %xor3A_1983 : i32 to vector<16xi32>
    %xor3A_1985 = arith.xori %iota3A, %xor3A_1984 : vector<16xi32>
    %lt3A_1986 = arith.constant 0 : i32
    %lt3A_1987 = vector.broadcast %lt3A_1986 : i32 to vector<16xi32>
    %lt3A_1988 = arith.cmpi slt, %xor3A_1985, %lt3A_1987 : vector<16xi32>
    %add3A_1989 = arith.constant 16 : i32
    %add3A_1990 = vector.broadcast %add3A_1989 : i32 to vector<16xi32>
    %add3A_1991 = arith.addi %xor3A_1985, %add3A_1990 : vector<16xi32>
    %select_n3A_1992 = arith.select %lt3A_1988, %add3A_1991, %xor3A_1985 : vector<16xi1>, vector<16xi32>
    %broadcast_in_dim3A_1993 = vector.shape_cast %select_n3A_1992 : vector<16xi32> to vector<16x1xi32>
    %gather3A_1994 = vector.shape_cast %broadcast_in_dim3A_1993 : vector<16x1xi32> to vector<16xi32>
    %gather3A_1995 = tpu.dynamic_gather %add3A_1982[%gather3A_1994] in [0] : vector<16xf32>, vector<16xi32> -> vector<16xf32>
    %add3A_1996 = arith.addf %add3A_1982, %gather3A_1995 : vector<16xf32>
    %xor3A_1997 = arith.constant 2 : i32
    %xor3A_1998 = vector.broadcast %xor3A_1997 : i32 to vector<16xi32>
    %xor3A_1999 = arith.xori %iota3A, %xor3A_1998 : vector<16xi32>
    %lt3A_2000 = arith.constant 0 : i32
    %lt3A_2001 = vector.broadcast %lt3A_2000 : i32 to vector<16xi32>
    %lt3A_2002 = arith.cmpi slt, %xor3A_1999, %lt3A_2001 : vector<16xi32>
    %add3A_2003 = arith.constant 16 : i32
    %add3A_2004 = vector.broadcast %add3A_2003 : i32 to vector<16xi32>
    %add3A_2005 = arith.addi %xor3A_1999, %add3A_2004 : vector<16xi32>
    %select_n3A_2006 = arith.select %lt3A_2002, %add3A_2005, %xor3A_1999 : vector<16xi1>, vector<16xi32>
    %broadcast_in_dim3A_2007 = vector.shape_cast %select_n3A_2006 : vector<16xi32> to vector<16x1xi32>
    %gather3A_2008 = vector.shape_cast %broadcast_in_dim3A_2007 : vector<16x1xi32> to vector<16xi32>
    %gather3A_2009 = tpu.dynamic_gather %add3A_1996[%gather3A_2008] in [0] : vector<16xf32>, vector<16xi32> -> vector<16xf32>
    %add3A_2010 = arith.addf %add3A_1996, %gather3A_2009 : vector<16xf32>
    %xor3A_2011 = arith.constant 1 : i32
    %xor3A_2012 = vector.broadcast %xor3A_2011 : i32 to vector<16xi32>
    %xor3A_2013 = arith.xori %iota3A, %xor3A_2012 : vector<16xi32>
    %lt3A_2014 = arith.constant 0 : i32
    %lt3A_2015 = vector.broadcast %lt3A_2014 : i32 to vector<16xi32>
    %lt3A_2016 = arith.cmpi slt, %xor3A_2013, %lt3A_2015 : vector<16xi32>
    %add3A_2017 = arith.constant 16 : i32
    %add3A_2018 = vector.broadcast %add3A_2017 : i32 to vector<16xi32>
    %add3A_2019 = arith.addi %xor3A_2013, %add3A_2018 : vector<16xi32>
    %select_n3A_2020 = arith.select %lt3A_2016, %add3A_2019, %xor3A_2013 : vector<16xi1>, vector<16xi32>
    %broadcast_in_dim3A_2021 = vector.shape_cast %select_n3A_2020 : vector<16xi32> to vector<16x1xi32>
    %gather3A_2022 = vector.shape_cast %broadcast_in_dim3A_2021 : vector<16x1xi32> to vector<16xi32>
    %gather3A_2023 = tpu.dynamic_gather %add3A_2010[%gather3A_2022] in [0] : vector<16xf32>, vector<16xi32> -> vector<16xf32>
    %add3A_2024 = arith.addf %add3A_2010, %gather3A_2023 : vector<16xf32>
    %select_n3A_2025 = arith.select %eq3A_1968, %add3A_2024, %select_n3A_1965 : vector<16xi1>, vector<16xf32>
    %broadcast_in_dim3A_2026 = arith.constant 0.000000e+00 : f32
    %broadcast_in_dim3A_2027 = vector.broadcast %broadcast_in_dim3A_2026 : f32 to vector<16xf32>
    %scan3A_2028 = arith.constant 0 : i32
    %scan3A_2029 = arith.constant 20 : i32
    %scan3A_2030 = arith.addi %scan3A_2028, %scan3A_2029 : i32
    %scan3A_2031 = arith.constant 1 : i32
    %scan3A_2032:2 = scf.for %scan3A_2291 = %scan3A_2028 to %scan3A_2030 step %scan3A_2031 iter_args(%scan3A_2292 = %broadcast_in_dim3A_2027, %scan3A_2293 = %broadcast_in_dim3A_2027) -> (vector<16xf32>, vector<16xf32>)  : i32 {
      %add3A_2294 = arith.constant 40 : i32
      %add3A_2295 = arith.addi %add3A_2294, %scan3A_2291 : i32
      %get3A_2296 = arith.index_cast %add3A_2295 : i32 to index
      %get3A_2297 = arith.constant 0 : index
      %get3A_2298 = tpu.vector_load %arg8[%get3A_2296, %get3A_2297] {strides = array<i32>} : memref<80x100xf32, #tpu.memory_space<vmem>>, vector<1x16xf32>,
      %get3A_2299 = vector.shape_cast %get3A_2298 : vector<1x16xf32> to vector<16xf32>
      %mul3A_2300 = arith.constant 128 : i32
      %mul3A_2301 = arith.muli %scan3A_2291, %mul3A_2300 : i32
      %add3A_2302 = arith.constant 0 : i32
      %add3A_2303 = arith.addi %mul3A_2301, %add3A_2302 : i32
      %get3A_2304 = arith.index_cast %add3A_2303 : i32 to index
      %get3A_2305 = tpu.vector_load %arg9[%get3A_2304] {strides = array<i32>} : memref<5120xf32, #tpu.memory_space<vmem>>, vector<16xf32>,
      %get3A_2306 = vector.shape_cast %get3A_2305 : vector<16xf32> to vector<16xf32>
      %mul3A_2307 = arith.mulf %get3A_2299, %get3A_2306 : vector<16xf32>
      %add3A_2308 = arith.addf %scan3A_2292, %mul3A_2307 : vector<16xf32>
      %mul3A_2309 = arith.constant 128 : i32
      %mul3A_2310 = arith.muli %scan3A_2291, %mul3A_2309 : i32
      %add3A_2311 = arith.constant 2560 : i32
      %add3A_2312 = arith.addi %add3A_2311, %mul3A_2310 : i32
      %add3A_2313 = arith.constant 0 : i32
      %add3A_2314 = arith.addi %add3A_2312, %add3A_2313 : i32
      %get3A_2315 = arith.index_cast %add3A_2314 : i32 to index
      %get3A_2316 = tpu.vector_load %arg9[%get3A_2315] {strides = array<i32>} : memref<5120xf32, #tpu.memory_space<vmem>>, vector<16xf32>,
      %get3A_2317 = vector.shape_cast %get3A_2316 : vector<16xf32> to vector<16xf32>
      %mul3A_2318 = arith.mulf %get3A_2299, %get3A_2317 : vector<16xf32>
      %add3A_2319 = arith.addf %scan3A_2293, %mul3A_2318 : vector<16xf32>
      %get3A_2320 = arith.index_cast %add3A_2295 : i32 to index
      %get3A_2321 = arith.constant 16 : index
      %get3A_2322 = tpu.vector_load %arg8[%get3A_2320, %get3A_2321] {strides = array<i32>} : memref<80x100xf32, #tpu.memory_space<vmem>>, vector<1x16xf32>,
      %get3A_2323 = vector.shape_cast %get3A_2322 : vector<1x16xf32> to vector<16xf32>
      %mul3A_2324 = arith.constant 128 : i32
      %mul3A_2325 = arith.muli %scan3A_2291, %mul3A_2324 : i32
      %add3A_2326 = arith.constant 16 : i32
      %add3A_2327 = arith.addi %mul3A_2325, %add3A_2326 : i32
      %get3A_2328 = arith.index_cast %add3A_2327 : i32 to index
      %get3A_2329 = tpu.vector_load %arg9[%get3A_2328] {strides = array<i32>} : memref<5120xf32, #tpu.memory_space<vmem>>, vector<16xf32>,
      %get3A_2330 = vector.shape_cast %get3A_2329 : vector<16xf32> to vector<16xf32>
      %mul3A_2331 = arith.mulf %get3A_2323, %get3A_2330 : vector<16xf32>
      %add3A_2332 = arith.addf %add3A_2308, %mul3A_2331 : vector<16xf32>
      %mul3A_2333 = arith.constant 128 : i32
      %mul3A_2334 = arith.muli %scan3A_2291, %mul3A_2333 : i32
      %add3A_2335 = arith.constant 2560 : i32
      %add3A_2336 = arith.addi %add3A_2335, %mul3A_2334 : i32
      %add3A_2337 = arith.constant 16 : i32
      %add3A_2338 = arith.addi %add3A_2336, %add3A_2337 : i32
      %get3A_2339 = arith.index_cast %add3A_2338 : i32 to index
      %get3A_2340 = tpu.vector_load %arg9[%get3A_2339] {strides = array<i32>} : memref<5120xf32, #tpu.memory_space<vmem>>, vector<16xf32>,
      %get3A_2341 = vector.shape_cast %get3A_2340 : vector<16xf32> to vector<16xf32>
      %mul3A_2342 = arith.mulf %get3A_2323, %get3A_2341 : vector<16xf32>
      %add3A_2343 = arith.addf %add3A_2319, %mul3A_2342 : vector<16xf32>
      %get3A_2344 = arith.index_cast %add3A_2295 : i32 to index
      %get3A_2345 = arith.constant 32 : index
      %get3A_2346 = tpu.vector_load %arg8[%get3A_2344, %get3A_2345] {strides = array<i32>} : memref<80x100xf32, #tpu.memory_space<vmem>>, vector<1x16xf32>,
      %get3A_2347 = vector.shape_cast %get3A_2346 : vector<1x16xf32> to vector<16xf32>
      %mul3A_2348 = arith.constant 128 : i32
      %mul3A_2349 = arith.muli %scan3A_2291, %mul3A_2348 : i32
      %add3A_2350 = arith.constant 32 : i32
      %add3A_2351 = arith.addi %mul3A_2349, %add3A_2350 : i32
      %get3A_2352 = arith.index_cast %add3A_2351 : i32 to index
      %get3A_2353 = tpu.vector_load %arg9[%get3A_2352] {strides = array<i32>} : memref<5120xf32, #tpu.memory_space<vmem>>, vector<16xf32>,
      %get3A_2354 = vector.shape_cast %get3A_2353 : vector<16xf32> to vector<16xf32>
      %mul3A_2355 = arith.mulf %get3A_2347, %get3A_2354 : vector<16xf32>
      %add3A_2356 = arith.addf %add3A_2332, %mul3A_2355 : vector<16xf32>
      %mul3A_2357 = arith.constant 128 : i32
      %mul3A_2358 = arith.muli %scan3A_2291, %mul3A_2357 : i32
      %add3A_2359 = arith.constant 2560 : i32
      %add3A_2360 = arith.addi %add3A_2359, %mul3A_2358 : i32
      %add3A_2361 = arith.constant 32 : i32
      %add3A_2362 = arith.addi %add3A_2360, %add3A_2361 : i32
      %get3A_2363 = arith.index_cast %add3A_2362 : i32 to index
      %get3A_2364 = tpu.vector_load %arg9[%get3A_2363] {strides = array<i32>} : memref<5120xf32, #tpu.memory_space<vmem>>, vector<16xf32>,
      %get3A_2365 = vector.shape_cast %get3A_2364 : vector<16xf32> to vector<16xf32>
      %mul3A_2366 = arith.mulf %get3A_2347, %get3A_2365 : vector<16xf32>
      %add3A_2367 = arith.addf %add3A_2343, %mul3A_2366 : vector<16xf32>
      %get3A_2368 = arith.index_cast %add3A_2295 : i32 to index
      %get3A_2369 = arith.constant 48 : index
      %get3A_2370 = tpu.vector_load %arg8[%get3A_2368, %get3A_2369] {strides = array<i32>} : memref<80x100xf32, #tpu.memory_space<vmem>>, vector<1x16xf32>,
      %get3A_2371 = vector.shape_cast %get3A_2370 : vector<1x16xf32> to vector<16xf32>
      %mul3A_2372 = arith.constant 128 : i32
      %mul3A_2373 = arith.muli %scan3A_2291, %mul3A_2372 : i32
      %add3A_2374 = arith.constant 48 : i32
      %add3A_2375 = arith.addi %mul3A_2373, %add3A_2374 : i32
      %get3A_2376 = arith.index_cast %add3A_2375 : i32 to index
      %get3A_2377 = tpu.vector_load %arg9[%get3A_2376] {strides = array<i32>} : memref<5120xf32, #tpu.memory_space<vmem>>, vector<16xf32>,
      %get3A_2378 = vector.shape_cast %get3A_2377 : vector<16xf32> to vector<16xf32>
      %mul3A_2379 = arith.mulf %get3A_2371, %get3A_2378 : vector<16xf32>
      %add3A_2380 = arith.addf %add3A_2356, %mul3A_2379 : vector<16xf32>
      %mul3A_2381 = arith.constant 128 : i32
      %mul3A_2382 = arith.muli %scan3A_2291, %mul3A_2381 : i32
      %add3A_2383 = arith.constant 2560 : i32
      %add3A_2384 = arith.addi %add3A_2383, %mul3A_2382 : i32
      %add3A_2385 = arith.constant 48 : i32
      %add3A_2386 = arith.addi %add3A_2384, %add3A_2385 : i32
      %get3A_2387 = arith.index_cast %add3A_2386 : i32 to index
      %get3A_2388 = tpu.vector_load %arg9[%get3A_2387] {strides = array<i32>} : memref<5120xf32, #tpu.memory_space<vmem>>, vector<16xf32>,
      %get3A_2389 = vector.shape_cast %get3A_2388 : vector<16xf32> to vector<16xf32>
      %mul3A_2390 = arith.mulf %get3A_2371, %get3A_2389 : vector<16xf32>
      %add3A_2391 = arith.addf %add3A_2367, %mul3A_2390 : vector<16xf32>
      %get3A_2392 = arith.index_cast %add3A_2295 : i32 to index
      %get3A_2393 = arith.constant 64 : index
      %get3A_2394 = tpu.vector_load %arg8[%get3A_2392, %get3A_2393] {strides = array<i32>} : memref<80x100xf32, #tpu.memory_space<vmem>>, vector<1x16xf32>,
      %get3A_2395 = vector.shape_cast %get3A_2394 : vector<1x16xf32> to vector<16xf32>
      %mul3A_2396 = arith.constant 128 : i32
      %mul3A_2397 = arith.muli %scan3A_2291, %mul3A_2396 : i32
      %add3A_2398 = arith.constant 64 : i32
      %add3A_2399 = arith.addi %mul3A_2397, %add3A_2398 : i32
      %get3A_2400 = arith.index_cast %add3A_2399 : i32 to index
      %get3A_2401 = tpu.vector_load %arg9[%get3A_2400] {strides = array<i32>} : memref<5120xf32, #tpu.memory_space<vmem>>, vector<16xf32>,
      %get3A_2402 = vector.shape_cast %get3A_2401 : vector<16xf32> to vector<16xf32>
      %mul3A_2403 = arith.mulf %get3A_2395, %get3A_2402 : vector<16xf32>
      %add3A_2404 = arith.addf %add3A_2380, %mul3A_2403 : vector<16xf32>
      %mul3A_2405 = arith.constant 128 : i32
      %mul3A_2406 = arith.muli %scan3A_2291, %mul3A_2405 : i32
      %add3A_2407 = arith.constant 2560 : i32
      %add3A_2408 = arith.addi %add3A_2407, %mul3A_2406 : i32
      %add3A_2409 = arith.constant 64 : i32
      %add3A_2410 = arith.addi %add3A_2408, %add3A_2409 : i32
      %get3A_2411 = arith.index_cast %add3A_2410 : i32 to index
      %get3A_2412 = tpu.vector_load %arg9[%get3A_2411] {strides = array<i32>} : memref<5120xf32, #tpu.memory_space<vmem>>, vector<16xf32>,
      %get3A_2413 = vector.shape_cast %get3A_2412 : vector<16xf32> to vector<16xf32>
      %mul3A_2414 = arith.mulf %get3A_2395, %get3A_2413 : vector<16xf32>
      %add3A_2415 = arith.addf %add3A_2391, %mul3A_2414 : vector<16xf32>
      %get3A_2416 = arith.index_cast %add3A_2295 : i32 to index
      %get3A_2417 = arith.constant 80 : index
      %get3A_2418 = tpu.vector_load %arg8[%get3A_2416, %get3A_2417] {strides = array<i32>} : memref<80x100xf32, #tpu.memory_space<vmem>>, vector<1x16xf32>,
      %get3A_2419 = vector.shape_cast %get3A_2418 : vector<1x16xf32> to vector<16xf32>
      %mul3A_2420 = arith.constant 128 : i32
      %mul3A_2421 = arith.muli %scan3A_2291, %mul3A_2420 : i32
      %add3A_2422 = arith.constant 80 : i32
      %add3A_2423 = arith.addi %mul3A_2421, %add3A_2422 : i32
      %get3A_2424 = arith.index_cast %add3A_2423 : i32 to index
      %get3A_2425 = tpu.vector_load %arg9[%get3A_2424] {strides = array<i32>} : memref<5120xf32, #tpu.memory_space<vmem>>, vector<16xf32>,
      %get3A_2426 = vector.shape_cast %get3A_2425 : vector<16xf32> to vector<16xf32>
      %mul3A_2427 = arith.mulf %get3A_2419, %get3A_2426 : vector<16xf32>
      %add3A_2428 = arith.addf %add3A_2404, %mul3A_2427 : vector<16xf32>
      %mul3A_2429 = arith.constant 128 : i32
      %mul3A_2430 = arith.muli %scan3A_2291, %mul3A_2429 : i32
      %add3A_2431 = arith.constant 2560 : i32
      %add3A_2432 = arith.addi %add3A_2431, %mul3A_2430 : i32
      %add3A_2433 = arith.constant 80 : i32
      %add3A_2434 = arith.addi %add3A_2432, %add3A_2433 : i32
      %get3A_2435 = arith.index_cast %add3A_2434 : i32 to index
      %get3A_2436 = tpu.vector_load %arg9[%get3A_2435] {strides = array<i32>} : memref<5120xf32, #tpu.memory_space<vmem>>, vector<16xf32>,
      %get3A_2437 = vector.shape_cast %get3A_2436 : vector<16xf32> to vector<16xf32>
      %mul3A_2438 = arith.mulf %get3A_2419, %get3A_2437 : vector<16xf32>
      %add3A_2439 = arith.addf %add3A_2415, %mul3A_2438 : vector<16xf32>
      %get3A_2440 = arith.index_cast %add3A_2295 : i32 to index
      %get3A_2441 = arith.constant 84 : index
      %get3A_2442 = tpu.vector_load %arg8[%get3A_2440, %get3A_2441] {strides = array<i32>} : memref<80x100xf32, #tpu.memory_space<vmem>>, vector<1x16xf32>,
      %get3A_2443 = vector.shape_cast %get3A_2442 : vector<1x16xf32> to vector<16xf32>
      %jit3A = arith.constant 0.000000e+00 : f32
      %broadcast_in_dim3A_2444 = vector.broadcast %jit3A : f32 to vector<16xf32>
      %select_n3A_2445 = arith.select %ge3A_1774, %get3A_2443, %broadcast_in_dim3A_2444 : vector<16xi1>, vector<16xf32>
      %mul3A_2446 = arith.constant 128 : i32
      %mul3A_2447 = arith.muli %scan3A_2291, %mul3A_2446 : i32
      %add3A_2448 = arith.constant 84 : i32
      %add3A_2449 = arith.addi %mul3A_2447, %add3A_2448 : i32
      %get3A_2450 = arith.index_cast %add3A_2449 : i32 to index
      %get3A_2451 = tpu.vector_load %arg9[%get3A_2450] {strides = array<i32>} : memref<5120xf32, #tpu.memory_space<vmem>>, vector<16xf32>,
      %get3A_2452 = vector.shape_cast %get3A_2451 : vector<16xf32> to vector<16xf32>
      %mul3A_2453 = arith.mulf %select_n3A_2445, %get3A_2452 : vector<16xf32>
      %add3A_2454 = arith.addf %add3A_2428, %mul3A_2453 : vector<16xf32>
      %mul3A_2455 = arith.constant 128 : i32
      %mul3A_2456 = arith.muli %scan3A_2291, %mul3A_2455 : i32
      %add3A_2457 = arith.constant 2560 : i32
      %add3A_2458 = arith.addi %add3A_2457, %mul3A_2456 : i32
      %add3A_2459 = arith.constant 84 : i32
      %add3A_2460 = arith.addi %add3A_2458, %add3A_2459 : i32
      %get3A_2461 = arith.index_cast %add3A_2460 : i32 to index
      %get3A_2462 = tpu.vector_load %arg9[%get3A_2461] {strides = array<i32>} : memref<5120xf32, #tpu.memory_space<vmem>>, vector<16xf32>,
      %get3A_2463 = vector.shape_cast %get3A_2462 : vector<16xf32> to vector<16xf32>
      %mul3A_2464 = arith.mulf %select_n3A_2445, %get3A_2463 : vector<16xf32>
      %add3A_2465 = arith.addf %add3A_2439, %mul3A_2464 : vector<16xf32>
      scf.yield %add3A_2454, %add3A_2465 : vector<16xf32>, vector<16xf32>
    }
    %scan3A_2033 = arith.constant 20 : i32
    %eq3A_2034 = arith.constant 4 : i32
    %eq3A_2035 = vector.broadcast %eq3A_2034 : i32 to vector<16xi32>
    %eq3A_2036 = arith.cmpi eq, %iota3A, %eq3A_2035 : vector<16xi32>
    %xor3A_2037 = arith.constant 8 : i32
    %xor3A_2038 = vector.broadcast %xor3A_2037 : i32 to vector<16xi32>
    %xor3A_2039 = arith.xori %iota3A, %xor3A_2038 : vector<16xi32>
    %lt3A_2040 = arith.constant 0 : i32
    %lt3A_2041 = vector.broadcast %lt3A_2040 : i32 to vector<16xi32>
    %lt3A_2042 = arith.cmpi slt, %xor3A_2039, %lt3A_2041 : vector<16xi32>
    %add3A_2043 = arith.constant 16 : i32
    %add3A_2044 = vector.broadcast %add3A_2043 : i32 to vector<16xi32>
    %add3A_2045 = arith.addi %xor3A_2039, %add3A_2044 : vector<16xi32>
    %select_n3A_2046 = arith.select %lt3A_2042, %add3A_2045, %xor3A_2039 : vector<16xi1>, vector<16xi32>
    %broadcast_in_dim3A_2047 = vector.shape_cast %select_n3A_2046 : vector<16xi32> to vector<16x1xi32>
    %gather3A_2048 = vector.shape_cast %broadcast_in_dim3A_2047 : vector<16x1xi32> to vector<16xi32>
    %gather3A_2049 = tpu.dynamic_gather %scan3A_2032#0[%gather3A_2048] in [0] : vector<16xf32>, vector<16xi32> -> vector<16xf32>
    %add3A_2050 = arith.addf %scan3A_2032#0, %gather3A_2049 : vector<16xf32>
    %xor3A_2051 = arith.constant 4 : i32
    %xor3A_2052 = vector.broadcast %xor3A_2051 : i32 to vector<16xi32>
    %xor3A_2053 = arith.xori %iota3A, %xor3A_2052 : vector<16xi32>
    %lt3A_2054 = arith.constant 0 : i32
    %lt3A_2055 = vector.broadcast %lt3A_2054 : i32 to vector<16xi32>
    %lt3A_2056 = arith.cmpi slt, %xor3A_2053, %lt3A_2055 : vector<16xi32>
    %add3A_2057 = arith.constant 16 : i32
    %add3A_2058 = vector.broadcast %add3A_2057 : i32 to vector<16xi32>
    %add3A_2059 = arith.addi %xor3A_2053, %add3A_2058 : vector<16xi32>
    %select_n3A_2060 = arith.select %lt3A_2056, %add3A_2059, %xor3A_2053 : vector<16xi1>, vector<16xi32>
    %broadcast_in_dim3A_2061 = vector.shape_cast %select_n3A_2060 : vector<16xi32> to vector<16x1xi32>
    %gather3A_2062 = vector.shape_cast %broadcast_in_dim3A_2061 : vector<16x1xi32> to vector<16xi32>
    %gather3A_2063 = tpu.dynamic_gather %add3A_2050[%gather3A_2062] in [0] : vector<16xf32>, vector<16xi32> -> vector<16xf32>
    %add3A_2064 = arith.addf %add3A_2050, %gather3A_2063 : vector<16xf32>
    %xor3A_2065 = arith.constant 2 : i32
    %xor3A_2066 = vector.broadcast %xor3A_2065 : i32 to vector<16xi32>
    %xor3A_2067 = arith.xori %iota3A, %xor3A_2066 : vector<16xi32>
    %lt3A_2068 = arith.constant 0 : i32
    %lt3A_2069 = vector.broadcast %lt3A_2068 : i32 to vector<16xi32>
    %lt3A_2070 = arith.cmpi slt, %xor3A_2067, %lt3A_2069 : vector<16xi32>
    %add3A_2071 = arith.constant 16 : i32
    %add3A_2072 = vector.broadcast %add3A_2071 : i32 to vector<16xi32>
    %add3A_2073 = arith.addi %xor3A_2067, %add3A_2072 : vector<16xi32>
    %select_n3A_2074 = arith.select %lt3A_2070, %add3A_2073, %xor3A_2067 : vector<16xi1>, vector<16xi32>
    %broadcast_in_dim3A_2075 = vector.shape_cast %select_n3A_2074 : vector<16xi32> to vector<16x1xi32>
    %gather3A_2076 = vector.shape_cast %broadcast_in_dim3A_2075 : vector<16x1xi32> to vector<16xi32>
    %gather3A_2077 = tpu.dynamic_gather %add3A_2064[%gather3A_2076] in [0] : vector<16xf32>, vector<16xi32> -> vector<16xf32>
    %add3A_2078 = arith.addf %add3A_2064, %gather3A_2077 : vector<16xf32>
    %xor3A_2079 = arith.constant 1 : i32
    %xor3A_2080 = vector.broadcast %xor3A_2079 : i32 to vector<16xi32>
    %xor3A_2081 = arith.xori %iota3A, %xor3A_2080 : vector<16xi32>
    %lt3A_2082 = arith.constant 0 : i32
    %lt3A_2083 = vector.broadcast %lt3A_2082 : i32 to vector<16xi32>
    %lt3A_2084 = arith.cmpi slt, %xor3A_2081, %lt3A_2083 : vector<16xi32>
    %add3A_2085 = arith.constant 16 : i32
    %add3A_2086 = vector.broadcast %add3A_2085 : i32 to vector<16xi32>
    %add3A_2087 = arith.addi %xor3A_2081, %add3A_2086 : vector<16xi32>
    %select_n3A_2088 = arith.select %lt3A_2084, %add3A_2087, %xor3A_2081 : vector<16xi1>, vector<16xi32>
    %broadcast_in_dim3A_2089 = vector.shape_cast %select_n3A_2088 : vector<16xi32> to vector<16x1xi32>
    %gather3A_2090 = vector.shape_cast %broadcast_in_dim3A_2089 : vector<16x1xi32> to vector<16xi32>
    %gather3A_2091 = tpu.dynamic_gather %add3A_2078[%gather3A_2090] in [0] : vector<16xf32>, vector<16xi32> -> vector<16xf32>
    %add3A_2092 = arith.addf %add3A_2078, %gather3A_2091 : vector<16xf32>
    %select_n3A_2093 = arith.select %eq3A_2036, %add3A_2092, %select_n3A_2025 : vector<16xi1>, vector<16xf32>
    %eq3A_2094 = arith.constant 5 : i32
    %eq3A_2095 = vector.broadcast %eq3A_2094 : i32 to vector<16xi32>
    %eq3A_2096 = arith.cmpi eq, %iota3A, %eq3A_2095 : vector<16xi32>
    %xor3A_2097 = arith.constant 8 : i32
    %xor3A_2098 = vector.broadcast %xor3A_2097 : i32 to vector<16xi32>
    %xor3A_2099 = arith.xori %iota3A, %xor3A_2098 : vector<16xi32>
    %lt3A_2100 = arith.constant 0 : i32
    %lt3A_2101 = vector.broadcast %lt3A_2100 : i32 to vector<16xi32>
    %lt3A_2102 = arith.cmpi slt, %xor3A_2099, %lt3A_2101 : vector<16xi32>
    %add3A_2103 = arith.constant 16 : i32
    %add3A_2104 = vector.broadcast %add3A_2103 : i32 to vector<16xi32>
    %add3A_2105 = arith.addi %xor3A_2099, %add3A_2104 : vector<16xi32>
    %select_n3A_2106 = arith.select %lt3A_2102, %add3A_2105, %xor3A_2099 : vector<16xi1>, vector<16xi32>
    %broadcast_in_dim3A_2107 = vector.shape_cast %select_n3A_2106 : vector<16xi32> to vector<16x1xi32>
    %gather3A_2108 = vector.shape_cast %broadcast_in_dim3A_2107 : vector<16x1xi32> to vector<16xi32>
    %gather3A_2109 = tpu.dynamic_gather %scan3A_2032#1[%gather3A_2108] in [0] : vector<16xf32>, vector<16xi32> -> vector<16xf32>
    %add3A_2110 = arith.addf %scan3A_2032#1, %gather3A_2109 : vector<16xf32>
    %xor3A_2111 = arith.constant 4 : i32
    %xor3A_2112 = vector.broadcast %xor3A_2111 : i32 to vector<16xi32>
    %xor3A_2113 = arith.xori %iota3A, %xor3A_2112 : vector<16xi32>
    %lt3A_2114 = arith.constant 0 : i32
    %lt3A_2115 = vector.broadcast %lt3A_2114 : i32 to vector<16xi32>
    %lt3A_2116 = arith.cmpi slt, %xor3A_2113, %lt3A_2115 : vector<16xi32>
    %add3A_2117 = arith.constant 16 : i32
    %add3A_2118 = vector.broadcast %add3A_2117 : i32 to vector<16xi32>
    %add3A_2119 = arith.addi %xor3A_2113, %add3A_2118 : vector<16xi32>
    %select_n3A_2120 = arith.select %lt3A_2116, %add3A_2119, %xor3A_2113 : vector<16xi1>, vector<16xi32>
    %broadcast_in_dim3A_2121 = vector.shape_cast %select_n3A_2120 : vector<16xi32> to vector<16x1xi32>
    %gather3A_2122 = vector.shape_cast %broadcast_in_dim3A_2121 : vector<16x1xi32> to vector<16xi32>
    %gather3A_2123 = tpu.dynamic_gather %add3A_2110[%gather3A_2122] in [0] : vector<16xf32>, vector<16xi32> -> vector<16xf32>
    %add3A_2124 = arith.addf %add3A_2110, %gather3A_2123 : vector<16xf32>
    %xor3A_2125 = arith.constant 2 : i32
    %xor3A_2126 = vector.broadcast %xor3A_2125 : i32 to vector<16xi32>
    %xor3A_2127 = arith.xori %iota3A, %xor3A_2126 : vector<16xi32>
    %lt3A_2128 = arith.constant 0 : i32
    %lt3A_2129 = vector.broadcast %lt3A_2128 : i32 to vector<16xi32>
    %lt3A_2130 = arith.cmpi slt, %xor3A_2127, %lt3A_2129 : vector<16xi32>
    %add3A_2131 = arith.constant 16 : i32
    %add3A_2132 = vector.broadcast %add3A_2131 : i32 to vector<16xi32>
    %add3A_2133 = arith.addi %xor3A_2127, %add3A_2132 : vector<16xi32>
    %select_n3A_2134 = arith.select %lt3A_2130, %add3A_2133, %xor3A_2127 : vector<16xi1>, vector<16xi32>
    %broadcast_in_dim3A_2135 = vector.shape_cast %select_n3A_2134 : vector<16xi32> to vector<16x1xi32>
    %gather3A_2136 = vector.shape_cast %broadcast_in_dim3A_2135 : vector<16x1xi32> to vector<16xi32>
    %gather3A_2137 = tpu.dynamic_gather %add3A_2124[%gather3A_2136] in [0] : vector<16xf32>, vector<16xi32> -> vector<16xf32>
    %add3A_2138 = arith.addf %add3A_2124, %gather3A_2137 : vector<16xf32>
    %xor3A_2139 = arith.constant 1 : i32
    %xor3A_2140 = vector.broadcast %xor3A_2139 : i32 to vector<16xi32>
    %xor3A_2141 = arith.xori %iota3A, %xor3A_2140 : vector<16xi32>
    %lt3A_2142 = arith.constant 0 : i32
    %lt3A_2143 = vector.broadcast %lt3A_2142 : i32 to vector<16xi32>
    %lt3A_2144 = arith.cmpi slt, %xor3A_2141, %lt3A_2143 : vector<16xi32>
    %add3A_2145 = arith.constant 16 : i32
    %add3A_2146 = vector.broadcast %add3A_2145 : i32 to vector<16xi32>
    %add3A_2147 = arith.addi %xor3A_2141, %add3A_2146 : vector<16xi32>
    %select_n3A_2148 = arith.select %lt3A_2144, %add3A_2147, %xor3A_2141 : vector<16xi1>, vector<16xi32>
    %broadcast_in_dim3A_2149 = vector.shape_cast %select_n3A_2148 : vector<16xi32> to vector<16x1xi32>
    %gather3A_2150 = vector.shape_cast %broadcast_in_dim3A_2149 : vector<16x1xi32> to vector<16xi32>
    %gather3A_2151 = tpu.dynamic_gather %add3A_2138[%gather3A_2150] in [0] : vector<16xf32>, vector<16xi32> -> vector<16xf32>
    %add3A_2152 = arith.addf %add3A_2138, %gather3A_2151 : vector<16xf32>
    %select_n3A_2153 = arith.select %eq3A_2096, %add3A_2152, %select_n3A_2093 : vector<16xi1>, vector<16xf32>
    %broadcast_in_dim3A_2154 = arith.constant 0.000000e+00 : f32
    %broadcast_in_dim3A_2155 = vector.broadcast %broadcast_in_dim3A_2154 : f32 to vector<16xf32>
    %scan3A_2156 = arith.constant 0 : i32
    %scan3A_2157 = arith.constant 20 : i32
    %scan3A_2158 = arith.addi %scan3A_2156, %scan3A_2157 : i32
    %scan3A_2159 = arith.constant 1 : i32
    %scan3A_2160:2 = scf.for %scan3A_2291 = %scan3A_2156 to %scan3A_2158 step %scan3A_2159 iter_args(%scan3A_2292 = %broadcast_in_dim3A_2155, %scan3A_2293 = %broadcast_in_dim3A_2155) -> (vector<16xf32>, vector<16xf32>)  : i32 {
      %add3A_2294 = arith.constant 60 : i32
      %add3A_2295 = arith.addi %add3A_2294, %scan3A_2291 : i32
      %get3A_2296 = arith.index_cast %add3A_2295 : i32 to index
      %get3A_2297 = arith.constant 0 : index
      %get3A_2298 = tpu.vector_load %arg8[%get3A_2296, %get3A_2297] {strides = array<i32>} : memref<80x100xf32, #tpu.memory_space<vmem>>, vector<1x16xf32>,
      %get3A_2299 = vector.shape_cast %get3A_2298 : vector<1x16xf32> to vector<16xf32>
      %mul3A_2300 = arith.constant 128 : i32
      %mul3A_2301 = arith.muli %scan3A_2291, %mul3A_2300 : i32
      %add3A_2302 = arith.constant 0 : i32
      %add3A_2303 = arith.addi %mul3A_2301, %add3A_2302 : i32
      %get3A_2304 = arith.index_cast %add3A_2303 : i32 to index
      %get3A_2305 = tpu.vector_load %arg9[%get3A_2304] {strides = array<i32>} : memref<5120xf32, #tpu.memory_space<vmem>>, vector<16xf32>,
      %get3A_2306 = vector.shape_cast %get3A_2305 : vector<16xf32> to vector<16xf32>
      %mul3A_2307 = arith.mulf %get3A_2299, %get3A_2306 : vector<16xf32>
      %add3A_2308 = arith.addf %scan3A_2292, %mul3A_2307 : vector<16xf32>
      %mul3A_2309 = arith.constant 128 : i32
      %mul3A_2310 = arith.muli %scan3A_2291, %mul3A_2309 : i32
      %add3A_2311 = arith.constant 2560 : i32
      %add3A_2312 = arith.addi %add3A_2311, %mul3A_2310 : i32
      %add3A_2313 = arith.constant 0 : i32
      %add3A_2314 = arith.addi %add3A_2312, %add3A_2313 : i32
      %get3A_2315 = arith.index_cast %add3A_2314 : i32 to index
      %get3A_2316 = tpu.vector_load %arg9[%get3A_2315] {strides = array<i32>} : memref<5120xf32, #tpu.memory_space<vmem>>, vector<16xf32>,
      %get3A_2317 = vector.shape_cast %get3A_2316 : vector<16xf32> to vector<16xf32>
      %mul3A_2318 = arith.mulf %get3A_2299, %get3A_2317 : vector<16xf32>
      %add3A_2319 = arith.addf %scan3A_2293, %mul3A_2318 : vector<16xf32>
      %get3A_2320 = arith.index_cast %add3A_2295 : i32 to index
      %get3A_2321 = arith.constant 16 : index
      %get3A_2322 = tpu.vector_load %arg8[%get3A_2320, %get3A_2321] {strides = array<i32>} : memref<80x100xf32, #tpu.memory_space<vmem>>, vector<1x16xf32>,
      %get3A_2323 = vector.shape_cast %get3A_2322 : vector<1x16xf32> to vector<16xf32>
      %mul3A_2324 = arith.constant 128 : i32
      %mul3A_2325 = arith.muli %scan3A_2291, %mul3A_2324 : i32
      %add3A_2326 = arith.constant 16 : i32
      %add3A_2327 = arith.addi %mul3A_2325, %add3A_2326 : i32
      %get3A_2328 = arith.index_cast %add3A_2327 : i32 to index
      %get3A_2329 = tpu.vector_load %arg9[%get3A_2328] {strides = array<i32>} : memref<5120xf32, #tpu.memory_space<vmem>>, vector<16xf32>,
      %get3A_2330 = vector.shape_cast %get3A_2329 : vector<16xf32> to vector<16xf32>
      %mul3A_2331 = arith.mulf %get3A_2323, %get3A_2330 : vector<16xf32>
      %add3A_2332 = arith.addf %add3A_2308, %mul3A_2331 : vector<16xf32>
      %mul3A_2333 = arith.constant 128 : i32
      %mul3A_2334 = arith.muli %scan3A_2291, %mul3A_2333 : i32
      %add3A_2335 = arith.constant 2560 : i32
      %add3A_2336 = arith.addi %add3A_2335, %mul3A_2334 : i32
      %add3A_2337 = arith.constant 16 : i32
      %add3A_2338 = arith.addi %add3A_2336, %add3A_2337 : i32
      %get3A_2339 = arith.index_cast %add3A_2338 : i32 to index
      %get3A_2340 = tpu.vector_load %arg9[%get3A_2339] {strides = array<i32>} : memref<5120xf32, #tpu.memory_space<vmem>>, vector<16xf32>,
      %get3A_2341 = vector.shape_cast %get3A_2340 : vector<16xf32> to vector<16xf32>
      %mul3A_2342 = arith.mulf %get3A_2323, %get3A_2341 : vector<16xf32>
      %add3A_2343 = arith.addf %add3A_2319, %mul3A_2342 : vector<16xf32>
      %get3A_2344 = arith.index_cast %add3A_2295 : i32 to index
      %get3A_2345 = arith.constant 32 : index
      %get3A_2346 = tpu.vector_load %arg8[%get3A_2344, %get3A_2345] {strides = array<i32>} : memref<80x100xf32, #tpu.memory_space<vmem>>, vector<1x16xf32>,
      %get3A_2347 = vector.shape_cast %get3A_2346 : vector<1x16xf32> to vector<16xf32>
      %mul3A_2348 = arith.constant 128 : i32
      %mul3A_2349 = arith.muli %scan3A_2291, %mul3A_2348 : i32
      %add3A_2350 = arith.constant 32 : i32
      %add3A_2351 = arith.addi %mul3A_2349, %add3A_2350 : i32
      %get3A_2352 = arith.index_cast %add3A_2351 : i32 to index
      %get3A_2353 = tpu.vector_load %arg9[%get3A_2352] {strides = array<i32>} : memref<5120xf32, #tpu.memory_space<vmem>>, vector<16xf32>,
      %get3A_2354 = vector.shape_cast %get3A_2353 : vector<16xf32> to vector<16xf32>
      %mul3A_2355 = arith.mulf %get3A_2347, %get3A_2354 : vector<16xf32>
      %add3A_2356 = arith.addf %add3A_2332, %mul3A_2355 : vector<16xf32>
      %mul3A_2357 = arith.constant 128 : i32
      %mul3A_2358 = arith.muli %scan3A_2291, %mul3A_2357 : i32
      %add3A_2359 = arith.constant 2560 : i32
      %add3A_2360 = arith.addi %add3A_2359, %mul3A_2358 : i32
      %add3A_2361 = arith.constant 32 : i32
      %add3A_2362 = arith.addi %add3A_2360, %add3A_2361 : i32
      %get3A_2363 = arith.index_cast %add3A_2362 : i32 to index
      %get3A_2364 = tpu.vector_load %arg9[%get3A_2363] {strides = array<i32>} : memref<5120xf32, #tpu.memory_space<vmem>>, vector<16xf32>,
      %get3A_2365 = vector.shape_cast %get3A_2364 : vector<16xf32> to vector<16xf32>
      %mul3A_2366 = arith.mulf %get3A_2347, %get3A_2365 : vector<16xf32>
      %add3A_2367 = arith.addf %add3A_2343, %mul3A_2366 : vector<16xf32>
      %get3A_2368 = arith.index_cast %add3A_2295 : i32 to index
      %get3A_2369 = arith.constant 48 : index
      %get3A_2370 = tpu.vector_load %arg8[%get3A_2368, %get3A_2369] {strides = array<i32>} : memref<80x100xf32, #tpu.memory_space<vmem>>, vector<1x16xf32>,
      %get3A_2371 = vector.shape_cast %get3A_2370 : vector<1x16xf32> to vector<16xf32>
      %mul3A_2372 = arith.constant 128 : i32
      %mul3A_2373 = arith.muli %scan3A_2291, %mul3A_2372 : i32
      %add3A_2374 = arith.constant 48 : i32
      %add3A_2375 = arith.addi %mul3A_2373, %add3A_2374 : i32
      %get3A_2376 = arith.index_cast %add3A_2375 : i32 to index
      %get3A_2377 = tpu.vector_load %arg9[%get3A_2376] {strides = array<i32>} : memref<5120xf32, #tpu.memory_space<vmem>>, vector<16xf32>,
      %get3A_2378 = vector.shape_cast %get3A_2377 : vector<16xf32> to vector<16xf32>
      %mul3A_2379 = arith.mulf %get3A_2371, %get3A_2378 : vector<16xf32>
      %add3A_2380 = arith.addf %add3A_2356, %mul3A_2379 : vector<16xf32>
      %mul3A_2381 = arith.constant 128 : i32
      %mul3A_2382 = arith.muli %scan3A_2291, %mul3A_2381 : i32
      %add3A_2383 = arith.constant 2560 : i32
      %add3A_2384 = arith.addi %add3A_2383, %mul3A_2382 : i32
      %add3A_2385 = arith.constant 48 : i32
      %add3A_2386 = arith.addi %add3A_2384, %add3A_2385 : i32
      %get3A_2387 = arith.index_cast %add3A_2386 : i32 to index
      %get3A_2388 = tpu.vector_load %arg9[%get3A_2387] {strides = array<i32>} : memref<5120xf32, #tpu.memory_space<vmem>>, vector<16xf32>,
      %get3A_2389 = vector.shape_cast %get3A_2388 : vector<16xf32> to vector<16xf32>
      %mul3A_2390 = arith.mulf %get3A_2371, %get3A_2389 : vector<16xf32>
      %add3A_2391 = arith.addf %add3A_2367, %mul3A_2390 : vector<16xf32>
      %get3A_2392 = arith.index_cast %add3A_2295 : i32 to index
      %get3A_2393 = arith.constant 64 : index
      %get3A_2394 = tpu.vector_load %arg8[%get3A_2392, %get3A_2393] {strides = array<i32>} : memref<80x100xf32, #tpu.memory_space<vmem>>, vector<1x16xf32>,
      %get3A_2395 = vector.shape_cast %get3A_2394 : vector<1x16xf32> to vector<16xf32>
      %mul3A_2396 = arith.constant 128 : i32
      %mul3A_2397 = arith.muli %scan3A_2291, %mul3A_2396 : i32
      %add3A_2398 = arith.constant 64 : i32
      %add3A_2399 = arith.addi %mul3A_2397, %add3A_2398 : i32
      %get3A_2400 = arith.index_cast %add3A_2399 : i32 to index
      %get3A_2401 = tpu.vector_load %arg9[%get3A_2400] {strides = array<i32>} : memref<5120xf32, #tpu.memory_space<vmem>>, vector<16xf32>,
      %get3A_2402 = vector.shape_cast %get3A_2401 : vector<16xf32> to vector<16xf32>
      %mul3A_2403 = arith.mulf %get3A_2395, %get3A_2402 : vector<16xf32>
      %add3A_2404 = arith.addf %add3A_2380, %mul3A_2403 : vector<16xf32>
      %mul3A_2405 = arith.constant 128 : i32
      %mul3A_2406 = arith.muli %scan3A_2291, %mul3A_2405 : i32
      %add3A_2407 = arith.constant 2560 : i32
      %add3A_2408 = arith.addi %add3A_2407, %mul3A_2406 : i32
      %add3A_2409 = arith.constant 64 : i32
      %add3A_2410 = arith.addi %add3A_2408, %add3A_2409 : i32
      %get3A_2411 = arith.index_cast %add3A_2410 : i32 to index
      %get3A_2412 = tpu.vector_load %arg9[%get3A_2411] {strides = array<i32>} : memref<5120xf32, #tpu.memory_space<vmem>>, vector<16xf32>,
      %get3A_2413 = vector.shape_cast %get3A_2412 : vector<16xf32> to vector<16xf32>
      %mul3A_2414 = arith.mulf %get3A_2395, %get3A_2413 : vector<16xf32>
      %add3A_2415 = arith.addf %add3A_2391, %mul3A_2414 : vector<16xf32>
      %get3A_2416 = arith.index_cast %add3A_2295 : i32 to index
      %get3A_2417 = arith.constant 80 : index
      %get3A_2418 = tpu.vector_load %arg8[%get3A_2416, %get3A_2417] {strides = array<i32>} : memref<80x100xf32, #tpu.memory_space<vmem>>, vector<1x16xf32>,
      %get3A_2419 = vector.shape_cast %get3A_2418 : vector<1x16xf32> to vector<16xf32>
      %mul3A_2420 = arith.constant 128 : i32
      %mul3A_2421 = arith.muli %scan3A_2291, %mul3A_2420 : i32
      %add3A_2422 = arith.constant 80 : i32
      %add3A_2423 = arith.addi %mul3A_2421, %add3A_2422 : i32
      %get3A_2424 = arith.index_cast %add3A_2423 : i32 to index
      %get3A_2425 = tpu.vector_load %arg9[%get3A_2424] {strides = array<i32>} : memref<5120xf32, #tpu.memory_space<vmem>>, vector<16xf32>,
      %get3A_2426 = vector.shape_cast %get3A_2425 : vector<16xf32> to vector<16xf32>
      %mul3A_2427 = arith.mulf %get3A_2419, %get3A_2426 : vector<16xf32>
      %add3A_2428 = arith.addf %add3A_2404, %mul3A_2427 : vector<16xf32>
      %mul3A_2429 = arith.constant 128 : i32
      %mul3A_2430 = arith.muli %scan3A_2291, %mul3A_2429 : i32
      %add3A_2431 = arith.constant 2560 : i32
      %add3A_2432 = arith.addi %add3A_2431, %mul3A_2430 : i32
      %add3A_2433 = arith.constant 80 : i32
      %add3A_2434 = arith.addi %add3A_2432, %add3A_2433 : i32
      %get3A_2435 = arith.index_cast %add3A_2434 : i32 to index
      %get3A_2436 = tpu.vector_load %arg9[%get3A_2435] {strides = array<i32>} : memref<5120xf32, #tpu.memory_space<vmem>>, vector<16xf32>,
      %get3A_2437 = vector.shape_cast %get3A_2436 : vector<16xf32> to vector<16xf32>
      %mul3A_2438 = arith.mulf %get3A_2419, %get3A_2437 : vector<16xf32>
      %add3A_2439 = arith.addf %add3A_2415, %mul3A_2438 : vector<16xf32>
      %get3A_2440 = arith.index_cast %add3A_2295 : i32 to index
      %get3A_2441 = arith.constant 84 : index
      %get3A_2442 = tpu.vector_load %arg8[%get3A_2440, %get3A_2441] {strides = array<i32>} : memref<80x100xf32, #tpu.memory_space<vmem>>, vector<1x16xf32>,
      %get3A_2443 = vector.shape_cast %get3A_2442 : vector<1x16xf32> to vector<16xf32>
      %jit3A = arith.constant 0.000000e+00 : f32
      %broadcast_in_dim3A_2444 = vector.broadcast %jit3A : f32 to vector<16xf32>
      %select_n3A_2445 = arith.select %ge3A_1774, %get3A_2443, %broadcast_in_dim3A_2444 : vector<16xi1>, vector<16xf32>
      %mul3A_2446 = arith.constant 128 : i32
      %mul3A_2447 = arith.muli %scan3A_2291, %mul3A_2446 : i32
      %add3A_2448 = arith.constant 84 : i32
      %add3A_2449 = arith.addi %mul3A_2447, %add3A_2448 : i32
      %get3A_2450 = arith.index_cast %add3A_2449 : i32 to index
      %get3A_2451 = tpu.vector_load %arg9[%get3A_2450] {strides = array<i32>} : memref<5120xf32, #tpu.memory_space<vmem>>, vector<16xf32>,
      %get3A_2452 = vector.shape_cast %get3A_2451 : vector<16xf32> to vector<16xf32>
      %mul3A_2453 = arith.mulf %select_n3A_2445, %get3A_2452 : vector<16xf32>
      %add3A_2454 = arith.addf %add3A_2428, %mul3A_2453 : vector<16xf32>
      %mul3A_2455 = arith.constant 128 : i32
      %mul3A_2456 = arith.muli %scan3A_2291, %mul3A_2455 : i32
      %add3A_2457 = arith.constant 2560 : i32
      %add3A_2458 = arith.addi %add3A_2457, %mul3A_2456 : i32
      %add3A_2459 = arith.constant 84 : i32
      %add3A_2460 = arith.addi %add3A_2458, %add3A_2459 : i32
      %get3A_2461 = arith.index_cast %add3A_2460 : i32 to index
      %get3A_2462 = tpu.vector_load %arg9[%get3A_2461] {strides = array<i32>} : memref<5120xf32, #tpu.memory_space<vmem>>, vector<16xf32>,
      %get3A_2463 = vector.shape_cast %get3A_2462 : vector<16xf32> to vector<16xf32>
      %mul3A_2464 = arith.mulf %select_n3A_2445, %get3A_2463 : vector<16xf32>
      %add3A_2465 = arith.addf %add3A_2439, %mul3A_2464 : vector<16xf32>
      scf.yield %add3A_2454, %add3A_2465 : vector<16xf32>, vector<16xf32>
    }
    %scan3A_2161 = arith.constant 20 : i32
    %eq3A_2162 = arith.constant 6 : i32
    %eq3A_2163 = vector.broadcast %eq3A_2162 : i32 to vector<16xi32>
    %eq3A_2164 = arith.cmpi eq, %iota3A, %eq3A_2163 : vector<16xi32>
    %xor3A_2165 = arith.constant 8 : i32
    %xor3A_2166 = vector.broadcast %xor3A_2165 : i32 to vector<16xi32>
    %xor3A_2167 = arith.xori %iota3A, %xor3A_2166 : vector<16xi32>
    %lt3A_2168 = arith.constant 0 : i32
    %lt3A_2169 = vector.broadcast %lt3A_2168 : i32 to vector<16xi32>
    %lt3A_2170 = arith.cmpi slt, %xor3A_2167, %lt3A_2169 : vector<16xi32>
    %add3A_2171 = arith.constant 16 : i32
    %add3A_2172 = vector.broadcast %add3A_2171 : i32 to vector<16xi32>
    %add3A_2173 = arith.addi %xor3A_2167, %add3A_2172 : vector<16xi32>
    %select_n3A_2174 = arith.select %lt3A_2170, %add3A_2173, %xor3A_2167 : vector<16xi1>, vector<16xi32>
    %broadcast_in_dim3A_2175 = vector.shape_cast %select_n3A_2174 : vector<16xi32> to vector<16x1xi32>
    %gather3A_2176 = vector.shape_cast %broadcast_in_dim3A_2175 : vector<16x1xi32> to vector<16xi32>
    %gather3A_2177 = tpu.dynamic_gather %scan3A_2160#0[%gather3A_2176] in [0] : vector<16xf32>, vector<16xi32> -> vector<16xf32>
    %add3A_2178 = arith.addf %scan3A_2160#0, %gather3A_2177 : vector<16xf32>
    %xor3A_2179 = arith.constant 4 : i32
    %xor3A_2180 = vector.broadcast %xor3A_2179 : i32 to vector<16xi32>
    %xor3A_2181 = arith.xori %iota3A, %xor3A_2180 : vector<16xi32>
    %lt3A_2182 = arith.constant 0 : i32
    %lt3A_2183 = vector.broadcast %lt3A_2182 : i32 to vector<16xi32>
    %lt3A_2184 = arith.cmpi slt, %xor3A_2181, %lt3A_2183 : vector<16xi32>
    %add3A_2185 = arith.constant 16 : i32
    %add3A_2186 = vector.broadcast %add3A_2185 : i32 to vector<16xi32>
    %add3A_2187 = arith.addi %xor3A_2181, %add3A_2186 : vector<16xi32>
    %select_n3A_2188 = arith.select %lt3A_2184, %add3A_2187, %xor3A_2181 : vector<16xi1>, vector<16xi32>
    %broadcast_in_dim3A_2189 = vector.shape_cast %select_n3A_2188 : vector<16xi32> to vector<16x1xi32>
    %gather3A_2190 = vector.shape_cast %broadcast_in_dim3A_2189 : vector<16x1xi32> to vector<16xi32>
    %gather3A_2191 = tpu.dynamic_gather %add3A_2178[%gather3A_2190] in [0] : vector<16xf32>, vector<16xi32> -> vector<16xf32>
    %add3A_2192 = arith.addf %add3A_2178, %gather3A_2191 : vector<16xf32>
    %xor3A_2193 = arith.constant 2 : i32
    %xor3A_2194 = vector.broadcast %xor3A_2193 : i32 to vector<16xi32>
    %xor3A_2195 = arith.xori %iota3A, %xor3A_2194 : vector<16xi32>
    %lt3A_2196 = arith.constant 0 : i32
    %lt3A_2197 = vector.broadcast %lt3A_2196 : i32 to vector<16xi32>
    %lt3A_2198 = arith.cmpi slt, %xor3A_2195, %lt3A_2197 : vector<16xi32>
    %add3A_2199 = arith.constant 16 : i32
    %add3A_2200 = vector.broadcast %add3A_2199 : i32 to vector<16xi32>
    %add3A_2201 = arith.addi %xor3A_2195, %add3A_2200 : vector<16xi32>
    %select_n3A_2202 = arith.select %lt3A_2198, %add3A_2201, %xor3A_2195 : vector<16xi1>, vector<16xi32>
    %broadcast_in_dim3A_2203 = vector.shape_cast %select_n3A_2202 : vector<16xi32> to vector<16x1xi32>
    %gather3A_2204 = vector.shape_cast %broadcast_in_dim3A_2203 : vector<16x1xi32> to vector<16xi32>
    %gather3A_2205 = tpu.dynamic_gather %add3A_2192[%gather3A_2204] in [0] : vector<16xf32>, vector<16xi32> -> vector<16xf32>
    %add3A_2206 = arith.addf %add3A_2192, %gather3A_2205 : vector<16xf32>
    %xor3A_2207 = arith.constant 1 : i32
    %xor3A_2208 = vector.broadcast %xor3A_2207 : i32 to vector<16xi32>
    %xor3A_2209 = arith.xori %iota3A, %xor3A_2208 : vector<16xi32>
    %lt3A_2210 = arith.constant 0 : i32
    %lt3A_2211 = vector.broadcast %lt3A_2210 : i32 to vector<16xi32>
    %lt3A_2212 = arith.cmpi slt, %xor3A_2209, %lt3A_2211 : vector<16xi32>
    %add3A_2213 = arith.constant 16 : i32
    %add3A_2214 = vector.broadcast %add3A_2213 : i32 to vector<16xi32>
    %add3A_2215 = arith.addi %xor3A_2209, %add3A_2214 : vector<16xi32>
    %select_n3A_2216 = arith.select %lt3A_2212, %add3A_2215, %xor3A_2209 : vector<16xi1>, vector<16xi32>
    %broadcast_in_dim3A_2217 = vector.shape_cast %select_n3A_2216 : vector<16xi32> to vector<16x1xi32>
    %gather3A_2218 = vector.shape_cast %broadcast_in_dim3A_2217 : vector<16x1xi32> to vector<16xi32>
    %gather3A_2219 = tpu.dynamic_gather %add3A_2206[%gather3A_2218] in [0] : vector<16xf32>, vector<16xi32> -> vector<16xf32>
    %add3A_2220 = arith.addf %add3A_2206, %gather3A_2219 : vector<16xf32>
    %select_n3A_2221 = arith.select %eq3A_2164, %add3A_2220, %select_n3A_2153 : vector<16xi1>, vector<16xf32>
    %eq3A_2222 = arith.constant 7 : i32
    %eq3A_2223 = vector.broadcast %eq3A_2222 : i32 to vector<16xi32>
    %eq3A_2224 = arith.cmpi eq, %iota3A, %eq3A_2223 : vector<16xi32>
    %xor3A_2225 = arith.constant 8 : i32
    %xor3A_2226 = vector.broadcast %xor3A_2225 : i32 to vector<16xi32>
    %xor3A_2227 = arith.xori %iota3A, %xor3A_2226 : vector<16xi32>
    %lt3A_2228 = arith.constant 0 : i32
    %lt3A_2229 = vector.broadcast %lt3A_2228 : i32 to vector<16xi32>
    %lt3A_2230 = arith.cmpi slt, %xor3A_2227, %lt3A_2229 : vector<16xi32>
    %add3A_2231 = arith.constant 16 : i32
    %add3A_2232 = vector.broadcast %add3A_2231 : i32 to vector<16xi32>
    %add3A_2233 = arith.addi %xor3A_2227, %add3A_2232 : vector<16xi32>
    %select_n3A_2234 = arith.select %lt3A_2230, %add3A_2233, %xor3A_2227 : vector<16xi1>, vector<16xi32>
    %broadcast_in_dim3A_2235 = vector.shape_cast %select_n3A_2234 : vector<16xi32> to vector<16x1xi32>
    %gather3A_2236 = vector.shape_cast %broadcast_in_dim3A_2235 : vector<16x1xi32> to vector<16xi32>
    %gather3A_2237 = tpu.dynamic_gather %scan3A_2160#1[%gather3A_2236] in [0] : vector<16xf32>, vector<16xi32> -> vector<16xf32>
    %add3A_2238 = arith.addf %scan3A_2160#1, %gather3A_2237 : vector<16xf32>
    %xor3A_2239 = arith.constant 4 : i32
    %xor3A_2240 = vector.broadcast %xor3A_2239 : i32 to vector<16xi32>
    %xor3A_2241 = arith.xori %iota3A, %xor3A_2240 : vector<16xi32>
    %lt3A_2242 = arith.constant 0 : i32
    %lt3A_2243 = vector.broadcast %lt3A_2242 : i32 to vector<16xi32>
    %lt3A_2244 = arith.cmpi slt, %xor3A_2241, %lt3A_2243 : vector<16xi32>
    %add3A_2245 = arith.constant 16 : i32
    %add3A_2246 = vector.broadcast %add3A_2245 : i32 to vector<16xi32>
    %add3A_2247 = arith.addi %xor3A_2241, %add3A_2246 : vector<16xi32>
    %select_n3A_2248 = arith.select %lt3A_2244, %add3A_2247, %xor3A_2241 : vector<16xi1>, vector<16xi32>
    %broadcast_in_dim3A_2249 = vector.shape_cast %select_n3A_2248 : vector<16xi32> to vector<16x1xi32>
    %gather3A_2250 = vector.shape_cast %broadcast_in_dim3A_2249 : vector<16x1xi32> to vector<16xi32>
    %gather3A_2251 = tpu.dynamic_gather %add3A_2238[%gather3A_2250] in [0] : vector<16xf32>, vector<16xi32> -> vector<16xf32>
    %add3A_2252 = arith.addf %add3A_2238, %gather3A_2251 : vector<16xf32>
    %xor3A_2253 = arith.constant 2 : i32
    %xor3A_2254 = vector.broadcast %xor3A_2253 : i32 to vector<16xi32>
    %xor3A_2255 = arith.xori %iota3A, %xor3A_2254 : vector<16xi32>
    %lt3A_2256 = arith.constant 0 : i32
    %lt3A_2257 = vector.broadcast %lt3A_2256 : i32 to vector<16xi32>
    %lt3A_2258 = arith.cmpi slt, %xor3A_2255, %lt3A_2257 : vector<16xi32>
    %add3A_2259 = arith.constant 16 : i32
    %add3A_2260 = vector.broadcast %add3A_2259 : i32 to vector<16xi32>
    %add3A_2261 = arith.addi %xor3A_2255, %add3A_2260 : vector<16xi32>
    %select_n3A_2262 = arith.select %lt3A_2258, %add3A_2261, %xor3A_2255 : vector<16xi1>, vector<16xi32>
    %broadcast_in_dim3A_2263 = vector.shape_cast %select_n3A_2262 : vector<16xi32> to vector<16x1xi32>
    %gather3A_2264 = vector.shape_cast %broadcast_in_dim3A_2263 : vector<16x1xi32> to vector<16xi32>
    %gather3A_2265 = tpu.dynamic_gather %add3A_2252[%gather3A_2264] in [0] : vector<16xf32>, vector<16xi32> -> vector<16xf32>
    %add3A_2266 = arith.addf %add3A_2252, %gather3A_2265 : vector<16xf32>
    %xor3A_2267 = arith.constant 1 : i32
    %xor3A_2268 = vector.broadcast %xor3A_2267 : i32 to vector<16xi32>
    %xor3A_2269 = arith.xori %iota3A, %xor3A_2268 : vector<16xi32>
    %lt3A_2270 = arith.constant 0 : i32
    %lt3A_2271 = vector.broadcast %lt3A_2270 : i32 to vector<16xi32>
    %lt3A_2272 = arith.cmpi slt, %xor3A_2269, %lt3A_2271 : vector<16xi32>
    %add3A_2273 = arith.constant 16 : i32
    %add3A_2274 = vector.broadcast %add3A_2273 : i32 to vector<16xi32>
    %add3A_2275 = arith.addi %xor3A_2269, %add3A_2274 : vector<16xi32>
    %select_n3A_2276 = arith.select %lt3A_2272, %add3A_2275, %xor3A_2269 : vector<16xi1>, vector<16xi32>
    %broadcast_in_dim3A_2277 = vector.shape_cast %select_n3A_2276 : vector<16xi32> to vector<16x1xi32>
    %gather3A_2278 = vector.shape_cast %broadcast_in_dim3A_2277 : vector<16x1xi32> to vector<16xi32>
    %gather3A_2279 = tpu.dynamic_gather %add3A_2266[%gather3A_2278] in [0] : vector<16xf32>, vector<16xi32> -> vector<16xf32>
    %add3A_2280 = arith.addf %add3A_2266, %gather3A_2279 : vector<16xf32>
    %select_n3A_2281 = arith.select %eq3A_2224, %add3A_2280, %select_n3A_2221 : vector<16xi1>, vector<16xf32>
    %get3A_2282 = arith.constant 0 : index
    %get3A_2283 = tpu.vector_load %arg10[%get3A_2282] {strides = array<i32>} : memref<16xf32, #tpu.memory_space<vmem>>, vector<16xf32>,
    %get3A_2284 = vector.shape_cast %get3A_2283 : vector<16xf32> to vector<16xf32>
    %add3A_2285 = arith.addf %select_n3A_2281, %get3A_2284 : vector<16xf32>
    %swap3A = arith.constant 0 : index
    %swap3A_2286 = tpu.vector_load %arg11[%swap3A] {strides = array<i32>} : memref<16xf32, #tpu.memory_space<vmem>>, vector<16xf32>,
    %swap3A_2287 = vector.shape_cast %swap3A_2286 : vector<16xf32> to vector<16xf32>
    %swap3A_2288 = vector.shape_cast %add3A_2285 : vector<16xf32> to vector<16xf32>
    tpu.vector_store %arg11[%swap3A], %swap3A_2288 {strides = array<i32>} : memref<16xf32, #tpu.memory_space<vmem>>, vector<16xf32>,
    %mul3A_2289 = arith.constant 16 : i32
    %mul3A_2290 = arith.muli %add3A, %mul3A_2289 : i32
    "tpu.region"() ({
      %run_scoped3A = tpu.sem_alloc : memref<!tpu.dma_semaphore, #tpu.memory_space<semaphore_mem>>
      %dma_start3A_2291 = tpu.memref_slice %arg6[%mul3A_2290] : memref<512xf32, #tpu.memory_space<hbm>> -> memref<16xf32, #tpu.memory_space<hbm>>
      %dma_start3A_2292 = tpu.memref_slice %arg6[%mul3A_2290] : memref<512xf32, #tpu.memory_space<hbm>> -> memref<16xf32, #tpu.memory_space<hbm>>
      tpu.enqueue_dma source(%arg11 : memref<16xf32, #tpu.memory_space<vmem>>) target(%dma_start3A_2292 : memref<16xf32, #tpu.memory_space<hbm>>) target_semaphore(%run_scoped3A : memref<!tpu.dma_semaphore, #tpu.memory_space<semaphore_mem>>)
      %dma_wait3A_2293 = tpu.memref_slice %arg6[%mul3A_2290] : memref<512xf32, #tpu.memory_space<hbm>> -> memref<16xf32, #tpu.memory_space<hbm>>
      %dma_wait3A_2294 = tpu.memref_slice %arg6[%mul3A_2290] : memref<512xf32, #tpu.memory_space<hbm>> -> memref<16xf32, #tpu.memory_space<hbm>>
      tpu.wait_dma2 semaphore(%run_scoped3A : memref<!tpu.dma_semaphore, #tpu.memory_space<semaphore_mem>>) src(%arg11 : memref<16xf32, #tpu.memory_space<vmem>>) dst(%dma_wait3A_2294 : memref<16xf32, #tpu.memory_space<hbm>>)
      tpu.yield
    }) : () -> ()
    return
  }
}

</mosaic_0001>

<sc_bundles>
// kernel: kernel.3.cloned.1.call-start
scs
__scs_entry_jumppad:
0x0: {  	(pc) =	sbr.rel $0x88, $3  }
0x1: {  	(tag) =	ssettag $0x0;
	lr =	simm.s32 $0x1  }
0x2: {  	[smem:$0x3F9D] =	sst lr;
	_ =	strace $0xD0000000  }
0x3: {  	_ = 	snop  }
0x4: {  	_ = 	snop  }
0x5: {  	_ = 	snop  }
0x6: {  	_ = 	snop  }
0x7: {  	_ = 	snop  }
__scs_overlays_trampoline_lowered:
0x8: {  	[smem:$0x3FAC] =	sst s0  }
0x9: {  	[smem:$0x3FAD] =	sst s1  }
0xa: {  	[smem:$0x3FAE] =	sst s2  }
0xb: {  	[smem:$0x3FAF] =	sst s3  }
0xc: {  	[smem:$0x3FB0] =	sst s4  }
0xd: {  	[smem:$0x3FB1] =	sst s5  }
0xe: {  	[smem:$0x3FB2] =	sst s6  }
0xf: {  	[smem:$0x3FB3] =	sst s7  }
0x10: {  	[smem:$0x3FB4] =	sst s8  }
0x11: {  	[smem:$0x3FB5] =	sst s9;
	s0 =	simm.s32 @!p0 $0x0  }
0x12: {  	s1 =	sld [smem:$0x3F9B];
	s0 =	simm.s32 @p0 $0x1  }
0x13: {  	[smem:$0x3FB6] =	sst s0;
	s0 =	simm.s32 @!p1 $0x0  }
0x14: {  	s2 =	sld [smem:$0x3F9A];
	s0 =	simm.s32 @p1 $0x1  }
0x15: {  	[smem:$0x3FB7] =	sst s0;
	s0 =	simm.s32 @!p2 $0x0  }
0x16: {  	s3 =	sld [smem:$0x3FDB];
	s0 =	simm.s32 @p2 $0x1  }
0x17: {  	s4 =	simm.s32 $0x1BF5;
	[smem:$0x3FB9] =	sst s0  }
0x18: {  	s0 =	sld [smem:$0x3F9C];
	_ =	swait.ge [sflag:s4], $0x0  }
0x19: {  	s7 =	sld [smem:$0x3F9D]  }
0x1a: {  	s8 =	sadd.s32 $0xFFFFE003, lr  }
0x1b: {  	s9 =	sadd.s32 $0xFFFFFEF7, lr;
	s5 =	simm.s32 $0xFFFFFFFF;
	p2 =	slt.u32 s8, $0xFFFFF086  }
0x1c: {  	p1 =	slt.u32 s9, $0xF7A;
	s5 =	simm.s32 @!p2 $0x0  }
0x1d: {  	s5 =	simm.s32 @p1 $0x1;
	p0 =	seq.s32 s7, s2  }
0x1e: {  	s7 =	smul.u32 @!p0 $0xF7A, s2;
	p2 =	seq.s32 @!p0 s5, $0x0  }
0x1f: {  	s9 =	smul.u32 $0xF7A, s1;
	s8 =	simm.s32 @!p0 $0x1BF5;
	p2 =	por !p2, p0  }
0x20: {  	[sflag:s8] =	ssyncset.s32 @!p0 $0xFFFFF086;
	s6 =	sadd.s32 @!p0 s3, s7;
	s7 =	simm.s32 @!p0 $0x108  }
0x21: {  	s3 =	sadd.s32 s3, s9;
	s6 =	sadd.s32 @!p0 $0x88, s6;
	s7 =	simm.s32 @p2 $0x1082  }
0x22: {  	[simem:s7], [sflag:s8] =	dma.local @!p0 [hbm:s6], $0xF7A  }
0x23: {  	s9 =	sor.u32 $0xD0000000, s2;
	s6 =	simm.s32 $0x108;
	_ =	swait.ge @!p0 [sflag:s8], $0x0  }
0x24: {  	s3 =	sadd.s32 $0x88, s3;
	s6 =	simm.s32 @!p1 $0x1082;
	[sflag:s4] =	ssyncset.s32 $0xFFFFF086  }
0x25: {  	[simem:s6], [sflag:s4] =	dma.local [hbm:s3], $0xF7A  }
0x26: {  	[smem:$0x3F9D] =	sst s1;
	(tag) =	ssettag s2;
	_ =	strace s9  }
0x27: {  	s1 =	sld [smem:$0x3FAD]  }
0x28: {  	s2 =	sld [smem:$0x3FAE]  }
0x29: {  	s4 =	sld [smem:$0x3FB0]  }
0x2a: {  	p0 =	seq.s32 s5, $0x0;
	s5 =	sld [smem:$0x3FB1]  }
0x2b: {  	s6 =	sld [smem:$0x3FB2]  }
0x2c: {  	s7 =	sld [smem:$0x3FB3]  }
0x2d: {  	s3 =	simm.s32 $0x108;
	s8 =	sld [smem:$0x3FB4]  }
0x2e: {  	s3 =	simm.s32 @!p0 $0x1082;
	s9 =	sld [smem:$0x3FB5]  }
0x2f: {  	lr =	sadd.s32 s0, s3;
	s0 =	sld [smem:$0x3FAC]  }
0x30: {  	s3 =	sld [smem:$0x3FAF]  }
0x31: {  	[smem:$0x3FB8] =	sst s10  }
0x32: {  	s10 =	sld [smem:$0x3FB6];
	_ =	sdelay $0x3  }
0x33: {  	p0 =	seq.s32 s10, $0x1;
	s10 =	sld [smem:$0x3FB8];
	_ =	sdelay $0x3  }
0x34: {  	[smem:$0x3FB8] =	sst s10  }
0x35: {  	s10 =	sld [smem:$0x3FB7];
	_ =	sdelay $0x3  }
0x36: {  	p1 =	seq.s32 s10, $0x1;
	s10 =	sld [smem:$0x3FB8];
	_ =	sdelay $0x3  }
0x37: {  	[smem:$0x3FB8] =	sst s10  }
0x38: {  	s10 =	sld [smem:$0x3FB9]  }
0x39: {  	_ = 	snop;
	(pc) =	sbr.ind lr, $3  }
0x3a: {  	_ = 	snop  }
0x3b: {  	_ = 	snop  }
0x3c: {  	p2 =	seq.s32 s10, $0x1;
	s10 =	sld [smem:$0x3FB8]  }
0x3d: {  	_ =	shalt  }
0x3e: {  	_ =	shalt  }
0x3f: {  	_ =	shalt  }
0x40: {  	_ =	shalt  }
0x41: {  	_ =	shalt  }
0x42: {  	_ =	shalt  }
0x43: {  	_ =	shalt  }
0x44: {  	_ =	shalt  }
0x45: {  	_ =	shalt  }
0x46: {  	_ =	shalt  }
0x47: {  	_ =	shalt  }
0x48: {  	_ =	shalt  }
0x49: {  	_ =	shalt  }
0x4a: {  	_ =	shalt  }
0x4b: {  	_ =	shalt  }
0x4c: {  	_ =	shalt  }
0x4d: {  	_ =	shalt  }
0x4e: {  	_ =	shalt  }
0x4f: {  	_ =	shalt  }
0x50: {  	_ =	shalt  }
0x51: {  	_ =	shalt  }
0x52: {  	_ =	shalt  }
0x53: {  	_ =	shalt  }
0x54: {  	_ =	shalt  }
0x55: {  	_ =	shalt  }
0x56: {  	_ =	shalt  }
0x57: {  	_ =	shalt  }
0x58: {  	_ =	shalt  }
0x59: {  	_ =	shalt  }
0x5a: {  	_ =	shalt  }
0x5b: {  	_ =	shalt  }
0x5c: {  	_ =	shalt  }
0x5d: {  	_ =	shalt  }
0x5e: {  	_ =	shalt  }
0x5f: {  	_ =	shalt  }
0x60: {  	_ =	shalt  }
0x61: {  	_ =	shalt  }
0x62: {  	_ =	shalt  }
0x63: {  	_ =	shalt  }
0x64: {  	_ =	shalt  }
0x65: {  	_ =	shalt  }
0x66: {  	_ =	shalt  }
0x67: {  	_ =	shalt  }
0x68: {  	_ =	shalt  }
0x69: {  	_ =	shalt  }
0x6a: {  	_ =	shalt  }
0x6b: {  	_ =	shalt  }
0x6c: {  	_ =	shalt  }
0x6d: {  	_ =	shalt  }
0x6e: {  	_ =	shalt  }
0x6f: {  	_ =	shalt  }
0x70: {  	_ =	shalt  }
0x71: {  	_ =	shalt  }
0x72: {  	_ =	shalt  }
0x73: {  	_ =	shalt  }
0x74: {  	_ =	shalt  }
0x75: {  	_ =	shalt  }
0x76: {  	_ =	shalt  }
0x77: {  	_ =	shalt  }
0x78: {  	_ =	shalt  }
0x79: {  	_ =	shalt  }
0x7a: {  	_ =	shalt  }
0x7b: {  	_ =	shalt  }
0x7c: {  	_ =	shalt  }
0x7d: {  	_ =	shalt  }
0x7e: {  	_ =	shalt  }
0x7f: {  	_ =	shalt  }
0x80: {  	_ =	shalt  }
0x81: {  	_ =	shalt  }
0x82: {  	_ =	shalt  }
0x83: {  	_ =	shalt  }
0x84: {  	_ =	shalt  }
0x85: {  	_ =	shalt  }
0x86: {  	_ =	shalt  }
0x87: {  	_ =	shalt  }
.Lfunc_end0:
.L_simem_size_0:
called_computation_lowered:
.L_overlay_start_0:
0x88: {  	s2 =	sld [smem:$0x3FD9]  }
0x89: {  	s3 =	sld [smem:$0x3FFE];
	_ =	sdelay $0x1  }
0x8a: {  	s1 =	srdreg.scid  }
0x8b: {  	s0 =	sand.u32 $0x1, s1  }
0x8c: {  	s17 =	sshll.u32 s0, $0xA;
	s2 =	sadd.s32 s3, s2  }
0x8d: {  	s2 =	sadd.s32 s2, s17  }
0x8e: {  	[smem:$0x3FC4] =	sst s2  }
0x8f: {  	_ = 	snop  }
0x90: {  	s2 =	sld [smem:$0x3FD0];
	(tm) =	ssettm $0x1  }
0x91: {  	s18 =	sld [smem:$0x3FFB];
	_ =	sdelay $0x3  }
0x92: {  	_ =	strace s18  }
0x93: {  	s3 =	sld [smem:$0x3FFC];
	_ =	sdelay $0x3  }
0x94: {  	_ =	strace s3  }
0x95: {  	s3 =	sld [smem:$0x3FFD];
	_ =	sdelay $0x3  }
0x96: {  	_ =	strace s3  }
0x97: {  	_ =	strace $0x8FFFFFFF  }
0x98: {  	s19 =	sld [smem:$0x3FDB];
	_ =	sdelay $0x1  }
0x99: {  	s4 =	simm.s32 $_scs_section_size  }
0x9a: {  	s5 =	simm.s32 $_size__tile_overlayer_lowered;
	s6 =	simm.s32 $_tile_overlayer_lowered  }
0x9b: {  	s22 =	simm.s32 $0x1BFF;
	s21 =	sshll.u32 s6, $0x1;
	s3 =	sadd.s32 s4, s19  }
0x9c: {  	s7 =	simm.s32 $0x0;
	s20 =	sshll.u32 s5, $0x1;
	s5 =	sadd.s32 s21, s3  }
0x9d: {  	[timem:s7], [sflag:s22] =	dma.local [hbm:s5], s20  }
0x9e: {  	_ =	swait.ge [sflag:s22], s20  }
0x9f: {  	s4 =	ssub.s32 $0x0, s20;
	[sflag:s22] =	ssyncset.done $0x0  }
0xa0: {  	[sflag:s22] =	ssyncadd.s32 s4;
	_ =	sdelay $0x1  }
0xa1: {  	s23 =	simm.s32 $0x1B8B  }
0xa2: {  	_ =	swait.ge [sflag:s23], $0x1  }
0xa3: {  	[sflag:s23] =	ssyncset.done $0x0  }
0xa4: {  	s25 =	simm.s32 $0x1B8E;
	s24 =	sld [smem:$0x3FFE];
	[sflag:s23] =	ssyncadd.s32 $0xFFFFFFFF  }
0xa5: {  	s26 =	simm.s32 $execute0_lowered;
	[smem:$0x3FD2] =	sst s25  }
0xa6: {  	s5 =	sshll.u32 s26, $0x1;
	_ =	strace $0x80000046;
	[dreg:$0x1] =	wrdreg $0xFFFFFFFF  }
0xa7: {  	s28 =	simm.s32 $_size_execute0_lowered;
	s3 =	sadd.s32 s3, s5;
	[dreg:$0x0] =	wrdreg $0x0  }
0xa8: {  	s5 =	sshll.u32 s28, $0x1;
	[dreg:$0x2] =	wrdreg s3  }
0xa9: {  	[dreg:$0x3] =	wrdreg s5  }
0xaa: {  	[dreg:$0x4] =	wrdreg $0xC0  }
0xab: {  	_ =	task [dreg:s7], $0x5FFFF  }
0xac: {  	[dreg:$0x1] =	wrdreg $0xFFFFFFFF  }
0xad: {  	[dreg:$0x0] =	wrdreg $0x60  }
0xae: {  	[dreg:$0x2] =	wrdreg s24  }
0xaf: {  	[dreg:$0x3] =	wrdreg s2  }
0xb0: {  	[dreg:$0x4] =	wrdreg $0x9  }
0xb1: {  	_ =	task.clear_ibuf [dreg:s7], $0x5FFFF;
	_ =	strace $0x90000046  }
0xb2: {  	s29 =	simm.s32 $0x9;
	_ =	strace $0x80000048  }
0xb3: {  	_ =	swait.ge [sflag:s29], $0x1  }
0xb4: {  	[sflag:s29] =	ssyncadd.s32 $0xFFFFFFFF  }
0xb5: {  	_ =	strace $0x90000048  }
0xb6: {  	_ =	sfence  }
0xb7: {  	s30 =	sld [smem:$0x0];
	_ =	sdelay $0x2  }
0xb8: {  	s31 =	sshll.u32 s1, $0xD;
	s1 =	sshrl.u32 s1, $0x2  }
0xb9: {  	s3 =	sand.u32 $0x4000, s31;
	s1 =	sadd.s32 s1, s30  }
0xba: {  	s0 =	sor.u32 s3, s0;
	s1 =	sshll.u32 s1, $0x11  }
0xbb: {  	s0 =	sor.u32 s1, s0  }
0xbc: {  	s0 =	sadd.s32 $0x8F2B, s0  }
0xbd: {  	[sflag:s0] =	ssyncadd.remote.s32 $0x1  }
0xbe: {  	_ =	sfence.sel $0xFFFF  }
0xbf: {  	[dreg:$0x0] =	wrdreg $0xFFFFFFFF;
	(pc) =	sbr.abs _section_cstart, $3  }
0xc0: {  	[dreg:$0x1] =	wrdreg $0xFFFFFFFF  }
0xc1: {  	_ =	task.clear_ibuf [dreg:s7], $0x2FFFF;
	_ =	strace $0x9FFFFFFF  }
0xc2: {  	(tm) =	ssettm $0x7FFFFFFF  }
0xc3: {  	_ =	shalt  }
tec
execute0_lowered:
.L_overlay_start_1:
0x0: {  	(tag) =	ssettag $0x1  }
0x1: {  	s0 =	srdreg.scid;
	s2 =	stileid.u32;
	v0 =	vimm.s32 $0x76543210;
	v1 =	vimm.s32 $0xFEDCBA98;
	v2 =	vimm.s32 $0xBA98FEDC  }
0x2: {  	s1 =	rddreg [dreg:$0x0];
	s3 =	simm.s32 $0x0;
	s9 =	simm.s32 $0x2;
	v3 =	vimm.s32 $0x32107654;
	v4 =	vimm.s32 $0xDCFE98BA;
	v5 =	vimm.s32 $0x54761032  }
0x3: {  	v6 =	vimm.s32 $0xEFCDAB89;
	s25 =	simm.s32 $0x2000;
	s28 =	simm.s32 $0x2100;
	s29 =	simm.s32 $0x2180  }
0x4: {  	v7 =	vimm.s32 $0x67452301;
	s30 =	simm.s32 $0x2200;
	s31 =	simm.s32 $0x2280;
	s10 =	simm.s32 $0x2480  }
0x5: {  	vm0 =	vmmov $0xfff;
	s11 =	simm.s32 $0x2500;
	s12 =	simm.s32 $0x2580;
	s13 =	simm.s32 $0x2600;
	vm1 =	vmmov $0x1;
	vm2 =	vcmask $0x320  }
0x6: {  	s14 =	simm.s32 $0x2680;
	s15 =	simm.s32 $0x2700;
	s16 =	simm.s32 $0x2780;
	vm3 =	vcmask $0x720;
	vm4 =	vcmask $0xB20;
	vm5 =	vcmask $0xF20  }
0x7: {  	s17 =	simm.s32 $0x2800;
	s18 =	simm.s32 $0x2880;
	s19 =	simm.s32 $0x3C80;
	v0 =	vunpack.c.l.s4.s8 v0;
	v1 =	vunpack.c.l.s4.s8 v1;
	v2 =	vunpack.c.l.s4.s8 v2  }
0x8: {  	s20 =	simm.s32 $0x1;
	s21 =	simm.s32 $0x3D00;
	s22 =	simm.s32 $0x0;
	v3 =	vunpack.c.l.s4.s8 v3;
	v4 =	vunpack.c.l.s4.s8 v4;
	v5 =	vunpack.c.l.s4.s8 v5  }
0x9: {  	s0 =	sand.u32 $0x1, s0;
	s2 =	sshll.u32 s2, $0x1;
	[smem:$0x7FF] =	sst s3;
	v6 =	vunpack.c.l.s4.s8 v6;
	v7 =	vunpack.c.l.s4.s8 v7;
	v2 =	vunpack.c.0.s8.s32 v2  }
0xa: {  	s5 =	sadd.s32 $0x400, s1;
	s2 =	sor.u32 s0, s2;
	s0 =	ssub.s32 $0x2, s0;
	v3 =	vunpack.c.0.s8.s32 v3;
	v4 =	vunpack.c.0.s8.s32 v4;
	v5 =	vunpack.c.0.s8.s32 v5  }
0xb: {  	_ =	strace $0x80000047;
	s4 =	smul.u32 $0xA, s2;
	s26 =	sshrl.u32 s0, $0x1;
	v1 =	vunpack.c.0.s8.s32 v1;
	v6 =	vunpack.c.0.s8.s32 v6;
	v7 =	vunpack.c.0.s8.s32 v7  }
0xc: {  	vm6 =	vcmask $0x1320;
	s2 =	sshll.u32 s2, $0x1;
	v0 =	vunpack.c.0.s8.s32 v0;
	s0 =	ssub.s32 s0, s26;
	s26 =	simm.s32 $0x2080;
	v2 =	vcombine.low v3, v2  }
0xd: {  	s6 =	sadd.s32 s4, s1;
	s4 =	sadd.s32 $0xA00, s1;
	s1 =	sadd.s32 s2, s1;
	v3 =	vcombine.low v5, v4;
	v4 =	vcombine.low v7, v6;
	v1 =	vand.u32 $0xF, v1  }
0xe: {  	vm7 =	vcmask $0x1720;
	vm8 =	vcmask $0x1B20;
	s8 =	smax.u32 s0, $0x1;
	s0 =	simm.s32 $0x2380;
	s2 =	simm.s32 $0x2400;
	v0 =	vcombine.low v1, v0  }
0xf: {  	s6 =	sadd.s32 $0x800, s6;
	s7 =	sadd.s32 $0x187400, s1;
	s1 =	simm.s32 $0x2300;
	v1 =	vand.u32 $0xF, v2;
	v2 =	vand.u32 $0xF, v3;
	v3 =	vand.u32 $0xF, v4  }
.LBB2_1:
0x10: {  	[tilespmem:s3], [sflag:$0x2] =	stream.linear.gather [hbm4b:s6+s3], $0x50, $0x38;
	[tilespmem:$0x3D80] =	vst v63  }
0x11: {  	_ =	swait.ge [sflag:s9], $0x50  }
0x12: {  	[sflag:s9] =	ssyncset.done $0x0  }
0x13: {  	[sflag:s9] =	ssyncadd.s32 $0xFFFFFFB0  }
0x14: {  	v4 =	vld [tilespmem:$0x0];
	_ =	sdelay $0x4  }
0x15: {  	v4 =	vshll.u32 v4, $0x4  }
0x16: {  	(v2sf) =	vpush v4, $0x0;
	_ =	sdelay $0x3  }
0x17: {  	(v2sf) =	vpush v4, $0x1;
	_ =	sdelay $0x3  }
0x18: {  	(v2sf) =	vpush v4, $0x2;
	_ =	sdelay $0x3  }
0x19: {  	(v2sf) =	vpush v4, $0x3;
	_ =	sdelay $0x2  }
0x1a: {  	s23 =	spop (v2sf)  }
0x1b: {  	(v2sf) =	vpush v4, $0x4;
	s23 =	sand.u32 $0x1FFFFFF0, s23  }
0x1c: {  	s24 =	simm.s32 $0x80;
	s23 =	sadd.s32 s4, s23  }
0x1d: {  	[tilespmem:s24], [sflag:$0x1] =	stream.linear.gather [hbm4b:s23+s3], $0x80, $0x38;
	[tilespmem:$0x3D80] =	vst v63  }
0x1e: {  	s24 =	spop (v2sf)  }
0x1f: {  	(v2sf) =	vpush v4, $0x5;
	s23 =	sand.u32 $0x1FFFFFF0, s24  }
0x20: {  	s24 =	simm.s32 $0x100;
	s23 =	sadd.s32 s4, s23  }
0x21: {  	[tilespmem:s24], [sflag:$0x1] =	stream.linear.gather [hbm4b:s23+s3], $0x80, $0x38;
	[tilespmem:$0x3D80] =	vst v63  }
0x22: {  	s24 =	spop (v2sf)  }
0x23: {  	(v2sf) =	vpush v4, $0x6;
	s23 =	sand.u32 $0x1FFFFFF0, s24  }
0x24: {  	s24 =	simm.s32 $0x180;
	s23 =	sadd.s32 s4, s23  }
0x25: {  	[tilespmem:s24], [sflag:$0x1] =	stream.linear.gather [hbm4b:s23+s3], $0x80, $0x38;
	[tilespmem:$0x3D80] =	vst v63  }
0x26: {  	s24 =	spop (v2sf)  }
0x27: {  	(v2sf) =	vpush v4, $0x7;
	s23 =	sand.u32 $0x1FFFFFF0, s24  }
0x28: {  	s24 =	simm.s32 $0x200;
	s23 =	sadd.s32 s4, s23  }
0x29: {  	[tilespmem:s24], [sflag:$0x1] =	stream.linear.gather [hbm4b:s23+s3], $0x80, $0x38;
	[tilespmem:$0x3D80] =	vst v63  }
0x2a: {  	s24 =	spop (v2sf)  }
0x2b: {  	(v2sf) =	vpush v4, $0x8;
	s23 =	sand.u32 $0x1FFFFFF0, s24  }
0x2c: {  	s24 =	simm.s32 $0x280;
	s23 =	sadd.s32 s4, s23  }
0x2d: {  	[tilespmem:s24], [sflag:$0x1] =	stream.linear.gather [hbm4b:s23+s3], $0x80, $0x38;
	[tilespmem:$0x3D80] =	vst v63  }
0x2e: {  	s24 =	spop (v2sf)  }
0x2f: {  	(v2sf) =	vpush v4, $0x9;
	s23 =	sand.u32 $0x1FFFFFF0, s24  }
0x30: {  	s24 =	simm.s32 $0x300;
	s23 =	sadd.s32 s4, s23  }
0x31: {  	[tilespmem:s24], [sflag:$0x1] =	stream.linear.gather [hbm4b:s23+s3], $0x80, $0x38;
	[tilespmem:$0x3D80] =	vst v63  }
0x32: {  	s24 =	spop (v2sf)  }
0x33: {  	(v2sf) =	vpush v4, $0xA;
	s23 =	sand.u32 $0x1FFFFFF0, s24  }
0x34: {  	s24 =	simm.s32 $0x380;
	s23 =	sadd.s32 s4, s23  }
0x35: {  	[tilespmem:s24], [sflag:$0x1] =	stream.linear.gather [hbm4b:s23+s3], $0x80, $0x38;
	[tilespmem:$0x3D80] =	vst v63  }
0x36: {  	s24 =	spop (v2sf)  }
0x37: {  	(v2sf) =	vpush v4, $0xB;
	s23 =	sand.u32 $0x1FFFFFF0, s24  }
0x38: {  	s24 =	simm.s32 $0x400;
	s23 =	sadd.s32 s4, s23  }
0x39: {  	[tilespmem:s24], [sflag:$0x1] =	stream.linear.gather [hbm4b:s23+s3], $0x80, $0x38;
	[tilespmem:$0x3D80] =	vst v63  }
0x3a: {  	s24 =	spop (v2sf)  }
0x3b: {  	(v2sf) =	vpush v4, $0xC;
	s23 =	sand.u32 $0x1FFFFFF0, s24  }
0x3c: {  	s24 =	simm.s32 $0x480;
	s23 =	sadd.s32 s4, s23  }
0x3d: {  	[tilespmem:s24], [sflag:$0x1] =	stream.linear.gather [hbm4b:s23+s3], $0x80, $0x38;
	[tilespmem:$0x3D80] =	vst v63  }
0x3e: {  	s24 =	spop (v2sf)  }
0x3f: {  	(v2sf) =	vpush v4, $0xD;
	s23 =	sand.u32 $0x1FFFFFF0, s24  }
0x40: {  	s24 =	simm.s32 $0x500;
	s23 =	sadd.s32 s4, s23  }
0x41: {  	[tilespmem:s24], [sflag:$0x1] =	stream.linear.gather [hbm4b:s23+s3], $0x80, $0x38;
	[tilespmem:$0x3D80] =	vst v63  }
0x42: {  	s24 =	spop (v2sf)  }
0x43: {  	(v2sf) =	vpush v4, $0xE;
	s23 =	sand.u32 $0x1FFFFFF0, s24  }
0x44: {  	s24 =	simm.s32 $0x580;
	s23 =	sadd.s32 s4, s23  }
0x45: {  	[tilespmem:s24], [sflag:$0x1] =	stream.linear.gather [hbm4b:s23+s3], $0x80, $0x38;
	[tilespmem:$0x3D80] =	vst v63  }
0x46: {  	s24 =	spop (v2sf)  }
0x47: {  	(v2sf) =	vpush v4, $0xF;
	s23 =	sand.u32 $0x1FFFFFF0, s24  }
0x48: {  	s24 =	simm.s32 $0x600;
	s23 =	sadd.s32 s4, s23  }
0x49: {  	[tilespmem:s24], [sflag:$0x1] =	stream.linear.gather [hbm4b:s23+s3], $0x80, $0x38;
	[tilespmem:$0x3D80] =	vst v63  }
0x4a: {  	s24 =	spop (v2sf)  }
0x4b: {  	s23 =	sand.u32 $0x1FFFFFF0, s24  }
0x4c: {  	s24 =	simm.s32 $0x680;
	s23 =	sadd.s32 s4, s23  }
0x4d: {  	[tilespmem:s24], [sflag:$0x1] =	stream.linear.gather [hbm4b:s23+s3], $0x80, $0x38;
	[tilespmem:$0x3D80] =	vst v63  }
0x4e: {  	s24 =	spop (v2sf)  }
0x4f: {  	s23 =	sand.u32 $0x1FFFFFF0, s24  }
0x50: {  	s24 =	simm.s32 $0x700;
	s23 =	sadd.s32 s4, s23  }
0x51: {  	[tilespmem:s24], [sflag:$0x1] =	stream.linear.gather [hbm4b:s23+s3], $0x80, $0x38;
	[tilespmem:$0x3D80] =	vst v63  }
0x52: {  	s24 =	spop (v2sf)  }
0x53: {  	s23 =	sand.u32 $0x1FFFFFF0, s24  }
0x54: {  	s24 =	simm.s32 $0x780;
	s23 =	sadd.s32 s4, s23  }
0x55: {  	[tilespmem:s24], [sflag:$0x1] =	stream.linear.gather [hbm4b:s23+s3], $0x80, $0x38;
	[tilespmem:$0x3D80] =	vst v63  }
0x56: {  	s24 =	spop (v2sf)  }
0x57: {  	s23 =	sand.u32 $0x1FFFFFF0, s24  }
0x58: {  	s24 =	simm.s32 $0x800;
	s23 =	sadd.s32 s4, s23  }
0x59: {  	[tilespmem:s24], [sflag:$0x1] =	stream.linear.gather [hbm4b:s23+s3], $0x80, $0x38;
	[tilespmem:$0x3D80] =	vst v63  }
0x5a: {  	v4 =	vld [tilespmem:$0x10];
	_ =	sdelay $0x4  }
0x5b: {  	v4 =	vshll.u32 v4, $0x4  }
0x5c: {  	(v2sf) =	vpush v4, $0x0;
	_ =	sdelay $0x3  }
0x5d: {  	(v2sf) =	vpush v4, $0x1;
	_ =	sdelay $0x3  }
0x5e: {  	(v2sf) =	vpush v4, $0x2;
	_ =	sdelay $0x3  }
0x5f: {  	(v2sf) =	vpush v4, $0x3;
	_ =	sdelay $0x2  }
0x60: {  	s24 =	spop (v2sf)  }
0x61: {  	(v2sf) =	vpush v4, $0x4;
	s23 =	sand.u32 $0x1FFFFFF0, s24  }
0x62: {  	s24 =	simm.s32 $0x880;
	s23 =	sadd.s32 s4, s23  }
0x63: {  	[tilespmem:s24], [sflag:$0x1] =	stream.linear.gather [hbm4b:s23+s3], $0x80, $0x38;
	[tilespmem:$0x3D80] =	vst v63  }
0x64: {  	s24 =	spop (v2sf)  }
0x65: {  	(v2sf) =	vpush v4, $0x5;
	s23 =	sand.u32 $0x1FFFFFF0, s24  }
0x66: {  	s24 =	simm.s32 $0x900;
	s23 =	sadd.s32 s4, s23  }
0x67: {  	[tilespmem:s24], [sflag:$0x1] =	stream.linear.gather [hbm4b:s23+s3], $0x80, $0x38;
	[tilespmem:$0x3D80] =	vst v63  }
0x68: {  	s24 =	spop (v2sf)  }
0x69: {  	(v2sf) =	vpush v4, $0x6;
	s23 =	sand.u32 $0x1FFFFFF0, s24  }
0x6a: {  	s24 =	simm.s32 $0x980;
	s23 =	sadd.s32 s4, s23  }
0x6b: {  	[tilespmem:s24], [sflag:$0x1] =	stream.linear.gather [hbm4b:s23+s3], $0x80, $0x38;
	[tilespmem:$0x3D80] =	vst v63  }
0x6c: {  	s24 =	spop (v2sf)  }
0x6d: {  	(v2sf) =	vpush v4, $0x7;
	s23 =	sand.u32 $0x1FFFFFF0, s24  }
0x6e: {  	s24 =	simm.s32 $0xA00;
	s23 =	sadd.s32 s4, s23  }
0x6f: {  	[tilespmem:s24], [sflag:$0x1] =	stream.linear.gather [hbm4b:s23+s3], $0x80, $0x38;
	[tilespmem:$0x3D80] =	vst v63  }
0x70: {  	s24 =	spop (v2sf)  }
0x71: {  	(v2sf) =	vpush v4, $0x8;
	s23 =	sand.u32 $0x1FFFFFF0, s24  }
0x72: {  	s24 =	simm.s32 $0xA80;
	s23 =	sadd.s32 s4, s23  }
0x73: {  	[tilespmem:s24], [sflag:$0x1] =	stream.linear.gather [hbm4b:s23+s3], $0x80, $0x38;
	[tilespmem:$0x3D80] =	vst v63  }
0x74: {  	s24 =	spop (v2sf)  }
0x75: {  	(v2sf) =	vpush v4, $0x9;
	s23 =	sand.u32 $0x1FFFFFF0, s24  }
0x76: {  	s24 =	simm.s32 $0xB00;
	s23 =	sadd.s32 s4, s23  }
0x77: {  	[tilespmem:s24], [sflag:$0x1] =	stream.linear.gather [hbm4b:s23+s3], $0x80, $0x38;
	[tilespmem:$0x3D80] =	vst v63  }
0x78: {  	s24 =	spop (v2sf)  }
0x79: {  	(v2sf) =	vpush v4, $0xA;
	s23 =	sand.u32 $0x1FFFFFF0, s24  }
0x7a: {  	s24 =	simm.s32 $0xB80;
	s23 =	sadd.s32 s4, s23  }
0x7b: {  	[tilespmem:s24], [sflag:$0x1] =	stream.linear.gather [hbm4b:s23+s3], $0x80, $0x38;
	[tilespmem:$0x3D80] =	vst v63  }
0x7c: {  	s24 =	spop (v2sf)  }
0x7d: {  	(v2sf) =	vpush v4, $0xB;
	s23 =	sand.u32 $0x1FFFFFF0, s24  }
0x7e: {  	s24 =	simm.s32 $0xC00;
	s23 =	sadd.s32 s4, s23  }
0x7f: {  	[tilespmem:s24], [sflag:$0x1] =	stream.linear.gather [hbm4b:s23+s3], $0x80, $0x38;
	[tilespmem:$0x3D80] =	vst v63  }
0x80: {  	s24 =	spop (v2sf)  }
0x81: {  	(v2sf) =	vpush v4, $0xC;
	s23 =	sand.u32 $0x1FFFFFF0, s24  }
0x82: {  	s24 =	simm.s32 $0xC80;
	s23 =	sadd.s32 s4, s23  }
0x83: {  	[tilespmem:s24], [sflag:$0x1] =	stream.linear.gather [hbm4b:s23+s3], $0x80, $0x38;
	[tilespmem:$0x3D80] =	vst v63  }
0x84: {  	s24 =	spop (v2sf)  }
0x85: {  	(v2sf) =	vpush v4, $0xD;
	s23 =	sand.u32 $0x1FFFFFF0, s24  }
0x86: {  	s24 =	simm.s32 $0xD00;
	s23 =	sadd.s32 s4, s23  }
0x87: {  	[tilespmem:s24], [sflag:$0x1] =	stream.linear.gather [hbm4b:s23+s3], $0x80, $0x38;
	[tilespmem:$0x3D80] =	vst v63  }
0x88: {  	s24 =	spop (v2sf)  }
0x89: {  	(v2sf) =	vpush v4, $0xE;
	s23 =	sand.u32 $0x1FFFFFF0, s24  }
0x8a: {  	s24 =	simm.s32 $0xD80;
	s23 =	sadd.s32 s4, s23  }
0x8b: {  	[tilespmem:s24], [sflag:$0x1] =	stream.linear.gather [hbm4b:s23+s3], $0x80, $0x38;
	[tilespmem:$0x3D80] =	vst v63  }
0x8c: {  	s24 =	spop (v2sf)  }
0x8d: {  	(v2sf) =	vpush v4, $0xF;
	s23 =	sand.u32 $0x1FFFFFF0, s24  }
0x8e: {  	s24 =	simm.s32 $0xE00;
	s23 =	sadd.s32 s4, s23  }
0x8f: {  	[tilespmem:s24], [sflag:$0x1] =	stream.linear.gather [hbm4b:s23+s3], $0x80, $0x38;
	[tilespmem:$0x3D80] =	vst v63  }
0x90: {  	s24 =	spop (v2sf)  }
0x91: {  	s23 =	sand.u32 $0x1FFFFFF0, s24  }
0x92: {  	s24 =	simm.s32 $0xE80;
	s23 =	sadd.s32 s4, s23  }
0x93: {  	[tilespmem:s24], [sflag:$0x1] =	stream.linear.gather [hbm4b:s23+s3], $0x80, $0x38;
	[tilespmem:$0x3D80] =	vst v63  }
0x94: {  	s24 =	spop (v2sf)  }
0x95: {  	s23 =	sand.u32 $0x1FFFFFF0, s24  }
0x96: {  	s24 =	simm.s32 $0xF00;
	s23 =	sadd.s32 s4, s23  }
0x97: {  	[tilespmem:s24], [sflag:$0x1] =	stream.linear.gather [hbm4b:s23+s3], $0x80, $0x38;
	[tilespmem:$0x3D80] =	vst v63  }
0x98: {  	s24 =	spop (v2sf)  }
0x99: {  	s23 =	sand.u32 $0x1FFFFFF0, s24  }
0x9a: {  	s24 =	simm.s32 $0xF80;
	s23 =	sadd.s32 s4, s23  }
0x9b: {  	[tilespmem:s24], [sflag:$0x1] =	stream.linear.gather [hbm4b:s23+s3], $0x80, $0x38;
	[tilespmem:$0x3D80] =	vst v63  }
0x9c: {  	s24 =	spop (v2sf)  }
0x9d: {  	s23 =	sand.u32 $0x1FFFFFF0, s24  }
0x9e: {  	s24 =	simm.s32 $0x1000;
	s23 =	sadd.s32 s4, s23  }
0x9f: {  	[tilespmem:s24], [sflag:$0x1] =	stream.linear.gather [hbm4b:s23+s3], $0x80, $0x38;
	[tilespmem:$0x3D80] =	vst v63  }
0xa0: {  	v4 =	vld [tilespmem:$0x20];
	_ =	sdelay $0x4  }
0xa1: {  	v4 =	vshll.u32 v4, $0x4  }
0xa2: {  	(v2sf) =	vpush v4, $0x0;
	_ =	sdelay $0x3  }
0xa3: {  	(v2sf) =	vpush v4, $0x1;
	_ =	sdelay $0x3  }
0xa4: {  	(v2sf) =	vpush v4, $0x2;
	_ =	sdelay $0x3  }
0xa5: {  	(v2sf) =	vpush v4, $0x3;
	_ =	sdelay $0x2  }
0xa6: {  	s24 =	spop (v2sf)  }
0xa7: {  	(v2sf) =	vpush v4, $0x4;
	s23 =	sand.u32 $0x1FFFFFF0, s24  }
0xa8: {  	s24 =	simm.s32 $0x1080;
	s23 =	sadd.s32 s4, s23  }
0xa9: {  	[tilespmem:s24], [sflag:$0x1] =	stream.linear.gather [hbm4b:s23+s3], $0x80, $0x38;
	[tilespmem:$0x3D80] =	vst v63  }
0xaa: {  	s24 =	spop (v2sf)  }
0xab: {  	(v2sf) =	vpush v4, $0x5;
	s23 =	sand.u32 $0x1FFFFFF0, s24  }
0xac: {  	s24 =	simm.s32 $0x1100;
	s23 =	sadd.s32 s4, s23  }
0xad: {  	[tilespmem:s24], [sflag:$0x1] =	stream.linear.gather [hbm4b:s23+s3], $0x80, $0x38;
	[tilespmem:$0x3D80] =	vst v63  }
0xae: {  	s24 =	spop (v2sf)  }
0xaf: {  	(v2sf) =	vpush v4, $0x6;
	s23 =	sand.u32 $0x1FFFFFF0, s24  }
0xb0: {  	s24 =	simm.s32 $0x1180;
	s23 =	sadd.s32 s4, s23  }
0xb1: {  	[tilespmem:s24], [sflag:$0x1] =	stream.linear.gather [hbm4b:s23+s3], $0x80, $0x38;
	[tilespmem:$0x3D80] =	vst v63  }
0xb2: {  	s24 =	spop (v2sf)  }
0xb3: {  	(v2sf) =	vpush v4, $0x7;
	s23 =	sand.u32 $0x1FFFFFF0, s24  }
0xb4: {  	s24 =	simm.s32 $0x1200;
	s23 =	sadd.s32 s4, s23  }
0xb5: {  	[tilespmem:s24], [sflag:$0x1] =	stream.linear.gather [hbm4b:s23+s3], $0x80, $0x38;
	[tilespmem:$0x3D80] =	vst v63  }
0xb6: {  	s24 =	spop (v2sf)  }
0xb7: {  	(v2sf) =	vpush v4, $0x8;
	s23 =	sand.u32 $0x1FFFFFF0, s24  }
0xb8: {  	s24 =	simm.s32 $0x1280;
	s23 =	sadd.s32 s4, s23  }
0xb9: {  	[tilespmem:s24], [sflag:$0x1] =	stream.linear.gather [hbm4b:s23+s3], $0x80, $0x38;
	[tilespmem:$0x3D80] =	vst v63  }
0xba: {  	s24 =	spop (v2sf)  }
0xbb: {  	(v2sf) =	vpush v4, $0x9;
	s23 =	sand.u32 $0x1FFFFFF0, s24  }
0xbc: {  	s24 =	simm.s32 $0x1300;
	s23 =	sadd.s32 s4, s23  }
0xbd: {  	[tilespmem:s24], [sflag:$0x1] =	stream.linear.gather [hbm4b:s23+s3], $0x80, $0x38;
	[tilespmem:$0x3D80] =	vst v63  }
0xbe: {  	s24 =	spop (v2sf)  }
0xbf: {  	(v2sf) =	vpush v4, $0xA;
	s23 =	sand.u32 $0x1FFFFFF0, s24  }
0xc0: {  	s24 =	simm.s32 $0x1380;
	s23 =	sadd.s32 s4, s23  }
0xc1: {  	[tilespmem:s24], [sflag:$0x1] =	stream.linear.gather [hbm4b:s23+s3], $0x80, $0x38;
	[tilespmem:$0x3D80] =	vst v63  }
0xc2: {  	s24 =	spop (v2sf)  }
0xc3: {  	(v2sf) =	vpush v4, $0xB;
	s23 =	sand.u32 $0x1FFFFFF0, s24  }
0xc4: {  	s24 =	simm.s32 $0x1400;
	s23 =	sadd.s32 s4, s23  }
0xc5: {  	[tilespmem:s24], [sflag:$0x1] =	stream.linear.gather [hbm4b:s23+s3], $0x80, $0x38;
	[tilespmem:$0x3D80] =	vst v63  }
0xc6: {  	s24 =	spop (v2sf)  }
0xc7: {  	(v2sf) =	vpush v4, $0xC;
	s23 =	sand.u32 $0x1FFFFFF0, s24  }
0xc8: {  	s24 =	simm.s32 $0x1480;
	s23 =	sadd.s32 s4, s23  }
0xc9: {  	[tilespmem:s24], [sflag:$0x1] =	stream.linear.gather [hbm4b:s23+s3], $0x80, $0x38;
	[tilespmem:$0x3D80] =	vst v63  }
0xca: {  	s24 =	spop (v2sf)  }
0xcb: {  	(v2sf) =	vpush v4, $0xD;
	s23 =	sand.u32 $0x1FFFFFF0, s24  }
0xcc: {  	s24 =	simm.s32 $0x1500;
	s23 =	sadd.s32 s4, s23  }
0xcd: {  	[tilespmem:s24], [sflag:$0x1] =	stream.linear.gather [hbm4b:s23+s3], $0x80, $0x38;
	[tilespmem:$0x3D80] =	vst v63  }
0xce: {  	s24 =	spop (v2sf)  }
0xcf: {  	(v2sf) =	vpush v4, $0xE;
	s23 =	sand.u32 $0x1FFFFFF0, s24  }
0xd0: {  	s24 =	simm.s32 $0x1580;
	s23 =	sadd.s32 s4, s23  }
0xd1: {  	[tilespmem:s24], [sflag:$0x1] =	stream.linear.gather [hbm4b:s23+s3], $0x80, $0x38;
	[tilespmem:$0x3D80] =	vst v63  }
0xd2: {  	s24 =	spop (v2sf)  }
0xd3: {  	(v2sf) =	vpush v4, $0xF;
	s23 =	sand.u32 $0x1FFFFFF0, s24  }
0xd4: {  	s24 =	simm.s32 $0x1600;
	s23 =	sadd.s32 s4, s23  }
0xd5: {  	[tilespmem:s24], [sflag:$0x1] =	stream.linear.gather [hbm4b:s23+s3], $0x80, $0x38;
	[tilespmem:$0x3D80] =	vst v63  }
0xd6: {  	s24 =	spop (v2sf)  }
0xd7: {  	s23 =	sand.u32 $0x1FFFFFF0, s24  }
0xd8: {  	s24 =	simm.s32 $0x1680;
	s23 =	sadd.s32 s4, s23  }
0xd9: {  	[tilespmem:s24], [sflag:$0x1] =	stream.linear.gather [hbm4b:s23+s3], $0x80, $0x38;
	[tilespmem:$0x3D80] =	vst v63  }
0xda: {  	s24 =	spop (v2sf)  }
0xdb: {  	s23 =	sand.u32 $0x1FFFFFF0, s24  }
0xdc: {  	s24 =	simm.s32 $0x1700;
	s23 =	sadd.s32 s4, s23  }
0xdd: {  	[tilespmem:s24], [sflag:$0x1] =	stream.linear.gather [hbm4b:s23+s3], $0x80, $0x38;
	[tilespmem:$0x3D80] =	vst v63  }
0xde: {  	s24 =	spop (v2sf)  }
0xdf: {  	s23 =	sand.u32 $0x1FFFFFF0, s24  }
0xe0: {  	s24 =	simm.s32 $0x1780;
	s23 =	sadd.s32 s4, s23  }
0xe1: {  	[tilespmem:s24], [sflag:$0x1] =	stream.linear.gather [hbm4b:s23+s3], $0x80, $0x38;
	[tilespmem:$0x3D80] =	vst v63  }
0xe2: {  	s24 =	spop (v2sf)  }
0xe3: {  	s23 =	sand.u32 $0x1FFFFFF0, s24  }
0xe4: {  	s24 =	simm.s32 $0x1800;
	s23 =	sadd.s32 s4, s23  }
0xe5: {  	[tilespmem:s24], [sflag:$0x1] =	stream.linear.gather [hbm4b:s23+s3], $0x80, $0x38;
	[tilespmem:$0x3D80] =	vst v63  }
0xe6: {  	v4 =	vld [tilespmem:$0x30];
	_ =	sdelay $0x4  }
0xe7: {  	v4 =	vshll.u32 v4, $0x4  }
0xe8: {  	(v2sf) =	vpush v4, $0x0;
	_ =	sdelay $0x3  }
0xe9: {  	(v2sf) =	vpush v4, $0x1;
	_ =	sdelay $0x3  }
0xea: {  	(v2sf) =	vpush v4, $0x2;
	_ =	sdelay $0x3  }
0xeb: {  	(v2sf) =	vpush v4, $0x3;
	_ =	sdelay $0x2  }
0xec: {  	s24 =	spop (v2sf)  }
0xed: {  	(v2sf) =	vpush v4, $0x4;
	s23 =	sand.u32 $0x1FFFFFF0, s24  }
0xee: {  	s24 =	simm.s32 $0x1880;
	s23 =	sadd.s32 s4, s23  }
0xef: {  	[tilespmem:s24], [sflag:$0x1] =	stream.linear.gather [hbm4b:s23+s3], $0x80, $0x38;
	[tilespmem:$0x3D80] =	vst v63  }
0xf0: {  	s24 =	spop (v2sf)  }
0xf1: {  	(v2sf) =	vpush v4, $0x5;
	s23 =	sand.u32 $0x1FFFFFF0, s24  }
0xf2: {  	s24 =	simm.s32 $0x1900;
	s23 =	sadd.s32 s4, s23  }
0xf3: {  	[tilespmem:s24], [sflag:$0x1] =	stream.linear.gather [hbm4b:s23+s3], $0x80, $0x38;
	[tilespmem:$0x3D80] =	vst v63  }
0xf4: {  	s24 =	spop (v2sf)  }
0xf5: {  	(v2sf) =	vpush v4, $0x6;
	s23 =	sand.u32 $0x1FFFFFF0, s24  }
0xf6: {  	s24 =	simm.s32 $0x1980;
	s23 =	sadd.s32 s4, s23  }
0xf7: {  	[tilespmem:s24], [sflag:$0x1] =	stream.linear.gather [hbm4b:s23+s3], $0x80, $0x38;
	[tilespmem:$0x3D80] =	vst v63  }
0xf8: {  	s24 =	spop (v2sf)  }
0xf9: {  	(v2sf) =	vpush v4, $0x7;
	s23 =	sand.u32 $0x1FFFFFF0, s24  }
0xfa: {  	s24 =	simm.s32 $0x1A00;
	s23 =	sadd.s32 s4, s23  }
0xfb: {  	[tilespmem:s24], [sflag:$0x1] =	stream.linear.gather [hbm4b:s23+s3], $0x80, $0x38;
	[tilespmem:$0x3D80] =	vst v63  }
0xfc: {  	s24 =	spop (v2sf)  }
0xfd: {  	(v2sf) =	vpush v4, $0x8;
	s23 =	sand.u32 $0x1FFFFFF0, s24  }
0xfe: {  	s24 =	simm.s32 $0x1A80;
	s23 =	sadd.s32 s4, s23  }
0xff: {  	[tilespmem:s24], [sflag:$0x1] =	stream.linear.gather [hbm4b:s23+s3], $0x80, $0x38;
	[tilespmem:$0x3D80] =	vst v63  }
0x100: {  	s24 =	spop (v2sf)  }
0x101: {  	(v2sf) =	vpush v4, $0x9;
	s23 =	sand.u32 $0x1FFFFFF0, s24  }
0x102: {  	s24 =	simm.s32 $0x1B00;
	s23 =	sadd.s32 s4, s23  }
0x103: {  	[tilespmem:s24], [sflag:$0x1] =	stream.linear.gather [hbm4b:s23+s3], $0x80, $0x38;
	[tilespmem:$0x3D80] =	vst v63  }
0x104: {  	s24 =	spop (v2sf)  }
0x105: {  	(v2sf) =	vpush v4, $0xA;
	s23 =	sand.u32 $0x1FFFFFF0, s24  }
0x106: {  	s24 =	simm.s32 $0x1B80;
	s23 =	sadd.s32 s4, s23  }
0x107: {  	[tilespmem:s24], [sflag:$0x1] =	stream.linear.gather [hbm4b:s23+s3], $0x80, $0x38;
	[tilespmem:$0x3D80] =	vst v63  }
0x108: {  	s24 =	spop (v2sf)  }
0x109: {  	(v2sf) =	vpush v4, $0xB;
	s23 =	sand.u32 $0x1FFFFFF0, s24  }
0x10a: {  	s24 =	simm.s32 $0x1C00;
	s23 =	sadd.s32 s4, s23  }
0x10b: {  	[tilespmem:s24], [sflag:$0x1] =	stream.linear.gather [hbm4b:s23+s3], $0x80, $0x38;
	[tilespmem:$0x3D80] =	vst v63  }
0x10c: {  	s24 =	spop (v2sf)  }
0x10d: {  	(v2sf) =	vpush v4, $0xC;
	s23 =	sand.u32 $0x1FFFFFF0, s24  }
0x10e: {  	s24 =	simm.s32 $0x1C80;
	s23 =	sadd.s32 s4, s23  }
0x10f: {  	[tilespmem:s24], [sflag:$0x1] =	stream.linear.gather [hbm4b:s23+s3], $0x80, $0x38;
	[tilespmem:$0x3D80] =	vst v63  }
0x110: {  	s24 =	spop (v2sf)  }
0x111: {  	(v2sf) =	vpush v4, $0xD;
	s23 =	sand.u32 $0x1FFFFFF0, s24  }
0x112: {  	s24 =	simm.s32 $0x1D00;
	s23 =	sadd.s32 s4, s23  }
0x113: {  	[tilespmem:s24], [sflag:$0x1] =	stream.linear.gather [hbm4b:s23+s3], $0x80, $0x38;
	[tilespmem:$0x3D80] =	vst v63  }
0x114: {  	s24 =	spop (v2sf)  }
0x115: {  	(v2sf) =	vpush v4, $0xE;
	s23 =	sand.u32 $0x1FFFFFF0, s24  }
0x116: {  	s24 =	simm.s32 $0x1D80;
	s23 =	sadd.s32 s4, s23  }
0x117: {  	[tilespmem:s24], [sflag:$0x1] =	stream.linear.gather [hbm4b:s23+s3], $0x80, $0x38;
	[tilespmem:$0x3D80] =	vst v63  }
0x118: {  	s24 =	spop (v2sf)  }
0x119: {  	(v2sf) =	vpush v4, $0xF;
	s23 =	sand.u32 $0x1FFFFFF0, s24  }
0x11a: {  	s24 =	simm.s32 $0x1E00;
	s23 =	sadd.s32 s4, s23  }
0x11b: {  	[tilespmem:s24], [sflag:$0x1] =	stream.linear.gather [hbm4b:s23+s3], $0x80, $0x38;
	[tilespmem:$0x3D80] =	vst v63  }
0x11c: {  	s24 =	spop (v2sf)  }
0x11d: {  	s23 =	sand.u32 $0x1FFFFFF0, s24  }
0x11e: {  	s24 =	simm.s32 $0x1E80;
	s23 =	sadd.s32 s4, s23  }
0x11f: {  	[tilespmem:s24], [sflag:$0x1] =	stream.linear.gather [hbm4b:s23+s3], $0x80, $0x38;
	[tilespmem:$0x3D80] =	vst v63  }
0x120: {  	s24 =	spop (v2sf)  }
0x121: {  	s23 =	sand.u32 $0x1FFFFFF0, s24  }
0x122: {  	s24 =	simm.s32 $0x1F00;
	s23 =	sadd.s32 s4, s23  }
0x123: {  	[tilespmem:s24], [sflag:$0x1] =	stream.linear.gather [hbm4b:s23+s3], $0x80, $0x38;
	[tilespmem:$0x3D80] =	vst v63  }
0x124: {  	s24 =	spop (v2sf)  }
0x125: {  	s23 =	sand.u32 $0x1FFFFFF0, s24  }
0x126: {  	s24 =	simm.s32 $0x1F80;
	s23 =	sadd.s32 s4, s23  }
0x127: {  	[tilespmem:s24], [sflag:$0x1] =	stream.linear.gather [hbm4b:s23+s3], $0x80, $0x38;
	[tilespmem:$0x3D80] =	vst v63  }
0x128: {  	s24 =	spop (v2sf)  }
0x129: {  	s23 =	sand.u32 $0x1FFFFFF0, s24  }
0x12a: {  	s23 =	sadd.s32 s4, s23  }
0x12b: {  	[tilespmem:s25], [sflag:$0x1] =	stream.linear.gather [hbm4b:s23+s3], $0x80, $0x38;
	[tilespmem:$0x3D80] =	vst v63  }
0x12c: {  	v4 =	vld [tilespmem:$0x40];
	_ =	sdelay $0x4  }
0x12d: {  	v4 =	vshll.u32 v4, $0x4  }
0x12e: {  	(v2sf) =	vpush v4, $0x0;
	_ =	sdelay $0x1  }
0x12f: {  	(v2sf) =	vpush v4, $0x1;
	_ =	sdelay $0x2  }
0x130: {  	(v2sf) =	vpush v4, $0x2;
	_ =	sdelay $0x1  }
0x131: {  	(v2sf) =	vpush v4, $0x3;
	_ =	sdelay $0x2  }
0x132: {  	(v2sf) =	vpush v4, $0x4;
	_ =	sdelay $0x4  }
0x133: {  	s24 =	spop (v2sf);
	(v2sf) =	vpush v4, $0x5  }
0x134: {  	s23 =	sand.u32 $0x1FFFFFF0, s24  }
0x135: {  	s24 =	spop (v2sf);
	s23 =	sadd.s32 s4, s23  }
0x136: {  	[tilespmem:s26], [sflag:$0x1] =	stream.linear.gather [hbm4b:s23+s3], $0x80, $0x38;
	[tilespmem:$0x3D80] =	vst v63  }
0x137: {  	s23 =	sand.u32 $0x1FFFFFF0, s24  }
0x138: {  	s24 =	spop (v2sf);
	(v2sf) =	vpush v4, $0x6;
	s23 =	sadd.s32 s4, s23  }
0x139: {  	[tilespmem:s28], [sflag:$0x1] =	stream.linear.gather [hbm4b:s23+s3], $0x80, $0x38;
	[tilespmem:$0x3D80] =	vst v63  }
0x13a: {  	s23 =	sand.u32 $0x1FFFFFF0, s24;
	s24 =	spop (v2sf);
	(v2sf) =	vpush v4, $0x7  }
0x13b: {  	s23 =	sadd.s32 s4, s23  }
0x13c: {  	[tilespmem:s29], [sflag:$0x1] =	stream.linear.gather [hbm4b:s23+s3], $0x80, $0x38;
	[tilespmem:$0x3D80] =	vst v63  }
0x13d: {  	s23 =	sand.u32 $0x1FFFFFF0, s24;
	s24 =	spop (v2sf);
	(v2sf) =	vpush v4, $0x8;
	_ =	sdelay $0x1  }
0x13e: {  	s23 =	sadd.s32 s4, s23  }
0x13f: {  	[tilespmem:s30], [sflag:$0x1] =	stream.linear.gather [hbm4b:s23+s3], $0x80, $0x38;
	[tilespmem:$0x3D80] =	vst v63  }
0x140: {  	s23 =	sand.u32 $0x1FFFFFF0, s24  }
0x141: {  	s23 =	sadd.s32 s4, s23;
	s24 =	spop (v2sf);
	(v2sf) =	vpush v4, $0x9  }
0x142: {  	[tilespmem:s31], [sflag:$0x1] =	stream.linear.gather [hbm4b:s23+s3], $0x80, $0x38;
	[tilespmem:$0x3D80] =	vst v63  }
0x143: {  	s23 =	sand.u32 $0x1FFFFFF0, s24;
	(v2sf) =	vpush v4, $0xA  }
0x144: {  	s23 =	sadd.s32 s4, s23  }
0x145: {  	[tilespmem:s1], [sflag:$0x1] =	stream.linear.gather [hbm4b:s23+s3], $0x80, $0x38;
	[tilespmem:$0x3D80] =	vst v63  }
0x146: {  	s24 =	spop (v2sf);
	(v2sf) =	vpush v4, $0xB  }
0x147: {  	s23 =	sand.u32 $0x1FFFFFF0, s24  }
0x148: {  	s23 =	sadd.s32 s4, s23;
	s24 =	spop (v2sf)  }
0x149: {  	(v2sf) =	vpush v4, $0xC;
	[tilespmem:s0], [sflag:$0x1] =	stream.linear.gather [hbm4b:s23+s3], $0x80, $0x38;
	[tilespmem:$0x3D80] =	vst v63  }
0x14a: {  	s23 =	sand.u32 $0x1FFFFFF0, s24  }
0x14b: {  	s23 =	sadd.s32 s4, s23;
	s24 =	spop (v2sf)  }
0x14c: {  	(v2sf) =	vpush v4, $0xD;
	[tilespmem:s2], [sflag:$0x1] =	stream.linear.gather [hbm4b:s23+s3], $0x80, $0x38;
	[tilespmem:$0x3D80] =	vst v63  }
0x14d: {  	s23 =	sand.u32 $0x1FFFFFF0, s24  }
0x14e: {  	s23 =	sadd.s32 s4, s23  }
0x14f: {  	[tilespmem:s10], [sflag:$0x1] =	stream.linear.gather [hbm4b:s23+s3], $0x80, $0x38;
	[tilespmem:$0x3D80] =	vst v63  }
0x150: {  	s24 =	spop (v2sf)  }
0x151: {  	(v2sf) =	vpush v4, $0xE;
	s23 =	sand.u32 $0x1FFFFFF0, s24  }
0x152: {  	s24 =	spop (v2sf);
	s23 =	sadd.s32 s4, s23  }
0x153: {  	(v2sf) =	vpush v4, $0xF;
	[tilespmem:s11], [sflag:$0x1] =	stream.linear.gather [hbm4b:s23+s3], $0x80, $0x38;
	[tilespmem:$0x3D80] =	vst v63  }
0x154: {  	s23 =	sand.u32 $0x1FFFFFF0, s24  }
0x155: {  	s24 =	spop (v2sf);
	s23 =	sadd.s32 s4, s23  }
0x156: {  	[tilespmem:s12], [sflag:$0x1] =	stream.linear.gather [hbm4b:s23+s3], $0x80, $0x38;
	[tilespmem:$0x3D80] =	vst v63  }
0x157: {  	s23 =	sand.u32 $0x1FFFFFF0, s24  }
0x158: {  	s24 =	spop (v2sf);
	s23 =	sadd.s32 s4, s23  }
0x159: {  	[tilespmem:s13], [sflag:$0x1] =	stream.linear.gather [hbm4b:s23+s3], $0x80, $0x38;
	[tilespmem:$0x3D80] =	vst v63  }
0x15a: {  	s23 =	sand.u32 $0x1FFFFFF0, s24  }
0x15b: {  	s24 =	spop (v2sf);
	s23 =	sadd.s32 s4, s23  }
0x15c: {  	[tilespmem:s14], [sflag:$0x1] =	stream.linear.gather [hbm4b:s23+s3], $0x80, $0x38;
	[tilespmem:$0x3D80] =	vst v63  }
0x15d: {  	s23 =	sand.u32 $0x1FFFFFF0, s24  }
0x15e: {  	s23 =	sadd.s32 s4, s23  }
0x15f: {  	[tilespmem:s15], [sflag:$0x1] =	stream.linear.gather [hbm4b:s23+s3], $0x80, $0x38;
	[tilespmem:$0x3D80] =	vst v63  }
0x160: {  	s24 =	spop (v2sf)  }
0x161: {  	s24 =	sand.u32 $0x1FFFFFF0, s24  }
0x162: {  	s23 =	sadd.s32 s4, s24;
	s24 =	spop (v2sf)  }
0x163: {  	[tilespmem:s16], [sflag:$0x1] =	stream.linear.gather [hbm4b:s23+s3], $0x80, $0x38;
	[tilespmem:$0x3D80] =	vst v63  }
0x164: {  	s23 =	sand.u32 $0x1FFFFFF0, s24  }
0x165: {  	s23 =	sadd.s32 s4, s23  }
0x166: {  	[tilespmem:s17], [sflag:$0x1] =	stream.linear.gather [hbm4b:s23+s3], $0x80, $0x38;
	[tilespmem:$0x3D80] =	vst v63  }
0x167: {  	_ = 	snop  }
0x168: {  	[tilespmem:s18], [sflag:$0x2] =	stream.linear.gather [hbm4b:s5+s3], $0x1400, $0x38;
	[tilespmem:$0x3D80] =	vst v63  }
0x169: {  	_ =	swait.ge [sflag:s9], $0x1400  }
0x16a: {  	[sflag:s9] =	ssyncset.done $0x0  }
0x16b: {  	[sflag:s9] =	ssyncadd.s32 $0xFFFFEC00  }
0x16c: {  	s24 =	rddreg [dreg:$0x1]  }
0x16d: {  	[tilespmem:s19], [sflag:$0x2] =	stream.linear.gather [hbm4b:s24+s3], $0x80, $0x38;
	[tilespmem:$0x3D80] =	vst v63  }
0x16e: {  	_ =	swait.ge [sflag:s9], $0x80  }
0x16f: {  	[sflag:s9] =	ssyncset.done $0x0  }
0x170: {  	[sflag:s9] =	ssyncadd.s32 $0xFFFFFF80  }
0x171: {  	_ =	swait.ge [sflag:s20], $0x80  }
0x172: {  	[sflag:s20] =	ssyncset.done $0x0  }
0x173: {  	[sflag:s20] =	ssyncadd.s32 $0xFFFFFF80  }
0x174: {  	_ =	swait.ge [sflag:s20], $0x80  }
0x175: {  	[sflag:s20] =	ssyncset.done $0x0  }
0x176: {  	[sflag:s20] =	ssyncadd.s32 $0xFFFFFF80  }
0x177: {  	_ =	swait.ge [sflag:s20], $0x80  }
0x178: {  	[sflag:s20] =	ssyncset.done $0x0  }
0x179: {  	[sflag:s20] =	ssyncadd.s32 $0xFFFFFF80  }
0x17a: {  	_ =	swait.ge [sflag:s20], $0x80  }
0x17b: {  	[sflag:s20] =	ssyncset.done $0x0  }
0x17c: {  	[sflag:s20] =	ssyncadd.s32 $0xFFFFFF80  }
0x17d: {  	_ =	swait.ge [sflag:s20], $0x80  }
0x17e: {  	[sflag:s20] =	ssyncset.done $0x0  }
0x17f: {  	[sflag:s20] =	ssyncadd.s32 $0xFFFFFF80  }
0x180: {  	_ =	swait.ge [sflag:s20], $0x80  }
0x181: {  	[sflag:s20] =	ssyncset.done $0x0  }
0x182: {  	[sflag:s20] =	ssyncadd.s32 $0xFFFFFF80  }
0x183: {  	_ =	swait.ge [sflag:s20], $0x80  }
0x184: {  	[sflag:s20] =	ssyncset.done $0x0  }
0x185: {  	[sflag:s20] =	ssyncadd.s32 $0xFFFFFF80  }
0x186: {  	_ =	swait.ge [sflag:s20], $0x80  }
0x187: {  	[sflag:s20] =	ssyncset.done $0x0  }
0x188: {  	[sflag:s20] =	ssyncadd.s32 $0xFFFFFF80  }
0x189: {  	_ =	swait.ge [sflag:s20], $0x80  }
0x18a: {  	[sflag:s20] =	ssyncset.done $0x0  }
0x18b: {  	[sflag:s20] =	ssyncadd.s32 $0xFFFFFF80  }
0x18c: {  	_ =	swait.ge [sflag:s20], $0x80  }
0x18d: {  	[sflag:s20] =	ssyncset.done $0x0  }
0x18e: {  	[sflag:s20] =	ssyncadd.s32 $0xFFFFFF80  }
0x18f: {  	_ =	swait.ge [sflag:s20], $0x80  }
0x190: {  	[sflag:s20] =	ssyncset.done $0x0  }
0x191: {  	[sflag:s20] =	ssyncadd.s32 $0xFFFFFF80  }
0x192: {  	_ =	swait.ge [sflag:s20], $0x80  }
0x193: {  	[sflag:s20] =	ssyncset.done $0x0  }
0x194: {  	[sflag:s20] =	ssyncadd.s32 $0xFFFFFF80  }
0x195: {  	_ =	swait.ge [sflag:s20], $0x80  }
0x196: {  	[sflag:s20] =	ssyncset.done $0x0  }
0x197: {  	[sflag:s20] =	ssyncadd.s32 $0xFFFFFF80  }
0x198: {  	_ =	swait.ge [sflag:s20], $0x80  }
0x199: {  	[sflag:s20] =	ssyncset.done $0x0  }
0x19a: {  	[sflag:s20] =	ssyncadd.s32 $0xFFFFFF80  }
0x19b: {  	_ =	swait.ge [sflag:s20], $0x80  }
0x19c: {  	[sflag:s20] =	ssyncset.done $0x0  }
0x19d: {  	[sflag:s20] =	ssyncadd.s32 $0xFFFFFF80  }
0x19e: {  	_ =	swait.ge [sflag:s20], $0x80  }
0x19f: {  	[sflag:s20] =	ssyncset.done $0x0  }
0x1a0: {  	[sflag:s20] =	ssyncadd.s32 $0xFFFFFF80  }
0x1a1: {  	_ =	swait.ge [sflag:s20], $0x80  }
0x1a2: {  	[sflag:s20] =	ssyncset.done $0x0  }
0x1a3: {  	[sflag:s20] =	ssyncadd.s32 $0xFFFFFF80  }
0x1a4: {  	_ =	swait.ge [sflag:s20], $0x80  }
0x1a5: {  	[sflag:s20] =	ssyncset.done $0x0  }
0x1a6: {  	[sflag:s20] =	ssyncadd.s32 $0xFFFFFF80  }
0x1a7: {  	_ =	swait.ge [sflag:s20], $0x80  }
0x1a8: {  	[sflag:s20] =	ssyncset.done $0x0  }
0x1a9: {  	[sflag:s20] =	ssyncadd.s32 $0xFFFFFF80  }
0x1aa: {  	_ =	swait.ge [sflag:s20], $0x80  }
0x1ab: {  	[sflag:s20] =	ssyncset.done $0x0  }
0x1ac: {  	[sflag:s20] =	ssyncadd.s32 $0xFFFFFF80  }
0x1ad: {  	_ =	swait.ge [sflag:s20], $0x80  }
0x1ae: {  	[sflag:s20] =	ssyncset.done $0x0  }
0x1af: {  	[sflag:s20] =	ssyncadd.s32 $0xFFFFFF80  }
0x1b0: {  	_ =	swait.ge [sflag:s20], $0x80  }
0x1b1: {  	[sflag:s20] =	ssyncset.done $0x0  }
0x1b2: {  	[sflag:s20] =	ssyncadd.s32 $0xFFFFFF80  }
0x1b3: {  	_ =	swait.ge [sflag:s20], $0x80  }
0x1b4: {  	[sflag:s20] =	ssyncset.done $0x0  }
0x1b5: {  	[sflag:s20] =	ssyncadd.s32 $0xFFFFFF80  }
0x1b6: {  	_ =	swait.ge [sflag:s20], $0x80  }
0x1b7: {  	[sflag:s20] =	ssyncset.done $0x0  }
0x1b8: {  	[sflag:s20] =	ssyncadd.s32 $0xFFFFFF80  }
0x1b9: {  	_ =	swait.ge [sflag:s20], $0x80  }
0x1ba: {  	[sflag:s20] =	ssyncset.done $0x0  }
0x1bb: {  	[sflag:s20] =	ssyncadd.s32 $0xFFFFFF80  }
0x1bc: {  	_ =	swait.ge [sflag:s20], $0x80  }
0x1bd: {  	[sflag:s20] =	ssyncset.done $0x0  }
0x1be: {  	[sflag:s20] =	ssyncadd.s32 $0xFFFFFF80  }
0x1bf: {  	_ =	swait.ge [sflag:s20], $0x80  }
0x1c0: {  	[sflag:s20] =	ssyncset.done $0x0  }
0x1c1: {  	[sflag:s20] =	ssyncadd.s32 $0xFFFFFF80  }
0x1c2: {  	_ =	swait.ge [sflag:s20], $0x80  }
0x1c3: {  	[sflag:s20] =	ssyncset.done $0x0  }
0x1c4: {  	[sflag:s20] =	ssyncadd.s32 $0xFFFFFF80  }
0x1c5: {  	_ =	swait.ge [sflag:s20], $0x80  }
0x1c6: {  	[sflag:s20] =	ssyncset.done $0x0  }
0x1c7: {  	[sflag:s20] =	ssyncadd.s32 $0xFFFFFF80  }
0x1c8: {  	_ =	swait.ge [sflag:s20], $0x80  }
0x1c9: {  	[sflag:s20] =	ssyncset.done $0x0  }
0x1ca: {  	[sflag:s20] =	ssyncadd.s32 $0xFFFFFF80  }
0x1cb: {  	_ =	swait.ge [sflag:s20], $0x80  }
0x1cc: {  	[sflag:s20] =	ssyncset.done $0x0  }
0x1cd: {  	[sflag:s20] =	ssyncadd.s32 $0xFFFFFF80  }
0x1ce: {  	_ =	swait.ge [sflag:s20], $0x80  }
0x1cf: {  	[sflag:s20] =	ssyncset.done $0x0  }
0x1d0: {  	[sflag:s20] =	ssyncadd.s32 $0xFFFFFF80  }
0x1d1: {  	_ =	swait.ge [sflag:s20], $0x80  }
0x1d2: {  	[sflag:s20] =	ssyncset.done $0x0  }
0x1d3: {  	[sflag:s20] =	ssyncadd.s32 $0xFFFFFF80  }
0x1d4: {  	_ =	swait.ge [sflag:s20], $0x80  }
0x1d5: {  	[sflag:s20] =	ssyncset.done $0x0  }
0x1d6: {  	[sflag:s20] =	ssyncadd.s32 $0xFFFFFF80  }
0x1d7: {  	_ =	swait.ge [sflag:s20], $0x80  }
0x1d8: {  	[sflag:s20] =	ssyncset.done $0x0  }
0x1d9: {  	[sflag:s20] =	ssyncadd.s32 $0xFFFFFF80  }
0x1da: {  	_ =	swait.ge [sflag:s20], $0x80  }
0x1db: {  	[sflag:s20] =	ssyncset.done $0x0  }
0x1dc: {  	[sflag:s20] =	ssyncadd.s32 $0xFFFFFF80  }
0x1dd: {  	_ =	swait.ge [sflag:s20], $0x80  }
0x1de: {  	[sflag:s20] =	ssyncset.done $0x0  }
0x1df: {  	[sflag:s20] =	ssyncadd.s32 $0xFFFFFF80  }
0x1e0: {  	_ =	swait.ge [sflag:s20], $0x80  }
0x1e1: {  	[sflag:s20] =	ssyncset.done $0x0  }
0x1e2: {  	[sflag:s20] =	ssyncadd.s32 $0xFFFFFF80  }
0x1e3: {  	_ =	swait.ge [sflag:s20], $0x80  }
0x1e4: {  	[sflag:s20] =	ssyncset.done $0x0  }
0x1e5: {  	[sflag:s20] =	ssyncadd.s32 $0xFFFFFF80  }
0x1e6: {  	_ =	swait.ge [sflag:s20], $0x80  }
0x1e7: {  	[sflag:s20] =	ssyncset.done $0x0  }
0x1e8: {  	[sflag:s20] =	ssyncadd.s32 $0xFFFFFF80  }
0x1e9: {  	_ =	swait.ge [sflag:s20], $0x80  }
0x1ea: {  	[sflag:s20] =	ssyncset.done $0x0  }
0x1eb: {  	[sflag:s20] =	ssyncadd.s32 $0xFFFFFF80  }
0x1ec: {  	_ =	swait.ge [sflag:s20], $0x80  }
0x1ed: {  	[sflag:s20] =	ssyncset.done $0x0  }
0x1ee: {  	[sflag:s20] =	ssyncadd.s32 $0xFFFFFF80  }
0x1ef: {  	_ =	swait.ge [sflag:s20], $0x80  }
0x1f0: {  	[sflag:s20] =	ssyncset.done $0x0  }
0x1f1: {  	[sflag:s20] =	ssyncadd.s32 $0xFFFFFF80  }
0x1f2: {  	_ =	swait.ge [sflag:s20], $0x80  }
0x1f3: {  	[sflag:s20] =	ssyncset.done $0x0  }
0x1f4: {  	[sflag:s20] =	ssyncadd.s32 $0xFFFFFF80  }
0x1f5: {  	_ =	swait.ge [sflag:s20], $0x80  }
0x1f6: {  	[sflag:s20] =	ssyncset.done $0x0  }
0x1f7: {  	[sflag:s20] =	ssyncadd.s32 $0xFFFFFF80  }
0x1f8: {  	_ =	swait.ge [sflag:s20], $0x80  }
0x1f9: {  	[sflag:s20] =	ssyncset.done $0x0  }
0x1fa: {  	[sflag:s20] =	ssyncadd.s32 $0xFFFFFF80  }
0x1fb: {  	_ =	swait.ge [sflag:s20], $0x80  }
0x1fc: {  	[sflag:s20] =	ssyncset.done $0x0  }
0x1fd: {  	[sflag:s20] =	ssyncadd.s32 $0xFFFFFF80  }
0x1fe: {  	_ =	swait.ge [sflag:s20], $0x80  }
0x1ff: {  	[sflag:s20] =	ssyncset.done $0x0  }
0x200: {  	[sflag:s20] =	ssyncadd.s32 $0xFFFFFF80  }
0x201: {  	_ =	swait.ge [sflag:s20], $0x80  }
0x202: {  	[sflag:s20] =	ssyncset.done $0x0  }
0x203: {  	[sflag:s20] =	ssyncadd.s32 $0xFFFFFF80  }
0x204: {  	_ =	swait.ge [sflag:s20], $0x80  }
0x205: {  	[sflag:s20] =	ssyncset.done $0x0  }
0x206: {  	[sflag:s20] =	ssyncadd.s32 $0xFFFFFF80  }
0x207: {  	_ =	swait.ge [sflag:s20], $0x80  }
0x208: {  	[sflag:s20] =	ssyncset.done $0x0  }
0x209: {  	[sflag:s20] =	ssyncadd.s32 $0xFFFFFF80  }
0x20a: {  	_ =	swait.ge [sflag:s20], $0x80  }
0x20b: {  	[sflag:s20] =	ssyncset.done $0x0  }
0x20c: {  	[sflag:s20] =	ssyncadd.s32 $0xFFFFFF80  }
0x20d: {  	_ =	swait.ge [sflag:s20], $0x80  }
0x20e: {  	[sflag:s20] =	ssyncset.done $0x0  }
0x20f: {  	[sflag:s20] =	ssyncadd.s32 $0xFFFFFF80  }
0x210: {  	_ =	swait.ge [sflag:s20], $0x80  }
0x211: {  	[sflag:s20] =	ssyncset.done $0x0  }
0x212: {  	[sflag:s20] =	ssyncadd.s32 $0xFFFFFF80  }
0x213: {  	_ =	swait.ge [sflag:s20], $0x80  }
0x214: {  	[sflag:s20] =	ssyncset.done $0x0  }
0x215: {  	[sflag:s20] =	ssyncadd.s32 $0xFFFFFF80  }
0x216: {  	_ =	swait.ge [sflag:s20], $0x80  }
0x217: {  	[sflag:s20] =	ssyncset.done $0x0  }
0x218: {  	[sflag:s20] =	ssyncadd.s32 $0xFFFFFF80  }
0x219: {  	_ =	swait.ge [sflag:s20], $0x80  }
0x21a: {  	[sflag:s20] =	ssyncset.done $0x0  }
0x21b: {  	[sflag:s20] =	ssyncadd.s32 $0xFFFFFF80  }
0x21c: {  	_ =	swait.ge [sflag:s20], $0x80  }
0x21d: {  	[sflag:s20] =	ssyncset.done $0x0  }
0x21e: {  	[sflag:s20] =	ssyncadd.s32 $0xFFFFFF80  }
0x21f: {  	_ =	swait.ge [sflag:s20], $0x80  }
0x220: {  	[sflag:s20] =	ssyncset.done $0x0  }
0x221: {  	[sflag:s20] =	ssyncadd.s32 $0xFFFFFF80  }
0x222: {  	_ =	swait.ge [sflag:s20], $0x80  }
0x223: {  	[sflag:s20] =	ssyncset.done $0x0  }
0x224: {  	[sflag:s20] =	ssyncadd.s32 $0xFFFFFF80  }
0x225: {  	_ =	swait.ge [sflag:s20], $0x80  }
0x226: {  	[sflag:s20] =	ssyncset.done $0x0  }
0x227: {  	[sflag:s20] =	ssyncadd.s32 $0xFFFFFF80  }
0x228: {  	_ =	swait.ge [sflag:s20], $0x80  }
0x229: {  	[sflag:s20] =	ssyncset.done $0x0  }
0x22a: {  	[sflag:s20] =	ssyncadd.s32 $0xFFFFFF80  }
0x22b: {  	_ =	swait.ge [sflag:s20], $0x80  }
0x22c: {  	[sflag:s20] =	ssyncset.done $0x0  }
0x22d: {  	[sflag:s20] =	ssyncadd.s32 $0xFFFFFF80  }
0x22e: {  	_ =	swait.ge [sflag:s20], $0x80  }
0x22f: {  	[sflag:s20] =	ssyncset.done $0x0  }
0x230: {  	[sflag:s20] =	ssyncadd.s32 $0xFFFFFF80  }
0x231: {  	_ =	swait.ge [sflag:s20], $0x80  }
0x232: {  	[sflag:s20] =	ssyncset.done $0x0  }
0x233: {  	[sflag:s20] =	ssyncadd.s32 $0xFFFFFF80  }
0x234: {  	_ =	swait.ge [sflag:s20], $0x80  }
0x235: {  	[sflag:s20] =	ssyncset.done $0x0  }
0x236: {  	[sflag:s20] =	ssyncadd.s32 $0xFFFFFF80  }
0x237: {  	_ =	swait.ge [sflag:s20], $0x80  }
0x238: {  	[sflag:s20] =	ssyncset.done $0x0  }
0x239: {  	[sflag:s20] =	ssyncadd.s32 $0xFFFFFF80  }
0x23a: {  	_ =	swait.ge [sflag:s20], $0x80  }
0x23b: {  	[sflag:s20] =	ssyncset.done $0x0  }
0x23c: {  	[sflag:s20] =	ssyncadd.s32 $0xFFFFFF80  }
0x23d: {  	_ =	swait.ge [sflag:s20], $0x80  }
0x23e: {  	[sflag:s20] =	ssyncset.done $0x0  }
0x23f: {  	[sflag:s20] =	ssyncadd.s32 $0xFFFFFF80  }
0x240: {  	_ =	swait.ge [sflag:s20], $0x80  }
0x241: {  	[sflag:s20] =	ssyncset.done $0x0  }
0x242: {  	[sflag:s20] =	ssyncadd.s32 $0xFFFFFF80  }
0x243: {  	_ =	swait.ge [sflag:s20], $0x80  }
0x244: {  	[sflag:s20] =	ssyncset.done $0x0  }
0x245: {  	[sflag:s20] =	ssyncadd.s32 $0xFFFFFF80  }
0x246: {  	_ =	swait.ge [sflag:s20], $0x80  }
0x247: {  	[sflag:s20] =	ssyncset.done $0x0  }
0x248: {  	[sflag:s20] =	ssyncadd.s32 $0xFFFFFF80  }
0x249: {  	_ =	swait.ge [sflag:s20], $0x80  }
0x24a: {  	[sflag:s20] =	ssyncset.done $0x0  }
0x24b: {  	[sflag:s20] =	ssyncadd.s32 $0xFFFFFF80  }
0x24c: {  	_ =	swait.ge [sflag:s20], $0x80  }
0x24d: {  	[sflag:s20] =	ssyncset.done $0x0  }
0x24e: {  	[sflag:s20] =	ssyncadd.s32 $0xFFFFFF80  }
0x24f: {  	_ =	swait.ge [sflag:s20], $0x80  }
0x250: {  	[sflag:s20] =	ssyncset.done $0x0  }
0x251: {  	[sflag:s20] =	ssyncadd.s32 $0xFFFFFF80  }
0x252: {  	_ =	swait.ge [sflag:s20], $0x80  }
0x253: {  	[sflag:s20] =	ssyncset.done $0x0  }
0x254: {  	[sflag:s20] =	ssyncadd.s32 $0xFFFFFF80  }
0x255: {  	_ =	swait.ge [sflag:s20], $0x80  }
0x256: {  	[sflag:s20] =	ssyncset.done $0x0  }
0x257: {  	[sflag:s20] =	ssyncadd.s32 $0xFFFFFF80  }
0x258: {  	_ =	swait.ge [sflag:s20], $0x80  }
0x259: {  	[sflag:s20] =	ssyncset.done $0x0  }
0x25a: {  	[sflag:s20] =	ssyncadd.s32 $0xFFFFFF80  }
0x25b: {  	_ =	swait.ge [sflag:s20], $0x80  }
0x25c: {  	[sflag:s20] =	ssyncset.done $0x0  }
0x25d: {  	[sflag:s20] =	ssyncadd.s32 $0xFFFFFF80  }
0x25e: {  	_ =	swait.ge [sflag:s20], $0x80  }
0x25f: {  	[sflag:s20] =	ssyncset.done $0x0  }
0x260: {  	s23 =	simm.s32 $0x0;
	[sflag:s20] =	ssyncadd.s32 $0xFFFFFF80  }
0x261: {  	v6 =	vld [tilespmem:s23+$0xD4]  }
0x262: {  	v5 =	vld [tilespmem:s23+$0xD0]  }
0x263: {  	v4 =	vld [tilespmem:s23+$0xC0]  }
0x264: {  	v7 =	vld [tilespmem:s23+$0xB0]  }
0x265: {  	v8 =	vld [tilespmem:s23+$0xA0]  }
0x266: {  	v9 =	vld [tilespmem:s23+$0x90]  }
0x267: {  	v12 =	vld [tilespmem:s23+$0x80]  }
0x268: {  	v10 =	vimm.f32 $0.0e+00;
	v11 =	vimm.f32 $0.0e+00;
	s24 =	simm.s32 $0x200;
	v13 =	vld [tilespmem:s23+$0x2880]  }
.LBB2_2:
0x269: {  	p0 =	sne.s32 s24, $0x2600;
	v14 =	vld [tilespmem:s23+$0x3280]  }
0x26a: {  	v15 =	vld [tilespmem:s23+$0x2890]  }
0x26b: {  	v16 =	vld [tilespmem:s23+$0x3290]  }
0x26c: {  	v17 =	vld [tilespmem:s23+$0x28A0]  }
0x26d: {  	v18 =	vld [tilespmem:s23+$0x32A0]  }
0x26e: {  	v13 =	vmul.f32 v13, v12;
	v12 =	vmul.f32 v14, v12;
	v14 =	vld [tilespmem:s23+$0x28B0]  }
0x26f: {  	v15 =	vmul.f32 v15, v9;
	v19 =	vld [tilespmem:s23+$0x32B0]  }
0x270: {  	v10 =	vadd.f32 v13, v10;
	v11 =	vadd.f32 v12, v11;
	v9 =	vmul.f32 v16, v9;
	v12 =	vld [tilespmem:s23+$0x28C0]  }
0x271: {  	v13 =	vmul.f32 v17, v8;
	v16 =	vld [tilespmem:s23+$0x32C0]  }
0x272: {  	v10 =	vadd.f32 v15, v10;
	v9 =	vadd.f32 v9, v11;
	v8 =	vmul.f32 v18, v8;
	v11 =	vld [tilespmem:s23+$0x28D0]  }
0x273: {  	v14 =	vmul.f32 v14, v7;
	v15 =	vld [tilespmem:s23+$0x32D0]  }
0x274: {  	v10 =	vadd.f32 v13, v10;
	v8 =	vadd.f32 v8, v9;
	v7 =	vmul.f32 v19, v7;
	v9 =	vld [tilespmem:s23+$0x28D4]  }
0x275: {  	v12 =	vmul.f32 v12, v4;
	v13 =	vld [tilespmem:s23+$0x32D4];
	s23 =	sshra.s32 s24, $0x2  }
0x276: {  	v10 =	vadd.f32 v14, v10;
	v17 =	vld [tilespmem:s23+$0xD4];
	v7 =	vadd.f32 v7, v8;
	v8 =	vmul.f32 v16, v4  }
0x277: {  	v6 =	vsel vm0, $0x0, v6;
	v14 =	vld [tilespmem:s23+$0xD0];
	v11 =	vmul.f32 v11, v5  }
0x278: {  	v10 =	vadd.f32 v12, v10;
	v4 =	vld [tilespmem:s23+$0xC0];
	v12 =	vadd.f32 v8, v7;
	v5 =	vmul.f32 v15, v5  }
.Ltmp0:
0x279: {  	v7 =	vld [tilespmem:s23+$0xB0];
	v15 =	vmul.f32 v9, v6;
	(pc) =	sbr.rel @p0 .LBB2_2-.Ltmp0, $4  }
0x27a: {  	v10 =	vadd.f32 v11, v10;
	v8 =	vld [tilespmem:s23+$0xA0];
	v16 =	vadd.f32 v5, v12;
	v11 =	vmul.f32 v13, v6  }
0x27b: {  	v9 =	vld [tilespmem:s23+$0x90];
	v6 =	vmov v17  }
0x27c: {  	v10 =	vadd.f32 v15, v10;
	v12 =	vld [tilespmem:s23+$0x80];
	v11 =	vadd.f32 v11, v16;
	v5 =	vmov v14  }
0x27d: {  	s24 =	sadd.s32 $0x200, s24;
	v13 =	vld [tilespmem:s23+$0x2880]  }
0x27e: {  	v14 =	vld [tilespmem:s23+$0x3280]  }
0x27f: {  	v15 =	vld [tilespmem:s23+$0x2890]  }
0x280: {  	v16 =	vld [tilespmem:s23+$0x3290]  }
0x281: {  	v17 =	vld [tilespmem:s23+$0x28A0]  }
0x282: {  	v18 =	vld [tilespmem:s23+$0x32A0]  }
0x283: {  	v13 =	vmul.f32 v13, v12;
	v12 =	vmul.f32 v14, v12;
	v14 =	vld [tilespmem:s23+$0x28B0]  }
0x284: {  	v19 =	vld [tilespmem:s23+$0x32B0];
	v15 =	vmul.f32 v15, v9  }
0x285: {  	v9 =	vmul.f32 v16, v9;
	v10 =	vadd.f32 v13, v10;
	v11 =	vadd.f32 v12, v11;
	v12 =	vld [tilespmem:s23+$0x28C0]  }
0x286: {  	v16 =	vld [tilespmem:s23+$0x32C0];
	v13 =	vmul.f32 v17, v8  }
0x287: {  	v8 =	vmul.f32 v18, v8;
	v10 =	vadd.f32 v15, v10;
	v9 =	vadd.f32 v9, v11;
	v11 =	vld [tilespmem:s23+$0x28D0]  }
0x288: {  	v15 =	vld [tilespmem:s23+$0x32D0];
	v14 =	vmul.f32 v14, v7  }
0x289: {  	v10 =	vadd.f32 v13, v10;
	v7 =	vmul.f32 v19, v7;
	v8 =	vadd.f32 v8, v9;
	v9 =	vld [tilespmem:s23+$0x28D4]  }
0x28a: {  	v13 =	vld [tilespmem:s23+$0x32D4];
	v12 =	vmul.f32 v12, v4  }
0x28b: {  	v10 =	vadd.f32 v14, v10;
	v4 =	vmul.f32 v16, v4;
	v7 =	vadd.f32 v7, v8  }
0x28c: {  	v6 =	vsel vm0, $0x0, v6;
	v8 =	vmul.f32 v11, v5  }
0x28d: {  	v10 =	vadd.f32 v12, v10;
	v5 =	vmul.f32 v15, v5;
	v4 =	vadd.f32 v4, v7  }
0x28e: {  	v7 =	vmul.f32 v9, v6  }
0x28f: {  	v8 =	vadd.f32 v8, v10;
	v4 =	vadd.f32 v5, v4;
	v5 =	vmul.f32 v13, v6;
	_ =	sdelay $0x1  }
0x290: {  	v6 =	vadd.f32 v7, v8;
	v4 =	vadd.f32 v5, v4;
	_ =	sdelay $0x1  }
0x291: {  	v5 =	vperm.xlane v6, v0;
	v7 =	vperm.xlane v4, v0;
	_ =	sdelay $0x1  }
0x292: {  	v5 =	vadd.f32 v5, v6;
	v4 =	vadd.f32 v7, v4;
	_ =	sdelay $0x1  }
0x293: {  	s23 =	simm.s32 $0x0;
	v6 =	vperm.xlane v5, v1;
	v7 =	vperm.xlane v4, v1  }
0x294: {  	v16 =	vld [tilespmem:s23+$0xA80]  }
0x295: {  	v17 =	vld [tilespmem:s23+$0x2880];
	v5 =	vadd.f32 v6, v5;
	v6 =	vadd.f32 v7, v4  }
0x296: {  	v11 =	vld [tilespmem:s23+$0xAB0]  }
0x297: {  	v12 =	vld [tilespmem:s23+$0xAA0];
	v4 =	vperm.xlane v5, v2;
	v7 =	vperm.xlane v6, v2  }
0x298: {  	v10 =	vld [tilespmem:s23+$0xAD4]  }
0x299: {  	v9 =	vld [tilespmem:s23+$0xAD0];
	v4 =	vadd.f32 v4, v5;
	v5 =	vadd.f32 v7, v6  }
0x29a: {  	v14 =	vimm.f32 $0.0e+00;
	v13 =	vld [tilespmem:s23+$0xA90]  }
0x29b: {  	s24 =	simm.s32 $0x200;
	v15 =	vimm.f32 $0.0e+00;
	v8 =	vld [tilespmem:s23+$0xAC0];
	v6 =	vperm.xlane v4, v3;
	v7 =	vperm.xlane v5, v3  }
.LBB2_4:
0x29c: {  	p0 =	sne.s32 s24, $0x2600;
	v18 =	vld [tilespmem:s23+$0x3280]  }
0x29d: {  	v19 =	vld [tilespmem:s23+$0x2890]  }
0x29e: {  	v20 =	vld [tilespmem:s23+$0x3290]  }
0x29f: {  	v21 =	vld [tilespmem:s23+$0x28A0]  }
0x2a0: {  	v22 =	vld [tilespmem:s23+$0x32A0]  }
0x2a1: {  	v17 =	vmul.f32 v17, v16;
	v16 =	vmul.f32 v18, v16;
	v18 =	vld [tilespmem:s23+$0x28B0]  }
0x2a2: {  	v19 =	vmul.f32 v19, v13;
	v23 =	vld [tilespmem:s23+$0x32B0]  }
0x2a3: {  	v14 =	vadd.f32 v17, v14;
	v15 =	vadd.f32 v16, v15;
	v13 =	vmul.f32 v20, v13;
	v16 =	vld [tilespmem:s23+$0x28C0]  }
0x2a4: {  	v17 =	vmul.f32 v21, v12;
	v20 =	vld [tilespmem:s23+$0x32C0]  }
0x2a5: {  	v14 =	vadd.f32 v19, v14;
	v13 =	vadd.f32 v13, v15;
	v12 =	vmul.f32 v22, v12;
	v15 =	vld [tilespmem:s23+$0x28D0]  }
0x2a6: {  	v18 =	vmul.f32 v18, v11;
	v19 =	vld [tilespmem:s23+$0x32D0]  }
0x2a7: {  	v14 =	vadd.f32 v17, v14;
	v12 =	vadd.f32 v12, v13;
	v11 =	vmul.f32 v23, v11;
	v13 =	vld [tilespmem:s23+$0x28D4]  }
0x2a8: {  	v16 =	vmul.f32 v16, v8;
	v17 =	vld [tilespmem:s23+$0x32D4];
	s23 =	sshra.s32 s24, $0x2  }
0x2a9: {  	v14 =	vadd.f32 v18, v14;
	v21 =	vld [tilespmem:s23+$0xAD4];
	v11 =	vadd.f32 v11, v12;
	v12 =	vmul.f32 v20, v8  }
0x2aa: {  	v10 =	vsel vm0, $0x0, v10;
	v18 =	vld [tilespmem:s23+$0xAD0];
	v15 =	vmul.f32 v15, v9  }
0x2ab: {  	v14 =	vadd.f32 v16, v14;
	v8 =	vld [tilespmem:s23+$0xAC0];
	v16 =	vadd.f32 v12, v11;
	v9 =	vmul.f32 v19, v9  }
.Ltmp1:
0x2ac: {  	v11 =	vld [tilespmem:s23+$0xAB0];
	v19 =	vmul.f32 v13, v10;
	(pc) =	sbr.rel @p0 .LBB2_4-.Ltmp1, $4  }
0x2ad: {  	v14 =	vadd.f32 v15, v14;
	v12 =	vld [tilespmem:s23+$0xAA0];
	v20 =	vadd.f32 v9, v16;
	v15 =	vmul.f32 v17, v10  }
0x2ae: {  	v13 =	vld [tilespmem:s23+$0xA90];
	v10 =	vmov v21  }
0x2af: {  	v14 =	vadd.f32 v19, v14;
	v16 =	vld [tilespmem:s23+$0xA80];
	v15 =	vadd.f32 v15, v20;
	v9 =	vmov v18  }
0x2b0: {  	s24 =	sadd.s32 $0x200, s24;
	v17 =	vld [tilespmem:s23+$0x2880]  }
0x2b1: {  	v18 =	vld [tilespmem:s23+$0x3280]  }
0x2b2: {  	v19 =	vld [tilespmem:s23+$0x2890]  }
0x2b3: {  	v20 =	vld [tilespmem:s23+$0x3290]  }
0x2b4: {  	v21 =	vld [tilespmem:s23+$0x28A0]  }
0x2b5: {  	v22 =	vld [tilespmem:s23+$0x32A0]  }
0x2b6: {  	v17 =	vmul.f32 v17, v16;
	v16 =	vmul.f32 v18, v16;
	v18 =	vld [tilespmem:s23+$0x28B0]  }
0x2b7: {  	v23 =	vld [tilespmem:s23+$0x32B0];
	v19 =	vmul.f32 v19, v13  }
0x2b8: {  	v13 =	vmul.f32 v20, v13;
	v14 =	vadd.f32 v17, v14;
	v15 =	vadd.f32 v16, v15;
	v16 =	vld [tilespmem:s23+$0x28C0]  }
0x2b9: {  	v20 =	vld [tilespmem:s23+$0x32C0];
	v17 =	vmul.f32 v21, v12  }
0x2ba: {  	v12 =	vmul.f32 v22, v12;
	v14 =	vadd.f32 v19, v14;
	v13 =	vadd.f32 v13, v15;
	v15 =	vld [tilespmem:s23+$0x28D0]  }
0x2bb: {  	v19 =	vld [tilespmem:s23+$0x32D0];
	v18 =	vmul.f32 v18, v11  }
0x2bc: {  	v14 =	vadd.f32 v17, v14;
	v11 =	vmul.f32 v23, v11;
	v12 =	vadd.f32 v12, v13;
	v13 =	vld [tilespmem:s23+$0x28D4]  }
0x2bd: {  	v17 =	vld [tilespmem:s23+$0x32D4];
	v16 =	vmul.f32 v16, v8  }
0x2be: {  	v14 =	vadd.f32 v18, v14;
	v8 =	vmul.f32 v20, v8;
	v11 =	vadd.f32 v11, v12  }
0x2bf: {  	v10 =	vsel vm0, $0x0, v10;
	v12 =	vmul.f32 v15, v9  }
0x2c0: {  	v14 =	vadd.f32 v16, v14;
	v9 =	vmul.f32 v19, v9;
	v8 =	vadd.f32 v8, v11  }
0x2c1: {  	v11 =	vmul.f32 v13, v10  }
0x2c2: {  	v12 =	vadd.f32 v12, v14;
	v8 =	vadd.f32 v9, v8;
	v9 =	vmul.f32 v17, v10;
	_ =	sdelay $0x1  }
0x2c3: {  	v10 =	vadd.f32 v11, v12;
	v8 =	vadd.f32 v9, v8;
	_ =	sdelay $0x1  }
0x2c4: {  	v9 =	vperm.xlane v10, v0;
	v11 =	vperm.xlane v8, v0;
	_ =	sdelay $0x1  }
0x2c5: {  	v9 =	vadd.f32 v9, v10;
	v8 =	vadd.f32 v11, v8;
	_ =	sdelay $0x1  }
0x2c6: {  	s23 =	simm.s32 $0x0;
	v10 =	vperm.xlane v9, v1;
	v11 =	vperm.xlane v8, v1  }
0x2c7: {  	v20 =	vld [tilespmem:s23+$0x1480]  }
0x2c8: {  	v21 =	vld [tilespmem:s23+$0x2880];
	v9 =	vadd.f32 v10, v9;
	v8 =	vadd.f32 v11, v8  }
0x2c9: {  	v15 =	vld [tilespmem:s23+$0x14B0]  }
0x2ca: {  	v16 =	vld [tilespmem:s23+$0x14A0];
	v10 =	vperm.xlane v9, v2;
	v11 =	vperm.xlane v8, v2  }
0x2cb: {  	v14 =	vld [tilespmem:s23+$0x14D4]  }
0x2cc: {  	v13 =	vld [tilespmem:s23+$0x14D0];
	v9 =	vadd.f32 v10, v9;
	v8 =	vadd.f32 v11, v8  }
0x2cd: {  	v18 =	vimm.f32 $0.0e+00;
	v17 =	vld [tilespmem:s23+$0x1490]  }
0x2ce: {  	s24 =	simm.s32 $0x200;
	v19 =	vimm.f32 $0.0e+00;
	v12 =	vld [tilespmem:s23+$0x14C0];
	v11 =	vperm.xlane v9, v3;
	v10 =	vperm.xlane v8, v3  }
.LBB2_6:
0x2cf: {  	p0 =	sne.s32 s24, $0x2600;
	v22 =	vld [tilespmem:s23+$0x3280]  }
0x2d0: {  	v23 =	vld [tilespmem:s23+$0x2890]  }
0x2d1: {  	v24 =	vld [tilespmem:s23+$0x3290]  }
0x2d2: {  	v25 =	vld [tilespmem:s23+$0x28A0]  }
0x2d3: {  	v26 =	vld [tilespmem:s23+$0x32A0]  }
0x2d4: {  	v21 =	vmul.f32 v21, v20;
	v20 =	vmul.f32 v22, v20;
	v22 =	vld [tilespmem:s23+$0x28B0]  }
0x2d5: {  	v23 =	vmul.f32 v23, v17;
	v27 =	vld [tilespmem:s23+$0x32B0]  }
0x2d6: {  	v18 =	vadd.f32 v21, v18;
	v19 =	vadd.f32 v20, v19;
	v17 =	vmul.f32 v24, v17;
	v20 =	vld [tilespmem:s23+$0x28C0]  }
0x2d7: {  	v21 =	vmul.f32 v25, v16;
	v24 =	vld [tilespmem:s23+$0x32C0]  }
0x2d8: {  	v18 =	vadd.f32 v23, v18;
	v17 =	vadd.f32 v17, v19;
	v16 =	vmul.f32 v26, v16;
	v19 =	vld [tilespmem:s23+$0x28D0]  }
0x2d9: {  	v22 =	vmul.f32 v22, v15;
	v23 =	vld [tilespmem:s23+$0x32D0]  }
0x2da: {  	v18 =	vadd.f32 v21, v18;
	v16 =	vadd.f32 v16, v17;
	v15 =	vmul.f32 v27, v15;
	v17 =	vld [tilespmem:s23+$0x28D4]  }
0x2db: {  	v20 =	vmul.f32 v20, v12;
	v21 =	vld [tilespmem:s23+$0x32D4];
	s23 =	sshra.s32 s24, $0x2  }
0x2dc: {  	v18 =	vadd.f32 v22, v18;
	v25 =	vld [tilespmem:s23+$0x14D4];
	v15 =	vadd.f32 v15, v16;
	v16 =	vmul.f32 v24, v12  }
0x2dd: {  	v14 =	vsel vm0, $0x0, v14;
	v22 =	vld [tilespmem:s23+$0x14D0];
	v19 =	vmul.f32 v19, v13  }
0x2de: {  	v18 =	vadd.f32 v20, v18;
	v12 =	vld [tilespmem:s23+$0x14C0];
	v20 =	vadd.f32 v16, v15;
	v13 =	vmul.f32 v23, v13  }
.Ltmp2:
0x2df: {  	v15 =	vld [tilespmem:s23+$0x14B0];
	v23 =	vmul.f32 v17, v14;
	(pc) =	sbr.rel @p0 .LBB2_6-.Ltmp2, $4  }
0x2e0: {  	v18 =	vadd.f32 v19, v18;
	v16 =	vld [tilespmem:s23+$0x14A0];
	v24 =	vadd.f32 v13, v20;
	v19 =	vmul.f32 v21, v14  }
0x2e1: {  	v17 =	vld [tilespmem:s23+$0x1490];
	v14 =	vmov v25  }
0x2e2: {  	v18 =	vadd.f32 v23, v18;
	v20 =	vld [tilespmem:s23+$0x1480];
	v19 =	vadd.f32 v19, v24;
	v13 =	vmov v22  }
0x2e3: {  	s24 =	sadd.s32 $0x200, s24;
	v21 =	vld [tilespmem:s23+$0x2880]  }
0x2e4: {  	v22 =	vld [tilespmem:s23+$0x3280]  }
0x2e5: {  	v23 =	vld [tilespmem:s23+$0x2890]  }
0x2e6: {  	v24 =	vld [tilespmem:s23+$0x3290]  }
0x2e7: {  	v25 =	vld [tilespmem:s23+$0x28A0]  }
0x2e8: {  	v26 =	vld [tilespmem:s23+$0x32A0]  }
0x2e9: {  	v21 =	vmul.f32 v21, v20;
	v20 =	vmul.f32 v22, v20;
	v22 =	vld [tilespmem:s23+$0x28B0]  }
0x2ea: {  	v27 =	vld [tilespmem:s23+$0x32B0];
	v23 =	vmul.f32 v23, v17  }
0x2eb: {  	v17 =	vmul.f32 v24, v17;
	v18 =	vadd.f32 v21, v18;
	v19 =	vadd.f32 v20, v19;
	v20 =	vld [tilespmem:s23+$0x28C0]  }
0x2ec: {  	v24 =	vld [tilespmem:s23+$0x32C0];
	v21 =	vmul.f32 v25, v16  }
0x2ed: {  	v16 =	vmul.f32 v26, v16;
	v18 =	vadd.f32 v23, v18;
	v17 =	vadd.f32 v17, v19;
	v19 =	vld [tilespmem:s23+$0x28D0]  }
0x2ee: {  	v23 =	vld [tilespmem:s23+$0x32D0];
	v22 =	vmul.f32 v22, v15  }
0x2ef: {  	v18 =	vadd.f32 v21, v18;
	v15 =	vmul.f32 v27, v15;
	v16 =	vadd.f32 v16, v17;
	v17 =	vld [tilespmem:s23+$0x28D4]  }
0x2f0: {  	v21 =	vld [tilespmem:s23+$0x32D4];
	v20 =	vmul.f32 v20, v12  }
0x2f1: {  	v18 =	vadd.f32 v22, v18;
	v12 =	vmul.f32 v24, v12;
	v15 =	vadd.f32 v15, v16  }
0x2f2: {  	v14 =	vsel vm0, $0x0, v14;
	v16 =	vmul.f32 v19, v13  }
0x2f3: {  	v18 =	vadd.f32 v20, v18;
	v13 =	vmul.f32 v23, v13;
	v12 =	vadd.f32 v12, v15  }
0x2f4: {  	v15 =	vmul.f32 v17, v14  }
0x2f5: {  	v16 =	vadd.f32 v16, v18;
	v12 =	vadd.f32 v13, v12;
	v13 =	vmul.f32 v21, v14;
	_ =	sdelay $0x1  }
0x2f6: {  	v14 =	vadd.f32 v15, v16;
	v12 =	vadd.f32 v13, v12;
	_ =	sdelay $0x1  }
0x2f7: {  	v13 =	vperm.xlane v14, v0;
	v15 =	vperm.xlane v12, v0;
	_ =	sdelay $0x1  }
0x2f8: {  	v13 =	vadd.f32 v13, v14;
	v12 =	vadd.f32 v15, v12;
	_ =	sdelay $0x1  }
0x2f9: {  	s23 =	simm.s32 $0x0;
	v14 =	vperm.xlane v13, v1;
	v15 =	vperm.xlane v12, v1  }
0x2fa: {  	v24 =	vld [tilespmem:s23+$0x1E80]  }
0x2fb: {  	v25 =	vld [tilespmem:s23+$0x2880];
	v13 =	vadd.f32 v14, v13;
	v12 =	vadd.f32 v15, v12  }
0x2fc: {  	v19 =	vld [tilespmem:s23+$0x1EB0]  }
0x2fd: {  	v20 =	vld [tilespmem:s23+$0x1EA0];
	v14 =	vperm.xlane v13, v2;
	v15 =	vperm.xlane v12, v2  }
0x2fe: {  	v18 =	vld [tilespmem:s23+$0x1ED4]  }
0x2ff: {  	v17 =	vld [tilespmem:s23+$0x1ED0];
	v13 =	vadd.f32 v14, v13;
	v12 =	vadd.f32 v15, v12  }
0x300: {  	v22 =	vimm.f32 $0.0e+00;
	v21 =	vld [tilespmem:s23+$0x1E90]  }
0x301: {  	s24 =	simm.s32 $0x200;
	v23 =	vimm.f32 $0.0e+00;
	v16 =	vld [tilespmem:s23+$0x1EC0];
	v15 =	vperm.xlane v13, v3;
	v14 =	vperm.xlane v12, v3  }
.LBB2_8:
0x302: {  	p0 =	sne.s32 s24, $0x2600;
	v26 =	vld [tilespmem:s23+$0x3280]  }
0x303: {  	v27 =	vld [tilespmem:s23+$0x2890]  }
0x304: {  	v28 =	vld [tilespmem:s23+$0x3290]  }
0x305: {  	v29 =	vld [tilespmem:s23+$0x28A0]  }
0x306: {  	v30 =	vld [tilespmem:s23+$0x32A0]  }
0x307: {  	v25 =	vmul.f32 v25, v24;
	v24 =	vmul.f32 v26, v24;
	v26 =	vld [tilespmem:s23+$0x28B0]  }
0x308: {  	v27 =	vmul.f32 v27, v21;
	v31 =	vld [tilespmem:s23+$0x32B0]  }
0x309: {  	v22 =	vadd.f32 v25, v22;
	v23 =	vadd.f32 v24, v23;
	v21 =	vmul.f32 v28, v21;
	v24 =	vld [tilespmem:s23+$0x28C0]  }
0x30a: {  	v25 =	vmul.f32 v29, v20;
	v28 =	vld [tilespmem:s23+$0x32C0]  }
0x30b: {  	v22 =	vadd.f32 v27, v22;
	v21 =	vadd.f32 v21, v23;
	v20 =	vmul.f32 v30, v20;
	v23 =	vld [tilespmem:s23+$0x28D0]  }
0x30c: {  	v26 =	vmul.f32 v26, v19;
	v27 =	vld [tilespmem:s23+$0x32D0]  }
0x30d: {  	v22 =	vadd.f32 v25, v22;
	v20 =	vadd.f32 v20, v21;
	v19 =	vmul.f32 v31, v19;
	v21 =	vld [tilespmem:s23+$0x28D4]  }
0x30e: {  	v24 =	vmul.f32 v24, v16;
	v25 =	vld [tilespmem:s23+$0x32D4];
	s23 =	sshra.s32 s24, $0x2  }
0x30f: {  	v22 =	vadd.f32 v26, v22;
	v29 =	vld [tilespmem:s23+$0x1ED4];
	v19 =	vadd.f32 v19, v20;
	v20 =	vmul.f32 v28, v16  }
0x310: {  	v18 =	vsel vm0, $0x0, v18;
	v26 =	vld [tilespmem:s23+$0x1ED0];
	v23 =	vmul.f32 v23, v17  }
0x311: {  	v22 =	vadd.f32 v24, v22;
	v16 =	vld [tilespmem:s23+$0x1EC0];
	v24 =	vadd.f32 v20, v19;
	v17 =	vmul.f32 v27, v17  }
.Ltmp3:
0x312: {  	v19 =	vld [tilespmem:s23+$0x1EB0];
	v27 =	vmul.f32 v21, v18;
	(pc) =	sbr.rel @p0 .LBB2_8-.Ltmp3, $4  }
0x313: {  	v22 =	vadd.f32 v23, v22;
	v20 =	vld [tilespmem:s23+$0x1EA0];
	v28 =	vadd.f32 v17, v24;
	v23 =	vmul.f32 v25, v18  }
0x314: {  	v21 =	vld [tilespmem:s23+$0x1E90];
	v18 =	vmov v29  }
0x315: {  	v22 =	vadd.f32 v27, v22;
	v24 =	vld [tilespmem:s23+$0x1E80];
	v23 =	vadd.f32 v23, v28;
	v17 =	vmov v26  }
0x316: {  	s24 =	sadd.s32 $0x200, s24;
	v25 =	vld [tilespmem:s23+$0x2880]  }
0x317: {  	v26 =	vld [tilespmem:s23+$0x3280]  }
0x318: {  	v27 =	vld [tilespmem:s23+$0x2890]  }
0x319: {  	v28 =	vld [tilespmem:s23+$0x3290]  }
0x31a: {  	v29 =	vld [tilespmem:s23+$0x28A0]  }
0x31b: {  	v30 =	vld [tilespmem:s23+$0x32A0];
	v25 =	vmul.f32 v25, v24  }
0x31c: {  	v39 =	vld [tilespmem:s23+$0x28B0];
	v38 =	vmul.f32 v26, v24  }
0x31d: {  	v31 =	vld [tilespmem:s23+$0x32B0];
	v27 =	vmul.f32 v27, v21;
	v22 =	vadd.f32 v25, v22  }
0x31e: {  	v41 =	vld [tilespmem:s23+$0x28C0];
	v40 =	vmul.f32 v28, v21;
	v23 =	vadd.f32 v38, v23  }
0x31f: {  	v43 =	vld [tilespmem:s23+$0x32C0];
	v42 =	vmul.f32 v29, v20;
	v22 =	vadd.f32 v27, v22  }
0x320: {  	v45 =	vld [tilespmem:s23+$0x28D0];
	v44 =	vmul.f32 v30, v20;
	v21 =	vadd.f32 v40, v23  }
0x321: {  	v46 =	vld [tilespmem:s23+$0x32D0];
	v26 =	vmul.f32 v39, v19;
	v22 =	vadd.f32 v42, v22  }
0x322: {  	v48 =	vld [tilespmem:s23+$0x28D4];
	v47 =	vmul.f32 v31, v19;
	v20 =	vadd.f32 v44, v21  }
0x323: {  	v49 =	vld [tilespmem:s23+$0x32D4];
	v24 =	vmul.f32 v41, v16;
	v22 =	vadd.f32 v26, v22  }
0x324: {  	v50 =	vmul.f32 v43, v16;
	v19 =	vadd.f32 v47, v20  }
0x325: {  	v51 =	vmul.f32 v45, v17;
	v22 =	vadd.f32 v24, v22  }
0x326: {  	v18 =	vsel vm0, $0x0, v18;
	v52 =	vmul.f32 v46, v17;
	v16 =	vadd.f32 v50, v19  }
0x327: {  	v53 =	vmul.f32 v48, v18;
	v20 =	vadd.f32 v51, v22  }
0x328: {  	v54 =	vmul.f32 v49, v18;
	v16 =	vadd.f32 v52, v16  }
0x329: {  	v55 =	vadd.f32 v53, v20  }
0x32a: {  	v16 =	vadd.f32 v54, v16  }
0x32b: {  	v56 =	vperm.xlane v55, v0  }
0x32c: {  	v57 =	vperm.xlane v16, v0  }
0x32d: {  	v17 =	vadd.f32 v56, v55  }
0x32e: {  	v16 =	vadd.f32 v57, v16  }
0x32f: {  	v18 =	vperm.xlane v17, v1  }
0x330: {  	v19 =	vperm.xlane v16, v1  }
0x331: {  	v17 =	vadd.f32 v18, v17  }
0x332: {  	v16 =	vadd.f32 v19, v16  }
0x333: {  	v4 =	vadd.f32 v6, v4;
	v58 =	vperm.xlane v17, v2  }
0x334: {  	v5 =	vadd.f32 v7, v5;
	v59 =	vperm.xlane v16, v2  }
0x335: {  	v9 =	vadd.f32 v11, v9;
	v4 =	vnsel vm1, $0x0, v4;
	v6 =	vadd.f32 v58, v17  }
0x336: {  	v4 =	vsel vm2, v4, v5;
	v5 =	vadd.f32 v10, v8;
	v7 =	vadd.f32 v59, v16  }
0x337: {  	v60 =	vadd.f32 v15, v13;
	v4 =	vsel vm3, v4, v9;
	v61 =	vperm.xlane v6, v3  }
0x338: {  	v63 =	vld [tilespmem:$0x3C80];
	v4 =	vsel vm4, v4, v5;
	v5 =	vadd.f32 v14, v12;
	v62 =	vperm.xlane v7, v3  }
0x339: {  	v4 =	vsel vm5, v4, v60;
	v6 =	vadd.f32 v61, v6  }
0x33a: {  	v4 =	vsel vm6, v4, v5;
	v5 =	vadd.f32 v62, v7  }
0x33b: {  	v4 =	vsel vm7, v4, v6  }
0x33c: {  	v4 =	vsel vm8, v4, v5  }
0x33d: {  	s22 =	sadd.s32 $0x1, s22;
	v4 =	vadd.f32 v4, v63  }
0x33e: {  	p0 =	sne.s32 s22, s8  }
.Ltmp4:
0x33f: {  	[tilespmem:$0x3D00] =	vst v4;
	(pc) =	sbr.rel @p0 .LBB2_1-.Ltmp4, $4  }
0x340: {  	[hbm4b:s7+s3] =	stream.linear.scatter [tilespmem:s21], [sflag:$0x2], $0x10, $0x38;
	[tilespmem:$0x3D80] =	vst v63  }
0x341: {  	_ =	swait.ge [sflag:s9], $0x10  }
0x342: {  	[sflag:s9] =	ssyncset.done $0x0  }
0x343: {  	[sflag:s9] =	ssyncadd.s32 $0xFFFFFFF0  }
0x344: {  	_ =	sfence.sel $0x180000  }
0x345: {  	[bflag:$0x0] =	sbarrier.arrive $0xFFFF  }
0x346: {  	_ =	strace $0x90000047  }
0x347: {  	s0 =	stileid.u32;
	[bflag:$0x2] =	sbarrier.arrive $0xFFFF  }
0x348: {  	p0 =	sne.s32 s0, $0x0;
	s0 =	rddreg [dreg:$0x2]  }
0x349: {  	s0 =	sadd.s32 @!p0 $0x100000, s0  }
0x34a: {  	[sflag:s0] =	ssyncadd.tile.s32 @!p0 $0x1;
	_ =	shalt  }
.Lfunc_end2:
_tile_overlayer_lowered:
.L_overlay_start_2:
0x34b: {  	(tag) =	ssettag $0x2  }
0x34c: {  	s0 =	rddreg [dreg:$0x0];
	s2 =	stileid.u32  }
0x34d: {  	s1 =	rddreg [dreg:$0x1];
	p0 =	sne.s32 s2, $0x0  }
0x34e: {  	s3 =	rddreg [dreg:$0x2];
	[bflag:$0x3] =	sbarrier.arrive $0xFFFF;
	s2 =	simm.s32 @!p0 $0x1C02  }
0x34f: {  	[timem:s3], [sflag:s2] =	dma.local @!p0 [hbm:s0], s1  }
0x350: {  	s0 =	simm.s32 @!p0 $0x2  }
0x351: {  	_ =	swait.ge @!p0 [sflag:s0], s1  }
0x352: {  	s1 =	ssub.s32 @!p0 $0x0, s1;
	[sflag:s0] =	ssyncset.done @!p0 $0x0  }
0x353: {  	[sflag:s0] =	ssyncadd.s32 @!p0 s1  }
0x354: {  	[bflag:$0x3] =	sbarrier.arrive $0xFFFF  }
0x355: {  	_ =	shalt  }

</sc_bundles>
